<compile_context>
chip_gen: v7x
topology: tpu7x:2x2x1
jax: 0.10.2.dev20260603
libtpu: 0.0.44.dev20260713+nightly
codegen_flags: <defaults>
</compile_context>

<pallas_src>
import functools

import jax
import jax.numpy as jnp
from jax import lax
from jax.experimental import pallas as pl
from jax.experimental.pallas import tpu as pltpu
from jax.experimental.pallas import tpu_sc as plsc

_B, _L, _M, _N, _C = 2, 2048, 16, 16, 64
_H = _W = 64
_HW = _H * _W
_NC, _NS = 2, 16
_NW = _NC * _NS
_A = _B * _L
_APW = _A // _NW


def _weights_tc(feats_t):
    def body(f_ref, o_ref):
        o_ref[...] = jnp.sum(f_ref[...], axis=2)

    return pl.pallas_call(
        body,
        grid=(_B,),
        in_specs=[pl.BlockSpec((1, _N, _C, _L), lambda b: (b, 0, 0, 0))],
        out_specs=pl.BlockSpec((1, _N, _L), lambda b: (b, 0, 0)),
        out_shape=jax.ShapeDtypeStruct((_B, _N, _L), jnp.float32),
    )(feats_t)


def _transpose_tc(hist2d):
    pb = 1024

    def body(x_ref, o_ref):
        o_ref[0] = x_ref[...].T

    return pl.pallas_call(
        body,
        grid=(_B, _HW // pb),
        in_specs=[pl.BlockSpec((_L, pb), lambda b, j: (b, j))],
        out_specs=pl.BlockSpec((1, pb, _L), lambda b, j: (b, j, 0)),
        out_shape=jax.ShapeDtypeStruct((_B, _HW, _L), jnp.float32),
    )(hist2d)


def _make_sc_hist():
    mesh = plsc.VectorSubcoreMesh(core_axis_name="c", subcore_axis_name="s")

    @functools.partial(
        pl.kernel,
        mesh=mesh,
        compiler_params=pltpu.CompilerParams(needs_layout_passes=False),
        out_type=jax.ShapeDtypeStruct((_A, _HW), jnp.float32),
        scratch_types=[
            pltpu.VMEM((_L,), jnp.int32),
            pltpu.VMEM((_L,), jnp.int32),
            pltpu.VMEM((_L,), jnp.int32),
            pltpu.VMEM((_L,), jnp.int32),
            pltpu.VMEM((_M, _APW), jnp.int32),
            pltpu.VMEM((_N, _APW), jnp.int32),
            pltpu.VMEM((_N, _APW), jnp.float32),
            pltpu.VMEM((_HW,), jnp.float32),
            pltpu.VMEM((_HW,), jnp.float32),
            pltpu.VMEM((_M * _N,), jnp.int32),
            pltpu.VMEM((_M * _N,), jnp.int32),
            pltpu.VMEM((48,), jnp.int32),
            pltpu.SemaphoreType.DMA,
            pltpu.SemaphoreType.DMA,
        ],
    )
    def sc_hist(vsy_h, vsx_h, vdy_h, vdx_h, isrc_h, idst_h, wts_h, out_h,
                vsy_v, vsx_v, vdy_v, vdx_v, isrc_v, idst_v, wts_v,
                hist0_v, hist1_v, bins0_v, bins1_v, src_s, sem0, sem1):
        wid = lax.axis_index("c") * _NS + lax.axis_index("s")
        batch = wid // (_NW // _B)
        lbase = (wid % (_NW // _B)) * _APW
        base = wid * _APW
        pltpu.sync_copy(vsy_h.at[batch], vsy_v)
        pltpu.sync_copy(vsx_h.at[batch], vsx_v)
        pltpu.sync_copy(vdy_h.at[batch], vdy_v)
        pltpu.sync_copy(vdx_h.at[batch], vdx_v)
        pltpu.sync_copy(isrc_h.at[batch, :, pl.ds(lbase, _APW)], isrc_v)
        pltpu.sync_copy(idst_h.at[batch, :, pl.ds(lbase, _APW)], idst_v)
        pltpu.sync_copy(wts_h.at[batch, :, pl.ds(lbase, _APW)], wts_v)

        zv = jnp.zeros((16,), jnp.float32)
        iota = lax.iota(jnp.int32, 16)
        sems = (sem0, sem1)
        hists = (hist0_v, hist1_v)
        binsv = (bins0_v, bins1_v)

        for hb in hists:
            for t in range(_HW // 16):
                hb[pl.ds(t * 16, 16)] = zv

        def pair_body(g, carry):
            for p in range(2):
                a = g * 2 + p
                hb = hists[p]
                bb = binsv[p]
                sem = sems[p]

                @pl.when(g > 0)
                def _undo():
                    pltpu.make_async_copy(hb, out_h.at[base], sem).wait()
                    wn = -plsc.load_gather(wts_v, [iota, jnp.full((16,), a - 2, jnp.int32)])
                    for i in range(_M):
                        fb = bb[pl.ds(i * 16, 16)]
                        plsc.addupdate_scatter(hb, [fb], wn)

                col = jnp.full((16,), a, jnp.int32)
                si = plsc.load_gather(isrc_v, [iota, col])
                di = plsc.load_gather(idst_v, [iota, col])
                w = plsc.load_gather(wts_v, [iota, col])
                src_s[pl.ds(16, 16)] = plsc.load_gather(vsy_v, [si])
                src_s[pl.ds(32, 16)] = plsc.load_gather(vsx_v, [si])
                dy = plsc.load_gather(vdy_v, [di])
                dx = plsc.load_gather(vdx_v, [di])
                for i in range(_M):
                    syi = plsc.load_gather(src_s, [jnp.full((16,), 16 + i, jnp.int32)])
                    sxi = plsc.load_gather(src_s, [jnp.full((16,), 32 + i, jnp.int32)])
                    by = lax.shift_right_arithmetic(dy - syi, 2)
                    bx = lax.shift_right_arithmetic(dx - sxi, 2)
                    flat = by * _W + bx + (_H // 2 * _W + _W // 2)
                    bb[pl.ds(i * 16, 16)] = flat
                    plsc.addupdate_scatter(hb, [flat], w)
                pltpu.async_copy(hb, out_h.at[base + a], sem)
            return carry

        lax.fori_loop(0, _APW // 2, pair_body, 0)
        for p in range(2):
            pltpu.make_async_copy(hists[p], out_h.at[base], sems[p]).wait()

    return sc_hist


_sc_hist = _make_sc_hist()


def kernel(feats_src_dst, voxels_src, voxels_dst, idxs_src, idxs_dst):
    b, l, n, c = feats_src_dst.shape
    wts_t = _weights_tc(feats_src_dst.transpose(0, 2, 3, 1))
    vsy = voxels_src[..., 0]
    vsx = voxels_src[..., 1]
    vdy = voxels_dst[..., 0]
    vdx = voxels_dst[..., 1]
    isrc_t = idxs_src.transpose(0, 2, 1)
    idst_t = idxs_dst.transpose(0, 2, 1)
    hist2d = _sc_hist(vsy, vsx, vdy, vdx, isrc_t, idst_t, wts_t)
    out_t = _transpose_tc(hist2d)
    return out_t.reshape(_B, _H, _W, _L).transpose(0, 3, 1, 2)

# --- scband reference (transcript-rebuilt; emitter-appended) ---
"""Pipeline reference for scband-ht-cuda-68977174774313 (READ-ONLY COPY).

The authoritative reference and input builder live on the scoring server;
editing this copy changes nothing except your own understanding.
"""

import jax, jax.numpy as jnp
import numpy as np

H, W, D = 64, 64, 4

def setup_inputs(seed: int = 0) -> dict:
    key = jax.random.key(seed)
    k0, k1, k2, k3, k4 = jax.random.split(key, 5)
    b, l, m, n, c = 2, 2048, 16, 16, 64
    feats_src_dst = jax.random.normal(k0, (b, l, n, c), dtype=jnp.float32)
    voxels_src = jax.random.randint(k1, (b, l, 2), 0, 128, dtype=jnp.int32)
    voxels_dst = jax.random.randint(k2, (b, l, 2), 0, 128, dtype=jnp.int32)
    idxs_src = jax.random.randint(k3, (b, l, m), 0, l, dtype=jnp.int32)
    idxs_dst = jax.random.randint(k4, (b, l, n), 0, l, dtype=jnp.int32)
    return {"feats_src_dst": feats_src_dst, "voxels_src": voxels_src, "voxels_dst": voxels_dst, "idxs_src": idxs_src, "idxs_dst": idxs_dst}

def _ht_forward(feats_src_dst, voxels_src, voxels_dst, idxs_src, idxs_dst):
    b, l, n, c = feats_src_dst.shape
    m = idxs_src.shape[-1]
    vs = voxels_src.astype(feats_src_dst.dtype)
    vd = voxels_dst.astype(feats_src_dst.dtype)
    batch_idx = jnp.arange(b)[:, None, None]
    # gather knn voxel coordinates: [b, l, m, 2] and [b, l, n, 2]
    src_pts = vs[batch_idx, idxs_src]
    dst_pts = vd[batch_idx, idxs_dst]
    # pairwise translations between each src-knn and dst-knn: [b, l, m, n, 2]
    trans = dst_pts[:, :, None, :, :] - src_pts[:, :, :, None, :]
    # quantize translation into (bin_y, bin_x), centered
    bin_y = jnp.floor(trans[..., 0] / D).astype(jnp.int32) + H // 2
    bin_x = jnp.floor(trans[..., 1] / D).astype(jnp.int32) + W // 2
    valid = (bin_y >= 0) & (bin_y < H) & (bin_x >= 0) & (bin_x < W)
    # vote amount: channel-summed feature of the corresponding dst neighbor
    weight = feats_src_dst.sum(axis=-1)  # [b, l, n]
    weight = jnp.broadcast_to(weight[:, :, None, :], (b, l, m, n))
    weight = jnp.where(valid, weight, jnp.zeros_like(weight))
    by = jnp.clip(bin_y, 0, H - 1)
    bx = jnp.clip(bin_x, 0, W - 1)
    anchor = jnp.arange(b * l, dtype=jnp.int32).reshape(b, l, 1, 1)
    flat_idx = anchor * (H * W) + by * W + bx
    vol = jnp.zeros((b * l * H * W,), dtype=feats_src_dst.dtype)
    vol = vol.at[flat_idx.reshape(-1)].add(weight.reshape(-1))
    return vol.reshape(b, l, H, W)

def reference(feats_src_dst, voxels_src, voxels_dst, idxs_src, idxs_dst):
    return _ht_forward(feats_src_dst, voxels_src, voxels_dst, idxs_src, idxs_dst)

if __name__ == "__main__":
    import jax
    _d = setup_inputs()
    print(jax.jit(kernel)(*tuple(_d.values())))

</pallas_src>

<mosaic_0001>
#map = affine_map<(d0, d1) -> (0, 0)>
#map1 = affine_map<(d0, d1) -> (0, 0, 0)>
module attributes {stable_mosaic.version = 14 : i64} {
  func.func @sc_hist(%arg0: i32, %arg1: i32, %arg2: memref<2x2048xi32, #tpu.memory_space<hbm>>, %arg3: memref<2x2048xi32, #tpu.memory_space<hbm>>, %arg4: memref<2x2048xi32, #tpu.memory_space<hbm>>, %arg5: memref<2x2048xi32, #tpu.memory_space<hbm>>, %arg6: memref<2x16x2048xi32, #tpu.memory_space<hbm>>, %arg7: memref<2x16x2048xi32, #tpu.memory_space<hbm>>, %arg8: memref<2x16x2048xf32, #tpu.memory_space<hbm>>, %arg9: memref<4096x4096xf32, #tpu.memory_space<hbm>>, %arg10: memref<2048xi32, #tpu.memory_space<vmem>>, %arg11: memref<2048xi32, #tpu.memory_space<vmem>>, %arg12: memref<2048xi32, #tpu.memory_space<vmem>>, %arg13: memref<2048xi32, #tpu.memory_space<vmem>>, %arg14: memref<16x128xi32, #tpu.memory_space<vmem>>, %arg15: memref<16x128xi32, #tpu.memory_space<vmem>>, %arg16: memref<16x128xf32, #tpu.memory_space<vmem>>, %arg17: memref<4096xf32, #tpu.memory_space<vmem>>, %arg18: memref<4096xf32, #tpu.memory_space<vmem>>, %arg19: memref<256xi32, #tpu.memory_space<vmem>>, %arg20: memref<256xi32, #tpu.memory_space<vmem>>, %arg21: memref<48xi32, #tpu.memory_space<vmem>>, %arg22: memref<!tpu.dma_semaphore, #tpu.memory_space<semaphore_mem>>, %arg23: memref<!tpu.dma_semaphore, #tpu.memory_space<semaphore_mem>>) attributes {dimension_semantics = [#tpu.dimension_semantics<core_parallel>, #tpu.dimension_semantics<subcore_parallel>], iteration_bounds = array<i64: 2, 16>, scalar_prefetch = 0 : i64, scratch_operands = 14 : i64, tpu.core_type = #tpu.core_type<sc_vector_subcore>, window_params = [{transform_indices = #map}, {transform_indices = #map}, {transform_indices = #map}, {transform_indices = #map}, {transform_indices = #map1}, {transform_indices = #map1}, {transform_indices = #map1}, {transform_indices = #map}]} {
    %mul3A = arith.constant 16 : i32
    %mul3A_0 = arith.muli %arg0, %mul3A : i32
    %add3A = arith.addi %mul3A_0, %arg1 : i32
    %jit3A = arith.constant 16 : i32
    %div3A = arith.divsi %add3A, %jit3A : i32
    %sign3A = arith.constant 0 : i32
    %sign3A_1 = arith.cmpi sgt, %add3A, %sign3A : i32
    %sign3A_2 = arith.extui %sign3A_1 : i1 to i32
    %sign3A_3 = arith.constant 0 : i32
    %sign3A_4 = arith.cmpi slt, %add3A, %sign3A_3 : i32
    %sign3A_5 = arith.extui %sign3A_4 : i1 to i32
    %sign3A_6 = arith.subi %sign3A_2, %sign3A_5 : i32
    %sign3A_7 = arith.constant 0 : i32
    %sign3A_8 = arith.cmpi sgt, %jit3A, %sign3A_7 : i32
    %sign3A_9 = arith.extui %sign3A_8 : i1 to i32
    %sign3A_10 = arith.constant 0 : i32
    %sign3A_11 = arith.cmpi slt, %jit3A, %sign3A_10 : i32
    %sign3A_12 = arith.extui %sign3A_11 : i1 to i32
    %sign3A_13 = arith.subi %sign3A_9, %sign3A_12 : i32
    %ne3A = arith.cmpi ne, %sign3A_6, %sign3A_13 : i32
    %rem3A = arith.remsi %add3A, %jit3A : i32
    %ne3A_14 = arith.constant 0 : i32
    %ne3A_15 = arith.cmpi ne, %rem3A, %ne3A_14 : i32
    %and3A = arith.andi %ne3A, %ne3A_15 : i1
    %sub3A = arith.constant 1 : i32
    %sub3A_16 = arith.subi %div3A, %sub3A : i32
    %select_n3A = arith.select %and3A, %sub3A_16, %div3A : i32
    %jit3A_17 = arith.constant 16 : i32
    %eq3A = arith.constant 0 : i32
    %eq3A_18 = arith.cmpi eq, %jit3A_17, %eq3A : i32
    %jit3A_19 = arith.constant 1 : i32
    %select_n3A_20 = arith.select %eq3A_18, %jit3A_19, %jit3A_17 : i32
    %rem3A_21 = arith.remsi %add3A, %select_n3A_20 : i32
    %ne3A_22 = arith.constant 0 : i32
    %ne3A_23 = arith.cmpi ne, %rem3A_21, %ne3A_22 : i32
    %lt3A = arith.constant 0 : i32
    %lt3A_24 = arith.cmpi slt, %rem3A_21, %lt3A : i32
    %lt3A_25 = arith.constant 0 : i32
    %lt3A_26 = arith.cmpi slt, %select_n3A_20, %lt3A_25 : i32
    %ne3A_27 = arith.xori %lt3A_24, %lt3A_26 : i1
    %and3A_28 = arith.andi %ne3A_27, %ne3A_23 : i1
    %add3A_29 = arith.addi %rem3A_21, %select_n3A_20 : i32
    %select_n3A_30 = arith.select %and3A_28, %add3A_29, %rem3A_21 : i32
    %mul3A_31 = arith.constant 128 : i32
    %mul3A_32 = arith.muli %select_n3A_30, %mul3A_31 : i32
    %mul3A_33 = arith.constant 128 : i32
    %mul3A_34 = arith.muli %add3A, %mul3A_33 : i32
    "tpu.region"() ({
      %run_scoped3A = tpu.sem_alloc : memref<!tpu.dma_semaphore, #tpu.memory_space<semaphore_mem>>
      %dma_start3A = arith.constant 0 : i32
      %dma_start3A_1075 = tpu.memref_slice %arg2[%select_n3A, %dma_start3A] : memref<2x2048xi32, #tpu.memory_space<hbm>> -> memref<1x2048xi32, #tpu.memory_space<hbm>>
      %dma_start3A_1076 = tpu.memref_squeeze %dma_start3A_1075 : memref<1x2048xi32, #tpu.memory_space<hbm>> -> memref<2048xi32, #tpu.memory_space<hbm>>
      %dma_start3A_1077 = arith.constant 0 : i32
      %dma_start3A_1078 = tpu.memref_slice %arg2[%select_n3A, %dma_start3A_1077] : memref<2x2048xi32, #tpu.memory_space<hbm>> -> memref<1x2048xi32, #tpu.memory_space<hbm>>
      %dma_start3A_1079 = tpu.memref_squeeze %dma_start3A_1078 : memref<1x2048xi32, #tpu.memory_space<hbm>> -> memref<2048xi32, #tpu.memory_space<hbm>>
      tpu.enqueue_dma source(%dma_start3A_1079 : memref<2048xi32, #tpu.memory_space<hbm>>) target(%arg10 : memref<2048xi32, #tpu.memory_space<vmem>>) target_semaphore(%run_scoped3A : memref<!tpu.dma_semaphore, #tpu.memory_space<semaphore_mem>>)
      %dma_wait3A_1080 = arith.constant 0 : i32
      %dma_wait3A_1081 = tpu.memref_slice %arg2[%select_n3A, %dma_wait3A_1080] : memref<2x2048xi32, #tpu.memory_space<hbm>> -> memref<1x2048xi32, #tpu.memory_space<hbm>>
      %dma_wait3A_1082 = tpu.memref_squeeze %dma_wait3A_1081 : memref<1x2048xi32, #tpu.memory_space<hbm>> -> memref<2048xi32, #tpu.memory_space<hbm>>
      %dma_wait3A_1083 = arith.constant 0 : i32
      %dma_wait3A_1084 = tpu.memref_slice %arg2[%select_n3A, %dma_wait3A_1083] : memref<2x2048xi32, #tpu.memory_space<hbm>> -> memref<1x2048xi32, #tpu.memory_space<hbm>>
      %dma_wait3A_1085 = tpu.memref_squeeze %dma_wait3A_1084 : memref<1x2048xi32, #tpu.memory_space<hbm>> -> memref<2048xi32, #tpu.memory_space<hbm>>
      tpu.wait_dma2 semaphore(%run_scoped3A : memref<!tpu.dma_semaphore, #tpu.memory_space<semaphore_mem>>) src(%dma_wait3A_1085 : memref<2048xi32, #tpu.memory_space<hbm>>) dst(%arg10 : memref<2048xi32, #tpu.memory_space<vmem>>)
      tpu.yield
    }) : () -> ()
    "tpu.region"() ({
      %run_scoped3A = tpu.sem_alloc : memref<!tpu.dma_semaphore, #tpu.memory_space<semaphore_mem>>
      %dma_start3A = arith.constant 0 : i32
      %dma_start3A_1075 = tpu.memref_slice %arg3[%select_n3A, %dma_start3A] : memref<2x2048xi32, #tpu.memory_space<hbm>> -> memref<1x2048xi32, #tpu.memory_space<hbm>>
      %dma_start3A_1076 = tpu.memref_squeeze %dma_start3A_1075 : memref<1x2048xi32, #tpu.memory_space<hbm>> -> memref<2048xi32, #tpu.memory_space<hbm>>
      %dma_start3A_1077 = arith.constant 0 : i32
      %dma_start3A_1078 = tpu.memref_slice %arg3[%select_n3A, %dma_start3A_1077] : memref<2x2048xi32, #tpu.memory_space<hbm>> -> memref<1x2048xi32, #tpu.memory_space<hbm>>
      %dma_start3A_1079 = tpu.memref_squeeze %dma_start3A_1078 : memref<1x2048xi32, #tpu.memory_space<hbm>> -> memref<2048xi32, #tpu.memory_space<hbm>>
      tpu.enqueue_dma source(%dma_start3A_1079 : memref<2048xi32, #tpu.memory_space<hbm>>) target(%arg11 : memref<2048xi32, #tpu.memory_space<vmem>>) target_semaphore(%run_scoped3A : memref<!tpu.dma_semaphore, #tpu.memory_space<semaphore_mem>>)
      %dma_wait3A_1080 = arith.constant 0 : i32
      %dma_wait3A_1081 = tpu.memref_slice %arg3[%select_n3A, %dma_wait3A_1080] : memref<2x2048xi32, #tpu.memory_space<hbm>> -> memref<1x2048xi32, #tpu.memory_space<hbm>>
      %dma_wait3A_1082 = tpu.memref_squeeze %dma_wait3A_1081 : memref<1x2048xi32, #tpu.memory_space<hbm>> -> memref<2048xi32, #tpu.memory_space<hbm>>
      %dma_wait3A_1083 = arith.constant 0 : i32
      %dma_wait3A_1084 = tpu.memref_slice %arg3[%select_n3A, %dma_wait3A_1083] : memref<2x2048xi32, #tpu.memory_space<hbm>> -> memref<1x2048xi32, #tpu.memory_space<hbm>>
      %dma_wait3A_1085 = tpu.memref_squeeze %dma_wait3A_1084 : memref<1x2048xi32, #tpu.memory_space<hbm>> -> memref<2048xi32, #tpu.memory_space<hbm>>
      tpu.wait_dma2 semaphore(%run_scoped3A : memref<!tpu.dma_semaphore, #tpu.memory_space<semaphore_mem>>) src(%dma_wait3A_1085 : memref<2048xi32, #tpu.memory_space<hbm>>) dst(%arg11 : memref<2048xi32, #tpu.memory_space<vmem>>)
      tpu.yield
    }) : () -> ()
    "tpu.region"() ({
      %run_scoped3A = tpu.sem_alloc : memref<!tpu.dma_semaphore, #tpu.memory_space<semaphore_mem>>
      %dma_start3A = arith.constant 0 : i32
      %dma_start3A_1075 = tpu.memref_slice %arg4[%select_n3A, %dma_start3A] : memref<2x2048xi32, #tpu.memory_space<hbm>> -> memref<1x2048xi32, #tpu.memory_space<hbm>>
      %dma_start3A_1076 = tpu.memref_squeeze %dma_start3A_1075 : memref<1x2048xi32, #tpu.memory_space<hbm>> -> memref<2048xi32, #tpu.memory_space<hbm>>
      %dma_start3A_1077 = arith.constant 0 : i32
      %dma_start3A_1078 = tpu.memref_slice %arg4[%select_n3A, %dma_start3A_1077] : memref<2x2048xi32, #tpu.memory_space<hbm>> -> memref<1x2048xi32, #tpu.memory_space<hbm>>
      %dma_start3A_1079 = tpu.memref_squeeze %dma_start3A_1078 : memref<1x2048xi32, #tpu.memory_space<hbm>> -> memref<2048xi32, #tpu.memory_space<hbm>>
      tpu.enqueue_dma source(%dma_start3A_1079 : memref<2048xi32, #tpu.memory_space<hbm>>) target(%arg12 : memref<2048xi32, #tpu.memory_space<vmem>>) target_semaphore(%run_scoped3A : memref<!tpu.dma_semaphore, #tpu.memory_space<semaphore_mem>>)
      %dma_wait3A_1080 = arith.constant 0 : i32
      %dma_wait3A_1081 = tpu.memref_slice %arg4[%select_n3A, %dma_wait3A_1080] : memref<2x2048xi32, #tpu.memory_space<hbm>> -> memref<1x2048xi32, #tpu.memory_space<hbm>>
      %dma_wait3A_1082 = tpu.memref_squeeze %dma_wait3A_1081 : memref<1x2048xi32, #tpu.memory_space<hbm>> -> memref<2048xi32, #tpu.memory_space<hbm>>
      %dma_wait3A_1083 = arith.constant 0 : i32
      %dma_wait3A_1084 = tpu.memref_slice %arg4[%select_n3A, %dma_wait3A_1083] : memref<2x2048xi32, #tpu.memory_space<hbm>> -> memref<1x2048xi32, #tpu.memory_space<hbm>>
      %dma_wait3A_1085 = tpu.memref_squeeze %dma_wait3A_1084 : memref<1x2048xi32, #tpu.memory_space<hbm>> -> memref<2048xi32, #tpu.memory_space<hbm>>
      tpu.wait_dma2 semaphore(%run_scoped3A : memref<!tpu.dma_semaphore, #tpu.memory_space<semaphore_mem>>) src(%dma_wait3A_1085 : memref<2048xi32, #tpu.memory_space<hbm>>) dst(%arg12 : memref<2048xi32, #tpu.memory_space<vmem>>)
      tpu.yield
    }) : () -> ()
    "tpu.region"() ({
      %run_scoped3A = tpu.sem_alloc : memref<!tpu.dma_semaphore, #tpu.memory_space<semaphore_mem>>
      %dma_start3A = arith.constant 0 : i32
      %dma_start3A_1075 = tpu.memref_slice %arg5[%select_n3A, %dma_start3A] : memref<2x2048xi32, #tpu.memory_space<hbm>> -> memref<1x2048xi32, #tpu.memory_space<hbm>>
      %dma_start3A_1076 = tpu.memref_squeeze %dma_start3A_1075 : memref<1x2048xi32, #tpu.memory_space<hbm>> -> memref<2048xi32, #tpu.memory_space<hbm>>
      %dma_start3A_1077 = arith.constant 0 : i32
      %dma_start3A_1078 = tpu.memref_slice %arg5[%select_n3A, %dma_start3A_1077] : memref<2x2048xi32, #tpu.memory_space<hbm>> -> memref<1x2048xi32, #tpu.memory_space<hbm>>
      %dma_start3A_1079 = tpu.memref_squeeze %dma_start3A_1078 : memref<1x2048xi32, #tpu.memory_space<hbm>> -> memref<2048xi32, #tpu.memory_space<hbm>>
      tpu.enqueue_dma source(%dma_start3A_1079 : memref<2048xi32, #tpu.memory_space<hbm>>) target(%arg13 : memref<2048xi32, #tpu.memory_space<vmem>>) target_semaphore(%run_scoped3A : memref<!tpu.dma_semaphore, #tpu.memory_space<semaphore_mem>>)
      %dma_wait3A_1080 = arith.constant 0 : i32
      %dma_wait3A_1081 = tpu.memref_slice %arg5[%select_n3A, %dma_wait3A_1080] : memref<2x2048xi32, #tpu.memory_space<hbm>> -> memref<1x2048xi32, #tpu.memory_space<hbm>>
      %dma_wait3A_1082 = tpu.memref_squeeze %dma_wait3A_1081 : memref<1x2048xi32, #tpu.memory_space<hbm>> -> memref<2048xi32, #tpu.memory_space<hbm>>
      %dma_wait3A_1083 = arith.constant 0 : i32
      %dma_wait3A_1084 = tpu.memref_slice %arg5[%select_n3A, %dma_wait3A_1083] : memref<2x2048xi32, #tpu.memory_space<hbm>> -> memref<1x2048xi32, #tpu.memory_space<hbm>>
      %dma_wait3A_1085 = tpu.memref_squeeze %dma_wait3A_1084 : memref<1x2048xi32, #tpu.memory_space<hbm>> -> memref<2048xi32, #tpu.memory_space<hbm>>
      tpu.wait_dma2 semaphore(%run_scoped3A : memref<!tpu.dma_semaphore, #tpu.memory_space<semaphore_mem>>) src(%dma_wait3A_1085 : memref<2048xi32, #tpu.memory_space<hbm>>) dst(%arg13 : memref<2048xi32, #tpu.memory_space<vmem>>)
      tpu.yield
    }) : () -> ()
    "tpu.region"() ({
      %run_scoped3A = tpu.sem_alloc : memref<!tpu.dma_semaphore, #tpu.memory_space<semaphore_mem>>
      %dma_start3A = arith.constant 0 : i32
      %dma_start3A_1075 = tpu.memref_slice %arg6[%select_n3A, %dma_start3A, %mul3A_32] : memref<2x16x2048xi32, #tpu.memory_space<hbm>> -> memref<1x16x128xi32, #tpu.memory_space<hbm>>
      %dma_start3A_1076 = tpu.memref_squeeze %dma_start3A_1075 : memref<1x16x128xi32, #tpu.memory_space<hbm>> -> memref<16x128xi32, #tpu.memory_space<hbm>>
      %dma_start3A_1077 = arith.constant 0 : i32
      %dma_start3A_1078 = tpu.memref_slice %arg6[%select_n3A, %dma_start3A_1077, %mul3A_32] : memref<2x16x2048xi32, #tpu.memory_space<hbm>> -> memref<1x16x128xi32, #tpu.memory_space<hbm>>
      %dma_start3A_1079 = tpu.memref_squeeze %dma_start3A_1078 : memref<1x16x128xi32, #tpu.memory_space<hbm>> -> memref<16x128xi32, #tpu.memory_space<hbm>>
      tpu.enqueue_dma source(%dma_start3A_1079 : memref<16x128xi32, #tpu.memory_space<hbm>>) target(%arg14 : memref<16x128xi32, #tpu.memory_space<vmem>>) target_semaphore(%run_scoped3A : memref<!tpu.dma_semaphore, #tpu.memory_space<semaphore_mem>>)
      %dma_wait3A_1080 = arith.constant 0 : i32
      %dma_wait3A_1081 = tpu.memref_slice %arg6[%select_n3A, %dma_wait3A_1080, %mul3A_32] : memref<2x16x2048xi32, #tpu.memory_space<hbm>> -> memref<1x16x128xi32, #tpu.memory_space<hbm>>
      %dma_wait3A_1082 = tpu.memref_squeeze %dma_wait3A_1081 : memref<1x16x128xi32, #tpu.memory_space<hbm>> -> memref<16x128xi32, #tpu.memory_space<hbm>>
      %dma_wait3A_1083 = arith.constant 0 : i32
      %dma_wait3A_1084 = tpu.memref_slice %arg6[%select_n3A, %dma_wait3A_1083, %mul3A_32] : memref<2x16x2048xi32, #tpu.memory_space<hbm>> -> memref<1x16x128xi32, #tpu.memory_space<hbm>>
      %dma_wait3A_1085 = tpu.memref_squeeze %dma_wait3A_1084 : memref<1x16x128xi32, #tpu.memory_space<hbm>> -> memref<16x128xi32, #tpu.memory_space<hbm>>
      tpu.wait_dma2 semaphore(%run_scoped3A : memref<!tpu.dma_semaphore, #tpu.memory_space<semaphore_mem>>) src(%dma_wait3A_1085 : memref<16x128xi32, #tpu.memory_space<hbm>>) dst(%arg14 : memref<16x128xi32, #tpu.memory_space<vmem>>)
      tpu.yield
    }) : () -> ()
    "tpu.region"() ({
      %run_scoped3A = tpu.sem_alloc : memref<!tpu.dma_semaphore, #tpu.memory_space<semaphore_mem>>
      %dma_start3A = arith.constant 0 : i32
      %dma_start3A_1075 = tpu.memref_slice %arg7[%select_n3A, %dma_start3A, %mul3A_32] : memref<2x16x2048xi32, #tpu.memory_space<hbm>> -> memref<1x16x128xi32, #tpu.memory_space<hbm>>
      %dma_start3A_1076 = tpu.memref_squeeze %dma_start3A_1075 : memref<1x16x128xi32, #tpu.memory_space<hbm>> -> memref<16x128xi32, #tpu.memory_space<hbm>>
      %dma_start3A_1077 = arith.constant 0 : i32
      %dma_start3A_1078 = tpu.memref_slice %arg7[%select_n3A, %dma_start3A_1077, %mul3A_32] : memref<2x16x2048xi32, #tpu.memory_space<hbm>> -> memref<1x16x128xi32, #tpu.memory_space<hbm>>
      %dma_start3A_1079 = tpu.memref_squeeze %dma_start3A_1078 : memref<1x16x128xi32, #tpu.memory_space<hbm>> -> memref<16x128xi32, #tpu.memory_space<hbm>>
      tpu.enqueue_dma source(%dma_start3A_1079 : memref<16x128xi32, #tpu.memory_space<hbm>>) target(%arg15 : memref<16x128xi32, #tpu.memory_space<vmem>>) target_semaphore(%run_scoped3A : memref<!tpu.dma_semaphore, #tpu.memory_space<semaphore_mem>>)
      %dma_wait3A_1080 = arith.constant 0 : i32
      %dma_wait3A_1081 = tpu.memref_slice %arg7[%select_n3A, %dma_wait3A_1080, %mul3A_32] : memref<2x16x2048xi32, #tpu.memory_space<hbm>> -> memref<1x16x128xi32, #tpu.memory_space<hbm>>
      %dma_wait3A_1082 = tpu.memref_squeeze %dma_wait3A_1081 : memref<1x16x128xi32, #tpu.memory_space<hbm>> -> memref<16x128xi32, #tpu.memory_space<hbm>>
      %dma_wait3A_1083 = arith.constant 0 : i32
      %dma_wait3A_1084 = tpu.memref_slice %arg7[%select_n3A, %dma_wait3A_1083, %mul3A_32] : memref<2x16x2048xi32, #tpu.memory_space<hbm>> -> memref<1x16x128xi32, #tpu.memory_space<hbm>>
      %dma_wait3A_1085 = tpu.memref_squeeze %dma_wait3A_1084 : memref<1x16x128xi32, #tpu.memory_space<hbm>> -> memref<16x128xi32, #tpu.memory_space<hbm>>
      tpu.wait_dma2 semaphore(%run_scoped3A : memref<!tpu.dma_semaphore, #tpu.memory_space<semaphore_mem>>) src(%dma_wait3A_1085 : memref<16x128xi32, #tpu.memory_space<hbm>>) dst(%arg15 : memref<16x128xi32, #tpu.memory_space<vmem>>)
      tpu.yield
    }) : () -> ()
    "tpu.region"() ({
      %run_scoped3A = tpu.sem_alloc : memref<!tpu.dma_semaphore, #tpu.memory_space<semaphore_mem>>
      %dma_start3A = arith.constant 0 : i32
      %dma_start3A_1075 = tpu.memref_slice %arg8[%select_n3A, %dma_start3A, %mul3A_32] : memref<2x16x2048xf32, #tpu.memory_space<hbm>> -> memref<1x16x128xf32, #tpu.memory_space<hbm>>
      %dma_start3A_1076 = tpu.memref_squeeze %dma_start3A_1075 : memref<1x16x128xf32, #tpu.memory_space<hbm>> -> memref<16x128xf32, #tpu.memory_space<hbm>>
      %dma_start3A_1077 = arith.constant 0 : i32
      %dma_start3A_1078 = tpu.memref_slice %arg8[%select_n3A, %dma_start3A_1077, %mul3A_32] : memref<2x16x2048xf32, #tpu.memory_space<hbm>> -> memref<1x16x128xf32, #tpu.memory_space<hbm>>
      %dma_start3A_1079 = tpu.memref_squeeze %dma_start3A_1078 : memref<1x16x128xf32, #tpu.memory_space<hbm>> -> memref<16x128xf32, #tpu.memory_space<hbm>>
      tpu.enqueue_dma source(%dma_start3A_1079 : memref<16x128xf32, #tpu.memory_space<hbm>>) target(%arg16 : memref<16x128xf32, #tpu.memory_space<vmem>>) target_semaphore(%run_scoped3A : memref<!tpu.dma_semaphore, #tpu.memory_space<semaphore_mem>>)
      %dma_wait3A_1080 = arith.constant 0 : i32
      %dma_wait3A_1081 = tpu.memref_slice %arg8[%select_n3A, %dma_wait3A_1080, %mul3A_32] : memref<2x16x2048xf32, #tpu.memory_space<hbm>> -> memref<1x16x128xf32, #tpu.memory_space<hbm>>
      %dma_wait3A_1082 = tpu.memref_squeeze %dma_wait3A_1081 : memref<1x16x128xf32, #tpu.memory_space<hbm>> -> memref<16x128xf32, #tpu.memory_space<hbm>>
      %dma_wait3A_1083 = arith.constant 0 : i32
      %dma_wait3A_1084 = tpu.memref_slice %arg8[%select_n3A, %dma_wait3A_1083, %mul3A_32] : memref<2x16x2048xf32, #tpu.memory_space<hbm>> -> memref<1x16x128xf32, #tpu.memory_space<hbm>>
      %dma_wait3A_1085 = tpu.memref_squeeze %dma_wait3A_1084 : memref<1x16x128xf32, #tpu.memory_space<hbm>> -> memref<16x128xf32, #tpu.memory_space<hbm>>
      tpu.wait_dma2 semaphore(%run_scoped3A : memref<!tpu.dma_semaphore, #tpu.memory_space<semaphore_mem>>) src(%dma_wait3A_1085 : memref<16x128xf32, #tpu.memory_space<hbm>>) dst(%arg16 : memref<16x128xf32, #tpu.memory_space<vmem>>)
      tpu.yield
    }) : () -> ()
    %broadcast_in_dim3A = arith.constant 0.000000e+00 : f32
    %broadcast_in_dim3A_35 = vector.broadcast %broadcast_in_dim3A : f32 to vector<16xf32>
    %iota3A = tpu.iota {dimensions = array<i32: 0>} : vector<16xi32>
    %swap3A = arith.constant 0 : index
    %swap3A_36 = tpu.vector_load %arg17[%swap3A] {strides = array<i32>} : memref<4096xf32, #tpu.memory_space<vmem>>, vector<16xf32>,
    tpu.vector_store %arg17[%swap3A], %broadcast_in_dim3A_35 {strides = array<i32>} : memref<4096xf32, #tpu.memory_space<vmem>>, vector<16xf32>,
    %swap3A_37 = arith.constant 16 : index
    %swap3A_38 = tpu.vector_load %arg17[%swap3A_37] {strides = array<i32>} : memref<4096xf32, #tpu.memory_space<vmem>>, vector<16xf32>,
    tpu.vector_store %arg17[%swap3A_37], %broadcast_in_dim3A_35 {strides = array<i32>} : memref<4096xf32, #tpu.memory_space<vmem>>, vector<16xf32>,
    %swap3A_39 = arith.constant 32 : index
    %swap3A_40 = tpu.vector_load %arg17[%swap3A_39] {strides = array<i32>} : memref<4096xf32, #tpu.memory_space<vmem>>, vector<16xf32>,
    tpu.vector_store %arg17[%swap3A_39], %broadcast_in_dim3A_35 {strides = array<i32>} : memref<4096xf32, #tpu.memory_space<vmem>>, vector<16xf32>,
    %swap3A_41 = arith.constant 48 : index
    %swap3A_42 = tpu.vector_load %arg17[%swap3A_41] {strides = array<i32>} : memref<4096xf32, #tpu.memory_space<vmem>>, vector<16xf32>,
    tpu.vector_store %arg17[%swap3A_41], %broadcast_in_dim3A_35 {strides = array<i32>} : memref<4096xf32, #tpu.memory_space<vmem>>, vector<16xf32>,
    %swap3A_43 = arith.constant 64 : index
    %swap3A_44 = tpu.vector_load %arg17[%swap3A_43] {strides = array<i32>} : memref<4096xf32, #tpu.memory_space<vmem>>, vector<16xf32>,
    tpu.vector_store %arg17[%swap3A_43], %broadcast_in_dim3A_35 {strides = array<i32>} : memref<4096xf32, #tpu.memory_space<vmem>>, vector<16xf32>,
    %swap3A_45 = arith.constant 80 : index
    %swap3A_46 = tpu.vector_load %arg17[%swap3A_45] {strides = array<i32>} : memref<4096xf32, #tpu.memory_space<vmem>>, vector<16xf32>,
    tpu.vector_store %arg17[%swap3A_45], %broadcast_in_dim3A_35 {strides = array<i32>} : memref<4096xf32, #tpu.memory_space<vmem>>, vector<16xf32>,
    %swap3A_47 = arith.constant 96 : index
    %swap3A_48 = tpu.vector_load %arg17[%swap3A_47] {strides = array<i32>} : memref<4096xf32, #tpu.memory_space<vmem>>, vector<16xf32>,
    tpu.vector_store %arg17[%swap3A_47], %broadcast_in_dim3A_35 {strides = array<i32>} : memref<4096xf32, #tpu.memory_space<vmem>>, vector<16xf32>,
    %swap3A_49 = arith.constant 112 : index
    %swap3A_50 = tpu.vector_load %arg17[%swap3A_49] {strides = array<i32>} : memref<4096xf32, #tpu.memory_space<vmem>>, vector<16xf32>,
    tpu.vector_store %arg17[%swap3A_49], %broadcast_in_dim3A_35 {strides = array<i32>} : memref<4096xf32, #tpu.memory_space<vmem>>, vector<16xf32>,
    %swap3A_51 = arith.constant 128 : index
    %swap3A_52 = tpu.vector_load %arg17[%swap3A_51] {strides = array<i32>} : memref<4096xf32, #tpu.memory_space<vmem>>, vector<16xf32>,
    tpu.vector_store %arg17[%swap3A_51], %broadcast_in_dim3A_35 {strides = array<i32>} : memref<4096xf32, #tpu.memory_space<vmem>>, vector<16xf32>,
    %swap3A_53 = arith.constant 144 : index
    %swap3A_54 = tpu.vector_load %arg17[%swap3A_53] {strides = array<i32>} : memref<4096xf32, #tpu.memory_space<vmem>>, vector<16xf32>,
    tpu.vector_store %arg17[%swap3A_53], %broadcast_in_dim3A_35 {strides = array<i32>} : memref<4096xf32, #tpu.memory_space<vmem>>, vector<16xf32>,
    %swap3A_55 = arith.constant 160 : index
    %swap3A_56 = tpu.vector_load %arg17[%swap3A_55] {strides = array<i32>} : memref<4096xf32, #tpu.memory_space<vmem>>, vector<16xf32>,
    tpu.vector_store %arg17[%swap3A_55], %broadcast_in_dim3A_35 {strides = array<i32>} : memref<4096xf32, #tpu.memory_space<vmem>>, vector<16xf32>,
    %swap3A_57 = arith.constant 176 : index
    %swap3A_58 = tpu.vector_load %arg17[%swap3A_57] {strides = array<i32>} : memref<4096xf32, #tpu.memory_space<vmem>>, vector<16xf32>,
    tpu.vector_store %arg17[%swap3A_57], %broadcast_in_dim3A_35 {strides = array<i32>} : memref<4096xf32, #tpu.memory_space<vmem>>, vector<16xf32>,
    %swap3A_59 = arith.constant 192 : index
    %swap3A_60 = tpu.vector_load %arg17[%swap3A_59] {strides = array<i32>} : memref<4096xf32, #tpu.memory_space<vmem>>, vector<16xf32>,
    tpu.vector_store %arg17[%swap3A_59], %broadcast_in_dim3A_35 {strides = array<i32>} : memref<4096xf32, #tpu.memory_space<vmem>>, vector<16xf32>,
    %swap3A_61 = arith.constant 208 : index
    %swap3A_62 = tpu.vector_load %arg17[%swap3A_61] {strides = array<i32>} : memref<4096xf32, #tpu.memory_space<vmem>>, vector<16xf32>,
    tpu.vector_store %arg17[%swap3A_61], %broadcast_in_dim3A_35 {strides = array<i32>} : memref<4096xf32, #tpu.memory_space<vmem>>, vector<16xf32>,
    %swap3A_63 = arith.constant 224 : index
    %swap3A_64 = tpu.vector_load %arg17[%swap3A_63] {strides = array<i32>} : memref<4096xf32, #tpu.memory_space<vmem>>, vector<16xf32>,
    tpu.vector_store %arg17[%swap3A_63], %broadcast_in_dim3A_35 {strides = array<i32>} : memref<4096xf32, #tpu.memory_space<vmem>>, vector<16xf32>,
    %swap3A_65 = arith.constant 240 : index
    %swap3A_66 = tpu.vector_load %arg17[%swap3A_65] {strides = array<i32>} : memref<4096xf32, #tpu.memory_space<vmem>>, vector<16xf32>,
    tpu.vector_store %arg17[%swap3A_65], %broadcast_in_dim3A_35 {strides = array<i32>} : memref<4096xf32, #tpu.memory_space<vmem>>, vector<16xf32>,
    %swap3A_67 = arith.constant 256 : index
    %swap3A_68 = tpu.vector_load %arg17[%swap3A_67] {strides = array<i32>} : memref<4096xf32, #tpu.memory_space<vmem>>, vector<16xf32>,
    tpu.vector_store %arg17[%swap3A_67], %broadcast_in_dim3A_35 {strides = array<i32>} : memref<4096xf32, #tpu.memory_space<vmem>>, vector<16xf32>,
    %swap3A_69 = arith.constant 272 : index
    %swap3A_70 = tpu.vector_load %arg17[%swap3A_69] {strides = array<i32>} : memref<4096xf32, #tpu.memory_space<vmem>>, vector<16xf32>,
    tpu.vector_store %arg17[%swap3A_69], %broadcast_in_dim3A_35 {strides = array<i32>} : memref<4096xf32, #tpu.memory_space<vmem>>, vector<16xf32>,
    %swap3A_71 = arith.constant 288 : index
    %swap3A_72 = tpu.vector_load %arg17[%swap3A_71] {strides = array<i32>} : memref<4096xf32, #tpu.memory_space<vmem>>, vector<16xf32>,
    tpu.vector_store %arg17[%swap3A_71], %broadcast_in_dim3A_35 {strides = array<i32>} : memref<4096xf32, #tpu.memory_space<vmem>>, vector<16xf32>,
    %swap3A_73 = arith.constant 304 : index
    %swap3A_74 = tpu.vector_load %arg17[%swap3A_73] {strides = array<i32>} : memref<4096xf32, #tpu.memory_space<vmem>>, vector<16xf32>,
    tpu.vector_store %arg17[%swap3A_73], %broadcast_in_dim3A_35 {strides = array<i32>} : memref<4096xf32, #tpu.memory_space<vmem>>, vector<16xf32>,
    %swap3A_75 = arith.constant 320 : index
    %swap3A_76 = tpu.vector_load %arg17[%swap3A_75] {strides = array<i32>} : memref<4096xf32, #tpu.memory_space<vmem>>, vector<16xf32>,
    tpu.vector_store %arg17[%swap3A_75], %broadcast_in_dim3A_35 {strides = array<i32>} : memref<4096xf32, #tpu.memory_space<vmem>>, vector<16xf32>,
    %swap3A_77 = arith.constant 336 : index
    %swap3A_78 = tpu.vector_load %arg17[%swap3A_77] {strides = array<i32>} : memref<4096xf32, #tpu.memory_space<vmem>>, vector<16xf32>,
    tpu.vector_store %arg17[%swap3A_77], %broadcast_in_dim3A_35 {strides = array<i32>} : memref<4096xf32, #tpu.memory_space<vmem>>, vector<16xf32>,
    %swap3A_79 = arith.constant 352 : index
    %swap3A_80 = tpu.vector_load %arg17[%swap3A_79] {strides = array<i32>} : memref<4096xf32, #tpu.memory_space<vmem>>, vector<16xf32>,
    tpu.vector_store %arg17[%swap3A_79], %broadcast_in_dim3A_35 {strides = array<i32>} : memref<4096xf32, #tpu.memory_space<vmem>>, vector<16xf32>,
    %swap3A_81 = arith.constant 368 : index
    %swap3A_82 = tpu.vector_load %arg17[%swap3A_81] {strides = array<i32>} : memref<4096xf32, #tpu.memory_space<vmem>>, vector<16xf32>,
    tpu.vector_store %arg17[%swap3A_81], %broadcast_in_dim3A_35 {strides = array<i32>} : memref<4096xf32, #tpu.memory_space<vmem>>, vector<16xf32>,
    %swap3A_83 = arith.constant 384 : index
    %swap3A_84 = tpu.vector_load %arg17[%swap3A_83] {strides = array<i32>} : memref<4096xf32, #tpu.memory_space<vmem>>, vector<16xf32>,
    tpu.vector_store %arg17[%swap3A_83], %broadcast_in_dim3A_35 {strides = array<i32>} : memref<4096xf32, #tpu.memory_space<vmem>>, vector<16xf32>,
    %swap3A_85 = arith.constant 400 : index
    %swap3A_86 = tpu.vector_load %arg17[%swap3A_85] {strides = array<i32>} : memref<4096xf32, #tpu.memory_space<vmem>>, vector<16xf32>,
    tpu.vector_store %arg17[%swap3A_85], %broadcast_in_dim3A_35 {strides = array<i32>} : memref<4096xf32, #tpu.memory_space<vmem>>, vector<16xf32>,
    %swap3A_87 = arith.constant 416 : index
    %swap3A_88 = tpu.vector_load %arg17[%swap3A_87] {strides = array<i32>} : memref<4096xf32, #tpu.memory_space<vmem>>, vector<16xf32>,
    tpu.vector_store %arg17[%swap3A_87], %broadcast_in_dim3A_35 {strides = array<i32>} : memref<4096xf32, #tpu.memory_space<vmem>>, vector<16xf32>,
    %swap3A_89 = arith.constant 432 : index
    %swap3A_90 = tpu.vector_load %arg17[%swap3A_89] {strides = array<i32>} : memref<4096xf32, #tpu.memory_space<vmem>>, vector<16xf32>,
    tpu.vector_store %arg17[%swap3A_89], %broadcast_in_dim3A_35 {strides = array<i32>} : memref<4096xf32, #tpu.memory_space<vmem>>, vector<16xf32>,
    %swap3A_91 = arith.constant 448 : index
    %swap3A_92 = tpu.vector_load %arg17[%swap3A_91] {strides = array<i32>} : memref<4096xf32, #tpu.memory_space<vmem>>, vector<16xf32>,
    tpu.vector_store %arg17[%swap3A_91], %broadcast_in_dim3A_35 {strides = array<i32>} : memref<4096xf32, #tpu.memory_space<vmem>>, vector<16xf32>,
    %swap3A_93 = arith.constant 464 : index
    %swap3A_94 = tpu.vector_load %arg17[%swap3A_93] {strides = array<i32>} : memref<4096xf32, #tpu.memory_space<vmem>>, vector<16xf32>,
    tpu.vector_store %arg17[%swap3A_93], %broadcast_in_dim3A_35 {strides = array<i32>} : memref<4096xf32, #tpu.memory_space<vmem>>, vector<16xf32>,
    %swap3A_95 = arith.constant 480 : index
    %swap3A_96 = tpu.vector_load %arg17[%swap3A_95] {strides = array<i32>} : memref<4096xf32, #tpu.memory_space<vmem>>, vector<16xf32>,
    tpu.vector_store %arg17[%swap3A_95], %broadcast_in_dim3A_35 {strides = array<i32>} : memref<4096xf32, #tpu.memory_space<vmem>>, vector<16xf32>,
    %swap3A_97 = arith.constant 496 : index
    %swap3A_98 = tpu.vector_load %arg17[%swap3A_97] {strides = array<i32>} : memref<4096xf32, #tpu.memory_space<vmem>>, vector<16xf32>,
    tpu.vector_store %arg17[%swap3A_97], %broadcast_in_dim3A_35 {strides = array<i32>} : memref<4096xf32, #tpu.memory_space<vmem>>, vector<16xf32>,
    %swap3A_99 = arith.constant 512 : index
    %swap3A_100 = tpu.vector_load %arg17[%swap3A_99] {strides = array<i32>} : memref<4096xf32, #tpu.memory_space<vmem>>, vector<16xf32>,
    tpu.vector_store %arg17[%swap3A_99], %broadcast_in_dim3A_35 {strides = array<i32>} : memref<4096xf32, #tpu.memory_space<vmem>>, vector<16xf32>,
    %swap3A_101 = arith.constant 528 : index
    %swap3A_102 = tpu.vector_load %arg17[%swap3A_101] {strides = array<i32>} : memref<4096xf32, #tpu.memory_space<vmem>>, vector<16xf32>,
    tpu.vector_store %arg17[%swap3A_101], %broadcast_in_dim3A_35 {strides = array<i32>} : memref<4096xf32, #tpu.memory_space<vmem>>, vector<16xf32>,
    %swap3A_103 = arith.constant 544 : index
    %swap3A_104 = tpu.vector_load %arg17[%swap3A_103] {strides = array<i32>} : memref<4096xf32, #tpu.memory_space<vmem>>, vector<16xf32>,
    tpu.vector_store %arg17[%swap3A_103], %broadcast_in_dim3A_35 {strides = array<i32>} : memref<4096xf32, #tpu.memory_space<vmem>>, vector<16xf32>,
    %swap3A_105 = arith.constant 560 : index
    %swap3A_106 = tpu.vector_load %arg17[%swap3A_105] {strides = array<i32>} : memref<4096xf32, #tpu.memory_space<vmem>>, vector<16xf32>,
    tpu.vector_store %arg17[%swap3A_105], %broadcast_in_dim3A_35 {strides = array<i32>} : memref<4096xf32, #tpu.memory_space<vmem>>, vector<16xf32>,
    %swap3A_107 = arith.constant 576 : index
    %swap3A_108 = tpu.vector_load %arg17[%swap3A_107] {strides = array<i32>} : memref<4096xf32, #tpu.memory_space<vmem>>, vector<16xf32>,
    tpu.vector_store %arg17[%swap3A_107], %broadcast_in_dim3A_35 {strides = array<i32>} : memref<4096xf32, #tpu.memory_space<vmem>>, vector<16xf32>,
    %swap3A_109 = arith.constant 592 : index
    %swap3A_110 = tpu.vector_load %arg17[%swap3A_109] {strides = array<i32>} : memref<4096xf32, #tpu.memory_space<vmem>>, vector<16xf32>,
    tpu.vector_store %arg17[%swap3A_109], %broadcast_in_dim3A_35 {strides = array<i32>} : memref<4096xf32, #tpu.memory_space<vmem>>, vector<16xf32>,
    %swap3A_111 = arith.constant 608 : index
    %swap3A_112 = tpu.vector_load %arg17[%swap3A_111] {strides = array<i32>} : memref<4096xf32, #tpu.memory_space<vmem>>, vector<16xf32>,
    tpu.vector_store %arg17[%swap3A_111], %broadcast_in_dim3A_35 {strides = array<i32>} : memref<4096xf32, #tpu.memory_space<vmem>>, vector<16xf32>,
    %swap3A_113 = arith.constant 624 : index
    %swap3A_114 = tpu.vector_load %arg17[%swap3A_113] {strides = array<i32>} : memref<4096xf32, #tpu.memory_space<vmem>>, vector<16xf32>,
    tpu.vector_store %arg17[%swap3A_113], %broadcast_in_dim3A_35 {strides = array<i32>} : memref<4096xf32, #tpu.memory_space<vmem>>, vector<16xf32>,
    %swap3A_115 = arith.constant 640 : index
    %swap3A_116 = tpu.vector_load %arg17[%swap3A_115] {strides = array<i32>} : memref<4096xf32, #tpu.memory_space<vmem>>, vector<16xf32>,
    tpu.vector_store %arg17[%swap3A_115], %broadcast_in_dim3A_35 {strides = array<i32>} : memref<4096xf32, #tpu.memory_space<vmem>>, vector<16xf32>,
    %swap3A_117 = arith.constant 656 : index
    %swap3A_118 = tpu.vector_load %arg17[%swap3A_117] {strides = array<i32>} : memref<4096xf32, #tpu.memory_space<vmem>>, vector<16xf32>,
    tpu.vector_store %arg17[%swap3A_117], %broadcast_in_dim3A_35 {strides = array<i32>} : memref<4096xf32, #tpu.memory_space<vmem>>, vector<16xf32>,
    %swap3A_119 = arith.constant 672 : index
    %swap3A_120 = tpu.vector_load %arg17[%swap3A_119] {strides = array<i32>} : memref<4096xf32, #tpu.memory_space<vmem>>, vector<16xf32>,
    tpu.vector_store %arg17[%swap3A_119], %broadcast_in_dim3A_35 {strides = array<i32>} : memref<4096xf32, #tpu.memory_space<vmem>>, vector<16xf32>,
    %swap3A_121 = arith.constant 688 : index
    %swap3A_122 = tpu.vector_load %arg17[%swap3A_121] {strides = array<i32>} : memref<4096xf32, #tpu.memory_space<vmem>>, vector<16xf32>,
    tpu.vector_store %arg17[%swap3A_121], %broadcast_in_dim3A_35 {strides = array<i32>} : memref<4096xf32, #tpu.memory_space<vmem>>, vector<16xf32>,
    %swap3A_123 = arith.constant 704 : index
    %swap3A_124 = tpu.vector_load %arg17[%swap3A_123] {strides = array<i32>} : memref<4096xf32, #tpu.memory_space<vmem>>, vector<16xf32>,
    tpu.vector_store %arg17[%swap3A_123], %broadcast_in_dim3A_35 {strides = array<i32>} : memref<4096xf32, #tpu.memory_space<vmem>>, vector<16xf32>,
    %swap3A_125 = arith.constant 720 : index
    %swap3A_126 = tpu.vector_load %arg17[%swap3A_125] {strides = array<i32>} : memref<4096xf32, #tpu.memory_space<vmem>>, vector<16xf32>,
    tpu.vector_store %arg17[%swap3A_125], %broadcast_in_dim3A_35 {strides = array<i32>} : memref<4096xf32, #tpu.memory_space<vmem>>, vector<16xf32>,
    %swap3A_127 = arith.constant 736 : index
    %swap3A_128 = tpu.vector_load %arg17[%swap3A_127] {strides = array<i32>} : memref<4096xf32, #tpu.memory_space<vmem>>, vector<16xf32>,
    tpu.vector_store %arg17[%swap3A_127], %broadcast_in_dim3A_35 {strides = array<i32>} : memref<4096xf32, #tpu.memory_space<vmem>>, vector<16xf32>,
    %swap3A_129 = arith.constant 752 : index
    %swap3A_130 = tpu.vector_load %arg17[%swap3A_129] {strides = array<i32>} : memref<4096xf32, #tpu.memory_space<vmem>>, vector<16xf32>,
    tpu.vector_store %arg17[%swap3A_129], %broadcast_in_dim3A_35 {strides = array<i32>} : memref<4096xf32, #tpu.memory_space<vmem>>, vector<16xf32>,
    %swap3A_131 = arith.constant 768 : index
    %swap3A_132 = tpu.vector_load %arg17[%swap3A_131] {strides = array<i32>} : memref<4096xf32, #tpu.memory_space<vmem>>, vector<16xf32>,
    tpu.vector_store %arg17[%swap3A_131], %broadcast_in_dim3A_35 {strides = array<i32>} : memref<4096xf32, #tpu.memory_space<vmem>>, vector<16xf32>,
    %swap3A_133 = arith.constant 784 : index
    %swap3A_134 = tpu.vector_load %arg17[%swap3A_133] {strides = array<i32>} : memref<4096xf32, #tpu.memory_space<vmem>>, vector<16xf32>,
    tpu.vector_store %arg17[%swap3A_133], %broadcast_in_dim3A_35 {strides = array<i32>} : memref<4096xf32, #tpu.memory_space<vmem>>, vector<16xf32>,
    %swap3A_135 = arith.constant 800 : index
    %swap3A_136 = tpu.vector_load %arg17[%swap3A_135] {strides = array<i32>} : memref<4096xf32, #tpu.memory_space<vmem>>, vector<16xf32>,
    tpu.vector_store %arg17[%swap3A_135], %broadcast_in_dim3A_35 {strides = array<i32>} : memref<4096xf32, #tpu.memory_space<vmem>>, vector<16xf32>,
    %swap3A_137 = arith.constant 816 : index
    %swap3A_138 = tpu.vector_load %arg17[%swap3A_137] {strides = array<i32>} : memref<4096xf32, #tpu.memory_space<vmem>>, vector<16xf32>,
    tpu.vector_store %arg17[%swap3A_137], %broadcast_in_dim3A_35 {strides = array<i32>} : memref<4096xf32, #tpu.memory_space<vmem>>, vector<16xf32>,
    %swap3A_139 = arith.constant 832 : index
    %swap3A_140 = tpu.vector_load %arg17[%swap3A_139] {strides = array<i32>} : memref<4096xf32, #tpu.memory_space<vmem>>, vector<16xf32>,
    tpu.vector_store %arg17[%swap3A_139], %broadcast_in_dim3A_35 {strides = array<i32>} : memref<4096xf32, #tpu.memory_space<vmem>>, vector<16xf32>,
    %swap3A_141 = arith.constant 848 : index
    %swap3A_142 = tpu.vector_load %arg17[%swap3A_141] {strides = array<i32>} : memref<4096xf32, #tpu.memory_space<vmem>>, vector<16xf32>,
    tpu.vector_store %arg17[%swap3A_141], %broadcast_in_dim3A_35 {strides = array<i32>} : memref<4096xf32, #tpu.memory_space<vmem>>, vector<16xf32>,
    %swap3A_143 = arith.constant 864 : index
    %swap3A_144 = tpu.vector_load %arg17[%swap3A_143] {strides = array<i32>} : memref<4096xf32, #tpu.memory_space<vmem>>, vector<16xf32>,
    tpu.vector_store %arg17[%swap3A_143], %broadcast_in_dim3A_35 {strides = array<i32>} : memref<4096xf32, #tpu.memory_space<vmem>>, vector<16xf32>,
    %swap3A_145 = arith.constant 880 : index
    %swap3A_146 = tpu.vector_load %arg17[%swap3A_145] {strides = array<i32>} : memref<4096xf32, #tpu.memory_space<vmem>>, vector<16xf32>,
    tpu.vector_store %arg17[%swap3A_145], %broadcast_in_dim3A_35 {strides = array<i32>} : memref<4096xf32, #tpu.memory_space<vmem>>, vector<16xf32>,
    %swap3A_147 = arith.constant 896 : index
    %swap3A_148 = tpu.vector_load %arg17[%swap3A_147] {strides = array<i32>} : memref<4096xf32, #tpu.memory_space<vmem>>, vector<16xf32>,
    tpu.vector_store %arg17[%swap3A_147], %broadcast_in_dim3A_35 {strides = array<i32>} : memref<4096xf32, #tpu.memory_space<vmem>>, vector<16xf32>,
    %swap3A_149 = arith.constant 912 : index
    %swap3A_150 = tpu.vector_load %arg17[%swap3A_149] {strides = array<i32>} : memref<4096xf32, #tpu.memory_space<vmem>>, vector<16xf32>,
    tpu.vector_store %arg17[%swap3A_149], %broadcast_in_dim3A_35 {strides = array<i32>} : memref<4096xf32, #tpu.memory_space<vmem>>, vector<16xf32>,
    %swap3A_151 = arith.constant 928 : index
    %swap3A_152 = tpu.vector_load %arg17[%swap3A_151] {strides = array<i32>} : memref<4096xf32, #tpu.memory_space<vmem>>, vector<16xf32>,
    tpu.vector_store %arg17[%swap3A_151], %broadcast_in_dim3A_35 {strides = array<i32>} : memref<4096xf32, #tpu.memory_space<vmem>>, vector<16xf32>,
    %swap3A_153 = arith.constant 944 : index
    %swap3A_154 = tpu.vector_load %arg17[%swap3A_153] {strides = array<i32>} : memref<4096xf32, #tpu.memory_space<vmem>>, vector<16xf32>,
    tpu.vector_store %arg17[%swap3A_153], %broadcast_in_dim3A_35 {strides = array<i32>} : memref<4096xf32, #tpu.memory_space<vmem>>, vector<16xf32>,
    %swap3A_155 = arith.constant 960 : index
    %swap3A_156 = tpu.vector_load %arg17[%swap3A_155] {strides = array<i32>} : memref<4096xf32, #tpu.memory_space<vmem>>, vector<16xf32>,
    tpu.vector_store %arg17[%swap3A_155], %broadcast_in_dim3A_35 {strides = array<i32>} : memref<4096xf32, #tpu.memory_space<vmem>>, vector<16xf32>,
    %swap3A_157 = arith.constant 976 : index
    %swap3A_158 = tpu.vector_load %arg17[%swap3A_157] {strides = array<i32>} : memref<4096xf32, #tpu.memory_space<vmem>>, vector<16xf32>,
    tpu.vector_store %arg17[%swap3A_157], %broadcast_in_dim3A_35 {strides = array<i32>} : memref<4096xf32, #tpu.memory_space<vmem>>, vector<16xf32>,
    %swap3A_159 = arith.constant 992 : index
    %swap3A_160 = tpu.vector_load %arg17[%swap3A_159] {strides = array<i32>} : memref<4096xf32, #tpu.memory_space<vmem>>, vector<16xf32>,
    tpu.vector_store %arg17[%swap3A_159], %broadcast_in_dim3A_35 {strides = array<i32>} : memref<4096xf32, #tpu.memory_space<vmem>>, vector<16xf32>,
    %swap3A_161 = arith.constant 1008 : index
    %swap3A_162 = tpu.vector_load %arg17[%swap3A_161] {strides = array<i32>} : memref<4096xf32, #tpu.memory_space<vmem>>, vector<16xf32>,
    tpu.vector_store %arg17[%swap3A_161], %broadcast_in_dim3A_35 {strides = array<i32>} : memref<4096xf32, #tpu.memory_space<vmem>>, vector<16xf32>,
    %swap3A_163 = arith.constant 1024 : index
    %swap3A_164 = tpu.vector_load %arg17[%swap3A_163] {strides = array<i32>} : memref<4096xf32, #tpu.memory_space<vmem>>, vector<16xf32>,
    tpu.vector_store %arg17[%swap3A_163], %broadcast_in_dim3A_35 {strides = array<i32>} : memref<4096xf32, #tpu.memory_space<vmem>>, vector<16xf32>,
    %swap3A_165 = arith.constant 1040 : index
    %swap3A_166 = tpu.vector_load %arg17[%swap3A_165] {strides = array<i32>} : memref<4096xf32, #tpu.memory_space<vmem>>, vector<16xf32>,
    tpu.vector_store %arg17[%swap3A_165], %broadcast_in_dim3A_35 {strides = array<i32>} : memref<4096xf32, #tpu.memory_space<vmem>>, vector<16xf32>,
    %swap3A_167 = arith.constant 1056 : index
    %swap3A_168 = tpu.vector_load %arg17[%swap3A_167] {strides = array<i32>} : memref<4096xf32, #tpu.memory_space<vmem>>, vector<16xf32>,
    tpu.vector_store %arg17[%swap3A_167], %broadcast_in_dim3A_35 {strides = array<i32>} : memref<4096xf32, #tpu.memory_space<vmem>>, vector<16xf32>,
    %swap3A_169 = arith.constant 1072 : index
    %swap3A_170 = tpu.vector_load %arg17[%swap3A_169] {strides = array<i32>} : memref<4096xf32, #tpu.memory_space<vmem>>, vector<16xf32>,
    tpu.vector_store %arg17[%swap3A_169], %broadcast_in_dim3A_35 {strides = array<i32>} : memref<4096xf32, #tpu.memory_space<vmem>>, vector<16xf32>,
    %swap3A_171 = arith.constant 1088 : index
    %swap3A_172 = tpu.vector_load %arg17[%swap3A_171] {strides = array<i32>} : memref<4096xf32, #tpu.memory_space<vmem>>, vector<16xf32>,
    tpu.vector_store %arg17[%swap3A_171], %broadcast_in_dim3A_35 {strides = array<i32>} : memref<4096xf32, #tpu.memory_space<vmem>>, vector<16xf32>,
    %swap3A_173 = arith.constant 1104 : index
    %swap3A_174 = tpu.vector_load %arg17[%swap3A_173] {strides = array<i32>} : memref<4096xf32, #tpu.memory_space<vmem>>, vector<16xf32>,
    tpu.vector_store %arg17[%swap3A_173], %broadcast_in_dim3A_35 {strides = array<i32>} : memref<4096xf32, #tpu.memory_space<vmem>>, vector<16xf32>,
    %swap3A_175 = arith.constant 1120 : index
    %swap3A_176 = tpu.vector_load %arg17[%swap3A_175] {strides = array<i32>} : memref<4096xf32, #tpu.memory_space<vmem>>, vector<16xf32>,
    tpu.vector_store %arg17[%swap3A_175], %broadcast_in_dim3A_35 {strides = array<i32>} : memref<4096xf32, #tpu.memory_space<vmem>>, vector<16xf32>,
    %swap3A_177 = arith.constant 1136 : index
    %swap3A_178 = tpu.vector_load %arg17[%swap3A_177] {strides = array<i32>} : memref<4096xf32, #tpu.memory_space<vmem>>, vector<16xf32>,
    tpu.vector_store %arg17[%swap3A_177], %broadcast_in_dim3A_35 {strides = array<i32>} : memref<4096xf32, #tpu.memory_space<vmem>>, vector<16xf32>,
    %swap3A_179 = arith.constant 1152 : index
    %swap3A_180 = tpu.vector_load %arg17[%swap3A_179] {strides = array<i32>} : memref<4096xf32, #tpu.memory_space<vmem>>, vector<16xf32>,
    tpu.vector_store %arg17[%swap3A_179], %broadcast_in_dim3A_35 {strides = array<i32>} : memref<4096xf32, #tpu.memory_space<vmem>>, vector<16xf32>,
    %swap3A_181 = arith.constant 1168 : index
    %swap3A_182 = tpu.vector_load %arg17[%swap3A_181] {strides = array<i32>} : memref<4096xf32, #tpu.memory_space<vmem>>, vector<16xf32>,
    tpu.vector_store %arg17[%swap3A_181], %broadcast_in_dim3A_35 {strides = array<i32>} : memref<4096xf32, #tpu.memory_space<vmem>>, vector<16xf32>,
    %swap3A_183 = arith.constant 1184 : index
    %swap3A_184 = tpu.vector_load %arg17[%swap3A_183] {strides = array<i32>} : memref<4096xf32, #tpu.memory_space<vmem>>, vector<16xf32>,
    tpu.vector_store %arg17[%swap3A_183], %broadcast_in_dim3A_35 {strides = array<i32>} : memref<4096xf32, #tpu.memory_space<vmem>>, vector<16xf32>,
    %swap3A_185 = arith.constant 1200 : index
    %swap3A_186 = tpu.vector_load %arg17[%swap3A_185] {strides = array<i32>} : memref<4096xf32, #tpu.memory_space<vmem>>, vector<16xf32>,
    tpu.vector_store %arg17[%swap3A_185], %broadcast_in_dim3A_35 {strides = array<i32>} : memref<4096xf32, #tpu.memory_space<vmem>>, vector<16xf32>,
    %swap3A_187 = arith.constant 1216 : index
    %swap3A_188 = tpu.vector_load %arg17[%swap3A_187] {strides = array<i32>} : memref<4096xf32, #tpu.memory_space<vmem>>, vector<16xf32>,
    tpu.vector_store %arg17[%swap3A_187], %broadcast_in_dim3A_35 {strides = array<i32>} : memref<4096xf32, #tpu.memory_space<vmem>>, vector<16xf32>,
    %swap3A_189 = arith.constant 1232 : index
    %swap3A_190 = tpu.vector_load %arg17[%swap3A_189] {strides = array<i32>} : memref<4096xf32, #tpu.memory_space<vmem>>, vector<16xf32>,
    tpu.vector_store %arg17[%swap3A_189], %broadcast_in_dim3A_35 {strides = array<i32>} : memref<4096xf32, #tpu.memory_space<vmem>>, vector<16xf32>,
    %swap3A_191 = arith.constant 1248 : index
    %swap3A_192 = tpu.vector_load %arg17[%swap3A_191] {strides = array<i32>} : memref<4096xf32, #tpu.memory_space<vmem>>, vector<16xf32>,
    tpu.vector_store %arg17[%swap3A_191], %broadcast_in_dim3A_35 {strides = array<i32>} : memref<4096xf32, #tpu.memory_space<vmem>>, vector<16xf32>,
    %swap3A_193 = arith.constant 1264 : index
    %swap3A_194 = tpu.vector_load %arg17[%swap3A_193] {strides = array<i32>} : memref<4096xf32, #tpu.memory_space<vmem>>, vector<16xf32>,
    tpu.vector_store %arg17[%swap3A_193], %broadcast_in_dim3A_35 {strides = array<i32>} : memref<4096xf32, #tpu.memory_space<vmem>>, vector<16xf32>,
    %swap3A_195 = arith.constant 1280 : index
    %swap3A_196 = tpu.vector_load %arg17[%swap3A_195] {strides = array<i32>} : memref<4096xf32, #tpu.memory_space<vmem>>, vector<16xf32>,
    tpu.vector_store %arg17[%swap3A_195], %broadcast_in_dim3A_35 {strides = array<i32>} : memref<4096xf32, #tpu.memory_space<vmem>>, vector<16xf32>,
    %swap3A_197 = arith.constant 1296 : index
    %swap3A_198 = tpu.vector_load %arg17[%swap3A_197] {strides = array<i32>} : memref<4096xf32, #tpu.memory_space<vmem>>, vector<16xf32>,
    tpu.vector_store %arg17[%swap3A_197], %broadcast_in_dim3A_35 {strides = array<i32>} : memref<4096xf32, #tpu.memory_space<vmem>>, vector<16xf32>,
    %swap3A_199 = arith.constant 1312 : index
    %swap3A_200 = tpu.vector_load %arg17[%swap3A_199] {strides = array<i32>} : memref<4096xf32, #tpu.memory_space<vmem>>, vector<16xf32>,
    tpu.vector_store %arg17[%swap3A_199], %broadcast_in_dim3A_35 {strides = array<i32>} : memref<4096xf32, #tpu.memory_space<vmem>>, vector<16xf32>,
    %swap3A_201 = arith.constant 1328 : index
    %swap3A_202 = tpu.vector_load %arg17[%swap3A_201] {strides = array<i32>} : memref<4096xf32, #tpu.memory_space<vmem>>, vector<16xf32>,
    tpu.vector_store %arg17[%swap3A_201], %broadcast_in_dim3A_35 {strides = array<i32>} : memref<4096xf32, #tpu.memory_space<vmem>>, vector<16xf32>,
    %swap3A_203 = arith.constant 1344 : index
    %swap3A_204 = tpu.vector_load %arg17[%swap3A_203] {strides = array<i32>} : memref<4096xf32, #tpu.memory_space<vmem>>, vector<16xf32>,
    tpu.vector_store %arg17[%swap3A_203], %broadcast_in_dim3A_35 {strides = array<i32>} : memref<4096xf32, #tpu.memory_space<vmem>>, vector<16xf32>,
    %swap3A_205 = arith.constant 1360 : index
    %swap3A_206 = tpu.vector_load %arg17[%swap3A_205] {strides = array<i32>} : memref<4096xf32, #tpu.memory_space<vmem>>, vector<16xf32>,
    tpu.vector_store %arg17[%swap3A_205], %broadcast_in_dim3A_35 {strides = array<i32>} : memref<4096xf32, #tpu.memory_space<vmem>>, vector<16xf32>,
    %swap3A_207 = arith.constant 1376 : index
    %swap3A_208 = tpu.vector_load %arg17[%swap3A_207] {strides = array<i32>} : memref<4096xf32, #tpu.memory_space<vmem>>, vector<16xf32>,
    tpu.vector_store %arg17[%swap3A_207], %broadcast_in_dim3A_35 {strides = array<i32>} : memref<4096xf32, #tpu.memory_space<vmem>>, vector<16xf32>,
    %swap3A_209 = arith.constant 1392 : index
    %swap3A_210 = tpu.vector_load %arg17[%swap3A_209] {strides = array<i32>} : memref<4096xf32, #tpu.memory_space<vmem>>, vector<16xf32>,
    tpu.vector_store %arg17[%swap3A_209], %broadcast_in_dim3A_35 {strides = array<i32>} : memref<4096xf32, #tpu.memory_space<vmem>>, vector<16xf32>,
    %swap3A_211 = arith.constant 1408 : index
    %swap3A_212 = tpu.vector_load %arg17[%swap3A_211] {strides = array<i32>} : memref<4096xf32, #tpu.memory_space<vmem>>, vector<16xf32>,
    tpu.vector_store %arg17[%swap3A_211], %broadcast_in_dim3A_35 {strides = array<i32>} : memref<4096xf32, #tpu.memory_space<vmem>>, vector<16xf32>,
    %swap3A_213 = arith.constant 1424 : index
    %swap3A_214 = tpu.vector_load %arg17[%swap3A_213] {strides = array<i32>} : memref<4096xf32, #tpu.memory_space<vmem>>, vector<16xf32>,
    tpu.vector_store %arg17[%swap3A_213], %broadcast_in_dim3A_35 {strides = array<i32>} : memref<4096xf32, #tpu.memory_space<vmem>>, vector<16xf32>,
    %swap3A_215 = arith.constant 1440 : index
    %swap3A_216 = tpu.vector_load %arg17[%swap3A_215] {strides = array<i32>} : memref<4096xf32, #tpu.memory_space<vmem>>, vector<16xf32>,
    tpu.vector_store %arg17[%swap3A_215], %broadcast_in_dim3A_35 {strides = array<i32>} : memref<4096xf32, #tpu.memory_space<vmem>>, vector<16xf32>,
    %swap3A_217 = arith.constant 1456 : index
    %swap3A_218 = tpu.vector_load %arg17[%swap3A_217] {strides = array<i32>} : memref<4096xf32, #tpu.memory_space<vmem>>, vector<16xf32>,
    tpu.vector_store %arg17[%swap3A_217], %broadcast_in_dim3A_35 {strides = array<i32>} : memref<4096xf32, #tpu.memory_space<vmem>>, vector<16xf32>,
    %swap3A_219 = arith.constant 1472 : index
    %swap3A_220 = tpu.vector_load %arg17[%swap3A_219] {strides = array<i32>} : memref<4096xf32, #tpu.memory_space<vmem>>, vector<16xf32>,
    tpu.vector_store %arg17[%swap3A_219], %broadcast_in_dim3A_35 {strides = array<i32>} : memref<4096xf32, #tpu.memory_space<vmem>>, vector<16xf32>,
    %swap3A_221 = arith.constant 1488 : index
    %swap3A_222 = tpu.vector_load %arg17[%swap3A_221] {strides = array<i32>} : memref<4096xf32, #tpu.memory_space<vmem>>, vector<16xf32>,
    tpu.vector_store %arg17[%swap3A_221], %broadcast_in_dim3A_35 {strides = array<i32>} : memref<4096xf32, #tpu.memory_space<vmem>>, vector<16xf32>,
    %swap3A_223 = arith.constant 1504 : index
    %swap3A_224 = tpu.vector_load %arg17[%swap3A_223] {strides = array<i32>} : memref<4096xf32, #tpu.memory_space<vmem>>, vector<16xf32>,
    tpu.vector_store %arg17[%swap3A_223], %broadcast_in_dim3A_35 {strides = array<i32>} : memref<4096xf32, #tpu.memory_space<vmem>>, vector<16xf32>,
    %swap3A_225 = arith.constant 1520 : index
    %swap3A_226 = tpu.vector_load %arg17[%swap3A_225] {strides = array<i32>} : memref<4096xf32, #tpu.memory_space<vmem>>, vector<16xf32>,
    tpu.vector_store %arg17[%swap3A_225], %broadcast_in_dim3A_35 {strides = array<i32>} : memref<4096xf32, #tpu.memory_space<vmem>>, vector<16xf32>,
    %swap3A_227 = arith.constant 1536 : index
    %swap3A_228 = tpu.vector_load %arg17[%swap3A_227] {strides = array<i32>} : memref<4096xf32, #tpu.memory_space<vmem>>, vector<16xf32>,
    tpu.vector_store %arg17[%swap3A_227], %broadcast_in_dim3A_35 {strides = array<i32>} : memref<4096xf32, #tpu.memory_space<vmem>>, vector<16xf32>,
    %swap3A_229 = arith.constant 1552 : index
    %swap3A_230 = tpu.vector_load %arg17[%swap3A_229] {strides = array<i32>} : memref<4096xf32, #tpu.memory_space<vmem>>, vector<16xf32>,
    tpu.vector_store %arg17[%swap3A_229], %broadcast_in_dim3A_35 {strides = array<i32>} : memref<4096xf32, #tpu.memory_space<vmem>>, vector<16xf32>,
    %swap3A_231 = arith.constant 1568 : index
    %swap3A_232 = tpu.vector_load %arg17[%swap3A_231] {strides = array<i32>} : memref<4096xf32, #tpu.memory_space<vmem>>, vector<16xf32>,
    tpu.vector_store %arg17[%swap3A_231], %broadcast_in_dim3A_35 {strides = array<i32>} : memref<4096xf32, #tpu.memory_space<vmem>>, vector<16xf32>,
    %swap3A_233 = arith.constant 1584 : index
    %swap3A_234 = tpu.vector_load %arg17[%swap3A_233] {strides = array<i32>} : memref<4096xf32, #tpu.memory_space<vmem>>, vector<16xf32>,
    tpu.vector_store %arg17[%swap3A_233], %broadcast_in_dim3A_35 {strides = array<i32>} : memref<4096xf32, #tpu.memory_space<vmem>>, vector<16xf32>,
    %swap3A_235 = arith.constant 1600 : index
    %swap3A_236 = tpu.vector_load %arg17[%swap3A_235] {strides = array<i32>} : memref<4096xf32, #tpu.memory_space<vmem>>, vector<16xf32>,
    tpu.vector_store %arg17[%swap3A_235], %broadcast_in_dim3A_35 {strides = array<i32>} : memref<4096xf32, #tpu.memory_space<vmem>>, vector<16xf32>,
    %swap3A_237 = arith.constant 1616 : index
    %swap3A_238 = tpu.vector_load %arg17[%swap3A_237] {strides = array<i32>} : memref<4096xf32, #tpu.memory_space<vmem>>, vector<16xf32>,
    tpu.vector_store %arg17[%swap3A_237], %broadcast_in_dim3A_35 {strides = array<i32>} : memref<4096xf32, #tpu.memory_space<vmem>>, vector<16xf32>,
    %swap3A_239 = arith.constant 1632 : index
    %swap3A_240 = tpu.vector_load %arg17[%swap3A_239] {strides = array<i32>} : memref<4096xf32, #tpu.memory_space<vmem>>, vector<16xf32>,
    tpu.vector_store %arg17[%swap3A_239], %broadcast_in_dim3A_35 {strides = array<i32>} : memref<4096xf32, #tpu.memory_space<vmem>>, vector<16xf32>,
    %swap3A_241 = arith.constant 1648 : index
    %swap3A_242 = tpu.vector_load %arg17[%swap3A_241] {strides = array<i32>} : memref<4096xf32, #tpu.memory_space<vmem>>, vector<16xf32>,
    tpu.vector_store %arg17[%swap3A_241], %broadcast_in_dim3A_35 {strides = array<i32>} : memref<4096xf32, #tpu.memory_space<vmem>>, vector<16xf32>,
    %swap3A_243 = arith.constant 1664 : index
    %swap3A_244 = tpu.vector_load %arg17[%swap3A_243] {strides = array<i32>} : memref<4096xf32, #tpu.memory_space<vmem>>, vector<16xf32>,
    tpu.vector_store %arg17[%swap3A_243], %broadcast_in_dim3A_35 {strides = array<i32>} : memref<4096xf32, #tpu.memory_space<vmem>>, vector<16xf32>,
    %swap3A_245 = arith.constant 1680 : index
    %swap3A_246 = tpu.vector_load %arg17[%swap3A_245] {strides = array<i32>} : memref<4096xf32, #tpu.memory_space<vmem>>, vector<16xf32>,
    tpu.vector_store %arg17[%swap3A_245], %broadcast_in_dim3A_35 {strides = array<i32>} : memref<4096xf32, #tpu.memory_space<vmem>>, vector<16xf32>,
    %swap3A_247 = arith.constant 1696 : index
    %swap3A_248 = tpu.vector_load %arg17[%swap3A_247] {strides = array<i32>} : memref<4096xf32, #tpu.memory_space<vmem>>, vector<16xf32>,
    tpu.vector_store %arg17[%swap3A_247], %broadcast_in_dim3A_35 {strides = array<i32>} : memref<4096xf32, #tpu.memory_space<vmem>>, vector<16xf32>,
    %swap3A_249 = arith.constant 1712 : index
    %swap3A_250 = tpu.vector_load %arg17[%swap3A_249] {strides = array<i32>} : memref<4096xf32, #tpu.memory_space<vmem>>, vector<16xf32>,
    tpu.vector_store %arg17[%swap3A_249], %broadcast_in_dim3A_35 {strides = array<i32>} : memref<4096xf32, #tpu.memory_space<vmem>>, vector<16xf32>,
    %swap3A_251 = arith.constant 1728 : index
    %swap3A_252 = tpu.vector_load %arg17[%swap3A_251] {strides = array<i32>} : memref<4096xf32, #tpu.memory_space<vmem>>, vector<16xf32>,
    tpu.vector_store %arg17[%swap3A_251], %broadcast_in_dim3A_35 {strides = array<i32>} : memref<4096xf32, #tpu.memory_space<vmem>>, vector<16xf32>,
    %swap3A_253 = arith.constant 1744 : index
    %swap3A_254 = tpu.vector_load %arg17[%swap3A_253] {strides = array<i32>} : memref<4096xf32, #tpu.memory_space<vmem>>, vector<16xf32>,
    tpu.vector_store %arg17[%swap3A_253], %broadcast_in_dim3A_35 {strides = array<i32>} : memref<4096xf32, #tpu.memory_space<vmem>>, vector<16xf32>,
    %swap3A_255 = arith.constant 1760 : index
    %swap3A_256 = tpu.vector_load %arg17[%swap3A_255] {strides = array<i32>} : memref<4096xf32, #tpu.memory_space<vmem>>, vector<16xf32>,
    tpu.vector_store %arg17[%swap3A_255], %broadcast_in_dim3A_35 {strides = array<i32>} : memref<4096xf32, #tpu.memory_space<vmem>>, vector<16xf32>,
    %swap3A_257 = arith.constant 1776 : index
    %swap3A_258 = tpu.vector_load %arg17[%swap3A_257] {strides = array<i32>} : memref<4096xf32, #tpu.memory_space<vmem>>, vector<16xf32>,
    tpu.vector_store %arg17[%swap3A_257], %broadcast_in_dim3A_35 {strides = array<i32>} : memref<4096xf32, #tpu.memory_space<vmem>>, vector<16xf32>,
    %swap3A_259 = arith.constant 1792 : index
    %swap3A_260 = tpu.vector_load %arg17[%swap3A_259] {strides = array<i32>} : memref<4096xf32, #tpu.memory_space<vmem>>, vector<16xf32>,
    tpu.vector_store %arg17[%swap3A_259], %broadcast_in_dim3A_35 {strides = array<i32>} : memref<4096xf32, #tpu.memory_space<vmem>>, vector<16xf32>,
    %swap3A_261 = arith.constant 1808 : index
    %swap3A_262 = tpu.vector_load %arg17[%swap3A_261] {strides = array<i32>} : memref<4096xf32, #tpu.memory_space<vmem>>, vector<16xf32>,
    tpu.vector_store %arg17[%swap3A_261], %broadcast_in_dim3A_35 {strides = array<i32>} : memref<4096xf32, #tpu.memory_space<vmem>>, vector<16xf32>,
    %swap3A_263 = arith.constant 1824 : index
    %swap3A_264 = tpu.vector_load %arg17[%swap3A_263] {strides = array<i32>} : memref<4096xf32, #tpu.memory_space<vmem>>, vector<16xf32>,
    tpu.vector_store %arg17[%swap3A_263], %broadcast_in_dim3A_35 {strides = array<i32>} : memref<4096xf32, #tpu.memory_space<vmem>>, vector<16xf32>,
    %swap3A_265 = arith.constant 1840 : index
    %swap3A_266 = tpu.vector_load %arg17[%swap3A_265] {strides = array<i32>} : memref<4096xf32, #tpu.memory_space<vmem>>, vector<16xf32>,
    tpu.vector_store %arg17[%swap3A_265], %broadcast_in_dim3A_35 {strides = array<i32>} : memref<4096xf32, #tpu.memory_space<vmem>>, vector<16xf32>,
    %swap3A_267 = arith.constant 1856 : index
    %swap3A_268 = tpu.vector_load %arg17[%swap3A_267] {strides = array<i32>} : memref<4096xf32, #tpu.memory_space<vmem>>, vector<16xf32>,
    tpu.vector_store %arg17[%swap3A_267], %broadcast_in_dim3A_35 {strides = array<i32>} : memref<4096xf32, #tpu.memory_space<vmem>>, vector<16xf32>,
    %swap3A_269 = arith.constant 1872 : index
    %swap3A_270 = tpu.vector_load %arg17[%swap3A_269] {strides = array<i32>} : memref<4096xf32, #tpu.memory_space<vmem>>, vector<16xf32>,
    tpu.vector_store %arg17[%swap3A_269], %broadcast_in_dim3A_35 {strides = array<i32>} : memref<4096xf32, #tpu.memory_space<vmem>>, vector<16xf32>,
    %swap3A_271 = arith.constant 1888 : index
    %swap3A_272 = tpu.vector_load %arg17[%swap3A_271] {strides = array<i32>} : memref<4096xf32, #tpu.memory_space<vmem>>, vector<16xf32>,
    tpu.vector_store %arg17[%swap3A_271], %broadcast_in_dim3A_35 {strides = array<i32>} : memref<4096xf32, #tpu.memory_space<vmem>>, vector<16xf32>,
    %swap3A_273 = arith.constant 1904 : index
    %swap3A_274 = tpu.vector_load %arg17[%swap3A_273] {strides = array<i32>} : memref<4096xf32, #tpu.memory_space<vmem>>, vector<16xf32>,
    tpu.vector_store %arg17[%swap3A_273], %broadcast_in_dim3A_35 {strides = array<i32>} : memref<4096xf32, #tpu.memory_space<vmem>>, vector<16xf32>,
    %swap3A_275 = arith.constant 1920 : index
    %swap3A_276 = tpu.vector_load %arg17[%swap3A_275] {strides = array<i32>} : memref<4096xf32, #tpu.memory_space<vmem>>, vector<16xf32>,
    tpu.vector_store %arg17[%swap3A_275], %broadcast_in_dim3A_35 {strides = array<i32>} : memref<4096xf32, #tpu.memory_space<vmem>>, vector<16xf32>,
    %swap3A_277 = arith.constant 1936 : index
    %swap3A_278 = tpu.vector_load %arg17[%swap3A_277] {strides = array<i32>} : memref<4096xf32, #tpu.memory_space<vmem>>, vector<16xf32>,
    tpu.vector_store %arg17[%swap3A_277], %broadcast_in_dim3A_35 {strides = array<i32>} : memref<4096xf32, #tpu.memory_space<vmem>>, vector<16xf32>,
    %swap3A_279 = arith.constant 1952 : index
    %swap3A_280 = tpu.vector_load %arg17[%swap3A_279] {strides = array<i32>} : memref<4096xf32, #tpu.memory_space<vmem>>, vector<16xf32>,
    tpu.vector_store %arg17[%swap3A_279], %broadcast_in_dim3A_35 {strides = array<i32>} : memref<4096xf32, #tpu.memory_space<vmem>>, vector<16xf32>,
    %swap3A_281 = arith.constant 1968 : index
    %swap3A_282 = tpu.vector_load %arg17[%swap3A_281] {strides = array<i32>} : memref<4096xf32, #tpu.memory_space<vmem>>, vector<16xf32>,
    tpu.vector_store %arg17[%swap3A_281], %broadcast_in_dim3A_35 {strides = array<i32>} : memref<4096xf32, #tpu.memory_space<vmem>>, vector<16xf32>,
    %swap3A_283 = arith.constant 1984 : index
    %swap3A_284 = tpu.vector_load %arg17[%swap3A_283] {strides = array<i32>} : memref<4096xf32, #tpu.memory_space<vmem>>, vector<16xf32>,
    tpu.vector_store %arg17[%swap3A_283], %broadcast_in_dim3A_35 {strides = array<i32>} : memref<4096xf32, #tpu.memory_space<vmem>>, vector<16xf32>,
    %swap3A_285 = arith.constant 2000 : index
    %swap3A_286 = tpu.vector_load %arg17[%swap3A_285] {strides = array<i32>} : memref<4096xf32, #tpu.memory_space<vmem>>, vector<16xf32>,
    tpu.vector_store %arg17[%swap3A_285], %broadcast_in_dim3A_35 {strides = array<i32>} : memref<4096xf32, #tpu.memory_space<vmem>>, vector<16xf32>,
    %swap3A_287 = arith.constant 2016 : index
    %swap3A_288 = tpu.vector_load %arg17[%swap3A_287] {strides = array<i32>} : memref<4096xf32, #tpu.memory_space<vmem>>, vector<16xf32>,
    tpu.vector_store %arg17[%swap3A_287], %broadcast_in_dim3A_35 {strides = array<i32>} : memref<4096xf32, #tpu.memory_space<vmem>>, vector<16xf32>,
    %swap3A_289 = arith.constant 2032 : index
    %swap3A_290 = tpu.vector_load %arg17[%swap3A_289] {strides = array<i32>} : memref<4096xf32, #tpu.memory_space<vmem>>, vector<16xf32>,
    tpu.vector_store %arg17[%swap3A_289], %broadcast_in_dim3A_35 {strides = array<i32>} : memref<4096xf32, #tpu.memory_space<vmem>>, vector<16xf32>,
    %swap3A_291 = arith.constant 2048 : index
    %swap3A_292 = tpu.vector_load %arg17[%swap3A_291] {strides = array<i32>} : memref<4096xf32, #tpu.memory_space<vmem>>, vector<16xf32>,
    tpu.vector_store %arg17[%swap3A_291], %broadcast_in_dim3A_35 {strides = array<i32>} : memref<4096xf32, #tpu.memory_space<vmem>>, vector<16xf32>,
    %swap3A_293 = arith.constant 2064 : index
    %swap3A_294 = tpu.vector_load %arg17[%swap3A_293] {strides = array<i32>} : memref<4096xf32, #tpu.memory_space<vmem>>, vector<16xf32>,
    tpu.vector_store %arg17[%swap3A_293], %broadcast_in_dim3A_35 {strides = array<i32>} : memref<4096xf32, #tpu.memory_space<vmem>>, vector<16xf32>,
    %swap3A_295 = arith.constant 2080 : index
    %swap3A_296 = tpu.vector_load %arg17[%swap3A_295] {strides = array<i32>} : memref<4096xf32, #tpu.memory_space<vmem>>, vector<16xf32>,
    tpu.vector_store %arg17[%swap3A_295], %broadcast_in_dim3A_35 {strides = array<i32>} : memref<4096xf32, #tpu.memory_space<vmem>>, vector<16xf32>,
    %swap3A_297 = arith.constant 2096 : index
    %swap3A_298 = tpu.vector_load %arg17[%swap3A_297] {strides = array<i32>} : memref<4096xf32, #tpu.memory_space<vmem>>, vector<16xf32>,
    tpu.vector_store %arg17[%swap3A_297], %broadcast_in_dim3A_35 {strides = array<i32>} : memref<4096xf32, #tpu.memory_space<vmem>>, vector<16xf32>,
    %swap3A_299 = arith.constant 2112 : index
    %swap3A_300 = tpu.vector_load %arg17[%swap3A_299] {strides = array<i32>} : memref<4096xf32, #tpu.memory_space<vmem>>, vector<16xf32>,
    tpu.vector_store %arg17[%swap3A_299], %broadcast_in_dim3A_35 {strides = array<i32>} : memref<4096xf32, #tpu.memory_space<vmem>>, vector<16xf32>,
    %swap3A_301 = arith.constant 2128 : index
    %swap3A_302 = tpu.vector_load %arg17[%swap3A_301] {strides = array<i32>} : memref<4096xf32, #tpu.memory_space<vmem>>, vector<16xf32>,
    tpu.vector_store %arg17[%swap3A_301], %broadcast_in_dim3A_35 {strides = array<i32>} : memref<4096xf32, #tpu.memory_space<vmem>>, vector<16xf32>,
    %swap3A_303 = arith.constant 2144 : index
    %swap3A_304 = tpu.vector_load %arg17[%swap3A_303] {strides = array<i32>} : memref<4096xf32, #tpu.memory_space<vmem>>, vector<16xf32>,
    tpu.vector_store %arg17[%swap3A_303], %broadcast_in_dim3A_35 {strides = array<i32>} : memref<4096xf32, #tpu.memory_space<vmem>>, vector<16xf32>,
    %swap3A_305 = arith.constant 2160 : index
    %swap3A_306 = tpu.vector_load %arg17[%swap3A_305] {strides = array<i32>} : memref<4096xf32, #tpu.memory_space<vmem>>, vector<16xf32>,
    tpu.vector_store %arg17[%swap3A_305], %broadcast_in_dim3A_35 {strides = array<i32>} : memref<4096xf32, #tpu.memory_space<vmem>>, vector<16xf32>,
    %swap3A_307 = arith.constant 2176 : index
    %swap3A_308 = tpu.vector_load %arg17[%swap3A_307] {strides = array<i32>} : memref<4096xf32, #tpu.memory_space<vmem>>, vector<16xf32>,
    tpu.vector_store %arg17[%swap3A_307], %broadcast_in_dim3A_35 {strides = array<i32>} : memref<4096xf32, #tpu.memory_space<vmem>>, vector<16xf32>,
    %swap3A_309 = arith.constant 2192 : index
    %swap3A_310 = tpu.vector_load %arg17[%swap3A_309] {strides = array<i32>} : memref<4096xf32, #tpu.memory_space<vmem>>, vector<16xf32>,
    tpu.vector_store %arg17[%swap3A_309], %broadcast_in_dim3A_35 {strides = array<i32>} : memref<4096xf32, #tpu.memory_space<vmem>>, vector<16xf32>,
    %swap3A_311 = arith.constant 2208 : index
    %swap3A_312 = tpu.vector_load %arg17[%swap3A_311] {strides = array<i32>} : memref<4096xf32, #tpu.memory_space<vmem>>, vector<16xf32>,
    tpu.vector_store %arg17[%swap3A_311], %broadcast_in_dim3A_35 {strides = array<i32>} : memref<4096xf32, #tpu.memory_space<vmem>>, vector<16xf32>,
    %swap3A_313 = arith.constant 2224 : index
    %swap3A_314 = tpu.vector_load %arg17[%swap3A_313] {strides = array<i32>} : memref<4096xf32, #tpu.memory_space<vmem>>, vector<16xf32>,
    tpu.vector_store %arg17[%swap3A_313], %broadcast_in_dim3A_35 {strides = array<i32>} : memref<4096xf32, #tpu.memory_space<vmem>>, vector<16xf32>,
    %swap3A_315 = arith.constant 2240 : index
    %swap3A_316 = tpu.vector_load %arg17[%swap3A_315] {strides = array<i32>} : memref<4096xf32, #tpu.memory_space<vmem>>, vector<16xf32>,
    tpu.vector_store %arg17[%swap3A_315], %broadcast_in_dim3A_35 {strides = array<i32>} : memref<4096xf32, #tpu.memory_space<vmem>>, vector<16xf32>,
    %swap3A_317 = arith.constant 2256 : index
    %swap3A_318 = tpu.vector_load %arg17[%swap3A_317] {strides = array<i32>} : memref<4096xf32, #tpu.memory_space<vmem>>, vector<16xf32>,
    tpu.vector_store %arg17[%swap3A_317], %broadcast_in_dim3A_35 {strides = array<i32>} : memref<4096xf32, #tpu.memory_space<vmem>>, vector<16xf32>,
    %swap3A_319 = arith.constant 2272 : index
    %swap3A_320 = tpu.vector_load %arg17[%swap3A_319] {strides = array<i32>} : memref<4096xf32, #tpu.memory_space<vmem>>, vector<16xf32>,
    tpu.vector_store %arg17[%swap3A_319], %broadcast_in_dim3A_35 {strides = array<i32>} : memref<4096xf32, #tpu.memory_space<vmem>>, vector<16xf32>,
    %swap3A_321 = arith.constant 2288 : index
    %swap3A_322 = tpu.vector_load %arg17[%swap3A_321] {strides = array<i32>} : memref<4096xf32, #tpu.memory_space<vmem>>, vector<16xf32>,
    tpu.vector_store %arg17[%swap3A_321], %broadcast_in_dim3A_35 {strides = array<i32>} : memref<4096xf32, #tpu.memory_space<vmem>>, vector<16xf32>,
    %swap3A_323 = arith.constant 2304 : index
    %swap3A_324 = tpu.vector_load %arg17[%swap3A_323] {strides = array<i32>} : memref<4096xf32, #tpu.memory_space<vmem>>, vector<16xf32>,
    tpu.vector_store %arg17[%swap3A_323], %broadcast_in_dim3A_35 {strides = array<i32>} : memref<4096xf32, #tpu.memory_space<vmem>>, vector<16xf32>,
    %swap3A_325 = arith.constant 2320 : index
    %swap3A_326 = tpu.vector_load %arg17[%swap3A_325] {strides = array<i32>} : memref<4096xf32, #tpu.memory_space<vmem>>, vector<16xf32>,
    tpu.vector_store %arg17[%swap3A_325], %broadcast_in_dim3A_35 {strides = array<i32>} : memref<4096xf32, #tpu.memory_space<vmem>>, vector<16xf32>,
    %swap3A_327 = arith.constant 2336 : index
    %swap3A_328 = tpu.vector_load %arg17[%swap3A_327] {strides = array<i32>} : memref<4096xf32, #tpu.memory_space<vmem>>, vector<16xf32>,
    tpu.vector_store %arg17[%swap3A_327], %broadcast_in_dim3A_35 {strides = array<i32>} : memref<4096xf32, #tpu.memory_space<vmem>>, vector<16xf32>,
    %swap3A_329 = arith.constant 2352 : index
    %swap3A_330 = tpu.vector_load %arg17[%swap3A_329] {strides = array<i32>} : memref<4096xf32, #tpu.memory_space<vmem>>, vector<16xf32>,
    tpu.vector_store %arg17[%swap3A_329], %broadcast_in_dim3A_35 {strides = array<i32>} : memref<4096xf32, #tpu.memory_space<vmem>>, vector<16xf32>,
    %swap3A_331 = arith.constant 2368 : index
    %swap3A_332 = tpu.vector_load %arg17[%swap3A_331] {strides = array<i32>} : memref<4096xf32, #tpu.memory_space<vmem>>, vector<16xf32>,
    tpu.vector_store %arg17[%swap3A_331], %broadcast_in_dim3A_35 {strides = array<i32>} : memref<4096xf32, #tpu.memory_space<vmem>>, vector<16xf32>,
    %swap3A_333 = arith.constant 2384 : index
    %swap3A_334 = tpu.vector_load %arg17[%swap3A_333] {strides = array<i32>} : memref<4096xf32, #tpu.memory_space<vmem>>, vector<16xf32>,
    tpu.vector_store %arg17[%swap3A_333], %broadcast_in_dim3A_35 {strides = array<i32>} : memref<4096xf32, #tpu.memory_space<vmem>>, vector<16xf32>,
    %swap3A_335 = arith.constant 2400 : index
    %swap3A_336 = tpu.vector_load %arg17[%swap3A_335] {strides = array<i32>} : memref<4096xf32, #tpu.memory_space<vmem>>, vector<16xf32>,
    tpu.vector_store %arg17[%swap3A_335], %broadcast_in_dim3A_35 {strides = array<i32>} : memref<4096xf32, #tpu.memory_space<vmem>>, vector<16xf32>,
    %swap3A_337 = arith.constant 2416 : index
    %swap3A_338 = tpu.vector_load %arg17[%swap3A_337] {strides = array<i32>} : memref<4096xf32, #tpu.memory_space<vmem>>, vector<16xf32>,
    tpu.vector_store %arg17[%swap3A_337], %broadcast_in_dim3A_35 {strides = array<i32>} : memref<4096xf32, #tpu.memory_space<vmem>>, vector<16xf32>,
    %swap3A_339 = arith.constant 2432 : index
    %swap3A_340 = tpu.vector_load %arg17[%swap3A_339] {strides = array<i32>} : memref<4096xf32, #tpu.memory_space<vmem>>, vector<16xf32>,
    tpu.vector_store %arg17[%swap3A_339], %broadcast_in_dim3A_35 {strides = array<i32>} : memref<4096xf32, #tpu.memory_space<vmem>>, vector<16xf32>,
    %swap3A_341 = arith.constant 2448 : index
    %swap3A_342 = tpu.vector_load %arg17[%swap3A_341] {strides = array<i32>} : memref<4096xf32, #tpu.memory_space<vmem>>, vector<16xf32>,
    tpu.vector_store %arg17[%swap3A_341], %broadcast_in_dim3A_35 {strides = array<i32>} : memref<4096xf32, #tpu.memory_space<vmem>>, vector<16xf32>,
    %swap3A_343 = arith.constant 2464 : index
    %swap3A_344 = tpu.vector_load %arg17[%swap3A_343] {strides = array<i32>} : memref<4096xf32, #tpu.memory_space<vmem>>, vector<16xf32>,
    tpu.vector_store %arg17[%swap3A_343], %broadcast_in_dim3A_35 {strides = array<i32>} : memref<4096xf32, #tpu.memory_space<vmem>>, vector<16xf32>,
    %swap3A_345 = arith.constant 2480 : index
    %swap3A_346 = tpu.vector_load %arg17[%swap3A_345] {strides = array<i32>} : memref<4096xf32, #tpu.memory_space<vmem>>, vector<16xf32>,
    tpu.vector_store %arg17[%swap3A_345], %broadcast_in_dim3A_35 {strides = array<i32>} : memref<4096xf32, #tpu.memory_space<vmem>>, vector<16xf32>,
    %swap3A_347 = arith.constant 2496 : index
    %swap3A_348 = tpu.vector_load %arg17[%swap3A_347] {strides = array<i32>} : memref<4096xf32, #tpu.memory_space<vmem>>, vector<16xf32>,
    tpu.vector_store %arg17[%swap3A_347], %broadcast_in_dim3A_35 {strides = array<i32>} : memref<4096xf32, #tpu.memory_space<vmem>>, vector<16xf32>,
    %swap3A_349 = arith.constant 2512 : index
    %swap3A_350 = tpu.vector_load %arg17[%swap3A_349] {strides = array<i32>} : memref<4096xf32, #tpu.memory_space<vmem>>, vector<16xf32>,
    tpu.vector_store %arg17[%swap3A_349], %broadcast_in_dim3A_35 {strides = array<i32>} : memref<4096xf32, #tpu.memory_space<vmem>>, vector<16xf32>,
    %swap3A_351 = arith.constant 2528 : index
    %swap3A_352 = tpu.vector_load %arg17[%swap3A_351] {strides = array<i32>} : memref<4096xf32, #tpu.memory_space<vmem>>, vector<16xf32>,
    tpu.vector_store %arg17[%swap3A_351], %broadcast_in_dim3A_35 {strides = array<i32>} : memref<4096xf32, #tpu.memory_space<vmem>>, vector<16xf32>,
    %swap3A_353 = arith.constant 2544 : index
    %swap3A_354 = tpu.vector_load %arg17[%swap3A_353] {strides = array<i32>} : memref<4096xf32, #tpu.memory_space<vmem>>, vector<16xf32>,
    tpu.vector_store %arg17[%swap3A_353], %broadcast_in_dim3A_35 {strides = array<i32>} : memref<4096xf32, #tpu.memory_space<vmem>>, vector<16xf32>,
    %swap3A_355 = arith.constant 2560 : index
    %swap3A_356 = tpu.vector_load %arg17[%swap3A_355] {strides = array<i32>} : memref<4096xf32, #tpu.memory_space<vmem>>, vector<16xf32>,
    tpu.vector_store %arg17[%swap3A_355], %broadcast_in_dim3A_35 {strides = array<i32>} : memref<4096xf32, #tpu.memory_space<vmem>>, vector<16xf32>,
    %swap3A_357 = arith.constant 2576 : index
    %swap3A_358 = tpu.vector_load %arg17[%swap3A_357] {strides = array<i32>} : memref<4096xf32, #tpu.memory_space<vmem>>, vector<16xf32>,
    tpu.vector_store %arg17[%swap3A_357], %broadcast_in_dim3A_35 {strides = array<i32>} : memref<4096xf32, #tpu.memory_space<vmem>>, vector<16xf32>,
    %swap3A_359 = arith.constant 2592 : index
    %swap3A_360 = tpu.vector_load %arg17[%swap3A_359] {strides = array<i32>} : memref<4096xf32, #tpu.memory_space<vmem>>, vector<16xf32>,
    tpu.vector_store %arg17[%swap3A_359], %broadcast_in_dim3A_35 {strides = array<i32>} : memref<4096xf32, #tpu.memory_space<vmem>>, vector<16xf32>,
    %swap3A_361 = arith.constant 2608 : index
    %swap3A_362 = tpu.vector_load %arg17[%swap3A_361] {strides = array<i32>} : memref<4096xf32, #tpu.memory_space<vmem>>, vector<16xf32>,
    tpu.vector_store %arg17[%swap3A_361], %broadcast_in_dim3A_35 {strides = array<i32>} : memref<4096xf32, #tpu.memory_space<vmem>>, vector<16xf32>,
    %swap3A_363 = arith.constant 2624 : index
    %swap3A_364 = tpu.vector_load %arg17[%swap3A_363] {strides = array<i32>} : memref<4096xf32, #tpu.memory_space<vmem>>, vector<16xf32>,
    tpu.vector_store %arg17[%swap3A_363], %broadcast_in_dim3A_35 {strides = array<i32>} : memref<4096xf32, #tpu.memory_space<vmem>>, vector<16xf32>,
    %swap3A_365 = arith.constant 2640 : index
    %swap3A_366 = tpu.vector_load %arg17[%swap3A_365] {strides = array<i32>} : memref<4096xf32, #tpu.memory_space<vmem>>, vector<16xf32>,
    tpu.vector_store %arg17[%swap3A_365], %broadcast_in_dim3A_35 {strides = array<i32>} : memref<4096xf32, #tpu.memory_space<vmem>>, vector<16xf32>,
    %swap3A_367 = arith.constant 2656 : index
    %swap3A_368 = tpu.vector_load %arg17[%swap3A_367] {strides = array<i32>} : memref<4096xf32, #tpu.memory_space<vmem>>, vector<16xf32>,
    tpu.vector_store %arg17[%swap3A_367], %broadcast_in_dim3A_35 {strides = array<i32>} : memref<4096xf32, #tpu.memory_space<vmem>>, vector<16xf32>,
    %swap3A_369 = arith.constant 2672 : index
    %swap3A_370 = tpu.vector_load %arg17[%swap3A_369] {strides = array<i32>} : memref<4096xf32, #tpu.memory_space<vmem>>, vector<16xf32>,
    tpu.vector_store %arg17[%swap3A_369], %broadcast_in_dim3A_35 {strides = array<i32>} : memref<4096xf32, #tpu.memory_space<vmem>>, vector<16xf32>,
    %swap3A_371 = arith.constant 2688 : index
    %swap3A_372 = tpu.vector_load %arg17[%swap3A_371] {strides = array<i32>} : memref<4096xf32, #tpu.memory_space<vmem>>, vector<16xf32>,
    tpu.vector_store %arg17[%swap3A_371], %broadcast_in_dim3A_35 {strides = array<i32>} : memref<4096xf32, #tpu.memory_space<vmem>>, vector<16xf32>,
    %swap3A_373 = arith.constant 2704 : index
    %swap3A_374 = tpu.vector_load %arg17[%swap3A_373] {strides = array<i32>} : memref<4096xf32, #tpu.memory_space<vmem>>, vector<16xf32>,
    tpu.vector_store %arg17[%swap3A_373], %broadcast_in_dim3A_35 {strides = array<i32>} : memref<4096xf32, #tpu.memory_space<vmem>>, vector<16xf32>,
    %swap3A_375 = arith.constant 2720 : index
    %swap3A_376 = tpu.vector_load %arg17[%swap3A_375] {strides = array<i32>} : memref<4096xf32, #tpu.memory_space<vmem>>, vector<16xf32>,
    tpu.vector_store %arg17[%swap3A_375], %broadcast_in_dim3A_35 {strides = array<i32>} : memref<4096xf32, #tpu.memory_space<vmem>>, vector<16xf32>,
    %swap3A_377 = arith.constant 2736 : index
    %swap3A_378 = tpu.vector_load %arg17[%swap3A_377] {strides = array<i32>} : memref<4096xf32, #tpu.memory_space<vmem>>, vector<16xf32>,
    tpu.vector_store %arg17[%swap3A_377], %broadcast_in_dim3A_35 {strides = array<i32>} : memref<4096xf32, #tpu.memory_space<vmem>>, vector<16xf32>,
    %swap3A_379 = arith.constant 2752 : index
    %swap3A_380 = tpu.vector_load %arg17[%swap3A_379] {strides = array<i32>} : memref<4096xf32, #tpu.memory_space<vmem>>, vector<16xf32>,
    tpu.vector_store %arg17[%swap3A_379], %broadcast_in_dim3A_35 {strides = array<i32>} : memref<4096xf32, #tpu.memory_space<vmem>>, vector<16xf32>,
    %swap3A_381 = arith.constant 2768 : index
    %swap3A_382 = tpu.vector_load %arg17[%swap3A_381] {strides = array<i32>} : memref<4096xf32, #tpu.memory_space<vmem>>, vector<16xf32>,
    tpu.vector_store %arg17[%swap3A_381], %broadcast_in_dim3A_35 {strides = array<i32>} : memref<4096xf32, #tpu.memory_space<vmem>>, vector<16xf32>,
    %swap3A_383 = arith.constant 2784 : index
    %swap3A_384 = tpu.vector_load %arg17[%swap3A_383] {strides = array<i32>} : memref<4096xf32, #tpu.memory_space<vmem>>, vector<16xf32>,
    tpu.vector_store %arg17[%swap3A_383], %broadcast_in_dim3A_35 {strides = array<i32>} : memref<4096xf32, #tpu.memory_space<vmem>>, vector<16xf32>,
    %swap3A_385 = arith.constant 2800 : index
    %swap3A_386 = tpu.vector_load %arg17[%swap3A_385] {strides = array<i32>} : memref<4096xf32, #tpu.memory_space<vmem>>, vector<16xf32>,
    tpu.vector_store %arg17[%swap3A_385], %broadcast_in_dim3A_35 {strides = array<i32>} : memref<4096xf32, #tpu.memory_space<vmem>>, vector<16xf32>,
    %swap3A_387 = arith.constant 2816 : index
    %swap3A_388 = tpu.vector_load %arg17[%swap3A_387] {strides = array<i32>} : memref<4096xf32, #tpu.memory_space<vmem>>, vector<16xf32>,
    tpu.vector_store %arg17[%swap3A_387], %broadcast_in_dim3A_35 {strides = array<i32>} : memref<4096xf32, #tpu.memory_space<vmem>>, vector<16xf32>,
    %swap3A_389 = arith.constant 2832 : index
    %swap3A_390 = tpu.vector_load %arg17[%swap3A_389] {strides = array<i32>} : memref<4096xf32, #tpu.memory_space<vmem>>, vector<16xf32>,
    tpu.vector_store %arg17[%swap3A_389], %broadcast_in_dim3A_35 {strides = array<i32>} : memref<4096xf32, #tpu.memory_space<vmem>>, vector<16xf32>,
    %swap3A_391 = arith.constant 2848 : index
    %swap3A_392 = tpu.vector_load %arg17[%swap3A_391] {strides = array<i32>} : memref<4096xf32, #tpu.memory_space<vmem>>, vector<16xf32>,
    tpu.vector_store %arg17[%swap3A_391], %broadcast_in_dim3A_35 {strides = array<i32>} : memref<4096xf32, #tpu.memory_space<vmem>>, vector<16xf32>,
    %swap3A_393 = arith.constant 2864 : index
    %swap3A_394 = tpu.vector_load %arg17[%swap3A_393] {strides = array<i32>} : memref<4096xf32, #tpu.memory_space<vmem>>, vector<16xf32>,
    tpu.vector_store %arg17[%swap3A_393], %broadcast_in_dim3A_35 {strides = array<i32>} : memref<4096xf32, #tpu.memory_space<vmem>>, vector<16xf32>,
    %swap3A_395 = arith.constant 2880 : index
    %swap3A_396 = tpu.vector_load %arg17[%swap3A_395] {strides = array<i32>} : memref<4096xf32, #tpu.memory_space<vmem>>, vector<16xf32>,
    tpu.vector_store %arg17[%swap3A_395], %broadcast_in_dim3A_35 {strides = array<i32>} : memref<4096xf32, #tpu.memory_space<vmem>>, vector<16xf32>,
    %swap3A_397 = arith.constant 2896 : index
    %swap3A_398 = tpu.vector_load %arg17[%swap3A_397] {strides = array<i32>} : memref<4096xf32, #tpu.memory_space<vmem>>, vector<16xf32>,
    tpu.vector_store %arg17[%swap3A_397], %broadcast_in_dim3A_35 {strides = array<i32>} : memref<4096xf32, #tpu.memory_space<vmem>>, vector<16xf32>,
    %swap3A_399 = arith.constant 2912 : index
    %swap3A_400 = tpu.vector_load %arg17[%swap3A_399] {strides = array<i32>} : memref<4096xf32, #tpu.memory_space<vmem>>, vector<16xf32>,
    tpu.vector_store %arg17[%swap3A_399], %broadcast_in_dim3A_35 {strides = array<i32>} : memref<4096xf32, #tpu.memory_space<vmem>>, vector<16xf32>,
    %swap3A_401 = arith.constant 2928 : index
    %swap3A_402 = tpu.vector_load %arg17[%swap3A_401] {strides = array<i32>} : memref<4096xf32, #tpu.memory_space<vmem>>, vector<16xf32>,
    tpu.vector_store %arg17[%swap3A_401], %broadcast_in_dim3A_35 {strides = array<i32>} : memref<4096xf32, #tpu.memory_space<vmem>>, vector<16xf32>,
    %swap3A_403 = arith.constant 2944 : index
    %swap3A_404 = tpu.vector_load %arg17[%swap3A_403] {strides = array<i32>} : memref<4096xf32, #tpu.memory_space<vmem>>, vector<16xf32>,
    tpu.vector_store %arg17[%swap3A_403], %broadcast_in_dim3A_35 {strides = array<i32>} : memref<4096xf32, #tpu.memory_space<vmem>>, vector<16xf32>,
    %swap3A_405 = arith.constant 2960 : index
    %swap3A_406 = tpu.vector_load %arg17[%swap3A_405] {strides = array<i32>} : memref<4096xf32, #tpu.memory_space<vmem>>, vector<16xf32>,
    tpu.vector_store %arg17[%swap3A_405], %broadcast_in_dim3A_35 {strides = array<i32>} : memref<4096xf32, #tpu.memory_space<vmem>>, vector<16xf32>,
    %swap3A_407 = arith.constant 2976 : index
    %swap3A_408 = tpu.vector_load %arg17[%swap3A_407] {strides = array<i32>} : memref<4096xf32, #tpu.memory_space<vmem>>, vector<16xf32>,
    tpu.vector_store %arg17[%swap3A_407], %broadcast_in_dim3A_35 {strides = array<i32>} : memref<4096xf32, #tpu.memory_space<vmem>>, vector<16xf32>,
    %swap3A_409 = arith.constant 2992 : index
    %swap3A_410 = tpu.vector_load %arg17[%swap3A_409] {strides = array<i32>} : memref<4096xf32, #tpu.memory_space<vmem>>, vector<16xf32>,
    tpu.vector_store %arg17[%swap3A_409], %broadcast_in_dim3A_35 {strides = array<i32>} : memref<4096xf32, #tpu.memory_space<vmem>>, vector<16xf32>,
    %swap3A_411 = arith.constant 3008 : index
    %swap3A_412 = tpu.vector_load %arg17[%swap3A_411] {strides = array<i32>} : memref<4096xf32, #tpu.memory_space<vmem>>, vector<16xf32>,
    tpu.vector_store %arg17[%swap3A_411], %broadcast_in_dim3A_35 {strides = array<i32>} : memref<4096xf32, #tpu.memory_space<vmem>>, vector<16xf32>,
    %swap3A_413 = arith.constant 3024 : index
    %swap3A_414 = tpu.vector_load %arg17[%swap3A_413] {strides = array<i32>} : memref<4096xf32, #tpu.memory_space<vmem>>, vector<16xf32>,
    tpu.vector_store %arg17[%swap3A_413], %broadcast_in_dim3A_35 {strides = array<i32>} : memref<4096xf32, #tpu.memory_space<vmem>>, vector<16xf32>,
    %swap3A_415 = arith.constant 3040 : index
    %swap3A_416 = tpu.vector_load %arg17[%swap3A_415] {strides = array<i32>} : memref<4096xf32, #tpu.memory_space<vmem>>, vector<16xf32>,
    tpu.vector_store %arg17[%swap3A_415], %broadcast_in_dim3A_35 {strides = array<i32>} : memref<4096xf32, #tpu.memory_space<vmem>>, vector<16xf32>,
    %swap3A_417 = arith.constant 3056 : index
    %swap3A_418 = tpu.vector_load %arg17[%swap3A_417] {strides = array<i32>} : memref<4096xf32, #tpu.memory_space<vmem>>, vector<16xf32>,
    tpu.vector_store %arg17[%swap3A_417], %broadcast_in_dim3A_35 {strides = array<i32>} : memref<4096xf32, #tpu.memory_space<vmem>>, vector<16xf32>,
    %swap3A_419 = arith.constant 3072 : index
    %swap3A_420 = tpu.vector_load %arg17[%swap3A_419] {strides = array<i32>} : memref<4096xf32, #tpu.memory_space<vmem>>, vector<16xf32>,
    tpu.vector_store %arg17[%swap3A_419], %broadcast_in_dim3A_35 {strides = array<i32>} : memref<4096xf32, #tpu.memory_space<vmem>>, vector<16xf32>,
    %swap3A_421 = arith.constant 3088 : index
    %swap3A_422 = tpu.vector_load %arg17[%swap3A_421] {strides = array<i32>} : memref<4096xf32, #tpu.memory_space<vmem>>, vector<16xf32>,
    tpu.vector_store %arg17[%swap3A_421], %broadcast_in_dim3A_35 {strides = array<i32>} : memref<4096xf32, #tpu.memory_space<vmem>>, vector<16xf32>,
    %swap3A_423 = arith.constant 3104 : index
    %swap3A_424 = tpu.vector_load %arg17[%swap3A_423] {strides = array<i32>} : memref<4096xf32, #tpu.memory_space<vmem>>, vector<16xf32>,
    tpu.vector_store %arg17[%swap3A_423], %broadcast_in_dim3A_35 {strides = array<i32>} : memref<4096xf32, #tpu.memory_space<vmem>>, vector<16xf32>,
    %swap3A_425 = arith.constant 3120 : index
    %swap3A_426 = tpu.vector_load %arg17[%swap3A_425] {strides = array<i32>} : memref<4096xf32, #tpu.memory_space<vmem>>, vector<16xf32>,
    tpu.vector_store %arg17[%swap3A_425], %broadcast_in_dim3A_35 {strides = array<i32>} : memref<4096xf32, #tpu.memory_space<vmem>>, vector<16xf32>,
    %swap3A_427 = arith.constant 3136 : index
    %swap3A_428 = tpu.vector_load %arg17[%swap3A_427] {strides = array<i32>} : memref<4096xf32, #tpu.memory_space<vmem>>, vector<16xf32>,
    tpu.vector_store %arg17[%swap3A_427], %broadcast_in_dim3A_35 {strides = array<i32>} : memref<4096xf32, #tpu.memory_space<vmem>>, vector<16xf32>,
    %swap3A_429 = arith.constant 3152 : index
    %swap3A_430 = tpu.vector_load %arg17[%swap3A_429] {strides = array<i32>} : memref<4096xf32, #tpu.memory_space<vmem>>, vector<16xf32>,
    tpu.vector_store %arg17[%swap3A_429], %broadcast_in_dim3A_35 {strides = array<i32>} : memref<4096xf32, #tpu.memory_space<vmem>>, vector<16xf32>,
    %swap3A_431 = arith.constant 3168 : index
    %swap3A_432 = tpu.vector_load %arg17[%swap3A_431] {strides = array<i32>} : memref<4096xf32, #tpu.memory_space<vmem>>, vector<16xf32>,
    tpu.vector_store %arg17[%swap3A_431], %broadcast_in_dim3A_35 {strides = array<i32>} : memref<4096xf32, #tpu.memory_space<vmem>>, vector<16xf32>,
    %swap3A_433 = arith.constant 3184 : index
    %swap3A_434 = tpu.vector_load %arg17[%swap3A_433] {strides = array<i32>} : memref<4096xf32, #tpu.memory_space<vmem>>, vector<16xf32>,
    tpu.vector_store %arg17[%swap3A_433], %broadcast_in_dim3A_35 {strides = array<i32>} : memref<4096xf32, #tpu.memory_space<vmem>>, vector<16xf32>,
    %swap3A_435 = arith.constant 3200 : index
    %swap3A_436 = tpu.vector_load %arg17[%swap3A_435] {strides = array<i32>} : memref<4096xf32, #tpu.memory_space<vmem>>, vector<16xf32>,
    tpu.vector_store %arg17[%swap3A_435], %broadcast_in_dim3A_35 {strides = array<i32>} : memref<4096xf32, #tpu.memory_space<vmem>>, vector<16xf32>,
    %swap3A_437 = arith.constant 3216 : index
    %swap3A_438 = tpu.vector_load %arg17[%swap3A_437] {strides = array<i32>} : memref<4096xf32, #tpu.memory_space<vmem>>, vector<16xf32>,
    tpu.vector_store %arg17[%swap3A_437], %broadcast_in_dim3A_35 {strides = array<i32>} : memref<4096xf32, #tpu.memory_space<vmem>>, vector<16xf32>,
    %swap3A_439 = arith.constant 3232 : index
    %swap3A_440 = tpu.vector_load %arg17[%swap3A_439] {strides = array<i32>} : memref<4096xf32, #tpu.memory_space<vmem>>, vector<16xf32>,
    tpu.vector_store %arg17[%swap3A_439], %broadcast_in_dim3A_35 {strides = array<i32>} : memref<4096xf32, #tpu.memory_space<vmem>>, vector<16xf32>,
    %swap3A_441 = arith.constant 3248 : index
    %swap3A_442 = tpu.vector_load %arg17[%swap3A_441] {strides = array<i32>} : memref<4096xf32, #tpu.memory_space<vmem>>, vector<16xf32>,
    tpu.vector_store %arg17[%swap3A_441], %broadcast_in_dim3A_35 {strides = array<i32>} : memref<4096xf32, #tpu.memory_space<vmem>>, vector<16xf32>,
    %swap3A_443 = arith.constant 3264 : index
    %swap3A_444 = tpu.vector_load %arg17[%swap3A_443] {strides = array<i32>} : memref<4096xf32, #tpu.memory_space<vmem>>, vector<16xf32>,
    tpu.vector_store %arg17[%swap3A_443], %broadcast_in_dim3A_35 {strides = array<i32>} : memref<4096xf32, #tpu.memory_space<vmem>>, vector<16xf32>,
    %swap3A_445 = arith.constant 3280 : index
    %swap3A_446 = tpu.vector_load %arg17[%swap3A_445] {strides = array<i32>} : memref<4096xf32, #tpu.memory_space<vmem>>, vector<16xf32>,
    tpu.vector_store %arg17[%swap3A_445], %broadcast_in_dim3A_35 {strides = array<i32>} : memref<4096xf32, #tpu.memory_space<vmem>>, vector<16xf32>,
    %swap3A_447 = arith.constant 3296 : index
    %swap3A_448 = tpu.vector_load %arg17[%swap3A_447] {strides = array<i32>} : memref<4096xf32, #tpu.memory_space<vmem>>, vector<16xf32>,
    tpu.vector_store %arg17[%swap3A_447], %broadcast_in_dim3A_35 {strides = array<i32>} : memref<4096xf32, #tpu.memory_space<vmem>>, vector<16xf32>,
    %swap3A_449 = arith.constant 3312 : index
    %swap3A_450 = tpu.vector_load %arg17[%swap3A_449] {strides = array<i32>} : memref<4096xf32, #tpu.memory_space<vmem>>, vector<16xf32>,
    tpu.vector_store %arg17[%swap3A_449], %broadcast_in_dim3A_35 {strides = array<i32>} : memref<4096xf32, #tpu.memory_space<vmem>>, vector<16xf32>,
    %swap3A_451 = arith.constant 3328 : index
    %swap3A_452 = tpu.vector_load %arg17[%swap3A_451] {strides = array<i32>} : memref<4096xf32, #tpu.memory_space<vmem>>, vector<16xf32>,
    tpu.vector_store %arg17[%swap3A_451], %broadcast_in_dim3A_35 {strides = array<i32>} : memref<4096xf32, #tpu.memory_space<vmem>>, vector<16xf32>,
    %swap3A_453 = arith.constant 3344 : index
    %swap3A_454 = tpu.vector_load %arg17[%swap3A_453] {strides = array<i32>} : memref<4096xf32, #tpu.memory_space<vmem>>, vector<16xf32>,
    tpu.vector_store %arg17[%swap3A_453], %broadcast_in_dim3A_35 {strides = array<i32>} : memref<4096xf32, #tpu.memory_space<vmem>>, vector<16xf32>,
    %swap3A_455 = arith.constant 3360 : index
    %swap3A_456 = tpu.vector_load %arg17[%swap3A_455] {strides = array<i32>} : memref<4096xf32, #tpu.memory_space<vmem>>, vector<16xf32>,
    tpu.vector_store %arg17[%swap3A_455], %broadcast_in_dim3A_35 {strides = array<i32>} : memref<4096xf32, #tpu.memory_space<vmem>>, vector<16xf32>,
    %swap3A_457 = arith.constant 3376 : index
    %swap3A_458 = tpu.vector_load %arg17[%swap3A_457] {strides = array<i32>} : memref<4096xf32, #tpu.memory_space<vmem>>, vector<16xf32>,
    tpu.vector_store %arg17[%swap3A_457], %broadcast_in_dim3A_35 {strides = array<i32>} : memref<4096xf32, #tpu.memory_space<vmem>>, vector<16xf32>,
    %swap3A_459 = arith.constant 3392 : index
    %swap3A_460 = tpu.vector_load %arg17[%swap3A_459] {strides = array<i32>} : memref<4096xf32, #tpu.memory_space<vmem>>, vector<16xf32>,
    tpu.vector_store %arg17[%swap3A_459], %broadcast_in_dim3A_35 {strides = array<i32>} : memref<4096xf32, #tpu.memory_space<vmem>>, vector<16xf32>,
    %swap3A_461 = arith.constant 3408 : index
    %swap3A_462 = tpu.vector_load %arg17[%swap3A_461] {strides = array<i32>} : memref<4096xf32, #tpu.memory_space<vmem>>, vector<16xf32>,
    tpu.vector_store %arg17[%swap3A_461], %broadcast_in_dim3A_35 {strides = array<i32>} : memref<4096xf32, #tpu.memory_space<vmem>>, vector<16xf32>,
    %swap3A_463 = arith.constant 3424 : index
    %swap3A_464 = tpu.vector_load %arg17[%swap3A_463] {strides = array<i32>} : memref<4096xf32, #tpu.memory_space<vmem>>, vector<16xf32>,
    tpu.vector_store %arg17[%swap3A_463], %broadcast_in_dim3A_35 {strides = array<i32>} : memref<4096xf32, #tpu.memory_space<vmem>>, vector<16xf32>,
    %swap3A_465 = arith.constant 3440 : index
    %swap3A_466 = tpu.vector_load %arg17[%swap3A_465] {strides = array<i32>} : memref<4096xf32, #tpu.memory_space<vmem>>, vector<16xf32>,
    tpu.vector_store %arg17[%swap3A_465], %broadcast_in_dim3A_35 {strides = array<i32>} : memref<4096xf32, #tpu.memory_space<vmem>>, vector<16xf32>,
    %swap3A_467 = arith.constant 3456 : index
    %swap3A_468 = tpu.vector_load %arg17[%swap3A_467] {strides = array<i32>} : memref<4096xf32, #tpu.memory_space<vmem>>, vector<16xf32>,
    tpu.vector_store %arg17[%swap3A_467], %broadcast_in_dim3A_35 {strides = array<i32>} : memref<4096xf32, #tpu.memory_space<vmem>>, vector<16xf32>,
    %swap3A_469 = arith.constant 3472 : index
    %swap3A_470 = tpu.vector_load %arg17[%swap3A_469] {strides = array<i32>} : memref<4096xf32, #tpu.memory_space<vmem>>, vector<16xf32>,
    tpu.vector_store %arg17[%swap3A_469], %broadcast_in_dim3A_35 {strides = array<i32>} : memref<4096xf32, #tpu.memory_space<vmem>>, vector<16xf32>,
    %swap3A_471 = arith.constant 3488 : index
    %swap3A_472 = tpu.vector_load %arg17[%swap3A_471] {strides = array<i32>} : memref<4096xf32, #tpu.memory_space<vmem>>, vector<16xf32>,
    tpu.vector_store %arg17[%swap3A_471], %broadcast_in_dim3A_35 {strides = array<i32>} : memref<4096xf32, #tpu.memory_space<vmem>>, vector<16xf32>,
    %swap3A_473 = arith.constant 3504 : index
    %swap3A_474 = tpu.vector_load %arg17[%swap3A_473] {strides = array<i32>} : memref<4096xf32, #tpu.memory_space<vmem>>, vector<16xf32>,
    tpu.vector_store %arg17[%swap3A_473], %broadcast_in_dim3A_35 {strides = array<i32>} : memref<4096xf32, #tpu.memory_space<vmem>>, vector<16xf32>,
    %swap3A_475 = arith.constant 3520 : index
    %swap3A_476 = tpu.vector_load %arg17[%swap3A_475] {strides = array<i32>} : memref<4096xf32, #tpu.memory_space<vmem>>, vector<16xf32>,
    tpu.vector_store %arg17[%swap3A_475], %broadcast_in_dim3A_35 {strides = array<i32>} : memref<4096xf32, #tpu.memory_space<vmem>>, vector<16xf32>,
    %swap3A_477 = arith.constant 3536 : index
    %swap3A_478 = tpu.vector_load %arg17[%swap3A_477] {strides = array<i32>} : memref<4096xf32, #tpu.memory_space<vmem>>, vector<16xf32>,
    tpu.vector_store %arg17[%swap3A_477], %broadcast_in_dim3A_35 {strides = array<i32>} : memref<4096xf32, #tpu.memory_space<vmem>>, vector<16xf32>,
    %swap3A_479 = arith.constant 3552 : index
    %swap3A_480 = tpu.vector_load %arg17[%swap3A_479] {strides = array<i32>} : memref<4096xf32, #tpu.memory_space<vmem>>, vector<16xf32>,
    tpu.vector_store %arg17[%swap3A_479], %broadcast_in_dim3A_35 {strides = array<i32>} : memref<4096xf32, #tpu.memory_space<vmem>>, vector<16xf32>,
    %swap3A_481 = arith.constant 3568 : index
    %swap3A_482 = tpu.vector_load %arg17[%swap3A_481] {strides = array<i32>} : memref<4096xf32, #tpu.memory_space<vmem>>, vector<16xf32>,
    tpu.vector_store %arg17[%swap3A_481], %broadcast_in_dim3A_35 {strides = array<i32>} : memref<4096xf32, #tpu.memory_space<vmem>>, vector<16xf32>,
    %swap3A_483 = arith.constant 3584 : index
    %swap3A_484 = tpu.vector_load %arg17[%swap3A_483] {strides = array<i32>} : memref<4096xf32, #tpu.memory_space<vmem>>, vector<16xf32>,
    tpu.vector_store %arg17[%swap3A_483], %broadcast_in_dim3A_35 {strides = array<i32>} : memref<4096xf32, #tpu.memory_space<vmem>>, vector<16xf32>,
    %swap3A_485 = arith.constant 3600 : index
    %swap3A_486 = tpu.vector_load %arg17[%swap3A_485] {strides = array<i32>} : memref<4096xf32, #tpu.memory_space<vmem>>, vector<16xf32>,
    tpu.vector_store %arg17[%swap3A_485], %broadcast_in_dim3A_35 {strides = array<i32>} : memref<4096xf32, #tpu.memory_space<vmem>>, vector<16xf32>,
    %swap3A_487 = arith.constant 3616 : index
    %swap3A_488 = tpu.vector_load %arg17[%swap3A_487] {strides = array<i32>} : memref<4096xf32, #tpu.memory_space<vmem>>, vector<16xf32>,
    tpu.vector_store %arg17[%swap3A_487], %broadcast_in_dim3A_35 {strides = array<i32>} : memref<4096xf32, #tpu.memory_space<vmem>>, vector<16xf32>,
    %swap3A_489 = arith.constant 3632 : index
    %swap3A_490 = tpu.vector_load %arg17[%swap3A_489] {strides = array<i32>} : memref<4096xf32, #tpu.memory_space<vmem>>, vector<16xf32>,
    tpu.vector_store %arg17[%swap3A_489], %broadcast_in_dim3A_35 {strides = array<i32>} : memref<4096xf32, #tpu.memory_space<vmem>>, vector<16xf32>,
    %swap3A_491 = arith.constant 3648 : index
    %swap3A_492 = tpu.vector_load %arg17[%swap3A_491] {strides = array<i32>} : memref<4096xf32, #tpu.memory_space<vmem>>, vector<16xf32>,
    tpu.vector_store %arg17[%swap3A_491], %broadcast_in_dim3A_35 {strides = array<i32>} : memref<4096xf32, #tpu.memory_space<vmem>>, vector<16xf32>,
    %swap3A_493 = arith.constant 3664 : index
    %swap3A_494 = tpu.vector_load %arg17[%swap3A_493] {strides = array<i32>} : memref<4096xf32, #tpu.memory_space<vmem>>, vector<16xf32>,
    tpu.vector_store %arg17[%swap3A_493], %broadcast_in_dim3A_35 {strides = array<i32>} : memref<4096xf32, #tpu.memory_space<vmem>>, vector<16xf32>,
    %swap3A_495 = arith.constant 3680 : index
    %swap3A_496 = tpu.vector_load %arg17[%swap3A_495] {strides = array<i32>} : memref<4096xf32, #tpu.memory_space<vmem>>, vector<16xf32>,
    tpu.vector_store %arg17[%swap3A_495], %broadcast_in_dim3A_35 {strides = array<i32>} : memref<4096xf32, #tpu.memory_space<vmem>>, vector<16xf32>,
    %swap3A_497 = arith.constant 3696 : index
    %swap3A_498 = tpu.vector_load %arg17[%swap3A_497] {strides = array<i32>} : memref<4096xf32, #tpu.memory_space<vmem>>, vector<16xf32>,
    tpu.vector_store %arg17[%swap3A_497], %broadcast_in_dim3A_35 {strides = array<i32>} : memref<4096xf32, #tpu.memory_space<vmem>>, vector<16xf32>,
    %swap3A_499 = arith.constant 3712 : index
    %swap3A_500 = tpu.vector_load %arg17[%swap3A_499] {strides = array<i32>} : memref<4096xf32, #tpu.memory_space<vmem>>, vector<16xf32>,
    tpu.vector_store %arg17[%swap3A_499], %broadcast_in_dim3A_35 {strides = array<i32>} : memref<4096xf32, #tpu.memory_space<vmem>>, vector<16xf32>,
    %swap3A_501 = arith.constant 3728 : index
    %swap3A_502 = tpu.vector_load %arg17[%swap3A_501] {strides = array<i32>} : memref<4096xf32, #tpu.memory_space<vmem>>, vector<16xf32>,
    tpu.vector_store %arg17[%swap3A_501], %broadcast_in_dim3A_35 {strides = array<i32>} : memref<4096xf32, #tpu.memory_space<vmem>>, vector<16xf32>,
    %swap3A_503 = arith.constant 3744 : index
    %swap3A_504 = tpu.vector_load %arg17[%swap3A_503] {strides = array<i32>} : memref<4096xf32, #tpu.memory_space<vmem>>, vector<16xf32>,
    tpu.vector_store %arg17[%swap3A_503], %broadcast_in_dim3A_35 {strides = array<i32>} : memref<4096xf32, #tpu.memory_space<vmem>>, vector<16xf32>,
    %swap3A_505 = arith.constant 3760 : index
    %swap3A_506 = tpu.vector_load %arg17[%swap3A_505] {strides = array<i32>} : memref<4096xf32, #tpu.memory_space<vmem>>, vector<16xf32>,
    tpu.vector_store %arg17[%swap3A_505], %broadcast_in_dim3A_35 {strides = array<i32>} : memref<4096xf32, #tpu.memory_space<vmem>>, vector<16xf32>,
    %swap3A_507 = arith.constant 3776 : index
    %swap3A_508 = tpu.vector_load %arg17[%swap3A_507] {strides = array<i32>} : memref<4096xf32, #tpu.memory_space<vmem>>, vector<16xf32>,
    tpu.vector_store %arg17[%swap3A_507], %broadcast_in_dim3A_35 {strides = array<i32>} : memref<4096xf32, #tpu.memory_space<vmem>>, vector<16xf32>,
    %swap3A_509 = arith.constant 3792 : index
    %swap3A_510 = tpu.vector_load %arg17[%swap3A_509] {strides = array<i32>} : memref<4096xf32, #tpu.memory_space<vmem>>, vector<16xf32>,
    tpu.vector_store %arg17[%swap3A_509], %broadcast_in_dim3A_35 {strides = array<i32>} : memref<4096xf32, #tpu.memory_space<vmem>>, vector<16xf32>,
    %swap3A_511 = arith.constant 3808 : index
    %swap3A_512 = tpu.vector_load %arg17[%swap3A_511] {strides = array<i32>} : memref<4096xf32, #tpu.memory_space<vmem>>, vector<16xf32>,
    tpu.vector_store %arg17[%swap3A_511], %broadcast_in_dim3A_35 {strides = array<i32>} : memref<4096xf32, #tpu.memory_space<vmem>>, vector<16xf32>,
    %swap3A_513 = arith.constant 3824 : index
    %swap3A_514 = tpu.vector_load %arg17[%swap3A_513] {strides = array<i32>} : memref<4096xf32, #tpu.memory_space<vmem>>, vector<16xf32>,
    tpu.vector_store %arg17[%swap3A_513], %broadcast_in_dim3A_35 {strides = array<i32>} : memref<4096xf32, #tpu.memory_space<vmem>>, vector<16xf32>,
    %swap3A_515 = arith.constant 3840 : index
    %swap3A_516 = tpu.vector_load %arg17[%swap3A_515] {strides = array<i32>} : memref<4096xf32, #tpu.memory_space<vmem>>, vector<16xf32>,
    tpu.vector_store %arg17[%swap3A_515], %broadcast_in_dim3A_35 {strides = array<i32>} : memref<4096xf32, #tpu.memory_space<vmem>>, vector<16xf32>,
    %swap3A_517 = arith.constant 3856 : index
    %swap3A_518 = tpu.vector_load %arg17[%swap3A_517] {strides = array<i32>} : memref<4096xf32, #tpu.memory_space<vmem>>, vector<16xf32>,
    tpu.vector_store %arg17[%swap3A_517], %broadcast_in_dim3A_35 {strides = array<i32>} : memref<4096xf32, #tpu.memory_space<vmem>>, vector<16xf32>,
    %swap3A_519 = arith.constant 3872 : index
    %swap3A_520 = tpu.vector_load %arg17[%swap3A_519] {strides = array<i32>} : memref<4096xf32, #tpu.memory_space<vmem>>, vector<16xf32>,
    tpu.vector_store %arg17[%swap3A_519], %broadcast_in_dim3A_35 {strides = array<i32>} : memref<4096xf32, #tpu.memory_space<vmem>>, vector<16xf32>,
    %swap3A_521 = arith.constant 3888 : index
    %swap3A_522 = tpu.vector_load %arg17[%swap3A_521] {strides = array<i32>} : memref<4096xf32, #tpu.memory_space<vmem>>, vector<16xf32>,
    tpu.vector_store %arg17[%swap3A_521], %broadcast_in_dim3A_35 {strides = array<i32>} : memref<4096xf32, #tpu.memory_space<vmem>>, vector<16xf32>,
    %swap3A_523 = arith.constant 3904 : index
    %swap3A_524 = tpu.vector_load %arg17[%swap3A_523] {strides = array<i32>} : memref<4096xf32, #tpu.memory_space<vmem>>, vector<16xf32>,
    tpu.vector_store %arg17[%swap3A_523], %broadcast_in_dim3A_35 {strides = array<i32>} : memref<4096xf32, #tpu.memory_space<vmem>>, vector<16xf32>,
    %swap3A_525 = arith.constant 3920 : index
    %swap3A_526 = tpu.vector_load %arg17[%swap3A_525] {strides = array<i32>} : memref<4096xf32, #tpu.memory_space<vmem>>, vector<16xf32>,
    tpu.vector_store %arg17[%swap3A_525], %broadcast_in_dim3A_35 {strides = array<i32>} : memref<4096xf32, #tpu.memory_space<vmem>>, vector<16xf32>,
    %swap3A_527 = arith.constant 3936 : index
    %swap3A_528 = tpu.vector_load %arg17[%swap3A_527] {strides = array<i32>} : memref<4096xf32, #tpu.memory_space<vmem>>, vector<16xf32>,
    tpu.vector_store %arg17[%swap3A_527], %broadcast_in_dim3A_35 {strides = array<i32>} : memref<4096xf32, #tpu.memory_space<vmem>>, vector<16xf32>,
    %swap3A_529 = arith.constant 3952 : index
    %swap3A_530 = tpu.vector_load %arg17[%swap3A_529] {strides = array<i32>} : memref<4096xf32, #tpu.memory_space<vmem>>, vector<16xf32>,
    tpu.vector_store %arg17[%swap3A_529], %broadcast_in_dim3A_35 {strides = array<i32>} : memref<4096xf32, #tpu.memory_space<vmem>>, vector<16xf32>,
    %swap3A_531 = arith.constant 3968 : index
    %swap3A_532 = tpu.vector_load %arg17[%swap3A_531] {strides = array<i32>} : memref<4096xf32, #tpu.memory_space<vmem>>, vector<16xf32>,
    tpu.vector_store %arg17[%swap3A_531], %broadcast_in_dim3A_35 {strides = array<i32>} : memref<4096xf32, #tpu.memory_space<vmem>>, vector<16xf32>,
    %swap3A_533 = arith.constant 3984 : index
    %swap3A_534 = tpu.vector_load %arg17[%swap3A_533] {strides = array<i32>} : memref<4096xf32, #tpu.memory_space<vmem>>, vector<16xf32>,
    tpu.vector_store %arg17[%swap3A_533], %broadcast_in_dim3A_35 {strides = array<i32>} : memref<4096xf32, #tpu.memory_space<vmem>>, vector<16xf32>,
    %swap3A_535 = arith.constant 4000 : index
    %swap3A_536 = tpu.vector_load %arg17[%swap3A_535] {strides = array<i32>} : memref<4096xf32, #tpu.memory_space<vmem>>, vector<16xf32>,
    tpu.vector_store %arg17[%swap3A_535], %broadcast_in_dim3A_35 {strides = array<i32>} : memref<4096xf32, #tpu.memory_space<vmem>>, vector<16xf32>,
    %swap3A_537 = arith.constant 4016 : index
    %swap3A_538 = tpu.vector_load %arg17[%swap3A_537] {strides = array<i32>} : memref<4096xf32, #tpu.memory_space<vmem>>, vector<16xf32>,
    tpu.vector_store %arg17[%swap3A_537], %broadcast_in_dim3A_35 {strides = array<i32>} : memref<4096xf32, #tpu.memory_space<vmem>>, vector<16xf32>,
    %swap3A_539 = arith.constant 4032 : index
    %swap3A_540 = tpu.vector_load %arg17[%swap3A_539] {strides = array<i32>} : memref<4096xf32, #tpu.memory_space<vmem>>, vector<16xf32>,
    tpu.vector_store %arg17[%swap3A_539], %broadcast_in_dim3A_35 {strides = array<i32>} : memref<4096xf32, #tpu.memory_space<vmem>>, vector<16xf32>,
    %swap3A_541 = arith.constant 4048 : index
    %swap3A_542 = tpu.vector_load %arg17[%swap3A_541] {strides = array<i32>} : memref<4096xf32, #tpu.memory_space<vmem>>, vector<16xf32>,
    tpu.vector_store %arg17[%swap3A_541], %broadcast_in_dim3A_35 {strides = array<i32>} : memref<4096xf32, #tpu.memory_space<vmem>>, vector<16xf32>,
    %swap3A_543 = arith.constant 4064 : index
    %swap3A_544 = tpu.vector_load %arg17[%swap3A_543] {strides = array<i32>} : memref<4096xf32, #tpu.memory_space<vmem>>, vector<16xf32>,
    tpu.vector_store %arg17[%swap3A_543], %broadcast_in_dim3A_35 {strides = array<i32>} : memref<4096xf32, #tpu.memory_space<vmem>>, vector<16xf32>,
    %swap3A_545 = arith.constant 4080 : index
    %swap3A_546 = tpu.vector_load %arg17[%swap3A_545] {strides = array<i32>} : memref<4096xf32, #tpu.memory_space<vmem>>, vector<16xf32>,
    tpu.vector_store %arg17[%swap3A_545], %broadcast_in_dim3A_35 {strides = array<i32>} : memref<4096xf32, #tpu.memory_space<vmem>>, vector<16xf32>,
    %swap3A_547 = arith.constant 0 : index
    %swap3A_548 = tpu.vector_load %arg18[%swap3A_547] {strides = array<i32>} : memref<4096xf32, #tpu.memory_space<vmem>>, vector<16xf32>,
    tpu.vector_store %arg18[%swap3A_547], %broadcast_in_dim3A_35 {strides = array<i32>} : memref<4096xf32, #tpu.memory_space<vmem>>, vector<16xf32>,
    %swap3A_549 = arith.constant 16 : index
    %swap3A_550 = tpu.vector_load %arg18[%swap3A_549] {strides = array<i32>} : memref<4096xf32, #tpu.memory_space<vmem>>, vector<16xf32>,
    tpu.vector_store %arg18[%swap3A_549], %broadcast_in_dim3A_35 {strides = array<i32>} : memref<4096xf32, #tpu.memory_space<vmem>>, vector<16xf32>,
    %swap3A_551 = arith.constant 32 : index
    %swap3A_552 = tpu.vector_load %arg18[%swap3A_551] {strides = array<i32>} : memref<4096xf32, #tpu.memory_space<vmem>>, vector<16xf32>,
    tpu.vector_store %arg18[%swap3A_551], %broadcast_in_dim3A_35 {strides = array<i32>} : memref<4096xf32, #tpu.memory_space<vmem>>, vector<16xf32>,
    %swap3A_553 = arith.constant 48 : index
    %swap3A_554 = tpu.vector_load %arg18[%swap3A_553] {strides = array<i32>} : memref<4096xf32, #tpu.memory_space<vmem>>, vector<16xf32>,
    tpu.vector_store %arg18[%swap3A_553], %broadcast_in_dim3A_35 {strides = array<i32>} : memref<4096xf32, #tpu.memory_space<vmem>>, vector<16xf32>,
    %swap3A_555 = arith.constant 64 : index
    %swap3A_556 = tpu.vector_load %arg18[%swap3A_555] {strides = array<i32>} : memref<4096xf32, #tpu.memory_space<vmem>>, vector<16xf32>,
    tpu.vector_store %arg18[%swap3A_555], %broadcast_in_dim3A_35 {strides = array<i32>} : memref<4096xf32, #tpu.memory_space<vmem>>, vector<16xf32>,
    %swap3A_557 = arith.constant 80 : index
    %swap3A_558 = tpu.vector_load %arg18[%swap3A_557] {strides = array<i32>} : memref<4096xf32, #tpu.memory_space<vmem>>, vector<16xf32>,
    tpu.vector_store %arg18[%swap3A_557], %broadcast_in_dim3A_35 {strides = array<i32>} : memref<4096xf32, #tpu.memory_space<vmem>>, vector<16xf32>,
    %swap3A_559 = arith.constant 96 : index
    %swap3A_560 = tpu.vector_load %arg18[%swap3A_559] {strides = array<i32>} : memref<4096xf32, #tpu.memory_space<vmem>>, vector<16xf32>,
    tpu.vector_store %arg18[%swap3A_559], %broadcast_in_dim3A_35 {strides = array<i32>} : memref<4096xf32, #tpu.memory_space<vmem>>, vector<16xf32>,
    %swap3A_561 = arith.constant 112 : index
    %swap3A_562 = tpu.vector_load %arg18[%swap3A_561] {strides = array<i32>} : memref<4096xf32, #tpu.memory_space<vmem>>, vector<16xf32>,
    tpu.vector_store %arg18[%swap3A_561], %broadcast_in_dim3A_35 {strides = array<i32>} : memref<4096xf32, #tpu.memory_space<vmem>>, vector<16xf32>,
    %swap3A_563 = arith.constant 128 : index
    %swap3A_564 = tpu.vector_load %arg18[%swap3A_563] {strides = array<i32>} : memref<4096xf32, #tpu.memory_space<vmem>>, vector<16xf32>,
    tpu.vector_store %arg18[%swap3A_563], %broadcast_in_dim3A_35 {strides = array<i32>} : memref<4096xf32, #tpu.memory_space<vmem>>, vector<16xf32>,
    %swap3A_565 = arith.constant 144 : index
    %swap3A_566 = tpu.vector_load %arg18[%swap3A_565] {strides = array<i32>} : memref<4096xf32, #tpu.memory_space<vmem>>, vector<16xf32>,
    tpu.vector_store %arg18[%swap3A_565], %broadcast_in_dim3A_35 {strides = array<i32>} : memref<4096xf32, #tpu.memory_space<vmem>>, vector<16xf32>,
    %swap3A_567 = arith.constant 160 : index
    %swap3A_568 = tpu.vector_load %arg18[%swap3A_567] {strides = array<i32>} : memref<4096xf32, #tpu.memory_space<vmem>>, vector<16xf32>,
    tpu.vector_store %arg18[%swap3A_567], %broadcast_in_dim3A_35 {strides = array<i32>} : memref<4096xf32, #tpu.memory_space<vmem>>, vector<16xf32>,
    %swap3A_569 = arith.constant 176 : index
    %swap3A_570 = tpu.vector_load %arg18[%swap3A_569] {strides = array<i32>} : memref<4096xf32, #tpu.memory_space<vmem>>, vector<16xf32>,
    tpu.vector_store %arg18[%swap3A_569], %broadcast_in_dim3A_35 {strides = array<i32>} : memref<4096xf32, #tpu.memory_space<vmem>>, vector<16xf32>,
    %swap3A_571 = arith.constant 192 : index
    %swap3A_572 = tpu.vector_load %arg18[%swap3A_571] {strides = array<i32>} : memref<4096xf32, #tpu.memory_space<vmem>>, vector<16xf32>,
    tpu.vector_store %arg18[%swap3A_571], %broadcast_in_dim3A_35 {strides = array<i32>} : memref<4096xf32, #tpu.memory_space<vmem>>, vector<16xf32>,
    %swap3A_573 = arith.constant 208 : index
    %swap3A_574 = tpu.vector_load %arg18[%swap3A_573] {strides = array<i32>} : memref<4096xf32, #tpu.memory_space<vmem>>, vector<16xf32>,
    tpu.vector_store %arg18[%swap3A_573], %broadcast_in_dim3A_35 {strides = array<i32>} : memref<4096xf32, #tpu.memory_space<vmem>>, vector<16xf32>,
    %swap3A_575 = arith.constant 224 : index
    %swap3A_576 = tpu.vector_load %arg18[%swap3A_575] {strides = array<i32>} : memref<4096xf32, #tpu.memory_space<vmem>>, vector<16xf32>,
    tpu.vector_store %arg18[%swap3A_575], %broadcast_in_dim3A_35 {strides = array<i32>} : memref<4096xf32, #tpu.memory_space<vmem>>, vector<16xf32>,
    %swap3A_577 = arith.constant 240 : index
    %swap3A_578 = tpu.vector_load %arg18[%swap3A_577] {strides = array<i32>} : memref<4096xf32, #tpu.memory_space<vmem>>, vector<16xf32>,
    tpu.vector_store %arg18[%swap3A_577], %broadcast_in_dim3A_35 {strides = array<i32>} : memref<4096xf32, #tpu.memory_space<vmem>>, vector<16xf32>,
    %swap3A_579 = arith.constant 256 : index
    %swap3A_580 = tpu.vector_load %arg18[%swap3A_579] {strides = array<i32>} : memref<4096xf32, #tpu.memory_space<vmem>>, vector<16xf32>,
    tpu.vector_store %arg18[%swap3A_579], %broadcast_in_dim3A_35 {strides = array<i32>} : memref<4096xf32, #tpu.memory_space<vmem>>, vector<16xf32>,
    %swap3A_581 = arith.constant 272 : index
    %swap3A_582 = tpu.vector_load %arg18[%swap3A_581] {strides = array<i32>} : memref<4096xf32, #tpu.memory_space<vmem>>, vector<16xf32>,
    tpu.vector_store %arg18[%swap3A_581], %broadcast_in_dim3A_35 {strides = array<i32>} : memref<4096xf32, #tpu.memory_space<vmem>>, vector<16xf32>,
    %swap3A_583 = arith.constant 288 : index
    %swap3A_584 = tpu.vector_load %arg18[%swap3A_583] {strides = array<i32>} : memref<4096xf32, #tpu.memory_space<vmem>>, vector<16xf32>,
    tpu.vector_store %arg18[%swap3A_583], %broadcast_in_dim3A_35 {strides = array<i32>} : memref<4096xf32, #tpu.memory_space<vmem>>, vector<16xf32>,
    %swap3A_585 = arith.constant 304 : index
    %swap3A_586 = tpu.vector_load %arg18[%swap3A_585] {strides = array<i32>} : memref<4096xf32, #tpu.memory_space<vmem>>, vector<16xf32>,
    tpu.vector_store %arg18[%swap3A_585], %broadcast_in_dim3A_35 {strides = array<i32>} : memref<4096xf32, #tpu.memory_space<vmem>>, vector<16xf32>,
    %swap3A_587 = arith.constant 320 : index
    %swap3A_588 = tpu.vector_load %arg18[%swap3A_587] {strides = array<i32>} : memref<4096xf32, #tpu.memory_space<vmem>>, vector<16xf32>,
    tpu.vector_store %arg18[%swap3A_587], %broadcast_in_dim3A_35 {strides = array<i32>} : memref<4096xf32, #tpu.memory_space<vmem>>, vector<16xf32>,
    %swap3A_589 = arith.constant 336 : index
    %swap3A_590 = tpu.vector_load %arg18[%swap3A_589] {strides = array<i32>} : memref<4096xf32, #tpu.memory_space<vmem>>, vector<16xf32>,
    tpu.vector_store %arg18[%swap3A_589], %broadcast_in_dim3A_35 {strides = array<i32>} : memref<4096xf32, #tpu.memory_space<vmem>>, vector<16xf32>,
    %swap3A_591 = arith.constant 352 : index
    %swap3A_592 = tpu.vector_load %arg18[%swap3A_591] {strides = array<i32>} : memref<4096xf32, #tpu.memory_space<vmem>>, vector<16xf32>,
    tpu.vector_store %arg18[%swap3A_591], %broadcast_in_dim3A_35 {strides = array<i32>} : memref<4096xf32, #tpu.memory_space<vmem>>, vector<16xf32>,
    %swap3A_593 = arith.constant 368 : index
    %swap3A_594 = tpu.vector_load %arg18[%swap3A_593] {strides = array<i32>} : memref<4096xf32, #tpu.memory_space<vmem>>, vector<16xf32>,
    tpu.vector_store %arg18[%swap3A_593], %broadcast_in_dim3A_35 {strides = array<i32>} : memref<4096xf32, #tpu.memory_space<vmem>>, vector<16xf32>,
    %swap3A_595 = arith.constant 384 : index
    %swap3A_596 = tpu.vector_load %arg18[%swap3A_595] {strides = array<i32>} : memref<4096xf32, #tpu.memory_space<vmem>>, vector<16xf32>,
    tpu.vector_store %arg18[%swap3A_595], %broadcast_in_dim3A_35 {strides = array<i32>} : memref<4096xf32, #tpu.memory_space<vmem>>, vector<16xf32>,
    %swap3A_597 = arith.constant 400 : index
    %swap3A_598 = tpu.vector_load %arg18[%swap3A_597] {strides = array<i32>} : memref<4096xf32, #tpu.memory_space<vmem>>, vector<16xf32>,
    tpu.vector_store %arg18[%swap3A_597], %broadcast_in_dim3A_35 {strides = array<i32>} : memref<4096xf32, #tpu.memory_space<vmem>>, vector<16xf32>,
    %swap3A_599 = arith.constant 416 : index
    %swap3A_600 = tpu.vector_load %arg18[%swap3A_599] {strides = array<i32>} : memref<4096xf32, #tpu.memory_space<vmem>>, vector<16xf32>,
    tpu.vector_store %arg18[%swap3A_599], %broadcast_in_dim3A_35 {strides = array<i32>} : memref<4096xf32, #tpu.memory_space<vmem>>, vector<16xf32>,
    %swap3A_601 = arith.constant 432 : index
    %swap3A_602 = tpu.vector_load %arg18[%swap3A_601] {strides = array<i32>} : memref<4096xf32, #tpu.memory_space<vmem>>, vector<16xf32>,
    tpu.vector_store %arg18[%swap3A_601], %broadcast_in_dim3A_35 {strides = array<i32>} : memref<4096xf32, #tpu.memory_space<vmem>>, vector<16xf32>,
    %swap3A_603 = arith.constant 448 : index
    %swap3A_604 = tpu.vector_load %arg18[%swap3A_603] {strides = array<i32>} : memref<4096xf32, #tpu.memory_space<vmem>>, vector<16xf32>,
    tpu.vector_store %arg18[%swap3A_603], %broadcast_in_dim3A_35 {strides = array<i32>} : memref<4096xf32, #tpu.memory_space<vmem>>, vector<16xf32>,
    %swap3A_605 = arith.constant 464 : index
    %swap3A_606 = tpu.vector_load %arg18[%swap3A_605] {strides = array<i32>} : memref<4096xf32, #tpu.memory_space<vmem>>, vector<16xf32>,
    tpu.vector_store %arg18[%swap3A_605], %broadcast_in_dim3A_35 {strides = array<i32>} : memref<4096xf32, #tpu.memory_space<vmem>>, vector<16xf32>,
    %swap3A_607 = arith.constant 480 : index
    %swap3A_608 = tpu.vector_load %arg18[%swap3A_607] {strides = array<i32>} : memref<4096xf32, #tpu.memory_space<vmem>>, vector<16xf32>,
    tpu.vector_store %arg18[%swap3A_607], %broadcast_in_dim3A_35 {strides = array<i32>} : memref<4096xf32, #tpu.memory_space<vmem>>, vector<16xf32>,
    %swap3A_609 = arith.constant 496 : index
    %swap3A_610 = tpu.vector_load %arg18[%swap3A_609] {strides = array<i32>} : memref<4096xf32, #tpu.memory_space<vmem>>, vector<16xf32>,
    tpu.vector_store %arg18[%swap3A_609], %broadcast_in_dim3A_35 {strides = array<i32>} : memref<4096xf32, #tpu.memory_space<vmem>>, vector<16xf32>,
    %swap3A_611 = arith.constant 512 : index
    %swap3A_612 = tpu.vector_load %arg18[%swap3A_611] {strides = array<i32>} : memref<4096xf32, #tpu.memory_space<vmem>>, vector<16xf32>,
    tpu.vector_store %arg18[%swap3A_611], %broadcast_in_dim3A_35 {strides = array<i32>} : memref<4096xf32, #tpu.memory_space<vmem>>, vector<16xf32>,
    %swap3A_613 = arith.constant 528 : index
    %swap3A_614 = tpu.vector_load %arg18[%swap3A_613] {strides = array<i32>} : memref<4096xf32, #tpu.memory_space<vmem>>, vector<16xf32>,
    tpu.vector_store %arg18[%swap3A_613], %broadcast_in_dim3A_35 {strides = array<i32>} : memref<4096xf32, #tpu.memory_space<vmem>>, vector<16xf32>,
    %swap3A_615 = arith.constant 544 : index
    %swap3A_616 = tpu.vector_load %arg18[%swap3A_615] {strides = array<i32>} : memref<4096xf32, #tpu.memory_space<vmem>>, vector<16xf32>,
    tpu.vector_store %arg18[%swap3A_615], %broadcast_in_dim3A_35 {strides = array<i32>} : memref<4096xf32, #tpu.memory_space<vmem>>, vector<16xf32>,
    %swap3A_617 = arith.constant 560 : index
    %swap3A_618 = tpu.vector_load %arg18[%swap3A_617] {strides = array<i32>} : memref<4096xf32, #tpu.memory_space<vmem>>, vector<16xf32>,
    tpu.vector_store %arg18[%swap3A_617], %broadcast_in_dim3A_35 {strides = array<i32>} : memref<4096xf32, #tpu.memory_space<vmem>>, vector<16xf32>,
    %swap3A_619 = arith.constant 576 : index
    %swap3A_620 = tpu.vector_load %arg18[%swap3A_619] {strides = array<i32>} : memref<4096xf32, #tpu.memory_space<vmem>>, vector<16xf32>,
    tpu.vector_store %arg18[%swap3A_619], %broadcast_in_dim3A_35 {strides = array<i32>} : memref<4096xf32, #tpu.memory_space<vmem>>, vector<16xf32>,
    %swap3A_621 = arith.constant 592 : index
    %swap3A_622 = tpu.vector_load %arg18[%swap3A_621] {strides = array<i32>} : memref<4096xf32, #tpu.memory_space<vmem>>, vector<16xf32>,
    tpu.vector_store %arg18[%swap3A_621], %broadcast_in_dim3A_35 {strides = array<i32>} : memref<4096xf32, #tpu.memory_space<vmem>>, vector<16xf32>,
    %swap3A_623 = arith.constant 608 : index
    %swap3A_624 = tpu.vector_load %arg18[%swap3A_623] {strides = array<i32>} : memref<4096xf32, #tpu.memory_space<vmem>>, vector<16xf32>,
    tpu.vector_store %arg18[%swap3A_623], %broadcast_in_dim3A_35 {strides = array<i32>} : memref<4096xf32, #tpu.memory_space<vmem>>, vector<16xf32>,
    %swap3A_625 = arith.constant 624 : index
    %swap3A_626 = tpu.vector_load %arg18[%swap3A_625] {strides = array<i32>} : memref<4096xf32, #tpu.memory_space<vmem>>, vector<16xf32>,
    tpu.vector_store %arg18[%swap3A_625], %broadcast_in_dim3A_35 {strides = array<i32>} : memref<4096xf32, #tpu.memory_space<vmem>>, vector<16xf32>,
    %swap3A_627 = arith.constant 640 : index
    %swap3A_628 = tpu.vector_load %arg18[%swap3A_627] {strides = array<i32>} : memref<4096xf32, #tpu.memory_space<vmem>>, vector<16xf32>,
    tpu.vector_store %arg18[%swap3A_627], %broadcast_in_dim3A_35 {strides = array<i32>} : memref<4096xf32, #tpu.memory_space<vmem>>, vector<16xf32>,
    %swap3A_629 = arith.constant 656 : index
    %swap3A_630 = tpu.vector_load %arg18[%swap3A_629] {strides = array<i32>} : memref<4096xf32, #tpu.memory_space<vmem>>, vector<16xf32>,
    tpu.vector_store %arg18[%swap3A_629], %broadcast_in_dim3A_35 {strides = array<i32>} : memref<4096xf32, #tpu.memory_space<vmem>>, vector<16xf32>,
    %swap3A_631 = arith.constant 672 : index
    %swap3A_632 = tpu.vector_load %arg18[%swap3A_631] {strides = array<i32>} : memref<4096xf32, #tpu.memory_space<vmem>>, vector<16xf32>,
    tpu.vector_store %arg18[%swap3A_631], %broadcast_in_dim3A_35 {strides = array<i32>} : memref<4096xf32, #tpu.memory_space<vmem>>, vector<16xf32>,
    %swap3A_633 = arith.constant 688 : index
    %swap3A_634 = tpu.vector_load %arg18[%swap3A_633] {strides = array<i32>} : memref<4096xf32, #tpu.memory_space<vmem>>, vector<16xf32>,
    tpu.vector_store %arg18[%swap3A_633], %broadcast_in_dim3A_35 {strides = array<i32>} : memref<4096xf32, #tpu.memory_space<vmem>>, vector<16xf32>,
    %swap3A_635 = arith.constant 704 : index
    %swap3A_636 = tpu.vector_load %arg18[%swap3A_635] {strides = array<i32>} : memref<4096xf32, #tpu.memory_space<vmem>>, vector<16xf32>,
    tpu.vector_store %arg18[%swap3A_635], %broadcast_in_dim3A_35 {strides = array<i32>} : memref<4096xf32, #tpu.memory_space<vmem>>, vector<16xf32>,
    %swap3A_637 = arith.constant 720 : index
    %swap3A_638 = tpu.vector_load %arg18[%swap3A_637] {strides = array<i32>} : memref<4096xf32, #tpu.memory_space<vmem>>, vector<16xf32>,
    tpu.vector_store %arg18[%swap3A_637], %broadcast_in_dim3A_35 {strides = array<i32>} : memref<4096xf32, #tpu.memory_space<vmem>>, vector<16xf32>,
    %swap3A_639 = arith.constant 736 : index
    %swap3A_640 = tpu.vector_load %arg18[%swap3A_639] {strides = array<i32>} : memref<4096xf32, #tpu.memory_space<vmem>>, vector<16xf32>,
    tpu.vector_store %arg18[%swap3A_639], %broadcast_in_dim3A_35 {strides = array<i32>} : memref<4096xf32, #tpu.memory_space<vmem>>, vector<16xf32>,
    %swap3A_641 = arith.constant 752 : index
    %swap3A_642 = tpu.vector_load %arg18[%swap3A_641] {strides = array<i32>} : memref<4096xf32, #tpu.memory_space<vmem>>, vector<16xf32>,
    tpu.vector_store %arg18[%swap3A_641], %broadcast_in_dim3A_35 {strides = array<i32>} : memref<4096xf32, #tpu.memory_space<vmem>>, vector<16xf32>,
    %swap3A_643 = arith.constant 768 : index
    %swap3A_644 = tpu.vector_load %arg18[%swap3A_643] {strides = array<i32>} : memref<4096xf32, #tpu.memory_space<vmem>>, vector<16xf32>,
    tpu.vector_store %arg18[%swap3A_643], %broadcast_in_dim3A_35 {strides = array<i32>} : memref<4096xf32, #tpu.memory_space<vmem>>, vector<16xf32>,
    %swap3A_645 = arith.constant 784 : index
    %swap3A_646 = tpu.vector_load %arg18[%swap3A_645] {strides = array<i32>} : memref<4096xf32, #tpu.memory_space<vmem>>, vector<16xf32>,
    tpu.vector_store %arg18[%swap3A_645], %broadcast_in_dim3A_35 {strides = array<i32>} : memref<4096xf32, #tpu.memory_space<vmem>>, vector<16xf32>,
    %swap3A_647 = arith.constant 800 : index
    %swap3A_648 = tpu.vector_load %arg18[%swap3A_647] {strides = array<i32>} : memref<4096xf32, #tpu.memory_space<vmem>>, vector<16xf32>,
    tpu.vector_store %arg18[%swap3A_647], %broadcast_in_dim3A_35 {strides = array<i32>} : memref<4096xf32, #tpu.memory_space<vmem>>, vector<16xf32>,
    %swap3A_649 = arith.constant 816 : index
    %swap3A_650 = tpu.vector_load %arg18[%swap3A_649] {strides = array<i32>} : memref<4096xf32, #tpu.memory_space<vmem>>, vector<16xf32>,
    tpu.vector_store %arg18[%swap3A_649], %broadcast_in_dim3A_35 {strides = array<i32>} : memref<4096xf32, #tpu.memory_space<vmem>>, vector<16xf32>,
    %swap3A_651 = arith.constant 832 : index
    %swap3A_652 = tpu.vector_load %arg18[%swap3A_651] {strides = array<i32>} : memref<4096xf32, #tpu.memory_space<vmem>>, vector<16xf32>,
    tpu.vector_store %arg18[%swap3A_651], %broadcast_in_dim3A_35 {strides = array<i32>} : memref<4096xf32, #tpu.memory_space<vmem>>, vector<16xf32>,
    %swap3A_653 = arith.constant 848 : index
    %swap3A_654 = tpu.vector_load %arg18[%swap3A_653] {strides = array<i32>} : memref<4096xf32, #tpu.memory_space<vmem>>, vector<16xf32>,
    tpu.vector_store %arg18[%swap3A_653], %broadcast_in_dim3A_35 {strides = array<i32>} : memref<4096xf32, #tpu.memory_space<vmem>>, vector<16xf32>,
    %swap3A_655 = arith.constant 864 : index
    %swap3A_656 = tpu.vector_load %arg18[%swap3A_655] {strides = array<i32>} : memref<4096xf32, #tpu.memory_space<vmem>>, vector<16xf32>,
    tpu.vector_store %arg18[%swap3A_655], %broadcast_in_dim3A_35 {strides = array<i32>} : memref<4096xf32, #tpu.memory_space<vmem>>, vector<16xf32>,
    %swap3A_657 = arith.constant 880 : index
    %swap3A_658 = tpu.vector_load %arg18[%swap3A_657] {strides = array<i32>} : memref<4096xf32, #tpu.memory_space<vmem>>, vector<16xf32>,
    tpu.vector_store %arg18[%swap3A_657], %broadcast_in_dim3A_35 {strides = array<i32>} : memref<4096xf32, #tpu.memory_space<vmem>>, vector<16xf32>,
    %swap3A_659 = arith.constant 896 : index
    %swap3A_660 = tpu.vector_load %arg18[%swap3A_659] {strides = array<i32>} : memref<4096xf32, #tpu.memory_space<vmem>>, vector<16xf32>,
    tpu.vector_store %arg18[%swap3A_659], %broadcast_in_dim3A_35 {strides = array<i32>} : memref<4096xf32, #tpu.memory_space<vmem>>, vector<16xf32>,
    %swap3A_661 = arith.constant 912 : index
    %swap3A_662 = tpu.vector_load %arg18[%swap3A_661] {strides = array<i32>} : memref<4096xf32, #tpu.memory_space<vmem>>, vector<16xf32>,
    tpu.vector_store %arg18[%swap3A_661], %broadcast_in_dim3A_35 {strides = array<i32>} : memref<4096xf32, #tpu.memory_space<vmem>>, vector<16xf32>,
    %swap3A_663 = arith.constant 928 : index
    %swap3A_664 = tpu.vector_load %arg18[%swap3A_663] {strides = array<i32>} : memref<4096xf32, #tpu.memory_space<vmem>>, vector<16xf32>,
    tpu.vector_store %arg18[%swap3A_663], %broadcast_in_dim3A_35 {strides = array<i32>} : memref<4096xf32, #tpu.memory_space<vmem>>, vector<16xf32>,
    %swap3A_665 = arith.constant 944 : index
    %swap3A_666 = tpu.vector_load %arg18[%swap3A_665] {strides = array<i32>} : memref<4096xf32, #tpu.memory_space<vmem>>, vector<16xf32>,
    tpu.vector_store %arg18[%swap3A_665], %broadcast_in_dim3A_35 {strides = array<i32>} : memref<4096xf32, #tpu.memory_space<vmem>>, vector<16xf32>,
    %swap3A_667 = arith.constant 960 : index
    %swap3A_668 = tpu.vector_load %arg18[%swap3A_667] {strides = array<i32>} : memref<4096xf32, #tpu.memory_space<vmem>>, vector<16xf32>,
    tpu.vector_store %arg18[%swap3A_667], %broadcast_in_dim3A_35 {strides = array<i32>} : memref<4096xf32, #tpu.memory_space<vmem>>, vector<16xf32>,
    %swap3A_669 = arith.constant 976 : index
    %swap3A_670 = tpu.vector_load %arg18[%swap3A_669] {strides = array<i32>} : memref<4096xf32, #tpu.memory_space<vmem>>, vector<16xf32>,
    tpu.vector_store %arg18[%swap3A_669], %broadcast_in_dim3A_35 {strides = array<i32>} : memref<4096xf32, #tpu.memory_space<vmem>>, vector<16xf32>,
    %swap3A_671 = arith.constant 992 : index
    %swap3A_672 = tpu.vector_load %arg18[%swap3A_671] {strides = array<i32>} : memref<4096xf32, #tpu.memory_space<vmem>>, vector<16xf32>,
    tpu.vector_store %arg18[%swap3A_671], %broadcast_in_dim3A_35 {strides = array<i32>} : memref<4096xf32, #tpu.memory_space<vmem>>, vector<16xf32>,
    %swap3A_673 = arith.constant 1008 : index
    %swap3A_674 = tpu.vector_load %arg18[%swap3A_673] {strides = array<i32>} : memref<4096xf32, #tpu.memory_space<vmem>>, vector<16xf32>,
    tpu.vector_store %arg18[%swap3A_673], %broadcast_in_dim3A_35 {strides = array<i32>} : memref<4096xf32, #tpu.memory_space<vmem>>, vector<16xf32>,
    %swap3A_675 = arith.constant 1024 : index
    %swap3A_676 = tpu.vector_load %arg18[%swap3A_675] {strides = array<i32>} : memref<4096xf32, #tpu.memory_space<vmem>>, vector<16xf32>,
    tpu.vector_store %arg18[%swap3A_675], %broadcast_in_dim3A_35 {strides = array<i32>} : memref<4096xf32, #tpu.memory_space<vmem>>, vector<16xf32>,
    %swap3A_677 = arith.constant 1040 : index
    %swap3A_678 = tpu.vector_load %arg18[%swap3A_677] {strides = array<i32>} : memref<4096xf32, #tpu.memory_space<vmem>>, vector<16xf32>,
    tpu.vector_store %arg18[%swap3A_677], %broadcast_in_dim3A_35 {strides = array<i32>} : memref<4096xf32, #tpu.memory_space<vmem>>, vector<16xf32>,
    %swap3A_679 = arith.constant 1056 : index
    %swap3A_680 = tpu.vector_load %arg18[%swap3A_679] {strides = array<i32>} : memref<4096xf32, #tpu.memory_space<vmem>>, vector<16xf32>,
    tpu.vector_store %arg18[%swap3A_679], %broadcast_in_dim3A_35 {strides = array<i32>} : memref<4096xf32, #tpu.memory_space<vmem>>, vector<16xf32>,
    %swap3A_681 = arith.constant 1072 : index
    %swap3A_682 = tpu.vector_load %arg18[%swap3A_681] {strides = array<i32>} : memref<4096xf32, #tpu.memory_space<vmem>>, vector<16xf32>,
    tpu.vector_store %arg18[%swap3A_681], %broadcast_in_dim3A_35 {strides = array<i32>} : memref<4096xf32, #tpu.memory_space<vmem>>, vector<16xf32>,
    %swap3A_683 = arith.constant 1088 : index
    %swap3A_684 = tpu.vector_load %arg18[%swap3A_683] {strides = array<i32>} : memref<4096xf32, #tpu.memory_space<vmem>>, vector<16xf32>,
    tpu.vector_store %arg18[%swap3A_683], %broadcast_in_dim3A_35 {strides = array<i32>} : memref<4096xf32, #tpu.memory_space<vmem>>, vector<16xf32>,
    %swap3A_685 = arith.constant 1104 : index
    %swap3A_686 = tpu.vector_load %arg18[%swap3A_685] {strides = array<i32>} : memref<4096xf32, #tpu.memory_space<vmem>>, vector<16xf32>,
    tpu.vector_store %arg18[%swap3A_685], %broadcast_in_dim3A_35 {strides = array<i32>} : memref<4096xf32, #tpu.memory_space<vmem>>, vector<16xf32>,
    %swap3A_687 = arith.constant 1120 : index
    %swap3A_688 = tpu.vector_load %arg18[%swap3A_687] {strides = array<i32>} : memref<4096xf32, #tpu.memory_space<vmem>>, vector<16xf32>,
    tpu.vector_store %arg18[%swap3A_687], %broadcast_in_dim3A_35 {strides = array<i32>} : memref<4096xf32, #tpu.memory_space<vmem>>, vector<16xf32>,
    %swap3A_689 = arith.constant 1136 : index
    %swap3A_690 = tpu.vector_load %arg18[%swap3A_689] {strides = array<i32>} : memref<4096xf32, #tpu.memory_space<vmem>>, vector<16xf32>,
    tpu.vector_store %arg18[%swap3A_689], %broadcast_in_dim3A_35 {strides = array<i32>} : memref<4096xf32, #tpu.memory_space<vmem>>, vector<16xf32>,
    %swap3A_691 = arith.constant 1152 : index
    %swap3A_692 = tpu.vector_load %arg18[%swap3A_691] {strides = array<i32>} : memref<4096xf32, #tpu.memory_space<vmem>>, vector<16xf32>,
    tpu.vector_store %arg18[%swap3A_691], %broadcast_in_dim3A_35 {strides = array<i32>} : memref<4096xf32, #tpu.memory_space<vmem>>, vector<16xf32>,
    %swap3A_693 = arith.constant 1168 : index
    %swap3A_694 = tpu.vector_load %arg18[%swap3A_693] {strides = array<i32>} : memref<4096xf32, #tpu.memory_space<vmem>>, vector<16xf32>,
    tpu.vector_store %arg18[%swap3A_693], %broadcast_in_dim3A_35 {strides = array<i32>} : memref<4096xf32, #tpu.memory_space<vmem>>, vector<16xf32>,
    %swap3A_695 = arith.constant 1184 : index
    %swap3A_696 = tpu.vector_load %arg18[%swap3A_695] {strides = array<i32>} : memref<4096xf32, #tpu.memory_space<vmem>>, vector<16xf32>,
    tpu.vector_store %arg18[%swap3A_695], %broadcast_in_dim3A_35 {strides = array<i32>} : memref<4096xf32, #tpu.memory_space<vmem>>, vector<16xf32>,
    %swap3A_697 = arith.constant 1200 : index
    %swap3A_698 = tpu.vector_load %arg18[%swap3A_697] {strides = array<i32>} : memref<4096xf32, #tpu.memory_space<vmem>>, vector<16xf32>,
    tpu.vector_store %arg18[%swap3A_697], %broadcast_in_dim3A_35 {strides = array<i32>} : memref<4096xf32, #tpu.memory_space<vmem>>, vector<16xf32>,
    %swap3A_699 = arith.constant 1216 : index
    %swap3A_700 = tpu.vector_load %arg18[%swap3A_699] {strides = array<i32>} : memref<4096xf32, #tpu.memory_space<vmem>>, vector<16xf32>,
    tpu.vector_store %arg18[%swap3A_699], %broadcast_in_dim3A_35 {strides = array<i32>} : memref<4096xf32, #tpu.memory_space<vmem>>, vector<16xf32>,
    %swap3A_701 = arith.constant 1232 : index
    %swap3A_702 = tpu.vector_load %arg18[%swap3A_701] {strides = array<i32>} : memref<4096xf32, #tpu.memory_space<vmem>>, vector<16xf32>,
    tpu.vector_store %arg18[%swap3A_701], %broadcast_in_dim3A_35 {strides = array<i32>} : memref<4096xf32, #tpu.memory_space<vmem>>, vector<16xf32>,
    %swap3A_703 = arith.constant 1248 : index
    %swap3A_704 = tpu.vector_load %arg18[%swap3A_703] {strides = array<i32>} : memref<4096xf32, #tpu.memory_space<vmem>>, vector<16xf32>,
    tpu.vector_store %arg18[%swap3A_703], %broadcast_in_dim3A_35 {strides = array<i32>} : memref<4096xf32, #tpu.memory_space<vmem>>, vector<16xf32>,
    %swap3A_705 = arith.constant 1264 : index
    %swap3A_706 = tpu.vector_load %arg18[%swap3A_705] {strides = array<i32>} : memref<4096xf32, #tpu.memory_space<vmem>>, vector<16xf32>,
    tpu.vector_store %arg18[%swap3A_705], %broadcast_in_dim3A_35 {strides = array<i32>} : memref<4096xf32, #tpu.memory_space<vmem>>, vector<16xf32>,
    %swap3A_707 = arith.constant 1280 : index
    %swap3A_708 = tpu.vector_load %arg18[%swap3A_707] {strides = array<i32>} : memref<4096xf32, #tpu.memory_space<vmem>>, vector<16xf32>,
    tpu.vector_store %arg18[%swap3A_707], %broadcast_in_dim3A_35 {strides = array<i32>} : memref<4096xf32, #tpu.memory_space<vmem>>, vector<16xf32>,
    %swap3A_709 = arith.constant 1296 : index
    %swap3A_710 = tpu.vector_load %arg18[%swap3A_709] {strides = array<i32>} : memref<4096xf32, #tpu.memory_space<vmem>>, vector<16xf32>,
    tpu.vector_store %arg18[%swap3A_709], %broadcast_in_dim3A_35 {strides = array<i32>} : memref<4096xf32, #tpu.memory_space<vmem>>, vector<16xf32>,
    %swap3A_711 = arith.constant 1312 : index
    %swap3A_712 = tpu.vector_load %arg18[%swap3A_711] {strides = array<i32>} : memref<4096xf32, #tpu.memory_space<vmem>>, vector<16xf32>,
    tpu.vector_store %arg18[%swap3A_711], %broadcast_in_dim3A_35 {strides = array<i32>} : memref<4096xf32, #tpu.memory_space<vmem>>, vector<16xf32>,
    %swap3A_713 = arith.constant 1328 : index
    %swap3A_714 = tpu.vector_load %arg18[%swap3A_713] {strides = array<i32>} : memref<4096xf32, #tpu.memory_space<vmem>>, vector<16xf32>,
    tpu.vector_store %arg18[%swap3A_713], %broadcast_in_dim3A_35 {strides = array<i32>} : memref<4096xf32, #tpu.memory_space<vmem>>, vector<16xf32>,
    %swap3A_715 = arith.constant 1344 : index
    %swap3A_716 = tpu.vector_load %arg18[%swap3A_715] {strides = array<i32>} : memref<4096xf32, #tpu.memory_space<vmem>>, vector<16xf32>,
    tpu.vector_store %arg18[%swap3A_715], %broadcast_in_dim3A_35 {strides = array<i32>} : memref<4096xf32, #tpu.memory_space<vmem>>, vector<16xf32>,
    %swap3A_717 = arith.constant 1360 : index
    %swap3A_718 = tpu.vector_load %arg18[%swap3A_717] {strides = array<i32>} : memref<4096xf32, #tpu.memory_space<vmem>>, vector<16xf32>,
    tpu.vector_store %arg18[%swap3A_717], %broadcast_in_dim3A_35 {strides = array<i32>} : memref<4096xf32, #tpu.memory_space<vmem>>, vector<16xf32>,
    %swap3A_719 = arith.constant 1376 : index
    %swap3A_720 = tpu.vector_load %arg18[%swap3A_719] {strides = array<i32>} : memref<4096xf32, #tpu.memory_space<vmem>>, vector<16xf32>,
    tpu.vector_store %arg18[%swap3A_719], %broadcast_in_dim3A_35 {strides = array<i32>} : memref<4096xf32, #tpu.memory_space<vmem>>, vector<16xf32>,
    %swap3A_721 = arith.constant 1392 : index
    %swap3A_722 = tpu.vector_load %arg18[%swap3A_721] {strides = array<i32>} : memref<4096xf32, #tpu.memory_space<vmem>>, vector<16xf32>,
    tpu.vector_store %arg18[%swap3A_721], %broadcast_in_dim3A_35 {strides = array<i32>} : memref<4096xf32, #tpu.memory_space<vmem>>, vector<16xf32>,
    %swap3A_723 = arith.constant 1408 : index
    %swap3A_724 = tpu.vector_load %arg18[%swap3A_723] {strides = array<i32>} : memref<4096xf32, #tpu.memory_space<vmem>>, vector<16xf32>,
    tpu.vector_store %arg18[%swap3A_723], %broadcast_in_dim3A_35 {strides = array<i32>} : memref<4096xf32, #tpu.memory_space<vmem>>, vector<16xf32>,
    %swap3A_725 = arith.constant 1424 : index
    %swap3A_726 = tpu.vector_load %arg18[%swap3A_725] {strides = array<i32>} : memref<4096xf32, #tpu.memory_space<vmem>>, vector<16xf32>,
    tpu.vector_store %arg18[%swap3A_725], %broadcast_in_dim3A_35 {strides = array<i32>} : memref<4096xf32, #tpu.memory_space<vmem>>, vector<16xf32>,
    %swap3A_727 = arith.constant 1440 : index
    %swap3A_728 = tpu.vector_load %arg18[%swap3A_727] {strides = array<i32>} : memref<4096xf32, #tpu.memory_space<vmem>>, vector<16xf32>,
    tpu.vector_store %arg18[%swap3A_727], %broadcast_in_dim3A_35 {strides = array<i32>} : memref<4096xf32, #tpu.memory_space<vmem>>, vector<16xf32>,
    %swap3A_729 = arith.constant 1456 : index
    %swap3A_730 = tpu.vector_load %arg18[%swap3A_729] {strides = array<i32>} : memref<4096xf32, #tpu.memory_space<vmem>>, vector<16xf32>,
    tpu.vector_store %arg18[%swap3A_729], %broadcast_in_dim3A_35 {strides = array<i32>} : memref<4096xf32, #tpu.memory_space<vmem>>, vector<16xf32>,
    %swap3A_731 = arith.constant 1472 : index
    %swap3A_732 = tpu.vector_load %arg18[%swap3A_731] {strides = array<i32>} : memref<4096xf32, #tpu.memory_space<vmem>>, vector<16xf32>,
    tpu.vector_store %arg18[%swap3A_731], %broadcast_in_dim3A_35 {strides = array<i32>} : memref<4096xf32, #tpu.memory_space<vmem>>, vector<16xf32>,
    %swap3A_733 = arith.constant 1488 : index
    %swap3A_734 = tpu.vector_load %arg18[%swap3A_733] {strides = array<i32>} : memref<4096xf32, #tpu.memory_space<vmem>>, vector<16xf32>,
    tpu.vector_store %arg18[%swap3A_733], %broadcast_in_dim3A_35 {strides = array<i32>} : memref<4096xf32, #tpu.memory_space<vmem>>, vector<16xf32>,
    %swap3A_735 = arith.constant 1504 : index
    %swap3A_736 = tpu.vector_load %arg18[%swap3A_735] {strides = array<i32>} : memref<4096xf32, #tpu.memory_space<vmem>>, vector<16xf32>,
    tpu.vector_store %arg18[%swap3A_735], %broadcast_in_dim3A_35 {strides = array<i32>} : memref<4096xf32, #tpu.memory_space<vmem>>, vector<16xf32>,
    %swap3A_737 = arith.constant 1520 : index
    %swap3A_738 = tpu.vector_load %arg18[%swap3A_737] {strides = array<i32>} : memref<4096xf32, #tpu.memory_space<vmem>>, vector<16xf32>,
    tpu.vector_store %arg18[%swap3A_737], %broadcast_in_dim3A_35 {strides = array<i32>} : memref<4096xf32, #tpu.memory_space<vmem>>, vector<16xf32>,
    %swap3A_739 = arith.constant 1536 : index
    %swap3A_740 = tpu.vector_load %arg18[%swap3A_739] {strides = array<i32>} : memref<4096xf32, #tpu.memory_space<vmem>>, vector<16xf32>,
    tpu.vector_store %arg18[%swap3A_739], %broadcast_in_dim3A_35 {strides = array<i32>} : memref<4096xf32, #tpu.memory_space<vmem>>, vector<16xf32>,
    %swap3A_741 = arith.constant 1552 : index
    %swap3A_742 = tpu.vector_load %arg18[%swap3A_741] {strides = array<i32>} : memref<4096xf32, #tpu.memory_space<vmem>>, vector<16xf32>,
    tpu.vector_store %arg18[%swap3A_741], %broadcast_in_dim3A_35 {strides = array<i32>} : memref<4096xf32, #tpu.memory_space<vmem>>, vector<16xf32>,
    %swap3A_743 = arith.constant 1568 : index
    %swap3A_744 = tpu.vector_load %arg18[%swap3A_743] {strides = array<i32>} : memref<4096xf32, #tpu.memory_space<vmem>>, vector<16xf32>,
    tpu.vector_store %arg18[%swap3A_743], %broadcast_in_dim3A_35 {strides = array<i32>} : memref<4096xf32, #tpu.memory_space<vmem>>, vector<16xf32>,
    %swap3A_745 = arith.constant 1584 : index
    %swap3A_746 = tpu.vector_load %arg18[%swap3A_745] {strides = array<i32>} : memref<4096xf32, #tpu.memory_space<vmem>>, vector<16xf32>,
    tpu.vector_store %arg18[%swap3A_745], %broadcast_in_dim3A_35 {strides = array<i32>} : memref<4096xf32, #tpu.memory_space<vmem>>, vector<16xf32>,
    %swap3A_747 = arith.constant 1600 : index
    %swap3A_748 = tpu.vector_load %arg18[%swap3A_747] {strides = array<i32>} : memref<4096xf32, #tpu.memory_space<vmem>>, vector<16xf32>,
    tpu.vector_store %arg18[%swap3A_747], %broadcast_in_dim3A_35 {strides = array<i32>} : memref<4096xf32, #tpu.memory_space<vmem>>, vector<16xf32>,
    %swap3A_749 = arith.constant 1616 : index
    %swap3A_750 = tpu.vector_load %arg18[%swap3A_749] {strides = array<i32>} : memref<4096xf32, #tpu.memory_space<vmem>>, vector<16xf32>,
    tpu.vector_store %arg18[%swap3A_749], %broadcast_in_dim3A_35 {strides = array<i32>} : memref<4096xf32, #tpu.memory_space<vmem>>, vector<16xf32>,
    %swap3A_751 = arith.constant 1632 : index
    %swap3A_752 = tpu.vector_load %arg18[%swap3A_751] {strides = array<i32>} : memref<4096xf32, #tpu.memory_space<vmem>>, vector<16xf32>,
    tpu.vector_store %arg18[%swap3A_751], %broadcast_in_dim3A_35 {strides = array<i32>} : memref<4096xf32, #tpu.memory_space<vmem>>, vector<16xf32>,
    %swap3A_753 = arith.constant 1648 : index
    %swap3A_754 = tpu.vector_load %arg18[%swap3A_753] {strides = array<i32>} : memref<4096xf32, #tpu.memory_space<vmem>>, vector<16xf32>,
    tpu.vector_store %arg18[%swap3A_753], %broadcast_in_dim3A_35 {strides = array<i32>} : memref<4096xf32, #tpu.memory_space<vmem>>, vector<16xf32>,
    %swap3A_755 = arith.constant 1664 : index
    %swap3A_756 = tpu.vector_load %arg18[%swap3A_755] {strides = array<i32>} : memref<4096xf32, #tpu.memory_space<vmem>>, vector<16xf32>,
    tpu.vector_store %arg18[%swap3A_755], %broadcast_in_dim3A_35 {strides = array<i32>} : memref<4096xf32, #tpu.memory_space<vmem>>, vector<16xf32>,
    %swap3A_757 = arith.constant 1680 : index
    %swap3A_758 = tpu.vector_load %arg18[%swap3A_757] {strides = array<i32>} : memref<4096xf32, #tpu.memory_space<vmem>>, vector<16xf32>,
    tpu.vector_store %arg18[%swap3A_757], %broadcast_in_dim3A_35 {strides = array<i32>} : memref<4096xf32, #tpu.memory_space<vmem>>, vector<16xf32>,
    %swap3A_759 = arith.constant 1696 : index
    %swap3A_760 = tpu.vector_load %arg18[%swap3A_759] {strides = array<i32>} : memref<4096xf32, #tpu.memory_space<vmem>>, vector<16xf32>,
    tpu.vector_store %arg18[%swap3A_759], %broadcast_in_dim3A_35 {strides = array<i32>} : memref<4096xf32, #tpu.memory_space<vmem>>, vector<16xf32>,
    %swap3A_761 = arith.constant 1712 : index
    %swap3A_762 = tpu.vector_load %arg18[%swap3A_761] {strides = array<i32>} : memref<4096xf32, #tpu.memory_space<vmem>>, vector<16xf32>,
    tpu.vector_store %arg18[%swap3A_761], %broadcast_in_dim3A_35 {strides = array<i32>} : memref<4096xf32, #tpu.memory_space<vmem>>, vector<16xf32>,
    %swap3A_763 = arith.constant 1728 : index
    %swap3A_764 = tpu.vector_load %arg18[%swap3A_763] {strides = array<i32>} : memref<4096xf32, #tpu.memory_space<vmem>>, vector<16xf32>,
    tpu.vector_store %arg18[%swap3A_763], %broadcast_in_dim3A_35 {strides = array<i32>} : memref<4096xf32, #tpu.memory_space<vmem>>, vector<16xf32>,
    %swap3A_765 = arith.constant 1744 : index
    %swap3A_766 = tpu.vector_load %arg18[%swap3A_765] {strides = array<i32>} : memref<4096xf32, #tpu.memory_space<vmem>>, vector<16xf32>,
    tpu.vector_store %arg18[%swap3A_765], %broadcast_in_dim3A_35 {strides = array<i32>} : memref<4096xf32, #tpu.memory_space<vmem>>, vector<16xf32>,
    %swap3A_767 = arith.constant 1760 : index
    %swap3A_768 = tpu.vector_load %arg18[%swap3A_767] {strides = array<i32>} : memref<4096xf32, #tpu.memory_space<vmem>>, vector<16xf32>,
    tpu.vector_store %arg18[%swap3A_767], %broadcast_in_dim3A_35 {strides = array<i32>} : memref<4096xf32, #tpu.memory_space<vmem>>, vector<16xf32>,
    %swap3A_769 = arith.constant 1776 : index
    %swap3A_770 = tpu.vector_load %arg18[%swap3A_769] {strides = array<i32>} : memref<4096xf32, #tpu.memory_space<vmem>>, vector<16xf32>,
    tpu.vector_store %arg18[%swap3A_769], %broadcast_in_dim3A_35 {strides = array<i32>} : memref<4096xf32, #tpu.memory_space<vmem>>, vector<16xf32>,
    %swap3A_771 = arith.constant 1792 : index
    %swap3A_772 = tpu.vector_load %arg18[%swap3A_771] {strides = array<i32>} : memref<4096xf32, #tpu.memory_space<vmem>>, vector<16xf32>,
    tpu.vector_store %arg18[%swap3A_771], %broadcast_in_dim3A_35 {strides = array<i32>} : memref<4096xf32, #tpu.memory_space<vmem>>, vector<16xf32>,
    %swap3A_773 = arith.constant 1808 : index
    %swap3A_774 = tpu.vector_load %arg18[%swap3A_773] {strides = array<i32>} : memref<4096xf32, #tpu.memory_space<vmem>>, vector<16xf32>,
    tpu.vector_store %arg18[%swap3A_773], %broadcast_in_dim3A_35 {strides = array<i32>} : memref<4096xf32, #tpu.memory_space<vmem>>, vector<16xf32>,
    %swap3A_775 = arith.constant 1824 : index
    %swap3A_776 = tpu.vector_load %arg18[%swap3A_775] {strides = array<i32>} : memref<4096xf32, #tpu.memory_space<vmem>>, vector<16xf32>,
    tpu.vector_store %arg18[%swap3A_775], %broadcast_in_dim3A_35 {strides = array<i32>} : memref<4096xf32, #tpu.memory_space<vmem>>, vector<16xf32>,
    %swap3A_777 = arith.constant 1840 : index
    %swap3A_778 = tpu.vector_load %arg18[%swap3A_777] {strides = array<i32>} : memref<4096xf32, #tpu.memory_space<vmem>>, vector<16xf32>,
    tpu.vector_store %arg18[%swap3A_777], %broadcast_in_dim3A_35 {strides = array<i32>} : memref<4096xf32, #tpu.memory_space<vmem>>, vector<16xf32>,
    %swap3A_779 = arith.constant 1856 : index
    %swap3A_780 = tpu.vector_load %arg18[%swap3A_779] {strides = array<i32>} : memref<4096xf32, #tpu.memory_space<vmem>>, vector<16xf32>,
    tpu.vector_store %arg18[%swap3A_779], %broadcast_in_dim3A_35 {strides = array<i32>} : memref<4096xf32, #tpu.memory_space<vmem>>, vector<16xf32>,
    %swap3A_781 = arith.constant 1872 : index
    %swap3A_782 = tpu.vector_load %arg18[%swap3A_781] {strides = array<i32>} : memref<4096xf32, #tpu.memory_space<vmem>>, vector<16xf32>,
    tpu.vector_store %arg18[%swap3A_781], %broadcast_in_dim3A_35 {strides = array<i32>} : memref<4096xf32, #tpu.memory_space<vmem>>, vector<16xf32>,
    %swap3A_783 = arith.constant 1888 : index
    %swap3A_784 = tpu.vector_load %arg18[%swap3A_783] {strides = array<i32>} : memref<4096xf32, #tpu.memory_space<vmem>>, vector<16xf32>,
    tpu.vector_store %arg18[%swap3A_783], %broadcast_in_dim3A_35 {strides = array<i32>} : memref<4096xf32, #tpu.memory_space<vmem>>, vector<16xf32>,
    %swap3A_785 = arith.constant 1904 : index
    %swap3A_786 = tpu.vector_load %arg18[%swap3A_785] {strides = array<i32>} : memref<4096xf32, #tpu.memory_space<vmem>>, vector<16xf32>,
    tpu.vector_store %arg18[%swap3A_785], %broadcast_in_dim3A_35 {strides = array<i32>} : memref<4096xf32, #tpu.memory_space<vmem>>, vector<16xf32>,
    %swap3A_787 = arith.constant 1920 : index
    %swap3A_788 = tpu.vector_load %arg18[%swap3A_787] {strides = array<i32>} : memref<4096xf32, #tpu.memory_space<vmem>>, vector<16xf32>,
    tpu.vector_store %arg18[%swap3A_787], %broadcast_in_dim3A_35 {strides = array<i32>} : memref<4096xf32, #tpu.memory_space<vmem>>, vector<16xf32>,
    %swap3A_789 = arith.constant 1936 : index
    %swap3A_790 = tpu.vector_load %arg18[%swap3A_789] {strides = array<i32>} : memref<4096xf32, #tpu.memory_space<vmem>>, vector<16xf32>,
    tpu.vector_store %arg18[%swap3A_789], %broadcast_in_dim3A_35 {strides = array<i32>} : memref<4096xf32, #tpu.memory_space<vmem>>, vector<16xf32>,
    %swap3A_791 = arith.constant 1952 : index
    %swap3A_792 = tpu.vector_load %arg18[%swap3A_791] {strides = array<i32>} : memref<4096xf32, #tpu.memory_space<vmem>>, vector<16xf32>,
    tpu.vector_store %arg18[%swap3A_791], %broadcast_in_dim3A_35 {strides = array<i32>} : memref<4096xf32, #tpu.memory_space<vmem>>, vector<16xf32>,
    %swap3A_793 = arith.constant 1968 : index
    %swap3A_794 = tpu.vector_load %arg18[%swap3A_793] {strides = array<i32>} : memref<4096xf32, #tpu.memory_space<vmem>>, vector<16xf32>,
    tpu.vector_store %arg18[%swap3A_793], %broadcast_in_dim3A_35 {strides = array<i32>} : memref<4096xf32, #tpu.memory_space<vmem>>, vector<16xf32>,
    %swap3A_795 = arith.constant 1984 : index
    %swap3A_796 = tpu.vector_load %arg18[%swap3A_795] {strides = array<i32>} : memref<4096xf32, #tpu.memory_space<vmem>>, vector<16xf32>,
    tpu.vector_store %arg18[%swap3A_795], %broadcast_in_dim3A_35 {strides = array<i32>} : memref<4096xf32, #tpu.memory_space<vmem>>, vector<16xf32>,
    %swap3A_797 = arith.constant 2000 : index
    %swap3A_798 = tpu.vector_load %arg18[%swap3A_797] {strides = array<i32>} : memref<4096xf32, #tpu.memory_space<vmem>>, vector<16xf32>,
    tpu.vector_store %arg18[%swap3A_797], %broadcast_in_dim3A_35 {strides = array<i32>} : memref<4096xf32, #tpu.memory_space<vmem>>, vector<16xf32>,
    %swap3A_799 = arith.constant 2016 : index
    %swap3A_800 = tpu.vector_load %arg18[%swap3A_799] {strides = array<i32>} : memref<4096xf32, #tpu.memory_space<vmem>>, vector<16xf32>,
    tpu.vector_store %arg18[%swap3A_799], %broadcast_in_dim3A_35 {strides = array<i32>} : memref<4096xf32, #tpu.memory_space<vmem>>, vector<16xf32>,
    %swap3A_801 = arith.constant 2032 : index
    %swap3A_802 = tpu.vector_load %arg18[%swap3A_801] {strides = array<i32>} : memref<4096xf32, #tpu.memory_space<vmem>>, vector<16xf32>,
    tpu.vector_store %arg18[%swap3A_801], %broadcast_in_dim3A_35 {strides = array<i32>} : memref<4096xf32, #tpu.memory_space<vmem>>, vector<16xf32>,
    %swap3A_803 = arith.constant 2048 : index
    %swap3A_804 = tpu.vector_load %arg18[%swap3A_803] {strides = array<i32>} : memref<4096xf32, #tpu.memory_space<vmem>>, vector<16xf32>,
    tpu.vector_store %arg18[%swap3A_803], %broadcast_in_dim3A_35 {strides = array<i32>} : memref<4096xf32, #tpu.memory_space<vmem>>, vector<16xf32>,
    %swap3A_805 = arith.constant 2064 : index
    %swap3A_806 = tpu.vector_load %arg18[%swap3A_805] {strides = array<i32>} : memref<4096xf32, #tpu.memory_space<vmem>>, vector<16xf32>,
    tpu.vector_store %arg18[%swap3A_805], %broadcast_in_dim3A_35 {strides = array<i32>} : memref<4096xf32, #tpu.memory_space<vmem>>, vector<16xf32>,
    %swap3A_807 = arith.constant 2080 : index
    %swap3A_808 = tpu.vector_load %arg18[%swap3A_807] {strides = array<i32>} : memref<4096xf32, #tpu.memory_space<vmem>>, vector<16xf32>,
    tpu.vector_store %arg18[%swap3A_807], %broadcast_in_dim3A_35 {strides = array<i32>} : memref<4096xf32, #tpu.memory_space<vmem>>, vector<16xf32>,
    %swap3A_809 = arith.constant 2096 : index
    %swap3A_810 = tpu.vector_load %arg18[%swap3A_809] {strides = array<i32>} : memref<4096xf32, #tpu.memory_space<vmem>>, vector<16xf32>,
    tpu.vector_store %arg18[%swap3A_809], %broadcast_in_dim3A_35 {strides = array<i32>} : memref<4096xf32, #tpu.memory_space<vmem>>, vector<16xf32>,
    %swap3A_811 = arith.constant 2112 : index
    %swap3A_812 = tpu.vector_load %arg18[%swap3A_811] {strides = array<i32>} : memref<4096xf32, #tpu.memory_space<vmem>>, vector<16xf32>,
    tpu.vector_store %arg18[%swap3A_811], %broadcast_in_dim3A_35 {strides = array<i32>} : memref<4096xf32, #tpu.memory_space<vmem>>, vector<16xf32>,
    %swap3A_813 = arith.constant 2128 : index
    %swap3A_814 = tpu.vector_load %arg18[%swap3A_813] {strides = array<i32>} : memref<4096xf32, #tpu.memory_space<vmem>>, vector<16xf32>,
    tpu.vector_store %arg18[%swap3A_813], %broadcast_in_dim3A_35 {strides = array<i32>} : memref<4096xf32, #tpu.memory_space<vmem>>, vector<16xf32>,
    %swap3A_815 = arith.constant 2144 : index
    %swap3A_816 = tpu.vector_load %arg18[%swap3A_815] {strides = array<i32>} : memref<4096xf32, #tpu.memory_space<vmem>>, vector<16xf32>,
    tpu.vector_store %arg18[%swap3A_815], %broadcast_in_dim3A_35 {strides = array<i32>} : memref<4096xf32, #tpu.memory_space<vmem>>, vector<16xf32>,
    %swap3A_817 = arith.constant 2160 : index
    %swap3A_818 = tpu.vector_load %arg18[%swap3A_817] {strides = array<i32>} : memref<4096xf32, #tpu.memory_space<vmem>>, vector<16xf32>,
    tpu.vector_store %arg18[%swap3A_817], %broadcast_in_dim3A_35 {strides = array<i32>} : memref<4096xf32, #tpu.memory_space<vmem>>, vector<16xf32>,
    %swap3A_819 = arith.constant 2176 : index
    %swap3A_820 = tpu.vector_load %arg18[%swap3A_819] {strides = array<i32>} : memref<4096xf32, #tpu.memory_space<vmem>>, vector<16xf32>,
    tpu.vector_store %arg18[%swap3A_819], %broadcast_in_dim3A_35 {strides = array<i32>} : memref<4096xf32, #tpu.memory_space<vmem>>, vector<16xf32>,
    %swap3A_821 = arith.constant 2192 : index
    %swap3A_822 = tpu.vector_load %arg18[%swap3A_821] {strides = array<i32>} : memref<4096xf32, #tpu.memory_space<vmem>>, vector<16xf32>,
    tpu.vector_store %arg18[%swap3A_821], %broadcast_in_dim3A_35 {strides = array<i32>} : memref<4096xf32, #tpu.memory_space<vmem>>, vector<16xf32>,
    %swap3A_823 = arith.constant 2208 : index
    %swap3A_824 = tpu.vector_load %arg18[%swap3A_823] {strides = array<i32>} : memref<4096xf32, #tpu.memory_space<vmem>>, vector<16xf32>,
    tpu.vector_store %arg18[%swap3A_823], %broadcast_in_dim3A_35 {strides = array<i32>} : memref<4096xf32, #tpu.memory_space<vmem>>, vector<16xf32>,
    %swap3A_825 = arith.constant 2224 : index
    %swap3A_826 = tpu.vector_load %arg18[%swap3A_825] {strides = array<i32>} : memref<4096xf32, #tpu.memory_space<vmem>>, vector<16xf32>,
    tpu.vector_store %arg18[%swap3A_825], %broadcast_in_dim3A_35 {strides = array<i32>} : memref<4096xf32, #tpu.memory_space<vmem>>, vector<16xf32>,
    %swap3A_827 = arith.constant 2240 : index
    %swap3A_828 = tpu.vector_load %arg18[%swap3A_827] {strides = array<i32>} : memref<4096xf32, #tpu.memory_space<vmem>>, vector<16xf32>,
    tpu.vector_store %arg18[%swap3A_827], %broadcast_in_dim3A_35 {strides = array<i32>} : memref<4096xf32, #tpu.memory_space<vmem>>, vector<16xf32>,
    %swap3A_829 = arith.constant 2256 : index
    %swap3A_830 = tpu.vector_load %arg18[%swap3A_829] {strides = array<i32>} : memref<4096xf32, #tpu.memory_space<vmem>>, vector<16xf32>,
    tpu.vector_store %arg18[%swap3A_829], %broadcast_in_dim3A_35 {strides = array<i32>} : memref<4096xf32, #tpu.memory_space<vmem>>, vector<16xf32>,
    %swap3A_831 = arith.constant 2272 : index
    %swap3A_832 = tpu.vector_load %arg18[%swap3A_831] {strides = array<i32>} : memref<4096xf32, #tpu.memory_space<vmem>>, vector<16xf32>,
    tpu.vector_store %arg18[%swap3A_831], %broadcast_in_dim3A_35 {strides = array<i32>} : memref<4096xf32, #tpu.memory_space<vmem>>, vector<16xf32>,
    %swap3A_833 = arith.constant 2288 : index
    %swap3A_834 = tpu.vector_load %arg18[%swap3A_833] {strides = array<i32>} : memref<4096xf32, #tpu.memory_space<vmem>>, vector<16xf32>,
    tpu.vector_store %arg18[%swap3A_833], %broadcast_in_dim3A_35 {strides = array<i32>} : memref<4096xf32, #tpu.memory_space<vmem>>, vector<16xf32>,
    %swap3A_835 = arith.constant 2304 : index
    %swap3A_836 = tpu.vector_load %arg18[%swap3A_835] {strides = array<i32>} : memref<4096xf32, #tpu.memory_space<vmem>>, vector<16xf32>,
    tpu.vector_store %arg18[%swap3A_835], %broadcast_in_dim3A_35 {strides = array<i32>} : memref<4096xf32, #tpu.memory_space<vmem>>, vector<16xf32>,
    %swap3A_837 = arith.constant 2320 : index
    %swap3A_838 = tpu.vector_load %arg18[%swap3A_837] {strides = array<i32>} : memref<4096xf32, #tpu.memory_space<vmem>>, vector<16xf32>,
    tpu.vector_store %arg18[%swap3A_837], %broadcast_in_dim3A_35 {strides = array<i32>} : memref<4096xf32, #tpu.memory_space<vmem>>, vector<16xf32>,
    %swap3A_839 = arith.constant 2336 : index
    %swap3A_840 = tpu.vector_load %arg18[%swap3A_839] {strides = array<i32>} : memref<4096xf32, #tpu.memory_space<vmem>>, vector<16xf32>,
    tpu.vector_store %arg18[%swap3A_839], %broadcast_in_dim3A_35 {strides = array<i32>} : memref<4096xf32, #tpu.memory_space<vmem>>, vector<16xf32>,
    %swap3A_841 = arith.constant 2352 : index
    %swap3A_842 = tpu.vector_load %arg18[%swap3A_841] {strides = array<i32>} : memref<4096xf32, #tpu.memory_space<vmem>>, vector<16xf32>,
    tpu.vector_store %arg18[%swap3A_841], %broadcast_in_dim3A_35 {strides = array<i32>} : memref<4096xf32, #tpu.memory_space<vmem>>, vector<16xf32>,
    %swap3A_843 = arith.constant 2368 : index
    %swap3A_844 = tpu.vector_load %arg18[%swap3A_843] {strides = array<i32>} : memref<4096xf32, #tpu.memory_space<vmem>>, vector<16xf32>,
    tpu.vector_store %arg18[%swap3A_843], %broadcast_in_dim3A_35 {strides = array<i32>} : memref<4096xf32, #tpu.memory_space<vmem>>, vector<16xf32>,
    %swap3A_845 = arith.constant 2384 : index
    %swap3A_846 = tpu.vector_load %arg18[%swap3A_845] {strides = array<i32>} : memref<4096xf32, #tpu.memory_space<vmem>>, vector<16xf32>,
    tpu.vector_store %arg18[%swap3A_845], %broadcast_in_dim3A_35 {strides = array<i32>} : memref<4096xf32, #tpu.memory_space<vmem>>, vector<16xf32>,
    %swap3A_847 = arith.constant 2400 : index
    %swap3A_848 = tpu.vector_load %arg18[%swap3A_847] {strides = array<i32>} : memref<4096xf32, #tpu.memory_space<vmem>>, vector<16xf32>,
    tpu.vector_store %arg18[%swap3A_847], %broadcast_in_dim3A_35 {strides = array<i32>} : memref<4096xf32, #tpu.memory_space<vmem>>, vector<16xf32>,
    %swap3A_849 = arith.constant 2416 : index
    %swap3A_850 = tpu.vector_load %arg18[%swap3A_849] {strides = array<i32>} : memref<4096xf32, #tpu.memory_space<vmem>>, vector<16xf32>,
    tpu.vector_store %arg18[%swap3A_849], %broadcast_in_dim3A_35 {strides = array<i32>} : memref<4096xf32, #tpu.memory_space<vmem>>, vector<16xf32>,
    %swap3A_851 = arith.constant 2432 : index
    %swap3A_852 = tpu.vector_load %arg18[%swap3A_851] {strides = array<i32>} : memref<4096xf32, #tpu.memory_space<vmem>>, vector<16xf32>,
    tpu.vector_store %arg18[%swap3A_851], %broadcast_in_dim3A_35 {strides = array<i32>} : memref<4096xf32, #tpu.memory_space<vmem>>, vector<16xf32>,
    %swap3A_853 = arith.constant 2448 : index
    %swap3A_854 = tpu.vector_load %arg18[%swap3A_853] {strides = array<i32>} : memref<4096xf32, #tpu.memory_space<vmem>>, vector<16xf32>,
    tpu.vector_store %arg18[%swap3A_853], %broadcast_in_dim3A_35 {strides = array<i32>} : memref<4096xf32, #tpu.memory_space<vmem>>, vector<16xf32>,
    %swap3A_855 = arith.constant 2464 : index
    %swap3A_856 = tpu.vector_load %arg18[%swap3A_855] {strides = array<i32>} : memref<4096xf32, #tpu.memory_space<vmem>>, vector<16xf32>,
    tpu.vector_store %arg18[%swap3A_855], %broadcast_in_dim3A_35 {strides = array<i32>} : memref<4096xf32, #tpu.memory_space<vmem>>, vector<16xf32>,
    %swap3A_857 = arith.constant 2480 : index
    %swap3A_858 = tpu.vector_load %arg18[%swap3A_857] {strides = array<i32>} : memref<4096xf32, #tpu.memory_space<vmem>>, vector<16xf32>,
    tpu.vector_store %arg18[%swap3A_857], %broadcast_in_dim3A_35 {strides = array<i32>} : memref<4096xf32, #tpu.memory_space<vmem>>, vector<16xf32>,
    %swap3A_859 = arith.constant 2496 : index
    %swap3A_860 = tpu.vector_load %arg18[%swap3A_859] {strides = array<i32>} : memref<4096xf32, #tpu.memory_space<vmem>>, vector<16xf32>,
    tpu.vector_store %arg18[%swap3A_859], %broadcast_in_dim3A_35 {strides = array<i32>} : memref<4096xf32, #tpu.memory_space<vmem>>, vector<16xf32>,
    %swap3A_861 = arith.constant 2512 : index
    %swap3A_862 = tpu.vector_load %arg18[%swap3A_861] {strides = array<i32>} : memref<4096xf32, #tpu.memory_space<vmem>>, vector<16xf32>,
    tpu.vector_store %arg18[%swap3A_861], %broadcast_in_dim3A_35 {strides = array<i32>} : memref<4096xf32, #tpu.memory_space<vmem>>, vector<16xf32>,
    %swap3A_863 = arith.constant 2528 : index
    %swap3A_864 = tpu.vector_load %arg18[%swap3A_863] {strides = array<i32>} : memref<4096xf32, #tpu.memory_space<vmem>>, vector<16xf32>,
    tpu.vector_store %arg18[%swap3A_863], %broadcast_in_dim3A_35 {strides = array<i32>} : memref<4096xf32, #tpu.memory_space<vmem>>, vector<16xf32>,
    %swap3A_865 = arith.constant 2544 : index
    %swap3A_866 = tpu.vector_load %arg18[%swap3A_865] {strides = array<i32>} : memref<4096xf32, #tpu.memory_space<vmem>>, vector<16xf32>,
    tpu.vector_store %arg18[%swap3A_865], %broadcast_in_dim3A_35 {strides = array<i32>} : memref<4096xf32, #tpu.memory_space<vmem>>, vector<16xf32>,
    %swap3A_867 = arith.constant 2560 : index
    %swap3A_868 = tpu.vector_load %arg18[%swap3A_867] {strides = array<i32>} : memref<4096xf32, #tpu.memory_space<vmem>>, vector<16xf32>,
    tpu.vector_store %arg18[%swap3A_867], %broadcast_in_dim3A_35 {strides = array<i32>} : memref<4096xf32, #tpu.memory_space<vmem>>, vector<16xf32>,
    %swap3A_869 = arith.constant 2576 : index
    %swap3A_870 = tpu.vector_load %arg18[%swap3A_869] {strides = array<i32>} : memref<4096xf32, #tpu.memory_space<vmem>>, vector<16xf32>,
    tpu.vector_store %arg18[%swap3A_869], %broadcast_in_dim3A_35 {strides = array<i32>} : memref<4096xf32, #tpu.memory_space<vmem>>, vector<16xf32>,
    %swap3A_871 = arith.constant 2592 : index
    %swap3A_872 = tpu.vector_load %arg18[%swap3A_871] {strides = array<i32>} : memref<4096xf32, #tpu.memory_space<vmem>>, vector<16xf32>,
    tpu.vector_store %arg18[%swap3A_871], %broadcast_in_dim3A_35 {strides = array<i32>} : memref<4096xf32, #tpu.memory_space<vmem>>, vector<16xf32>,
    %swap3A_873 = arith.constant 2608 : index
    %swap3A_874 = tpu.vector_load %arg18[%swap3A_873] {strides = array<i32>} : memref<4096xf32, #tpu.memory_space<vmem>>, vector<16xf32>,
    tpu.vector_store %arg18[%swap3A_873], %broadcast_in_dim3A_35 {strides = array<i32>} : memref<4096xf32, #tpu.memory_space<vmem>>, vector<16xf32>,
    %swap3A_875 = arith.constant 2624 : index
    %swap3A_876 = tpu.vector_load %arg18[%swap3A_875] {strides = array<i32>} : memref<4096xf32, #tpu.memory_space<vmem>>, vector<16xf32>,
    tpu.vector_store %arg18[%swap3A_875], %broadcast_in_dim3A_35 {strides = array<i32>} : memref<4096xf32, #tpu.memory_space<vmem>>, vector<16xf32>,
    %swap3A_877 = arith.constant 2640 : index
    %swap3A_878 = tpu.vector_load %arg18[%swap3A_877] {strides = array<i32>} : memref<4096xf32, #tpu.memory_space<vmem>>, vector<16xf32>,
    tpu.vector_store %arg18[%swap3A_877], %broadcast_in_dim3A_35 {strides = array<i32>} : memref<4096xf32, #tpu.memory_space<vmem>>, vector<16xf32>,
    %swap3A_879 = arith.constant 2656 : index
    %swap3A_880 = tpu.vector_load %arg18[%swap3A_879] {strides = array<i32>} : memref<4096xf32, #tpu.memory_space<vmem>>, vector<16xf32>,
    tpu.vector_store %arg18[%swap3A_879], %broadcast_in_dim3A_35 {strides = array<i32>} : memref<4096xf32, #tpu.memory_space<vmem>>, vector<16xf32>,
    %swap3A_881 = arith.constant 2672 : index
    %swap3A_882 = tpu.vector_load %arg18[%swap3A_881] {strides = array<i32>} : memref<4096xf32, #tpu.memory_space<vmem>>, vector<16xf32>,
    tpu.vector_store %arg18[%swap3A_881], %broadcast_in_dim3A_35 {strides = array<i32>} : memref<4096xf32, #tpu.memory_space<vmem>>, vector<16xf32>,
    %swap3A_883 = arith.constant 2688 : index
    %swap3A_884 = tpu.vector_load %arg18[%swap3A_883] {strides = array<i32>} : memref<4096xf32, #tpu.memory_space<vmem>>, vector<16xf32>,
    tpu.vector_store %arg18[%swap3A_883], %broadcast_in_dim3A_35 {strides = array<i32>} : memref<4096xf32, #tpu.memory_space<vmem>>, vector<16xf32>,
    %swap3A_885 = arith.constant 2704 : index
    %swap3A_886 = tpu.vector_load %arg18[%swap3A_885] {strides = array<i32>} : memref<4096xf32, #tpu.memory_space<vmem>>, vector<16xf32>,
    tpu.vector_store %arg18[%swap3A_885], %broadcast_in_dim3A_35 {strides = array<i32>} : memref<4096xf32, #tpu.memory_space<vmem>>, vector<16xf32>,
    %swap3A_887 = arith.constant 2720 : index
    %swap3A_888 = tpu.vector_load %arg18[%swap3A_887] {strides = array<i32>} : memref<4096xf32, #tpu.memory_space<vmem>>, vector<16xf32>,
    tpu.vector_store %arg18[%swap3A_887], %broadcast_in_dim3A_35 {strides = array<i32>} : memref<4096xf32, #tpu.memory_space<vmem>>, vector<16xf32>,
    %swap3A_889 = arith.constant 2736 : index
    %swap3A_890 = tpu.vector_load %arg18[%swap3A_889] {strides = array<i32>} : memref<4096xf32, #tpu.memory_space<vmem>>, vector<16xf32>,
    tpu.vector_store %arg18[%swap3A_889], %broadcast_in_dim3A_35 {strides = array<i32>} : memref<4096xf32, #tpu.memory_space<vmem>>, vector<16xf32>,
    %swap3A_891 = arith.constant 2752 : index
    %swap3A_892 = tpu.vector_load %arg18[%swap3A_891] {strides = array<i32>} : memref<4096xf32, #tpu.memory_space<vmem>>, vector<16xf32>,
    tpu.vector_store %arg18[%swap3A_891], %broadcast_in_dim3A_35 {strides = array<i32>} : memref<4096xf32, #tpu.memory_space<vmem>>, vector<16xf32>,
    %swap3A_893 = arith.constant 2768 : index
    %swap3A_894 = tpu.vector_load %arg18[%swap3A_893] {strides = array<i32>} : memref<4096xf32, #tpu.memory_space<vmem>>, vector<16xf32>,
    tpu.vector_store %arg18[%swap3A_893], %broadcast_in_dim3A_35 {strides = array<i32>} : memref<4096xf32, #tpu.memory_space<vmem>>, vector<16xf32>,
    %swap3A_895 = arith.constant 2784 : index
    %swap3A_896 = tpu.vector_load %arg18[%swap3A_895] {strides = array<i32>} : memref<4096xf32, #tpu.memory_space<vmem>>, vector<16xf32>,
    tpu.vector_store %arg18[%swap3A_895], %broadcast_in_dim3A_35 {strides = array<i32>} : memref<4096xf32, #tpu.memory_space<vmem>>, vector<16xf32>,
    %swap3A_897 = arith.constant 2800 : index
    %swap3A_898 = tpu.vector_load %arg18[%swap3A_897] {strides = array<i32>} : memref<4096xf32, #tpu.memory_space<vmem>>, vector<16xf32>,
    tpu.vector_store %arg18[%swap3A_897], %broadcast_in_dim3A_35 {strides = array<i32>} : memref<4096xf32, #tpu.memory_space<vmem>>, vector<16xf32>,
    %swap3A_899 = arith.constant 2816 : index
    %swap3A_900 = tpu.vector_load %arg18[%swap3A_899] {strides = array<i32>} : memref<4096xf32, #tpu.memory_space<vmem>>, vector<16xf32>,
    tpu.vector_store %arg18[%swap3A_899], %broadcast_in_dim3A_35 {strides = array<i32>} : memref<4096xf32, #tpu.memory_space<vmem>>, vector<16xf32>,
    %swap3A_901 = arith.constant 2832 : index
    %swap3A_902 = tpu.vector_load %arg18[%swap3A_901] {strides = array<i32>} : memref<4096xf32, #tpu.memory_space<vmem>>, vector<16xf32>,
    tpu.vector_store %arg18[%swap3A_901], %broadcast_in_dim3A_35 {strides = array<i32>} : memref<4096xf32, #tpu.memory_space<vmem>>, vector<16xf32>,
    %swap3A_903 = arith.constant 2848 : index
    %swap3A_904 = tpu.vector_load %arg18[%swap3A_903] {strides = array<i32>} : memref<4096xf32, #tpu.memory_space<vmem>>, vector<16xf32>,
    tpu.vector_store %arg18[%swap3A_903], %broadcast_in_dim3A_35 {strides = array<i32>} : memref<4096xf32, #tpu.memory_space<vmem>>, vector<16xf32>,
    %swap3A_905 = arith.constant 2864 : index
    %swap3A_906 = tpu.vector_load %arg18[%swap3A_905] {strides = array<i32>} : memref<4096xf32, #tpu.memory_space<vmem>>, vector<16xf32>,
    tpu.vector_store %arg18[%swap3A_905], %broadcast_in_dim3A_35 {strides = array<i32>} : memref<4096xf32, #tpu.memory_space<vmem>>, vector<16xf32>,
    %swap3A_907 = arith.constant 2880 : index
    %swap3A_908 = tpu.vector_load %arg18[%swap3A_907] {strides = array<i32>} : memref<4096xf32, #tpu.memory_space<vmem>>, vector<16xf32>,
    tpu.vector_store %arg18[%swap3A_907], %broadcast_in_dim3A_35 {strides = array<i32>} : memref<4096xf32, #tpu.memory_space<vmem>>, vector<16xf32>,
    %swap3A_909 = arith.constant 2896 : index
    %swap3A_910 = tpu.vector_load %arg18[%swap3A_909] {strides = array<i32>} : memref<4096xf32, #tpu.memory_space<vmem>>, vector<16xf32>,
    tpu.vector_store %arg18[%swap3A_909], %broadcast_in_dim3A_35 {strides = array<i32>} : memref<4096xf32, #tpu.memory_space<vmem>>, vector<16xf32>,
    %swap3A_911 = arith.constant 2912 : index
    %swap3A_912 = tpu.vector_load %arg18[%swap3A_911] {strides = array<i32>} : memref<4096xf32, #tpu.memory_space<vmem>>, vector<16xf32>,
    tpu.vector_store %arg18[%swap3A_911], %broadcast_in_dim3A_35 {strides = array<i32>} : memref<4096xf32, #tpu.memory_space<vmem>>, vector<16xf32>,
    %swap3A_913 = arith.constant 2928 : index
    %swap3A_914 = tpu.vector_load %arg18[%swap3A_913] {strides = array<i32>} : memref<4096xf32, #tpu.memory_space<vmem>>, vector<16xf32>,
    tpu.vector_store %arg18[%swap3A_913], %broadcast_in_dim3A_35 {strides = array<i32>} : memref<4096xf32, #tpu.memory_space<vmem>>, vector<16xf32>,
    %swap3A_915 = arith.constant 2944 : index
    %swap3A_916 = tpu.vector_load %arg18[%swap3A_915] {strides = array<i32>} : memref<4096xf32, #tpu.memory_space<vmem>>, vector<16xf32>,
    tpu.vector_store %arg18[%swap3A_915], %broadcast_in_dim3A_35 {strides = array<i32>} : memref<4096xf32, #tpu.memory_space<vmem>>, vector<16xf32>,
    %swap3A_917 = arith.constant 2960 : index
    %swap3A_918 = tpu.vector_load %arg18[%swap3A_917] {strides = array<i32>} : memref<4096xf32, #tpu.memory_space<vmem>>, vector<16xf32>,
    tpu.vector_store %arg18[%swap3A_917], %broadcast_in_dim3A_35 {strides = array<i32>} : memref<4096xf32, #tpu.memory_space<vmem>>, vector<16xf32>,
    %swap3A_919 = arith.constant 2976 : index
    %swap3A_920 = tpu.vector_load %arg18[%swap3A_919] {strides = array<i32>} : memref<4096xf32, #tpu.memory_space<vmem>>, vector<16xf32>,
    tpu.vector_store %arg18[%swap3A_919], %broadcast_in_dim3A_35 {strides = array<i32>} : memref<4096xf32, #tpu.memory_space<vmem>>, vector<16xf32>,
    %swap3A_921 = arith.constant 2992 : index
    %swap3A_922 = tpu.vector_load %arg18[%swap3A_921] {strides = array<i32>} : memref<4096xf32, #tpu.memory_space<vmem>>, vector<16xf32>,
    tpu.vector_store %arg18[%swap3A_921], %broadcast_in_dim3A_35 {strides = array<i32>} : memref<4096xf32, #tpu.memory_space<vmem>>, vector<16xf32>,
    %swap3A_923 = arith.constant 3008 : index
    %swap3A_924 = tpu.vector_load %arg18[%swap3A_923] {strides = array<i32>} : memref<4096xf32, #tpu.memory_space<vmem>>, vector<16xf32>,
    tpu.vector_store %arg18[%swap3A_923], %broadcast_in_dim3A_35 {strides = array<i32>} : memref<4096xf32, #tpu.memory_space<vmem>>, vector<16xf32>,
    %swap3A_925 = arith.constant 3024 : index
    %swap3A_926 = tpu.vector_load %arg18[%swap3A_925] {strides = array<i32>} : memref<4096xf32, #tpu.memory_space<vmem>>, vector<16xf32>,
    tpu.vector_store %arg18[%swap3A_925], %broadcast_in_dim3A_35 {strides = array<i32>} : memref<4096xf32, #tpu.memory_space<vmem>>, vector<16xf32>,
    %swap3A_927 = arith.constant 3040 : index
    %swap3A_928 = tpu.vector_load %arg18[%swap3A_927] {strides = array<i32>} : memref<4096xf32, #tpu.memory_space<vmem>>, vector<16xf32>,
    tpu.vector_store %arg18[%swap3A_927], %broadcast_in_dim3A_35 {strides = array<i32>} : memref<4096xf32, #tpu.memory_space<vmem>>, vector<16xf32>,
    %swap3A_929 = arith.constant 3056 : index
    %swap3A_930 = tpu.vector_load %arg18[%swap3A_929] {strides = array<i32>} : memref<4096xf32, #tpu.memory_space<vmem>>, vector<16xf32>,
    tpu.vector_store %arg18[%swap3A_929], %broadcast_in_dim3A_35 {strides = array<i32>} : memref<4096xf32, #tpu.memory_space<vmem>>, vector<16xf32>,
    %swap3A_931 = arith.constant 3072 : index
    %swap3A_932 = tpu.vector_load %arg18[%swap3A_931] {strides = array<i32>} : memref<4096xf32, #tpu.memory_space<vmem>>, vector<16xf32>,
    tpu.vector_store %arg18[%swap3A_931], %broadcast_in_dim3A_35 {strides = array<i32>} : memref<4096xf32, #tpu.memory_space<vmem>>, vector<16xf32>,
    %swap3A_933 = arith.constant 3088 : index
    %swap3A_934 = tpu.vector_load %arg18[%swap3A_933] {strides = array<i32>} : memref<4096xf32, #tpu.memory_space<vmem>>, vector<16xf32>,
    tpu.vector_store %arg18[%swap3A_933], %broadcast_in_dim3A_35 {strides = array<i32>} : memref<4096xf32, #tpu.memory_space<vmem>>, vector<16xf32>,
    %swap3A_935 = arith.constant 3104 : index
    %swap3A_936 = tpu.vector_load %arg18[%swap3A_935] {strides = array<i32>} : memref<4096xf32, #tpu.memory_space<vmem>>, vector<16xf32>,
    tpu.vector_store %arg18[%swap3A_935], %broadcast_in_dim3A_35 {strides = array<i32>} : memref<4096xf32, #tpu.memory_space<vmem>>, vector<16xf32>,
    %swap3A_937 = arith.constant 3120 : index
    %swap3A_938 = tpu.vector_load %arg18[%swap3A_937] {strides = array<i32>} : memref<4096xf32, #tpu.memory_space<vmem>>, vector<16xf32>,
    tpu.vector_store %arg18[%swap3A_937], %broadcast_in_dim3A_35 {strides = array<i32>} : memref<4096xf32, #tpu.memory_space<vmem>>, vector<16xf32>,
    %swap3A_939 = arith.constant 3136 : index
    %swap3A_940 = tpu.vector_load %arg18[%swap3A_939] {strides = array<i32>} : memref<4096xf32, #tpu.memory_space<vmem>>, vector<16xf32>,
    tpu.vector_store %arg18[%swap3A_939], %broadcast_in_dim3A_35 {strides = array<i32>} : memref<4096xf32, #tpu.memory_space<vmem>>, vector<16xf32>,
    %swap3A_941 = arith.constant 3152 : index
    %swap3A_942 = tpu.vector_load %arg18[%swap3A_941] {strides = array<i32>} : memref<4096xf32, #tpu.memory_space<vmem>>, vector<16xf32>,
    tpu.vector_store %arg18[%swap3A_941], %broadcast_in_dim3A_35 {strides = array<i32>} : memref<4096xf32, #tpu.memory_space<vmem>>, vector<16xf32>,
    %swap3A_943 = arith.constant 3168 : index
    %swap3A_944 = tpu.vector_load %arg18[%swap3A_943] {strides = array<i32>} : memref<4096xf32, #tpu.memory_space<vmem>>, vector<16xf32>,
    tpu.vector_store %arg18[%swap3A_943], %broadcast_in_dim3A_35 {strides = array<i32>} : memref<4096xf32, #tpu.memory_space<vmem>>, vector<16xf32>,
    %swap3A_945 = arith.constant 3184 : index
    %swap3A_946 = tpu.vector_load %arg18[%swap3A_945] {strides = array<i32>} : memref<4096xf32, #tpu.memory_space<vmem>>, vector<16xf32>,
    tpu.vector_store %arg18[%swap3A_945], %broadcast_in_dim3A_35 {strides = array<i32>} : memref<4096xf32, #tpu.memory_space<vmem>>, vector<16xf32>,
    %swap3A_947 = arith.constant 3200 : index
    %swap3A_948 = tpu.vector_load %arg18[%swap3A_947] {strides = array<i32>} : memref<4096xf32, #tpu.memory_space<vmem>>, vector<16xf32>,
    tpu.vector_store %arg18[%swap3A_947], %broadcast_in_dim3A_35 {strides = array<i32>} : memref<4096xf32, #tpu.memory_space<vmem>>, vector<16xf32>,
    %swap3A_949 = arith.constant 3216 : index
    %swap3A_950 = tpu.vector_load %arg18[%swap3A_949] {strides = array<i32>} : memref<4096xf32, #tpu.memory_space<vmem>>, vector<16xf32>,
    tpu.vector_store %arg18[%swap3A_949], %broadcast_in_dim3A_35 {strides = array<i32>} : memref<4096xf32, #tpu.memory_space<vmem>>, vector<16xf32>,
    %swap3A_951 = arith.constant 3232 : index
    %swap3A_952 = tpu.vector_load %arg18[%swap3A_951] {strides = array<i32>} : memref<4096xf32, #tpu.memory_space<vmem>>, vector<16xf32>,
    tpu.vector_store %arg18[%swap3A_951], %broadcast_in_dim3A_35 {strides = array<i32>} : memref<4096xf32, #tpu.memory_space<vmem>>, vector<16xf32>,
    %swap3A_953 = arith.constant 3248 : index
    %swap3A_954 = tpu.vector_load %arg18[%swap3A_953] {strides = array<i32>} : memref<4096xf32, #tpu.memory_space<vmem>>, vector<16xf32>,
    tpu.vector_store %arg18[%swap3A_953], %broadcast_in_dim3A_35 {strides = array<i32>} : memref<4096xf32, #tpu.memory_space<vmem>>, vector<16xf32>,
    %swap3A_955 = arith.constant 3264 : index
    %swap3A_956 = tpu.vector_load %arg18[%swap3A_955] {strides = array<i32>} : memref<4096xf32, #tpu.memory_space<vmem>>, vector<16xf32>,
    tpu.vector_store %arg18[%swap3A_955], %broadcast_in_dim3A_35 {strides = array<i32>} : memref<4096xf32, #tpu.memory_space<vmem>>, vector<16xf32>,
    %swap3A_957 = arith.constant 3280 : index
    %swap3A_958 = tpu.vector_load %arg18[%swap3A_957] {strides = array<i32>} : memref<4096xf32, #tpu.memory_space<vmem>>, vector<16xf32>,
    tpu.vector_store %arg18[%swap3A_957], %broadcast_in_dim3A_35 {strides = array<i32>} : memref<4096xf32, #tpu.memory_space<vmem>>, vector<16xf32>,
    %swap3A_959 = arith.constant 3296 : index
    %swap3A_960 = tpu.vector_load %arg18[%swap3A_959] {strides = array<i32>} : memref<4096xf32, #tpu.memory_space<vmem>>, vector<16xf32>,
    tpu.vector_store %arg18[%swap3A_959], %broadcast_in_dim3A_35 {strides = array<i32>} : memref<4096xf32, #tpu.memory_space<vmem>>, vector<16xf32>,
    %swap3A_961 = arith.constant 3312 : index
    %swap3A_962 = tpu.vector_load %arg18[%swap3A_961] {strides = array<i32>} : memref<4096xf32, #tpu.memory_space<vmem>>, vector<16xf32>,
    tpu.vector_store %arg18[%swap3A_961], %broadcast_in_dim3A_35 {strides = array<i32>} : memref<4096xf32, #tpu.memory_space<vmem>>, vector<16xf32>,
    %swap3A_963 = arith.constant 3328 : index
    %swap3A_964 = tpu.vector_load %arg18[%swap3A_963] {strides = array<i32>} : memref<4096xf32, #tpu.memory_space<vmem>>, vector<16xf32>,
    tpu.vector_store %arg18[%swap3A_963], %broadcast_in_dim3A_35 {strides = array<i32>} : memref<4096xf32, #tpu.memory_space<vmem>>, vector<16xf32>,
    %swap3A_965 = arith.constant 3344 : index
    %swap3A_966 = tpu.vector_load %arg18[%swap3A_965] {strides = array<i32>} : memref<4096xf32, #tpu.memory_space<vmem>>, vector<16xf32>,
    tpu.vector_store %arg18[%swap3A_965], %broadcast_in_dim3A_35 {strides = array<i32>} : memref<4096xf32, #tpu.memory_space<vmem>>, vector<16xf32>,
    %swap3A_967 = arith.constant 3360 : index
    %swap3A_968 = tpu.vector_load %arg18[%swap3A_967] {strides = array<i32>} : memref<4096xf32, #tpu.memory_space<vmem>>, vector<16xf32>,
    tpu.vector_store %arg18[%swap3A_967], %broadcast_in_dim3A_35 {strides = array<i32>} : memref<4096xf32, #tpu.memory_space<vmem>>, vector<16xf32>,
    %swap3A_969 = arith.constant 3376 : index
    %swap3A_970 = tpu.vector_load %arg18[%swap3A_969] {strides = array<i32>} : memref<4096xf32, #tpu.memory_space<vmem>>, vector<16xf32>,
    tpu.vector_store %arg18[%swap3A_969], %broadcast_in_dim3A_35 {strides = array<i32>} : memref<4096xf32, #tpu.memory_space<vmem>>, vector<16xf32>,
    %swap3A_971 = arith.constant 3392 : index
    %swap3A_972 = tpu.vector_load %arg18[%swap3A_971] {strides = array<i32>} : memref<4096xf32, #tpu.memory_space<vmem>>, vector<16xf32>,
    tpu.vector_store %arg18[%swap3A_971], %broadcast_in_dim3A_35 {strides = array<i32>} : memref<4096xf32, #tpu.memory_space<vmem>>, vector<16xf32>,
    %swap3A_973 = arith.constant 3408 : index
    %swap3A_974 = tpu.vector_load %arg18[%swap3A_973] {strides = array<i32>} : memref<4096xf32, #tpu.memory_space<vmem>>, vector<16xf32>,
    tpu.vector_store %arg18[%swap3A_973], %broadcast_in_dim3A_35 {strides = array<i32>} : memref<4096xf32, #tpu.memory_space<vmem>>, vector<16xf32>,
    %swap3A_975 = arith.constant 3424 : index
    %swap3A_976 = tpu.vector_load %arg18[%swap3A_975] {strides = array<i32>} : memref<4096xf32, #tpu.memory_space<vmem>>, vector<16xf32>,
    tpu.vector_store %arg18[%swap3A_975], %broadcast_in_dim3A_35 {strides = array<i32>} : memref<4096xf32, #tpu.memory_space<vmem>>, vector<16xf32>,
    %swap3A_977 = arith.constant 3440 : index
    %swap3A_978 = tpu.vector_load %arg18[%swap3A_977] {strides = array<i32>} : memref<4096xf32, #tpu.memory_space<vmem>>, vector<16xf32>,
    tpu.vector_store %arg18[%swap3A_977], %broadcast_in_dim3A_35 {strides = array<i32>} : memref<4096xf32, #tpu.memory_space<vmem>>, vector<16xf32>,
    %swap3A_979 = arith.constant 3456 : index
    %swap3A_980 = tpu.vector_load %arg18[%swap3A_979] {strides = array<i32>} : memref<4096xf32, #tpu.memory_space<vmem>>, vector<16xf32>,
    tpu.vector_store %arg18[%swap3A_979], %broadcast_in_dim3A_35 {strides = array<i32>} : memref<4096xf32, #tpu.memory_space<vmem>>, vector<16xf32>,
    %swap3A_981 = arith.constant 3472 : index
    %swap3A_982 = tpu.vector_load %arg18[%swap3A_981] {strides = array<i32>} : memref<4096xf32, #tpu.memory_space<vmem>>, vector<16xf32>,
    tpu.vector_store %arg18[%swap3A_981], %broadcast_in_dim3A_35 {strides = array<i32>} : memref<4096xf32, #tpu.memory_space<vmem>>, vector<16xf32>,
    %swap3A_983 = arith.constant 3488 : index
    %swap3A_984 = tpu.vector_load %arg18[%swap3A_983] {strides = array<i32>} : memref<4096xf32, #tpu.memory_space<vmem>>, vector<16xf32>,
    tpu.vector_store %arg18[%swap3A_983], %broadcast_in_dim3A_35 {strides = array<i32>} : memref<4096xf32, #tpu.memory_space<vmem>>, vector<16xf32>,
    %swap3A_985 = arith.constant 3504 : index
    %swap3A_986 = tpu.vector_load %arg18[%swap3A_985] {strides = array<i32>} : memref<4096xf32, #tpu.memory_space<vmem>>, vector<16xf32>,
    tpu.vector_store %arg18[%swap3A_985], %broadcast_in_dim3A_35 {strides = array<i32>} : memref<4096xf32, #tpu.memory_space<vmem>>, vector<16xf32>,
    %swap3A_987 = arith.constant 3520 : index
    %swap3A_988 = tpu.vector_load %arg18[%swap3A_987] {strides = array<i32>} : memref<4096xf32, #tpu.memory_space<vmem>>, vector<16xf32>,
    tpu.vector_store %arg18[%swap3A_987], %broadcast_in_dim3A_35 {strides = array<i32>} : memref<4096xf32, #tpu.memory_space<vmem>>, vector<16xf32>,
    %swap3A_989 = arith.constant 3536 : index
    %swap3A_990 = tpu.vector_load %arg18[%swap3A_989] {strides = array<i32>} : memref<4096xf32, #tpu.memory_space<vmem>>, vector<16xf32>,
    tpu.vector_store %arg18[%swap3A_989], %broadcast_in_dim3A_35 {strides = array<i32>} : memref<4096xf32, #tpu.memory_space<vmem>>, vector<16xf32>,
    %swap3A_991 = arith.constant 3552 : index
    %swap3A_992 = tpu.vector_load %arg18[%swap3A_991] {strides = array<i32>} : memref<4096xf32, #tpu.memory_space<vmem>>, vector<16xf32>,
    tpu.vector_store %arg18[%swap3A_991], %broadcast_in_dim3A_35 {strides = array<i32>} : memref<4096xf32, #tpu.memory_space<vmem>>, vector<16xf32>,
    %swap3A_993 = arith.constant 3568 : index
    %swap3A_994 = tpu.vector_load %arg18[%swap3A_993] {strides = array<i32>} : memref<4096xf32, #tpu.memory_space<vmem>>, vector<16xf32>,
    tpu.vector_store %arg18[%swap3A_993], %broadcast_in_dim3A_35 {strides = array<i32>} : memref<4096xf32, #tpu.memory_space<vmem>>, vector<16xf32>,
    %swap3A_995 = arith.constant 3584 : index
    %swap3A_996 = tpu.vector_load %arg18[%swap3A_995] {strides = array<i32>} : memref<4096xf32, #tpu.memory_space<vmem>>, vector<16xf32>,
    tpu.vector_store %arg18[%swap3A_995], %broadcast_in_dim3A_35 {strides = array<i32>} : memref<4096xf32, #tpu.memory_space<vmem>>, vector<16xf32>,
    %swap3A_997 = arith.constant 3600 : index
    %swap3A_998 = tpu.vector_load %arg18[%swap3A_997] {strides = array<i32>} : memref<4096xf32, #tpu.memory_space<vmem>>, vector<16xf32>,
    tpu.vector_store %arg18[%swap3A_997], %broadcast_in_dim3A_35 {strides = array<i32>} : memref<4096xf32, #tpu.memory_space<vmem>>, vector<16xf32>,
    %swap3A_999 = arith.constant 3616 : index
    %swap3A_1000 = tpu.vector_load %arg18[%swap3A_999] {strides = array<i32>} : memref<4096xf32, #tpu.memory_space<vmem>>, vector<16xf32>,
    tpu.vector_store %arg18[%swap3A_999], %broadcast_in_dim3A_35 {strides = array<i32>} : memref<4096xf32, #tpu.memory_space<vmem>>, vector<16xf32>,
    %swap3A_1001 = arith.constant 3632 : index
    %swap3A_1002 = tpu.vector_load %arg18[%swap3A_1001] {strides = array<i32>} : memref<4096xf32, #tpu.memory_space<vmem>>, vector<16xf32>,
    tpu.vector_store %arg18[%swap3A_1001], %broadcast_in_dim3A_35 {strides = array<i32>} : memref<4096xf32, #tpu.memory_space<vmem>>, vector<16xf32>,
    %swap3A_1003 = arith.constant 3648 : index
    %swap3A_1004 = tpu.vector_load %arg18[%swap3A_1003] {strides = array<i32>} : memref<4096xf32, #tpu.memory_space<vmem>>, vector<16xf32>,
    tpu.vector_store %arg18[%swap3A_1003], %broadcast_in_dim3A_35 {strides = array<i32>} : memref<4096xf32, #tpu.memory_space<vmem>>, vector<16xf32>,
    %swap3A_1005 = arith.constant 3664 : index
    %swap3A_1006 = tpu.vector_load %arg18[%swap3A_1005] {strides = array<i32>} : memref<4096xf32, #tpu.memory_space<vmem>>, vector<16xf32>,
    tpu.vector_store %arg18[%swap3A_1005], %broadcast_in_dim3A_35 {strides = array<i32>} : memref<4096xf32, #tpu.memory_space<vmem>>, vector<16xf32>,
    %swap3A_1007 = arith.constant 3680 : index
    %swap3A_1008 = tpu.vector_load %arg18[%swap3A_1007] {strides = array<i32>} : memref<4096xf32, #tpu.memory_space<vmem>>, vector<16xf32>,
    tpu.vector_store %arg18[%swap3A_1007], %broadcast_in_dim3A_35 {strides = array<i32>} : memref<4096xf32, #tpu.memory_space<vmem>>, vector<16xf32>,
    %swap3A_1009 = arith.constant 3696 : index
    %swap3A_1010 = tpu.vector_load %arg18[%swap3A_1009] {strides = array<i32>} : memref<4096xf32, #tpu.memory_space<vmem>>, vector<16xf32>,
    tpu.vector_store %arg18[%swap3A_1009], %broadcast_in_dim3A_35 {strides = array<i32>} : memref<4096xf32, #tpu.memory_space<vmem>>, vector<16xf32>,
    %swap3A_1011 = arith.constant 3712 : index
    %swap3A_1012 = tpu.vector_load %arg18[%swap3A_1011] {strides = array<i32>} : memref<4096xf32, #tpu.memory_space<vmem>>, vector<16xf32>,
    tpu.vector_store %arg18[%swap3A_1011], %broadcast_in_dim3A_35 {strides = array<i32>} : memref<4096xf32, #tpu.memory_space<vmem>>, vector<16xf32>,
    %swap3A_1013 = arith.constant 3728 : index
    %swap3A_1014 = tpu.vector_load %arg18[%swap3A_1013] {strides = array<i32>} : memref<4096xf32, #tpu.memory_space<vmem>>, vector<16xf32>,
    tpu.vector_store %arg18[%swap3A_1013], %broadcast_in_dim3A_35 {strides = array<i32>} : memref<4096xf32, #tpu.memory_space<vmem>>, vector<16xf32>,
    %swap3A_1015 = arith.constant 3744 : index
    %swap3A_1016 = tpu.vector_load %arg18[%swap3A_1015] {strides = array<i32>} : memref<4096xf32, #tpu.memory_space<vmem>>, vector<16xf32>,
    tpu.vector_store %arg18[%swap3A_1015], %broadcast_in_dim3A_35 {strides = array<i32>} : memref<4096xf32, #tpu.memory_space<vmem>>, vector<16xf32>,
    %swap3A_1017 = arith.constant 3760 : index
    %swap3A_1018 = tpu.vector_load %arg18[%swap3A_1017] {strides = array<i32>} : memref<4096xf32, #tpu.memory_space<vmem>>, vector<16xf32>,
    tpu.vector_store %arg18[%swap3A_1017], %broadcast_in_dim3A_35 {strides = array<i32>} : memref<4096xf32, #tpu.memory_space<vmem>>, vector<16xf32>,
    %swap3A_1019 = arith.constant 3776 : index
    %swap3A_1020 = tpu.vector_load %arg18[%swap3A_1019] {strides = array<i32>} : memref<4096xf32, #tpu.memory_space<vmem>>, vector<16xf32>,
    tpu.vector_store %arg18[%swap3A_1019], %broadcast_in_dim3A_35 {strides = array<i32>} : memref<4096xf32, #tpu.memory_space<vmem>>, vector<16xf32>,
    %swap3A_1021 = arith.constant 3792 : index
    %swap3A_1022 = tpu.vector_load %arg18[%swap3A_1021] {strides = array<i32>} : memref<4096xf32, #tpu.memory_space<vmem>>, vector<16xf32>,
    tpu.vector_store %arg18[%swap3A_1021], %broadcast_in_dim3A_35 {strides = array<i32>} : memref<4096xf32, #tpu.memory_space<vmem>>, vector<16xf32>,
    %swap3A_1023 = arith.constant 3808 : index
    %swap3A_1024 = tpu.vector_load %arg18[%swap3A_1023] {strides = array<i32>} : memref<4096xf32, #tpu.memory_space<vmem>>, vector<16xf32>,
    tpu.vector_store %arg18[%swap3A_1023], %broadcast_in_dim3A_35 {strides = array<i32>} : memref<4096xf32, #tpu.memory_space<vmem>>, vector<16xf32>,
    %swap3A_1025 = arith.constant 3824 : index
    %swap3A_1026 = tpu.vector_load %arg18[%swap3A_1025] {strides = array<i32>} : memref<4096xf32, #tpu.memory_space<vmem>>, vector<16xf32>,
    tpu.vector_store %arg18[%swap3A_1025], %broadcast_in_dim3A_35 {strides = array<i32>} : memref<4096xf32, #tpu.memory_space<vmem>>, vector<16xf32>,
    %swap3A_1027 = arith.constant 3840 : index
    %swap3A_1028 = tpu.vector_load %arg18[%swap3A_1027] {strides = array<i32>} : memref<4096xf32, #tpu.memory_space<vmem>>, vector<16xf32>,
    tpu.vector_store %arg18[%swap3A_1027], %broadcast_in_dim3A_35 {strides = array<i32>} : memref<4096xf32, #tpu.memory_space<vmem>>, vector<16xf32>,
    %swap3A_1029 = arith.constant 3856 : index
    %swap3A_1030 = tpu.vector_load %arg18[%swap3A_1029] {strides = array<i32>} : memref<4096xf32, #tpu.memory_space<vmem>>, vector<16xf32>,
    tpu.vector_store %arg18[%swap3A_1029], %broadcast_in_dim3A_35 {strides = array<i32>} : memref<4096xf32, #tpu.memory_space<vmem>>, vector<16xf32>,
    %swap3A_1031 = arith.constant 3872 : index
    %swap3A_1032 = tpu.vector_load %arg18[%swap3A_1031] {strides = array<i32>} : memref<4096xf32, #tpu.memory_space<vmem>>, vector<16xf32>,
    tpu.vector_store %arg18[%swap3A_1031], %broadcast_in_dim3A_35 {strides = array<i32>} : memref<4096xf32, #tpu.memory_space<vmem>>, vector<16xf32>,
    %swap3A_1033 = arith.constant 3888 : index
    %swap3A_1034 = tpu.vector_load %arg18[%swap3A_1033] {strides = array<i32>} : memref<4096xf32, #tpu.memory_space<vmem>>, vector<16xf32>,
    tpu.vector_store %arg18[%swap3A_1033], %broadcast_in_dim3A_35 {strides = array<i32>} : memref<4096xf32, #tpu.memory_space<vmem>>, vector<16xf32>,
    %swap3A_1035 = arith.constant 3904 : index
    %swap3A_1036 = tpu.vector_load %arg18[%swap3A_1035] {strides = array<i32>} : memref<4096xf32, #tpu.memory_space<vmem>>, vector<16xf32>,
    tpu.vector_store %arg18[%swap3A_1035], %broadcast_in_dim3A_35 {strides = array<i32>} : memref<4096xf32, #tpu.memory_space<vmem>>, vector<16xf32>,
    %swap3A_1037 = arith.constant 3920 : index
    %swap3A_1038 = tpu.vector_load %arg18[%swap3A_1037] {strides = array<i32>} : memref<4096xf32, #tpu.memory_space<vmem>>, vector<16xf32>,
    tpu.vector_store %arg18[%swap3A_1037], %broadcast_in_dim3A_35 {strides = array<i32>} : memref<4096xf32, #tpu.memory_space<vmem>>, vector<16xf32>,
    %swap3A_1039 = arith.constant 3936 : index
    %swap3A_1040 = tpu.vector_load %arg18[%swap3A_1039] {strides = array<i32>} : memref<4096xf32, #tpu.memory_space<vmem>>, vector<16xf32>,
    tpu.vector_store %arg18[%swap3A_1039], %broadcast_in_dim3A_35 {strides = array<i32>} : memref<4096xf32, #tpu.memory_space<vmem>>, vector<16xf32>,
    %swap3A_1041 = arith.constant 3952 : index
    %swap3A_1042 = tpu.vector_load %arg18[%swap3A_1041] {strides = array<i32>} : memref<4096xf32, #tpu.memory_space<vmem>>, vector<16xf32>,
    tpu.vector_store %arg18[%swap3A_1041], %broadcast_in_dim3A_35 {strides = array<i32>} : memref<4096xf32, #tpu.memory_space<vmem>>, vector<16xf32>,
    %swap3A_1043 = arith.constant 3968 : index
    %swap3A_1044 = tpu.vector_load %arg18[%swap3A_1043] {strides = array<i32>} : memref<4096xf32, #tpu.memory_space<vmem>>, vector<16xf32>,
    tpu.vector_store %arg18[%swap3A_1043], %broadcast_in_dim3A_35 {strides = array<i32>} : memref<4096xf32, #tpu.memory_space<vmem>>, vector<16xf32>,
    %swap3A_1045 = arith.constant 3984 : index
    %swap3A_1046 = tpu.vector_load %arg18[%swap3A_1045] {strides = array<i32>} : memref<4096xf32, #tpu.memory_space<vmem>>, vector<16xf32>,
    tpu.vector_store %arg18[%swap3A_1045], %broadcast_in_dim3A_35 {strides = array<i32>} : memref<4096xf32, #tpu.memory_space<vmem>>, vector<16xf32>,
    %swap3A_1047 = arith.constant 4000 : index
    %swap3A_1048 = tpu.vector_load %arg18[%swap3A_1047] {strides = array<i32>} : memref<4096xf32, #tpu.memory_space<vmem>>, vector<16xf32>,
    tpu.vector_store %arg18[%swap3A_1047], %broadcast_in_dim3A_35 {strides = array<i32>} : memref<4096xf32, #tpu.memory_space<vmem>>, vector<16xf32>,
    %swap3A_1049 = arith.constant 4016 : index
    %swap3A_1050 = tpu.vector_load %arg18[%swap3A_1049] {strides = array<i32>} : memref<4096xf32, #tpu.memory_space<vmem>>, vector<16xf32>,
    tpu.vector_store %arg18[%swap3A_1049], %broadcast_in_dim3A_35 {strides = array<i32>} : memref<4096xf32, #tpu.memory_space<vmem>>, vector<16xf32>,
    %swap3A_1051 = arith.constant 4032 : index
    %swap3A_1052 = tpu.vector_load %arg18[%swap3A_1051] {strides = array<i32>} : memref<4096xf32, #tpu.memory_space<vmem>>, vector<16xf32>,
    tpu.vector_store %arg18[%swap3A_1051], %broadcast_in_dim3A_35 {strides = array<i32>} : memref<4096xf32, #tpu.memory_space<vmem>>, vector<16xf32>,
    %swap3A_1053 = arith.constant 4048 : index
    %swap3A_1054 = tpu.vector_load %arg18[%swap3A_1053] {strides = array<i32>} : memref<4096xf32, #tpu.memory_space<vmem>>, vector<16xf32>,
    tpu.vector_store %arg18[%swap3A_1053], %broadcast_in_dim3A_35 {strides = array<i32>} : memref<4096xf32, #tpu.memory_space<vmem>>, vector<16xf32>,
    %swap3A_1055 = arith.constant 4064 : index
    %swap3A_1056 = tpu.vector_load %arg18[%swap3A_1055] {strides = array<i32>} : memref<4096xf32, #tpu.memory_space<vmem>>, vector<16xf32>,
    tpu.vector_store %arg18[%swap3A_1055], %broadcast_in_dim3A_35 {strides = array<i32>} : memref<4096xf32, #tpu.memory_space<vmem>>, vector<16xf32>,
    %swap3A_1057 = arith.constant 4080 : index
    %swap3A_1058 = tpu.vector_load %arg18[%swap3A_1057] {strides = array<i32>} : memref<4096xf32, #tpu.memory_space<vmem>>, vector<16xf32>,
    tpu.vector_store %arg18[%swap3A_1057], %broadcast_in_dim3A_35 {strides = array<i32>} : memref<4096xf32, #tpu.memory_space<vmem>>, vector<16xf32>,
    %scan3A = arith.constant 0 : i32
    %scan3A_1059 = arith.constant 0 : i32
    %scan3A_1060 = arith.constant 64 : i32
    %scan3A_1061 = arith.addi %scan3A_1059, %scan3A_1060 : i32
    %scan3A_1062 = arith.constant 1 : i32
    scf.for %scan3A_1075 = %scan3A_1059 to %scan3A_1061 step %scan3A_1062  : i32 {
      %mul3A_1076 = arith.constant 2 : i32
      %mul3A_1077 = arith.muli %scan3A_1075, %mul3A_1076 : i32
      %add3A_1078 = arith.constant 0 : i32
      %add3A_1079 = arith.addi %mul3A_1077, %add3A_1078 : i32
      %gt3A = arith.constant 0 : i32
      %gt3A_1080 = arith.cmpi sgt, %scan3A_1075, %gt3A : i32
      %convert_element_type3A = arith.extui %gt3A_1080 : i1 to i32
      %cond3A = arith.constant 0 : i32
      %cond3A_1081 = arith.cmpi ne, %convert_element_type3A, %cond3A : i32
      scf.if %cond3A_1081 {
        %dma_wait3A_1862 = arith.constant 0 : i32
        %dma_wait3A_1863 = tpu.memref_slice %arg9[%mul3A_34, %dma_wait3A_1862] : memref<4096x4096xf32, #tpu.memory_space<hbm>> -> memref<1x4096xf32, #tpu.memory_space<hbm>>
        %dma_wait3A_1864 = tpu.memref_squeeze %dma_wait3A_1863 : memref<1x4096xf32, #tpu.memory_space<hbm>> -> memref<4096xf32, #tpu.memory_space<hbm>>
        %dma_wait3A_1865 = arith.constant 0 : i32
        %dma_wait3A_1866 = tpu.memref_slice %arg9[%mul3A_34, %dma_wait3A_1865] : memref<4096x4096xf32, #tpu.memory_space<hbm>> -> memref<1x4096xf32, #tpu.memory_space<hbm>>
        %dma_wait3A_1867 = tpu.memref_squeeze %dma_wait3A_1866 : memref<1x4096xf32, #tpu.memory_space<hbm>> -> memref<4096xf32, #tpu.memory_space<hbm>>
        tpu.wait_dma2 semaphore(%arg22 : memref<!tpu.dma_semaphore, #tpu.memory_space<semaphore_mem>>) src(%arg17 : memref<4096xf32, #tpu.memory_space<vmem>>) dst(%dma_wait3A_1867 : memref<4096xf32, #tpu.memory_space<hbm>>)
        %sub3A_1868 = arith.constant 2 : i32
        %sub3A_1869 = arith.subi %add3A_1079, %sub3A_1868 : i32
        %broadcast_in_dim3A_1870 = vector.broadcast %sub3A_1869 : i32 to vector<16xi32>
        %gather3A_1871 = tpu.vector_load_idx %arg16[%iota3A, %broadcast_in_dim3A_1870] : memref<16x128xf32, #tpu.memory_space<vmem>>[vector<16xi32>, vector<16xi32>], vector<16xf32>,
        %neg3A = arith.constant 0.000000e+00 : f32
        %neg3A_1872 = vector.broadcast %neg3A : f32 to vector<16xf32>
        %neg3A_1873 = arith.subf %neg3A_1872, %gather3A_1871 : vector<16xf32>
        %get3A = arith.constant 0 : index
        %get3A_1874 = tpu.vector_load %arg19[%get3A] {strides = array<i32>} : memref<256xi32, #tpu.memory_space<vmem>>, vector<16xi32>,
        tpu.vector_store_idx %arg17[%get3A_1874], %neg3A_1873 {add = true} : memref<4096xf32, #tpu.memory_space<vmem>>[vector<16xi32>], vector<16xf32>,
        %get3A_1875 = arith.constant 16 : index
        %get3A_1876 = tpu.vector_load %arg19[%get3A_1875] {strides = array<i32>} : memref<256xi32, #tpu.memory_space<vmem>>, vector<16xi32>,
        tpu.vector_store_idx %arg17[%get3A_1876], %neg3A_1873 {add = true} : memref<4096xf32, #tpu.memory_space<vmem>>[vector<16xi32>], vector<16xf32>,
        %get3A_1877 = arith.constant 32 : index
        %get3A_1878 = tpu.vector_load %arg19[%get3A_1877] {strides = array<i32>} : memref<256xi32, #tpu.memory_space<vmem>>, vector<16xi32>,
        tpu.vector_store_idx %arg17[%get3A_1878], %neg3A_1873 {add = true} : memref<4096xf32, #tpu.memory_space<vmem>>[vector<16xi32>], vector<16xf32>,
        %get3A_1879 = arith.constant 48 : index
        %get3A_1880 = tpu.vector_load %arg19[%get3A_1879] {strides = array<i32>} : memref<256xi32, #tpu.memory_space<vmem>>, vector<16xi32>,
        tpu.vector_store_idx %arg17[%get3A_1880], %neg3A_1873 {add = true} : memref<4096xf32, #tpu.memory_space<vmem>>[vector<16xi32>], vector<16xf32>,
        %get3A_1881 = arith.constant 64 : index
        %get3A_1882 = tpu.vector_load %arg19[%get3A_1881] {strides = array<i32>} : memref<256xi32, #tpu.memory_space<vmem>>, vector<16xi32>,
        tpu.vector_store_idx %arg17[%get3A_1882], %neg3A_1873 {add = true} : memref<4096xf32, #tpu.memory_space<vmem>>[vector<16xi32>], vector<16xf32>,
        %get3A_1883 = arith.constant 80 : index
        %get3A_1884 = tpu.vector_load %arg19[%get3A_1883] {strides = array<i32>} : memref<256xi32, #tpu.memory_space<vmem>>, vector<16xi32>,
        tpu.vector_store_idx %arg17[%get3A_1884], %neg3A_1873 {add = true} : memref<4096xf32, #tpu.memory_space<vmem>>[vector<16xi32>], vector<16xf32>,
        %get3A_1885 = arith.constant 96 : index
        %get3A_1886 = tpu.vector_load %arg19[%get3A_1885] {strides = array<i32>} : memref<256xi32, #tpu.memory_space<vmem>>, vector<16xi32>,
        tpu.vector_store_idx %arg17[%get3A_1886], %neg3A_1873 {add = true} : memref<4096xf32, #tpu.memory_space<vmem>>[vector<16xi32>], vector<16xf32>,
        %get3A_1887 = arith.constant 112 : index
        %get3A_1888 = tpu.vector_load %arg19[%get3A_1887] {strides = array<i32>} : memref<256xi32, #tpu.memory_space<vmem>>, vector<16xi32>,
        tpu.vector_store_idx %arg17[%get3A_1888], %neg3A_1873 {add = true} : memref<4096xf32, #tpu.memory_space<vmem>>[vector<16xi32>], vector<16xf32>,
        %get3A_1889 = arith.constant 128 : index
        %get3A_1890 = tpu.vector_load %arg19[%get3A_1889] {strides = array<i32>} : memref<256xi32, #tpu.memory_space<vmem>>, vector<16xi32>,
        tpu.vector_store_idx %arg17[%get3A_1890], %neg3A_1873 {add = true} : memref<4096xf32, #tpu.memory_space<vmem>>[vector<16xi32>], vector<16xf32>,
        %get3A_1891 = arith.constant 144 : index
        %get3A_1892 = tpu.vector_load %arg19[%get3A_1891] {strides = array<i32>} : memref<256xi32, #tpu.memory_space<vmem>>, vector<16xi32>,
        tpu.vector_store_idx %arg17[%get3A_1892], %neg3A_1873 {add = true} : memref<4096xf32, #tpu.memory_space<vmem>>[vector<16xi32>], vector<16xf32>,
        %get3A_1893 = arith.constant 160 : index
        %get3A_1894 = tpu.vector_load %arg19[%get3A_1893] {strides = array<i32>} : memref<256xi32, #tpu.memory_space<vmem>>, vector<16xi32>,
        tpu.vector_store_idx %arg17[%get3A_1894], %neg3A_1873 {add = true} : memref<4096xf32, #tpu.memory_space<vmem>>[vector<16xi32>], vector<16xf32>,
        %get3A_1895 = arith.constant 176 : index
        %get3A_1896 = tpu.vector_load %arg19[%get3A_1895] {strides = array<i32>} : memref<256xi32, #tpu.memory_space<vmem>>, vector<16xi32>,
        tpu.vector_store_idx %arg17[%get3A_1896], %neg3A_1873 {add = true} : memref<4096xf32, #tpu.memory_space<vmem>>[vector<16xi32>], vector<16xf32>,
        %get3A_1897 = arith.constant 192 : index
        %get3A_1898 = tpu.vector_load %arg19[%get3A_1897] {strides = array<i32>} : memref<256xi32, #tpu.memory_space<vmem>>, vector<16xi32>,
        tpu.vector_store_idx %arg17[%get3A_1898], %neg3A_1873 {add = true} : memref<4096xf32, #tpu.memory_space<vmem>>[vector<16xi32>], vector<16xf32>,
        %get3A_1899 = arith.constant 208 : index
        %get3A_1900 = tpu.vector_load %arg19[%get3A_1899] {strides = array<i32>} : memref<256xi32, #tpu.memory_space<vmem>>, vector<16xi32>,
        tpu.vector_store_idx %arg17[%get3A_1900], %neg3A_1873 {add = true} : memref<4096xf32, #tpu.memory_space<vmem>>[vector<16xi32>], vector<16xf32>,
        %get3A_1901 = arith.constant 224 : index
        %get3A_1902 = tpu.vector_load %arg19[%get3A_1901] {strides = array<i32>} : memref<256xi32, #tpu.memory_space<vmem>>, vector<16xi32>,
        tpu.vector_store_idx %arg17[%get3A_1902], %neg3A_1873 {add = true} : memref<4096xf32, #tpu.memory_space<vmem>>[vector<16xi32>], vector<16xf32>,
        %get3A_1903 = arith.constant 240 : index
        %get3A_1904 = tpu.vector_load %arg19[%get3A_1903] {strides = array<i32>} : memref<256xi32, #tpu.memory_space<vmem>>, vector<16xi32>,
        tpu.vector_store_idx %arg17[%get3A_1904], %neg3A_1873 {add = true} : memref<4096xf32, #tpu.memory_space<vmem>>[vector<16xi32>], vector<16xf32>,
      } else {
      }
      %broadcast_in_dim3A_1082 = vector.broadcast %add3A_1079 : i32 to vector<16xi32>
      %gather3A = tpu.vector_load_idx %arg14[%iota3A, %broadcast_in_dim3A_1082] : memref<16x128xi32, #tpu.memory_space<vmem>>[vector<16xi32>, vector<16xi32>], vector<16xi32>,
      %gather3A_1083 = tpu.vector_load_idx %arg15[%iota3A, %broadcast_in_dim3A_1082] : memref<16x128xi32, #tpu.memory_space<vmem>>[vector<16xi32>, vector<16xi32>], vector<16xi32>,
      %gather3A_1084 = tpu.vector_load_idx %arg16[%iota3A, %broadcast_in_dim3A_1082] : memref<16x128xf32, #tpu.memory_space<vmem>>[vector<16xi32>, vector<16xi32>], vector<16xf32>,
      %gather3A_1085 = tpu.vector_load_idx %arg10[%gather3A] : memref<2048xi32, #tpu.memory_space<vmem>>[vector<16xi32>], vector<16xi32>,
      %swap3A_1086 = arith.constant 16 : index
      %swap3A_1087 = tpu.vector_load %arg21[%swap3A_1086] {strides = array<i32>} : memref<48xi32, #tpu.memory_space<vmem>>, vector<16xi32>,
      tpu.vector_store %arg21[%swap3A_1086], %gather3A_1085 {strides = array<i32>} : memref<48xi32, #tpu.memory_space<vmem>>, vector<16xi32>,
      %gather3A_1088 = tpu.vector_load_idx %arg11[%gather3A] : memref<2048xi32, #tpu.memory_space<vmem>>[vector<16xi32>], vector<16xi32>,
      %swap3A_1089 = arith.constant 32 : index
      %swap3A_1090 = tpu.vector_load %arg21[%swap3A_1089] {strides = array<i32>} : memref<48xi32, #tpu.memory_space<vmem>>, vector<16xi32>,
      tpu.vector_store %arg21[%swap3A_1089], %gather3A_1088 {strides = array<i32>} : memref<48xi32, #tpu.memory_space<vmem>>, vector<16xi32>,
      %gather3A_1091 = tpu.vector_load_idx %arg12[%gather3A_1083] : memref<2048xi32, #tpu.memory_space<vmem>>[vector<16xi32>], vector<16xi32>,
      %gather3A_1092 = tpu.vector_load_idx %arg13[%gather3A_1083] : memref<2048xi32, #tpu.memory_space<vmem>>[vector<16xi32>], vector<16xi32>,
      %broadcast_in_dim3A_1093 = arith.constant 16 : i32
      %broadcast_in_dim3A_1094 = vector.broadcast %broadcast_in_dim3A_1093 : i32 to vector<16xi32>
      %gather3A_1095 = tpu.vector_load_idx %arg21[%broadcast_in_dim3A_1094] : memref<48xi32, #tpu.memory_space<vmem>>[vector<16xi32>], vector<16xi32>,
      %broadcast_in_dim3A_1096 = arith.constant 32 : i32
      %broadcast_in_dim3A_1097 = vector.broadcast %broadcast_in_dim3A_1096 : i32 to vector<16xi32>
      %gather3A_1098 = tpu.vector_load_idx %arg21[%broadcast_in_dim3A_1097] : memref<48xi32, #tpu.memory_space<vmem>>[vector<16xi32>], vector<16xi32>,
      %sub3A_1099 = arith.subi %gather3A_1091, %gather3A_1095 : vector<16xi32>
      %shift_right_arithmetic3A = arith.constant 2 : i32
      %shift_right_arithmetic3A_1100 = vector.broadcast %shift_right_arithmetic3A : i32 to vector<16xi32>
      %shift_right_arithmetic3A_1101 = arith.shrsi %sub3A_1099, %shift_right_arithmetic3A_1100 : vector<16xi32>
      %sub3A_1102 = arith.subi %gather3A_1092, %gather3A_1098 : vector<16xi32>
      %shift_right_arithmetic3A_1103 = arith.constant 2 : i32
      %shift_right_arithmetic3A_1104 = vector.broadcast %shift_right_arithmetic3A_1103 : i32 to vector<16xi32>
      %shift_right_arithmetic3A_1105 = arith.shrsi %sub3A_1102, %shift_right_arithmetic3A_1104 : vector<16xi32>
      %mul3A_1106 = arith.constant 64 : i32
      %mul3A_1107 = vector.broadcast %mul3A_1106 : i32 to vector<16xi32>
      %mul3A_1108 = arith.muli %shift_right_arithmetic3A_1101, %mul3A_1107 : vector<16xi32>
      %add3A_1109 = arith.addi %mul3A_1108, %shift_right_arithmetic3A_1105 : vector<16xi32>
      %add3A_1110 = arith.constant 2080 : i32
      %add3A_1111 = vector.broadcast %add3A_1110 : i32 to vector<16xi32>
      %add3A_1112 = arith.addi %add3A_1109, %add3A_1111 : vector<16xi32>
      %swap3A_1113 = arith.constant 0 : index
      %swap3A_1114 = tpu.vector_load %arg19[%swap3A_1113] {strides = array<i32>} : memref<256xi32, #tpu.memory_space<vmem>>, vector<16xi32>,
      tpu.vector_store %arg19[%swap3A_1113], %add3A_1112 {strides = array<i32>} : memref<256xi32, #tpu.memory_space<vmem>>, vector<16xi32>,
      tpu.vector_store_idx %arg17[%add3A_1112], %gather3A_1084 {add = true} : memref<4096xf32, #tpu.memory_space<vmem>>[vector<16xi32>], vector<16xf32>,
      %broadcast_in_dim3A_1115 = arith.constant 17 : i32
      %broadcast_in_dim3A_1116 = vector.broadcast %broadcast_in_dim3A_1115 : i32 to vector<16xi32>
      %gather3A_1117 = tpu.vector_load_idx %arg21[%broadcast_in_dim3A_1116] : memref<48xi32, #tpu.memory_space<vmem>>[vector<16xi32>], vector<16xi32>,
      %broadcast_in_dim3A_1118 = arith.constant 33 : i32
      %broadcast_in_dim3A_1119 = vector.broadcast %broadcast_in_dim3A_1118 : i32 to vector<16xi32>
      %gather3A_1120 = tpu.vector_load_idx %arg21[%broadcast_in_dim3A_1119] : memref<48xi32, #tpu.memory_space<vmem>>[vector<16xi32>], vector<16xi32>,
      %sub3A_1121 = arith.subi %gather3A_1091, %gather3A_1117 : vector<16xi32>
      %shift_right_arithmetic3A_1122 = arith.constant 2 : i32
      %shift_right_arithmetic3A_1123 = vector.broadcast %shift_right_arithmetic3A_1122 : i32 to vector<16xi32>
      %shift_right_arithmetic3A_1124 = arith.shrsi %sub3A_1121, %shift_right_arithmetic3A_1123 : vector<16xi32>
      %sub3A_1125 = arith.subi %gather3A_1092, %gather3A_1120 : vector<16xi32>
      %shift_right_arithmetic3A_1126 = arith.constant 2 : i32
      %shift_right_arithmetic3A_1127 = vector.broadcast %shift_right_arithmetic3A_1126 : i32 to vector<16xi32>
      %shift_right_arithmetic3A_1128 = arith.shrsi %sub3A_1125, %shift_right_arithmetic3A_1127 : vector<16xi32>
      %mul3A_1129 = arith.constant 64 : i32
      %mul3A_1130 = vector.broadcast %mul3A_1129 : i32 to vector<16xi32>
      %mul3A_1131 = arith.muli %shift_right_arithmetic3A_1124, %mul3A_1130 : vector<16xi32>
      %add3A_1132 = arith.addi %mul3A_1131, %shift_right_arithmetic3A_1128 : vector<16xi32>
      %add3A_1133 = arith.constant 2080 : i32
      %add3A_1134 = vector.broadcast %add3A_1133 : i32 to vector<16xi32>
      %add3A_1135 = arith.addi %add3A_1132, %add3A_1134 : vector<16xi32>
      %swap3A_1136 = arith.constant 16 : index
      %swap3A_1137 = tpu.vector_load %arg19[%swap3A_1136] {strides = array<i32>} : memref<256xi32, #tpu.memory_space<vmem>>, vector<16xi32>,
      tpu.vector_store %arg19[%swap3A_1136], %add3A_1135 {strides = array<i32>} : memref<256xi32, #tpu.memory_space<vmem>>, vector<16xi32>,
      tpu.vector_store_idx %arg17[%add3A_1135], %gather3A_1084 {add = true} : memref<4096xf32, #tpu.memory_space<vmem>>[vector<16xi32>], vector<16xf32>,
      %broadcast_in_dim3A_1138 = arith.constant 18 : i32
      %broadcast_in_dim3A_1139 = vector.broadcast %broadcast_in_dim3A_1138 : i32 to vector<16xi32>
      %gather3A_1140 = tpu.vector_load_idx %arg21[%broadcast_in_dim3A_1139] : memref<48xi32, #tpu.memory_space<vmem>>[vector<16xi32>], vector<16xi32>,
      %broadcast_in_dim3A_1141 = arith.constant 34 : i32
      %broadcast_in_dim3A_1142 = vector.broadcast %broadcast_in_dim3A_1141 : i32 to vector<16xi32>
      %gather3A_1143 = tpu.vector_load_idx %arg21[%broadcast_in_dim3A_1142] : memref<48xi32, #tpu.memory_space<vmem>>[vector<16xi32>], vector<16xi32>,
      %sub3A_1144 = arith.subi %gather3A_1091, %gather3A_1140 : vector<16xi32>
      %shift_right_arithmetic3A_1145 = arith.constant 2 : i32
      %shift_right_arithmetic3A_1146 = vector.broadcast %shift_right_arithmetic3A_1145 : i32 to vector<16xi32>
      %shift_right_arithmetic3A_1147 = arith.shrsi %sub3A_1144, %shift_right_arithmetic3A_1146 : vector<16xi32>
      %sub3A_1148 = arith.subi %gather3A_1092, %gather3A_1143 : vector<16xi32>
      %shift_right_arithmetic3A_1149 = arith.constant 2 : i32
      %shift_right_arithmetic3A_1150 = vector.broadcast %shift_right_arithmetic3A_1149 : i32 to vector<16xi32>
      %shift_right_arithmetic3A_1151 = arith.shrsi %sub3A_1148, %shift_right_arithmetic3A_1150 : vector<16xi32>
      %mul3A_1152 = arith.constant 64 : i32
      %mul3A_1153 = vector.broadcast %mul3A_1152 : i32 to vector<16xi32>
      %mul3A_1154 = arith.muli %shift_right_arithmetic3A_1147, %mul3A_1153 : vector<16xi32>
      %add3A_1155 = arith.addi %mul3A_1154, %shift_right_arithmetic3A_1151 : vector<16xi32>
      %add3A_1156 = arith.constant 2080 : i32
      %add3A_1157 = vector.broadcast %add3A_1156 : i32 to vector<16xi32>
      %add3A_1158 = arith.addi %add3A_1155, %add3A_1157 : vector<16xi32>
      %swap3A_1159 = arith.constant 32 : index
      %swap3A_1160 = tpu.vector_load %arg19[%swap3A_1159] {strides = array<i32>} : memref<256xi32, #tpu.memory_space<vmem>>, vector<16xi32>,
      tpu.vector_store %arg19[%swap3A_1159], %add3A_1158 {strides = array<i32>} : memref<256xi32, #tpu.memory_space<vmem>>, vector<16xi32>,
      tpu.vector_store_idx %arg17[%add3A_1158], %gather3A_1084 {add = true} : memref<4096xf32, #tpu.memory_space<vmem>>[vector<16xi32>], vector<16xf32>,
      %broadcast_in_dim3A_1161 = arith.constant 19 : i32
      %broadcast_in_dim3A_1162 = vector.broadcast %broadcast_in_dim3A_1161 : i32 to vector<16xi32>
      %gather3A_1163 = tpu.vector_load_idx %arg21[%broadcast_in_dim3A_1162] : memref<48xi32, #tpu.memory_space<vmem>>[vector<16xi32>], vector<16xi32>,
      %broadcast_in_dim3A_1164 = arith.constant 35 : i32
      %broadcast_in_dim3A_1165 = vector.broadcast %broadcast_in_dim3A_1164 : i32 to vector<16xi32>
      %gather3A_1166 = tpu.vector_load_idx %arg21[%broadcast_in_dim3A_1165] : memref<48xi32, #tpu.memory_space<vmem>>[vector<16xi32>], vector<16xi32>,
      %sub3A_1167 = arith.subi %gather3A_1091, %gather3A_1163 : vector<16xi32>
      %shift_right_arithmetic3A_1168 = arith.constant 2 : i32
      %shift_right_arithmetic3A_1169 = vector.broadcast %shift_right_arithmetic3A_1168 : i32 to vector<16xi32>
      %shift_right_arithmetic3A_1170 = arith.shrsi %sub3A_1167, %shift_right_arithmetic3A_1169 : vector<16xi32>
      %sub3A_1171 = arith.subi %gather3A_1092, %gather3A_1166 : vector<16xi32>
      %shift_right_arithmetic3A_1172 = arith.constant 2 : i32
      %shift_right_arithmetic3A_1173 = vector.broadcast %shift_right_arithmetic3A_1172 : i32 to vector<16xi32>
      %shift_right_arithmetic3A_1174 = arith.shrsi %sub3A_1171, %shift_right_arithmetic3A_1173 : vector<16xi32>
      %mul3A_1175 = arith.constant 64 : i32
      %mul3A_1176 = vector.broadcast %mul3A_1175 : i32 to vector<16xi32>
      %mul3A_1177 = arith.muli %shift_right_arithmetic3A_1170, %mul3A_1176 : vector<16xi32>
      %add3A_1178 = arith.addi %mul3A_1177, %shift_right_arithmetic3A_1174 : vector<16xi32>
      %add3A_1179 = arith.constant 2080 : i32
      %add3A_1180 = vector.broadcast %add3A_1179 : i32 to vector<16xi32>
      %add3A_1181 = arith.addi %add3A_1178, %add3A_1180 : vector<16xi32>
      %swap3A_1182 = arith.constant 48 : index
      %swap3A_1183 = tpu.vector_load %arg19[%swap3A_1182] {strides = array<i32>} : memref<256xi32, #tpu.memory_space<vmem>>, vector<16xi32>,
      tpu.vector_store %arg19[%swap3A_1182], %add3A_1181 {strides = array<i32>} : memref<256xi32, #tpu.memory_space<vmem>>, vector<16xi32>,
      tpu.vector_store_idx %arg17[%add3A_1181], %gather3A_1084 {add = true} : memref<4096xf32, #tpu.memory_space<vmem>>[vector<16xi32>], vector<16xf32>,
      %broadcast_in_dim3A_1184 = arith.constant 20 : i32
      %broadcast_in_dim3A_1185 = vector.broadcast %broadcast_in_dim3A_1184 : i32 to vector<16xi32>
      %gather3A_1186 = tpu.vector_load_idx %arg21[%broadcast_in_dim3A_1185] : memref<48xi32, #tpu.memory_space<vmem>>[vector<16xi32>], vector<16xi32>,
      %broadcast_in_dim3A_1187 = arith.constant 36 : i32
      %broadcast_in_dim3A_1188 = vector.broadcast %broadcast_in_dim3A_1187 : i32 to vector<16xi32>
      %gather3A_1189 = tpu.vector_load_idx %arg21[%broadcast_in_dim3A_1188] : memref<48xi32, #tpu.memory_space<vmem>>[vector<16xi32>], vector<16xi32>,
      %sub3A_1190 = arith.subi %gather3A_1091, %gather3A_1186 : vector<16xi32>
      %shift_right_arithmetic3A_1191 = arith.constant 2 : i32
      %shift_right_arithmetic3A_1192 = vector.broadcast %shift_right_arithmetic3A_1191 : i32 to vector<16xi32>
      %shift_right_arithmetic3A_1193 = arith.shrsi %sub3A_1190, %shift_right_arithmetic3A_1192 : vector<16xi32>
      %sub3A_1194 = arith.subi %gather3A_1092, %gather3A_1189 : vector<16xi32>
      %shift_right_arithmetic3A_1195 = arith.constant 2 : i32
      %shift_right_arithmetic3A_1196 = vector.broadcast %shift_right_arithmetic3A_1195 : i32 to vector<16xi32>
      %shift_right_arithmetic3A_1197 = arith.shrsi %sub3A_1194, %shift_right_arithmetic3A_1196 : vector<16xi32>
      %mul3A_1198 = arith.constant 64 : i32
      %mul3A_1199 = vector.broadcast %mul3A_1198 : i32 to vector<16xi32>
      %mul3A_1200 = arith.muli %shift_right_arithmetic3A_1193, %mul3A_1199 : vector<16xi32>
      %add3A_1201 = arith.addi %mul3A_1200, %shift_right_arithmetic3A_1197 : vector<16xi32>
      %add3A_1202 = arith.constant 2080 : i32
      %add3A_1203 = vector.broadcast %add3A_1202 : i32 to vector<16xi32>
      %add3A_1204 = arith.addi %add3A_1201, %add3A_1203 : vector<16xi32>
      %swap3A_1205 = arith.constant 64 : index
      %swap3A_1206 = tpu.vector_load %arg19[%swap3A_1205] {strides = array<i32>} : memref<256xi32, #tpu.memory_space<vmem>>, vector<16xi32>,
      tpu.vector_store %arg19[%swap3A_1205], %add3A_1204 {strides = array<i32>} : memref<256xi32, #tpu.memory_space<vmem>>, vector<16xi32>,
      tpu.vector_store_idx %arg17[%add3A_1204], %gather3A_1084 {add = true} : memref<4096xf32, #tpu.memory_space<vmem>>[vector<16xi32>], vector<16xf32>,
      %broadcast_in_dim3A_1207 = arith.constant 21 : i32
      %broadcast_in_dim3A_1208 = vector.broadcast %broadcast_in_dim3A_1207 : i32 to vector<16xi32>
      %gather3A_1209 = tpu.vector_load_idx %arg21[%broadcast_in_dim3A_1208] : memref<48xi32, #tpu.memory_space<vmem>>[vector<16xi32>], vector<16xi32>,
      %broadcast_in_dim3A_1210 = arith.constant 37 : i32
      %broadcast_in_dim3A_1211 = vector.broadcast %broadcast_in_dim3A_1210 : i32 to vector<16xi32>
      %gather3A_1212 = tpu.vector_load_idx %arg21[%broadcast_in_dim3A_1211] : memref<48xi32, #tpu.memory_space<vmem>>[vector<16xi32>], vector<16xi32>,
      %sub3A_1213 = arith.subi %gather3A_1091, %gather3A_1209 : vector<16xi32>
      %shift_right_arithmetic3A_1214 = arith.constant 2 : i32
      %shift_right_arithmetic3A_1215 = vector.broadcast %shift_right_arithmetic3A_1214 : i32 to vector<16xi32>
      %shift_right_arithmetic3A_1216 = arith.shrsi %sub3A_1213, %shift_right_arithmetic3A_1215 : vector<16xi32>
      %sub3A_1217 = arith.subi %gather3A_1092, %gather3A_1212 : vector<16xi32>
      %shift_right_arithmetic3A_1218 = arith.constant 2 : i32
      %shift_right_arithmetic3A_1219 = vector.broadcast %shift_right_arithmetic3A_1218 : i32 to vector<16xi32>
      %shift_right_arithmetic3A_1220 = arith.shrsi %sub3A_1217, %shift_right_arithmetic3A_1219 : vector<16xi32>
      %mul3A_1221 = arith.constant 64 : i32
      %mul3A_1222 = vector.broadcast %mul3A_1221 : i32 to vector<16xi32>
      %mul3A_1223 = arith.muli %shift_right_arithmetic3A_1216, %mul3A_1222 : vector<16xi32>
      %add3A_1224 = arith.addi %mul3A_1223, %shift_right_arithmetic3A_1220 : vector<16xi32>
      %add3A_1225 = arith.constant 2080 : i32
      %add3A_1226 = vector.broadcast %add3A_1225 : i32 to vector<16xi32>
      %add3A_1227 = arith.addi %add3A_1224, %add3A_1226 : vector<16xi32>
      %swap3A_1228 = arith.constant 80 : index
      %swap3A_1229 = tpu.vector_load %arg19[%swap3A_1228] {strides = array<i32>} : memref<256xi32, #tpu.memory_space<vmem>>, vector<16xi32>,
      tpu.vector_store %arg19[%swap3A_1228], %add3A_1227 {strides = array<i32>} : memref<256xi32, #tpu.memory_space<vmem>>, vector<16xi32>,
      tpu.vector_store_idx %arg17[%add3A_1227], %gather3A_1084 {add = true} : memref<4096xf32, #tpu.memory_space<vmem>>[vector<16xi32>], vector<16xf32>,
      %broadcast_in_dim3A_1230 = arith.constant 22 : i32
      %broadcast_in_dim3A_1231 = vector.broadcast %broadcast_in_dim3A_1230 : i32 to vector<16xi32>
      %gather3A_1232 = tpu.vector_load_idx %arg21[%broadcast_in_dim3A_1231] : memref<48xi32, #tpu.memory_space<vmem>>[vector<16xi32>], vector<16xi32>,
      %broadcast_in_dim3A_1233 = arith.constant 38 : i32
      %broadcast_in_dim3A_1234 = vector.broadcast %broadcast_in_dim3A_1233 : i32 to vector<16xi32>
      %gather3A_1235 = tpu.vector_load_idx %arg21[%broadcast_in_dim3A_1234] : memref<48xi32, #tpu.memory_space<vmem>>[vector<16xi32>], vector<16xi32>,
      %sub3A_1236 = arith.subi %gather3A_1091, %gather3A_1232 : vector<16xi32>
      %shift_right_arithmetic3A_1237 = arith.constant 2 : i32
      %shift_right_arithmetic3A_1238 = vector.broadcast %shift_right_arithmetic3A_1237 : i32 to vector<16xi32>
      %shift_right_arithmetic3A_1239 = arith.shrsi %sub3A_1236, %shift_right_arithmetic3A_1238 : vector<16xi32>
      %sub3A_1240 = arith.subi %gather3A_1092, %gather3A_1235 : vector<16xi32>
      %shift_right_arithmetic3A_1241 = arith.constant 2 : i32
      %shift_right_arithmetic3A_1242 = vector.broadcast %shift_right_arithmetic3A_1241 : i32 to vector<16xi32>
      %shift_right_arithmetic3A_1243 = arith.shrsi %sub3A_1240, %shift_right_arithmetic3A_1242 : vector<16xi32>
      %mul3A_1244 = arith.constant 64 : i32
      %mul3A_1245 = vector.broadcast %mul3A_1244 : i32 to vector<16xi32>
      %mul3A_1246 = arith.muli %shift_right_arithmetic3A_1239, %mul3A_1245 : vector<16xi32>
      %add3A_1247 = arith.addi %mul3A_1246, %shift_right_arithmetic3A_1243 : vector<16xi32>
      %add3A_1248 = arith.constant 2080 : i32
      %add3A_1249 = vector.broadcast %add3A_1248 : i32 to vector<16xi32>
      %add3A_1250 = arith.addi %add3A_1247, %add3A_1249 : vector<16xi32>
      %swap3A_1251 = arith.constant 96 : index
      %swap3A_1252 = tpu.vector_load %arg19[%swap3A_1251] {strides = array<i32>} : memref<256xi32, #tpu.memory_space<vmem>>, vector<16xi32>,
      tpu.vector_store %arg19[%swap3A_1251], %add3A_1250 {strides = array<i32>} : memref<256xi32, #tpu.memory_space<vmem>>, vector<16xi32>,
      tpu.vector_store_idx %arg17[%add3A_1250], %gather3A_1084 {add = true} : memref<4096xf32, #tpu.memory_space<vmem>>[vector<16xi32>], vector<16xf32>,
      %broadcast_in_dim3A_1253 = arith.constant 23 : i32
      %broadcast_in_dim3A_1254 = vector.broadcast %broadcast_in_dim3A_1253 : i32 to vector<16xi32>
      %gather3A_1255 = tpu.vector_load_idx %arg21[%broadcast_in_dim3A_1254] : memref<48xi32, #tpu.memory_space<vmem>>[vector<16xi32>], vector<16xi32>,
      %broadcast_in_dim3A_1256 = arith.constant 39 : i32
      %broadcast_in_dim3A_1257 = vector.broadcast %broadcast_in_dim3A_1256 : i32 to vector<16xi32>
      %gather3A_1258 = tpu.vector_load_idx %arg21[%broadcast_in_dim3A_1257] : memref<48xi32, #tpu.memory_space<vmem>>[vector<16xi32>], vector<16xi32>,
      %sub3A_1259 = arith.subi %gather3A_1091, %gather3A_1255 : vector<16xi32>
      %shift_right_arithmetic3A_1260 = arith.constant 2 : i32
      %shift_right_arithmetic3A_1261 = vector.broadcast %shift_right_arithmetic3A_1260 : i32 to vector<16xi32>
      %shift_right_arithmetic3A_1262 = arith.shrsi %sub3A_1259, %shift_right_arithmetic3A_1261 : vector<16xi32>
      %sub3A_1263 = arith.subi %gather3A_1092, %gather3A_1258 : vector<16xi32>
      %shift_right_arithmetic3A_1264 = arith.constant 2 : i32
      %shift_right_arithmetic3A_1265 = vector.broadcast %shift_right_arithmetic3A_1264 : i32 to vector<16xi32>
      %shift_right_arithmetic3A_1266 = arith.shrsi %sub3A_1263, %shift_right_arithmetic3A_1265 : vector<16xi32>
      %mul3A_1267 = arith.constant 64 : i32
      %mul3A_1268 = vector.broadcast %mul3A_1267 : i32 to vector<16xi32>
      %mul3A_1269 = arith.muli %shift_right_arithmetic3A_1262, %mul3A_1268 : vector<16xi32>
      %add3A_1270 = arith.addi %mul3A_1269, %shift_right_arithmetic3A_1266 : vector<16xi32>
      %add3A_1271 = arith.constant 2080 : i32
      %add3A_1272 = vector.broadcast %add3A_1271 : i32 to vector<16xi32>
      %add3A_1273 = arith.addi %add3A_1270, %add3A_1272 : vector<16xi32>
      %swap3A_1274 = arith.constant 112 : index
      %swap3A_1275 = tpu.vector_load %arg19[%swap3A_1274] {strides = array<i32>} : memref<256xi32, #tpu.memory_space<vmem>>, vector<16xi32>,
      tpu.vector_store %arg19[%swap3A_1274], %add3A_1273 {strides = array<i32>} : memref<256xi32, #tpu.memory_space<vmem>>, vector<16xi32>,
      tpu.vector_store_idx %arg17[%add3A_1273], %gather3A_1084 {add = true} : memref<4096xf32, #tpu.memory_space<vmem>>[vector<16xi32>], vector<16xf32>,
      %broadcast_in_dim3A_1276 = arith.constant 24 : i32
      %broadcast_in_dim3A_1277 = vector.broadcast %broadcast_in_dim3A_1276 : i32 to vector<16xi32>
      %gather3A_1278 = tpu.vector_load_idx %arg21[%broadcast_in_dim3A_1277] : memref<48xi32, #tpu.memory_space<vmem>>[vector<16xi32>], vector<16xi32>,
      %broadcast_in_dim3A_1279 = arith.constant 40 : i32
      %broadcast_in_dim3A_1280 = vector.broadcast %broadcast_in_dim3A_1279 : i32 to vector<16xi32>
      %gather3A_1281 = tpu.vector_load_idx %arg21[%broadcast_in_dim3A_1280] : memref<48xi32, #tpu.memory_space<vmem>>[vector<16xi32>], vector<16xi32>,
      %sub3A_1282 = arith.subi %gather3A_1091, %gather3A_1278 : vector<16xi32>
      %shift_right_arithmetic3A_1283 = arith.constant 2 : i32
      %shift_right_arithmetic3A_1284 = vector.broadcast %shift_right_arithmetic3A_1283 : i32 to vector<16xi32>
      %shift_right_arithmetic3A_1285 = arith.shrsi %sub3A_1282, %shift_right_arithmetic3A_1284 : vector<16xi32>
      %sub3A_1286 = arith.subi %gather3A_1092, %gather3A_1281 : vector<16xi32>
      %shift_right_arithmetic3A_1287 = arith.constant 2 : i32
      %shift_right_arithmetic3A_1288 = vector.broadcast %shift_right_arithmetic3A_1287 : i32 to vector<16xi32>
      %shift_right_arithmetic3A_1289 = arith.shrsi %sub3A_1286, %shift_right_arithmetic3A_1288 : vector<16xi32>
      %mul3A_1290 = arith.constant 64 : i32
      %mul3A_1291 = vector.broadcast %mul3A_1290 : i32 to vector<16xi32>
      %mul3A_1292 = arith.muli %shift_right_arithmetic3A_1285, %mul3A_1291 : vector<16xi32>
      %add3A_1293 = arith.addi %mul3A_1292, %shift_right_arithmetic3A_1289 : vector<16xi32>
      %add3A_1294 = arith.constant 2080 : i32
      %add3A_1295 = vector.broadcast %add3A_1294 : i32 to vector<16xi32>
      %add3A_1296 = arith.addi %add3A_1293, %add3A_1295 : vector<16xi32>
      %swap3A_1297 = arith.constant 128 : index
      %swap3A_1298 = tpu.vector_load %arg19[%swap3A_1297] {strides = array<i32>} : memref<256xi32, #tpu.memory_space<vmem>>, vector<16xi32>,
      tpu.vector_store %arg19[%swap3A_1297], %add3A_1296 {strides = array<i32>} : memref<256xi32, #tpu.memory_space<vmem>>, vector<16xi32>,
      tpu.vector_store_idx %arg17[%add3A_1296], %gather3A_1084 {add = true} : memref<4096xf32, #tpu.memory_space<vmem>>[vector<16xi32>], vector<16xf32>,
      %broadcast_in_dim3A_1299 = arith.constant 25 : i32
      %broadcast_in_dim3A_1300 = vector.broadcast %broadcast_in_dim3A_1299 : i32 to vector<16xi32>
      %gather3A_1301 = tpu.vector_load_idx %arg21[%broadcast_in_dim3A_1300] : memref<48xi32, #tpu.memory_space<vmem>>[vector<16xi32>], vector<16xi32>,
      %broadcast_in_dim3A_1302 = arith.constant 41 : i32
      %broadcast_in_dim3A_1303 = vector.broadcast %broadcast_in_dim3A_1302 : i32 to vector<16xi32>
      %gather3A_1304 = tpu.vector_load_idx %arg21[%broadcast_in_dim3A_1303] : memref<48xi32, #tpu.memory_space<vmem>>[vector<16xi32>], vector<16xi32>,
      %sub3A_1305 = arith.subi %gather3A_1091, %gather3A_1301 : vector<16xi32>
      %shift_right_arithmetic3A_1306 = arith.constant 2 : i32
      %shift_right_arithmetic3A_1307 = vector.broadcast %shift_right_arithmetic3A_1306 : i32 to vector<16xi32>
      %shift_right_arithmetic3A_1308 = arith.shrsi %sub3A_1305, %shift_right_arithmetic3A_1307 : vector<16xi32>
      %sub3A_1309 = arith.subi %gather3A_1092, %gather3A_1304 : vector<16xi32>
      %shift_right_arithmetic3A_1310 = arith.constant 2 : i32
      %shift_right_arithmetic3A_1311 = vector.broadcast %shift_right_arithmetic3A_1310 : i32 to vector<16xi32>
      %shift_right_arithmetic3A_1312 = arith.shrsi %sub3A_1309, %shift_right_arithmetic3A_1311 : vector<16xi32>
      %mul3A_1313 = arith.constant 64 : i32
      %mul3A_1314 = vector.broadcast %mul3A_1313 : i32 to vector<16xi32>
      %mul3A_1315 = arith.muli %shift_right_arithmetic3A_1308, %mul3A_1314 : vector<16xi32>
      %add3A_1316 = arith.addi %mul3A_1315, %shift_right_arithmetic3A_1312 : vector<16xi32>
      %add3A_1317 = arith.constant 2080 : i32
      %add3A_1318 = vector.broadcast %add3A_1317 : i32 to vector<16xi32>
      %add3A_1319 = arith.addi %add3A_1316, %add3A_1318 : vector<16xi32>
      %swap3A_1320 = arith.constant 144 : index
      %swap3A_1321 = tpu.vector_load %arg19[%swap3A_1320] {strides = array<i32>} : memref<256xi32, #tpu.memory_space<vmem>>, vector<16xi32>,
      tpu.vector_store %arg19[%swap3A_1320], %add3A_1319 {strides = array<i32>} : memref<256xi32, #tpu.memory_space<vmem>>, vector<16xi32>,
      tpu.vector_store_idx %arg17[%add3A_1319], %gather3A_1084 {add = true} : memref<4096xf32, #tpu.memory_space<vmem>>[vector<16xi32>], vector<16xf32>,
      %broadcast_in_dim3A_1322 = arith.constant 26 : i32
      %broadcast_in_dim3A_1323 = vector.broadcast %broadcast_in_dim3A_1322 : i32 to vector<16xi32>
      %gather3A_1324 = tpu.vector_load_idx %arg21[%broadcast_in_dim3A_1323] : memref<48xi32, #tpu.memory_space<vmem>>[vector<16xi32>], vector<16xi32>,
      %broadcast_in_dim3A_1325 = arith.constant 42 : i32
      %broadcast_in_dim3A_1326 = vector.broadcast %broadcast_in_dim3A_1325 : i32 to vector<16xi32>
      %gather3A_1327 = tpu.vector_load_idx %arg21[%broadcast_in_dim3A_1326] : memref<48xi32, #tpu.memory_space<vmem>>[vector<16xi32>], vector<16xi32>,
      %sub3A_1328 = arith.subi %gather3A_1091, %gather3A_1324 : vector<16xi32>
      %shift_right_arithmetic3A_1329 = arith.constant 2 : i32
      %shift_right_arithmetic3A_1330 = vector.broadcast %shift_right_arithmetic3A_1329 : i32 to vector<16xi32>
      %shift_right_arithmetic3A_1331 = arith.shrsi %sub3A_1328, %shift_right_arithmetic3A_1330 : vector<16xi32>
      %sub3A_1332 = arith.subi %gather3A_1092, %gather3A_1327 : vector<16xi32>
      %shift_right_arithmetic3A_1333 = arith.constant 2 : i32
      %shift_right_arithmetic3A_1334 = vector.broadcast %shift_right_arithmetic3A_1333 : i32 to vector<16xi32>
      %shift_right_arithmetic3A_1335 = arith.shrsi %sub3A_1332, %shift_right_arithmetic3A_1334 : vector<16xi32>
      %mul3A_1336 = arith.constant 64 : i32
      %mul3A_1337 = vector.broadcast %mul3A_1336 : i32 to vector<16xi32>
      %mul3A_1338 = arith.muli %shift_right_arithmetic3A_1331, %mul3A_1337 : vector<16xi32>
      %add3A_1339 = arith.addi %mul3A_1338, %shift_right_arithmetic3A_1335 : vector<16xi32>
      %add3A_1340 = arith.constant 2080 : i32
      %add3A_1341 = vector.broadcast %add3A_1340 : i32 to vector<16xi32>
      %add3A_1342 = arith.addi %add3A_1339, %add3A_1341 : vector<16xi32>
      %swap3A_1343 = arith.constant 160 : index
      %swap3A_1344 = tpu.vector_load %arg19[%swap3A_1343] {strides = array<i32>} : memref<256xi32, #tpu.memory_space<vmem>>, vector<16xi32>,
      tpu.vector_store %arg19[%swap3A_1343], %add3A_1342 {strides = array<i32>} : memref<256xi32, #tpu.memory_space<vmem>>, vector<16xi32>,
      tpu.vector_store_idx %arg17[%add3A_1342], %gather3A_1084 {add = true} : memref<4096xf32, #tpu.memory_space<vmem>>[vector<16xi32>], vector<16xf32>,
      %broadcast_in_dim3A_1345 = arith.constant 27 : i32
      %broadcast_in_dim3A_1346 = vector.broadcast %broadcast_in_dim3A_1345 : i32 to vector<16xi32>
      %gather3A_1347 = tpu.vector_load_idx %arg21[%broadcast_in_dim3A_1346] : memref<48xi32, #tpu.memory_space<vmem>>[vector<16xi32>], vector<16xi32>,
      %broadcast_in_dim3A_1348 = arith.constant 43 : i32
      %broadcast_in_dim3A_1349 = vector.broadcast %broadcast_in_dim3A_1348 : i32 to vector<16xi32>
      %gather3A_1350 = tpu.vector_load_idx %arg21[%broadcast_in_dim3A_1349] : memref<48xi32, #tpu.memory_space<vmem>>[vector<16xi32>], vector<16xi32>,
      %sub3A_1351 = arith.subi %gather3A_1091, %gather3A_1347 : vector<16xi32>
      %shift_right_arithmetic3A_1352 = arith.constant 2 : i32
      %shift_right_arithmetic3A_1353 = vector.broadcast %shift_right_arithmetic3A_1352 : i32 to vector<16xi32>
      %shift_right_arithmetic3A_1354 = arith.shrsi %sub3A_1351, %shift_right_arithmetic3A_1353 : vector<16xi32>
      %sub3A_1355 = arith.subi %gather3A_1092, %gather3A_1350 : vector<16xi32>
      %shift_right_arithmetic3A_1356 = arith.constant 2 : i32
      %shift_right_arithmetic3A_1357 = vector.broadcast %shift_right_arithmetic3A_1356 : i32 to vector<16xi32>
      %shift_right_arithmetic3A_1358 = arith.shrsi %sub3A_1355, %shift_right_arithmetic3A_1357 : vector<16xi32>
      %mul3A_1359 = arith.constant 64 : i32
      %mul3A_1360 = vector.broadcast %mul3A_1359 : i32 to vector<16xi32>
      %mul3A_1361 = arith.muli %shift_right_arithmetic3A_1354, %mul3A_1360 : vector<16xi32>
      %add3A_1362 = arith.addi %mul3A_1361, %shift_right_arithmetic3A_1358 : vector<16xi32>
      %add3A_1363 = arith.constant 2080 : i32
      %add3A_1364 = vector.broadcast %add3A_1363 : i32 to vector<16xi32>
      %add3A_1365 = arith.addi %add3A_1362, %add3A_1364 : vector<16xi32>
      %swap3A_1366 = arith.constant 176 : index
      %swap3A_1367 = tpu.vector_load %arg19[%swap3A_1366] {strides = array<i32>} : memref<256xi32, #tpu.memory_space<vmem>>, vector<16xi32>,
      tpu.vector_store %arg19[%swap3A_1366], %add3A_1365 {strides = array<i32>} : memref<256xi32, #tpu.memory_space<vmem>>, vector<16xi32>,
      tpu.vector_store_idx %arg17[%add3A_1365], %gather3A_1084 {add = true} : memref<4096xf32, #tpu.memory_space<vmem>>[vector<16xi32>], vector<16xf32>,
      %broadcast_in_dim3A_1368 = arith.constant 28 : i32
      %broadcast_in_dim3A_1369 = vector.broadcast %broadcast_in_dim3A_1368 : i32 to vector<16xi32>
      %gather3A_1370 = tpu.vector_load_idx %arg21[%broadcast_in_dim3A_1369] : memref<48xi32, #tpu.memory_space<vmem>>[vector<16xi32>], vector<16xi32>,
      %broadcast_in_dim3A_1371 = arith.constant 44 : i32
      %broadcast_in_dim3A_1372 = vector.broadcast %broadcast_in_dim3A_1371 : i32 to vector<16xi32>
      %gather3A_1373 = tpu.vector_load_idx %arg21[%broadcast_in_dim3A_1372] : memref<48xi32, #tpu.memory_space<vmem>>[vector<16xi32>], vector<16xi32>,
      %sub3A_1374 = arith.subi %gather3A_1091, %gather3A_1370 : vector<16xi32>
      %shift_right_arithmetic3A_1375 = arith.constant 2 : i32
      %shift_right_arithmetic3A_1376 = vector.broadcast %shift_right_arithmetic3A_1375 : i32 to vector<16xi32>
      %shift_right_arithmetic3A_1377 = arith.shrsi %sub3A_1374, %shift_right_arithmetic3A_1376 : vector<16xi32>
      %sub3A_1378 = arith.subi %gather3A_1092, %gather3A_1373 : vector<16xi32>
      %shift_right_arithmetic3A_1379 = arith.constant 2 : i32
      %shift_right_arithmetic3A_1380 = vector.broadcast %shift_right_arithmetic3A_1379 : i32 to vector<16xi32>
      %shift_right_arithmetic3A_1381 = arith.shrsi %sub3A_1378, %shift_right_arithmetic3A_1380 : vector<16xi32>
      %mul3A_1382 = arith.constant 64 : i32
      %mul3A_1383 = vector.broadcast %mul3A_1382 : i32 to vector<16xi32>
      %mul3A_1384 = arith.muli %shift_right_arithmetic3A_1377, %mul3A_1383 : vector<16xi32>
      %add3A_1385 = arith.addi %mul3A_1384, %shift_right_arithmetic3A_1381 : vector<16xi32>
      %add3A_1386 = arith.constant 2080 : i32
      %add3A_1387 = vector.broadcast %add3A_1386 : i32 to vector<16xi32>
      %add3A_1388 = arith.addi %add3A_1385, %add3A_1387 : vector<16xi32>
      %swap3A_1389 = arith.constant 192 : index
      %swap3A_1390 = tpu.vector_load %arg19[%swap3A_1389] {strides = array<i32>} : memref<256xi32, #tpu.memory_space<vmem>>, vector<16xi32>,
      tpu.vector_store %arg19[%swap3A_1389], %add3A_1388 {strides = array<i32>} : memref<256xi32, #tpu.memory_space<vmem>>, vector<16xi32>,
      tpu.vector_store_idx %arg17[%add3A_1388], %gather3A_1084 {add = true} : memref<4096xf32, #tpu.memory_space<vmem>>[vector<16xi32>], vector<16xf32>,
      %broadcast_in_dim3A_1391 = arith.constant 29 : i32
      %broadcast_in_dim3A_1392 = vector.broadcast %broadcast_in_dim3A_1391 : i32 to vector<16xi32>
      %gather3A_1393 = tpu.vector_load_idx %arg21[%broadcast_in_dim3A_1392] : memref<48xi32, #tpu.memory_space<vmem>>[vector<16xi32>], vector<16xi32>,
      %broadcast_in_dim3A_1394 = arith.constant 45 : i32
      %broadcast_in_dim3A_1395 = vector.broadcast %broadcast_in_dim3A_1394 : i32 to vector<16xi32>
      %gather3A_1396 = tpu.vector_load_idx %arg21[%broadcast_in_dim3A_1395] : memref<48xi32, #tpu.memory_space<vmem>>[vector<16xi32>], vector<16xi32>,
      %sub3A_1397 = arith.subi %gather3A_1091, %gather3A_1393 : vector<16xi32>
      %shift_right_arithmetic3A_1398 = arith.constant 2 : i32
      %shift_right_arithmetic3A_1399 = vector.broadcast %shift_right_arithmetic3A_1398 : i32 to vector<16xi32>
      %shift_right_arithmetic3A_1400 = arith.shrsi %sub3A_1397, %shift_right_arithmetic3A_1399 : vector<16xi32>
      %sub3A_1401 = arith.subi %gather3A_1092, %gather3A_1396 : vector<16xi32>
      %shift_right_arithmetic3A_1402 = arith.constant 2 : i32
      %shift_right_arithmetic3A_1403 = vector.broadcast %shift_right_arithmetic3A_1402 : i32 to vector<16xi32>
      %shift_right_arithmetic3A_1404 = arith.shrsi %sub3A_1401, %shift_right_arithmetic3A_1403 : vector<16xi32>
      %mul3A_1405 = arith.constant 64 : i32
      %mul3A_1406 = vector.broadcast %mul3A_1405 : i32 to vector<16xi32>
      %mul3A_1407 = arith.muli %shift_right_arithmetic3A_1400, %mul3A_1406 : vector<16xi32>
      %add3A_1408 = arith.addi %mul3A_1407, %shift_right_arithmetic3A_1404 : vector<16xi32>
      %add3A_1409 = arith.constant 2080 : i32
      %add3A_1410 = vector.broadcast %add3A_1409 : i32 to vector<16xi32>
      %add3A_1411 = arith.addi %add3A_1408, %add3A_1410 : vector<16xi32>
      %swap3A_1412 = arith.constant 208 : index
      %swap3A_1413 = tpu.vector_load %arg19[%swap3A_1412] {strides = array<i32>} : memref<256xi32, #tpu.memory_space<vmem>>, vector<16xi32>,
      tpu.vector_store %arg19[%swap3A_1412], %add3A_1411 {strides = array<i32>} : memref<256xi32, #tpu.memory_space<vmem>>, vector<16xi32>,
      tpu.vector_store_idx %arg17[%add3A_1411], %gather3A_1084 {add = true} : memref<4096xf32, #tpu.memory_space<vmem>>[vector<16xi32>], vector<16xf32>,
      %broadcast_in_dim3A_1414 = arith.constant 30 : i32
      %broadcast_in_dim3A_1415 = vector.broadcast %broadcast_in_dim3A_1414 : i32 to vector<16xi32>
      %gather3A_1416 = tpu.vector_load_idx %arg21[%broadcast_in_dim3A_1415] : memref<48xi32, #tpu.memory_space<vmem>>[vector<16xi32>], vector<16xi32>,
      %broadcast_in_dim3A_1417 = arith.constant 46 : i32
      %broadcast_in_dim3A_1418 = vector.broadcast %broadcast_in_dim3A_1417 : i32 to vector<16xi32>
      %gather3A_1419 = tpu.vector_load_idx %arg21[%broadcast_in_dim3A_1418] : memref<48xi32, #tpu.memory_space<vmem>>[vector<16xi32>], vector<16xi32>,
      %sub3A_1420 = arith.subi %gather3A_1091, %gather3A_1416 : vector<16xi32>
      %shift_right_arithmetic3A_1421 = arith.constant 2 : i32
      %shift_right_arithmetic3A_1422 = vector.broadcast %shift_right_arithmetic3A_1421 : i32 to vector<16xi32>
      %shift_right_arithmetic3A_1423 = arith.shrsi %sub3A_1420, %shift_right_arithmetic3A_1422 : vector<16xi32>
      %sub3A_1424 = arith.subi %gather3A_1092, %gather3A_1419 : vector<16xi32>
      %shift_right_arithmetic3A_1425 = arith.constant 2 : i32
      %shift_right_arithmetic3A_1426 = vector.broadcast %shift_right_arithmetic3A_1425 : i32 to vector<16xi32>
      %shift_right_arithmetic3A_1427 = arith.shrsi %sub3A_1424, %shift_right_arithmetic3A_1426 : vector<16xi32>
      %mul3A_1428 = arith.constant 64 : i32
      %mul3A_1429 = vector.broadcast %mul3A_1428 : i32 to vector<16xi32>
      %mul3A_1430 = arith.muli %shift_right_arithmetic3A_1423, %mul3A_1429 : vector<16xi32>
      %add3A_1431 = arith.addi %mul3A_1430, %shift_right_arithmetic3A_1427 : vector<16xi32>
      %add3A_1432 = arith.constant 2080 : i32
      %add3A_1433 = vector.broadcast %add3A_1432 : i32 to vector<16xi32>
      %add3A_1434 = arith.addi %add3A_1431, %add3A_1433 : vector<16xi32>
      %swap3A_1435 = arith.constant 224 : index
      %swap3A_1436 = tpu.vector_load %arg19[%swap3A_1435] {strides = array<i32>} : memref<256xi32, #tpu.memory_space<vmem>>, vector<16xi32>,
      tpu.vector_store %arg19[%swap3A_1435], %add3A_1434 {strides = array<i32>} : memref<256xi32, #tpu.memory_space<vmem>>, vector<16xi32>,
      tpu.vector_store_idx %arg17[%add3A_1434], %gather3A_1084 {add = true} : memref<4096xf32, #tpu.memory_space<vmem>>[vector<16xi32>], vector<16xf32>,
      %broadcast_in_dim3A_1437 = arith.constant 31 : i32
      %broadcast_in_dim3A_1438 = vector.broadcast %broadcast_in_dim3A_1437 : i32 to vector<16xi32>
      %gather3A_1439 = tpu.vector_load_idx %arg21[%broadcast_in_dim3A_1438] : memref<48xi32, #tpu.memory_space<vmem>>[vector<16xi32>], vector<16xi32>,
      %broadcast_in_dim3A_1440 = arith.constant 47 : i32
      %broadcast_in_dim3A_1441 = vector.broadcast %broadcast_in_dim3A_1440 : i32 to vector<16xi32>
      %gather3A_1442 = tpu.vector_load_idx %arg21[%broadcast_in_dim3A_1441] : memref<48xi32, #tpu.memory_space<vmem>>[vector<16xi32>], vector<16xi32>,
      %sub3A_1443 = arith.subi %gather3A_1091, %gather3A_1439 : vector<16xi32>
      %shift_right_arithmetic3A_1444 = arith.constant 2 : i32
      %shift_right_arithmetic3A_1445 = vector.broadcast %shift_right_arithmetic3A_1444 : i32 to vector<16xi32>
      %shift_right_arithmetic3A_1446 = arith.shrsi %sub3A_1443, %shift_right_arithmetic3A_1445 : vector<16xi32>
      %sub3A_1447 = arith.subi %gather3A_1092, %gather3A_1442 : vector<16xi32>
      %shift_right_arithmetic3A_1448 = arith.constant 2 : i32
      %shift_right_arithmetic3A_1449 = vector.broadcast %shift_right_arithmetic3A_1448 : i32 to vector<16xi32>
      %shift_right_arithmetic3A_1450 = arith.shrsi %sub3A_1447, %shift_right_arithmetic3A_1449 : vector<16xi32>
      %mul3A_1451 = arith.constant 64 : i32
      %mul3A_1452 = vector.broadcast %mul3A_1451 : i32 to vector<16xi32>
      %mul3A_1453 = arith.muli %shift_right_arithmetic3A_1446, %mul3A_1452 : vector<16xi32>
      %add3A_1454 = arith.addi %mul3A_1453, %shift_right_arithmetic3A_1450 : vector<16xi32>
      %add3A_1455 = arith.constant 2080 : i32
      %add3A_1456 = vector.broadcast %add3A_1455 : i32 to vector<16xi32>
      %add3A_1457 = arith.addi %add3A_1454, %add3A_1456 : vector<16xi32>
      %swap3A_1458 = arith.constant 240 : index
      %swap3A_1459 = tpu.vector_load %arg19[%swap3A_1458] {strides = array<i32>} : memref<256xi32, #tpu.memory_space<vmem>>, vector<16xi32>,
      tpu.vector_store %arg19[%swap3A_1458], %add3A_1457 {strides = array<i32>} : memref<256xi32, #tpu.memory_space<vmem>>, vector<16xi32>,
      tpu.vector_store_idx %arg17[%add3A_1457], %gather3A_1084 {add = true} : memref<4096xf32, #tpu.memory_space<vmem>>[vector<16xi32>], vector<16xf32>,
      %add3A_1460 = arith.addi %mul3A_34, %add3A_1079 : i32
      %dma_start3A = arith.constant 0 : i32
      %dma_start3A_1461 = tpu.memref_slice %arg9[%add3A_1460, %dma_start3A] : memref<4096x4096xf32, #tpu.memory_space<hbm>> -> memref<1x4096xf32, #tpu.memory_space<hbm>>
      %dma_start3A_1462 = tpu.memref_squeeze %dma_start3A_1461 : memref<1x4096xf32, #tpu.memory_space<hbm>> -> memref<4096xf32, #tpu.memory_space<hbm>>
      %dma_start3A_1463 = arith.constant 0 : i32
      %dma_start3A_1464 = tpu.memref_slice %arg9[%add3A_1460, %dma_start3A_1463] : memref<4096x4096xf32, #tpu.memory_space<hbm>> -> memref<1x4096xf32, #tpu.memory_space<hbm>>
      %dma_start3A_1465 = tpu.memref_squeeze %dma_start3A_1464 : memref<1x4096xf32, #tpu.memory_space<hbm>> -> memref<4096xf32, #tpu.memory_space<hbm>>
      tpu.enqueue_dma source(%arg17 : memref<4096xf32, #tpu.memory_space<vmem>>) target(%dma_start3A_1465 : memref<4096xf32, #tpu.memory_space<hbm>>) target_semaphore(%arg22 : memref<!tpu.dma_semaphore, #tpu.memory_space<semaphore_mem>>)
      %mul3A_1466 = arith.constant 2 : i32
      %mul3A_1467 = arith.muli %scan3A_1075, %mul3A_1466 : i32
      %add3A_1468 = arith.constant 1 : i32
      %add3A_1469 = arith.addi %mul3A_1467, %add3A_1468 : i32
      %gt3A_1470 = arith.constant 0 : i32
      %gt3A_1471 = arith.cmpi sgt, %scan3A_1075, %gt3A_1470 : i32
      %convert_element_type3A_1472 = arith.extui %gt3A_1471 : i1 to i32
      %cond3A_1473 = arith.constant 0 : i32
      %cond3A_1474 = arith.cmpi ne, %convert_element_type3A_1472, %cond3A_1473 : i32
      scf.if %cond3A_1474 {
        %dma_wait3A_1862 = arith.constant 0 : i32
        %dma_wait3A_1863 = tpu.memref_slice %arg9[%mul3A_34, %dma_wait3A_1862] : memref<4096x4096xf32, #tpu.memory_space<hbm>> -> memref<1x4096xf32, #tpu.memory_space<hbm>>
        %dma_wait3A_1864 = tpu.memref_squeeze %dma_wait3A_1863 : memref<1x4096xf32, #tpu.memory_space<hbm>> -> memref<4096xf32, #tpu.memory_space<hbm>>
        %dma_wait3A_1865 = arith.constant 0 : i32
        %dma_wait3A_1866 = tpu.memref_slice %arg9[%mul3A_34, %dma_wait3A_1865] : memref<4096x4096xf32, #tpu.memory_space<hbm>> -> memref<1x4096xf32, #tpu.memory_space<hbm>>
        %dma_wait3A_1867 = tpu.memref_squeeze %dma_wait3A_1866 : memref<1x4096xf32, #tpu.memory_space<hbm>> -> memref<4096xf32, #tpu.memory_space<hbm>>
        tpu.wait_dma2 semaphore(%arg23 : memref<!tpu.dma_semaphore, #tpu.memory_space<semaphore_mem>>) src(%arg18 : memref<4096xf32, #tpu.memory_space<vmem>>) dst(%dma_wait3A_1867 : memref<4096xf32, #tpu.memory_space<hbm>>)
        %sub3A_1868 = arith.constant 2 : i32
        %sub3A_1869 = arith.subi %add3A_1469, %sub3A_1868 : i32
        %broadcast_in_dim3A_1870 = vector.broadcast %sub3A_1869 : i32 to vector<16xi32>
        %gather3A_1871 = tpu.vector_load_idx %arg16[%iota3A, %broadcast_in_dim3A_1870] : memref<16x128xf32, #tpu.memory_space<vmem>>[vector<16xi32>, vector<16xi32>], vector<16xf32>,
        %neg3A = arith.constant 0.000000e+00 : f32
        %neg3A_1872 = vector.broadcast %neg3A : f32 to vector<16xf32>
        %neg3A_1873 = arith.subf %neg3A_1872, %gather3A_1871 : vector<16xf32>
        %get3A = arith.constant 0 : index
        %get3A_1874 = tpu.vector_load %arg20[%get3A] {strides = array<i32>} : memref<256xi32, #tpu.memory_space<vmem>>, vector<16xi32>,
        tpu.vector_store_idx %arg18[%get3A_1874], %neg3A_1873 {add = true} : memref<4096xf32, #tpu.memory_space<vmem>>[vector<16xi32>], vector<16xf32>,
        %get3A_1875 = arith.constant 16 : index
        %get3A_1876 = tpu.vector_load %arg20[%get3A_1875] {strides = array<i32>} : memref<256xi32, #tpu.memory_space<vmem>>, vector<16xi32>,
        tpu.vector_store_idx %arg18[%get3A_1876], %neg3A_1873 {add = true} : memref<4096xf32, #tpu.memory_space<vmem>>[vector<16xi32>], vector<16xf32>,
        %get3A_1877 = arith.constant 32 : index
        %get3A_1878 = tpu.vector_load %arg20[%get3A_1877] {strides = array<i32>} : memref<256xi32, #tpu.memory_space<vmem>>, vector<16xi32>,
        tpu.vector_store_idx %arg18[%get3A_1878], %neg3A_1873 {add = true} : memref<4096xf32, #tpu.memory_space<vmem>>[vector<16xi32>], vector<16xf32>,
        %get3A_1879 = arith.constant 48 : index
        %get3A_1880 = tpu.vector_load %arg20[%get3A_1879] {strides = array<i32>} : memref<256xi32, #tpu.memory_space<vmem>>, vector<16xi32>,
        tpu.vector_store_idx %arg18[%get3A_1880], %neg3A_1873 {add = true} : memref<4096xf32, #tpu.memory_space<vmem>>[vector<16xi32>], vector<16xf32>,
        %get3A_1881 = arith.constant 64 : index
        %get3A_1882 = tpu.vector_load %arg20[%get3A_1881] {strides = array<i32>} : memref<256xi32, #tpu.memory_space<vmem>>, vector<16xi32>,
        tpu.vector_store_idx %arg18[%get3A_1882], %neg3A_1873 {add = true} : memref<4096xf32, #tpu.memory_space<vmem>>[vector<16xi32>], vector<16xf32>,
        %get3A_1883 = arith.constant 80 : index
        %get3A_1884 = tpu.vector_load %arg20[%get3A_1883] {strides = array<i32>} : memref<256xi32, #tpu.memory_space<vmem>>, vector<16xi32>,
        tpu.vector_store_idx %arg18[%get3A_1884], %neg3A_1873 {add = true} : memref<4096xf32, #tpu.memory_space<vmem>>[vector<16xi32>], vector<16xf32>,
        %get3A_1885 = arith.constant 96 : index
        %get3A_1886 = tpu.vector_load %arg20[%get3A_1885] {strides = array<i32>} : memref<256xi32, #tpu.memory_space<vmem>>, vector<16xi32>,
        tpu.vector_store_idx %arg18[%get3A_1886], %neg3A_1873 {add = true} : memref<4096xf32, #tpu.memory_space<vmem>>[vector<16xi32>], vector<16xf32>,
        %get3A_1887 = arith.constant 112 : index
        %get3A_1888 = tpu.vector_load %arg20[%get3A_1887] {strides = array<i32>} : memref<256xi32, #tpu.memory_space<vmem>>, vector<16xi32>,
        tpu.vector_store_idx %arg18[%get3A_1888], %neg3A_1873 {add = true} : memref<4096xf32, #tpu.memory_space<vmem>>[vector<16xi32>], vector<16xf32>,
        %get3A_1889 = arith.constant 128 : index
        %get3A_1890 = tpu.vector_load %arg20[%get3A_1889] {strides = array<i32>} : memref<256xi32, #tpu.memory_space<vmem>>, vector<16xi32>,
        tpu.vector_store_idx %arg18[%get3A_1890], %neg3A_1873 {add = true} : memref<4096xf32, #tpu.memory_space<vmem>>[vector<16xi32>], vector<16xf32>,
        %get3A_1891 = arith.constant 144 : index
        %get3A_1892 = tpu.vector_load %arg20[%get3A_1891] {strides = array<i32>} : memref<256xi32, #tpu.memory_space<vmem>>, vector<16xi32>,
        tpu.vector_store_idx %arg18[%get3A_1892], %neg3A_1873 {add = true} : memref<4096xf32, #tpu.memory_space<vmem>>[vector<16xi32>], vector<16xf32>,
        %get3A_1893 = arith.constant 160 : index
        %get3A_1894 = tpu.vector_load %arg20[%get3A_1893] {strides = array<i32>} : memref<256xi32, #tpu.memory_space<vmem>>, vector<16xi32>,
        tpu.vector_store_idx %arg18[%get3A_1894], %neg3A_1873 {add = true} : memref<4096xf32, #tpu.memory_space<vmem>>[vector<16xi32>], vector<16xf32>,
        %get3A_1895 = arith.constant 176 : index
        %get3A_1896 = tpu.vector_load %arg20[%get3A_1895] {strides = array<i32>} : memref<256xi32, #tpu.memory_space<vmem>>, vector<16xi32>,
        tpu.vector_store_idx %arg18[%get3A_1896], %neg3A_1873 {add = true} : memref<4096xf32, #tpu.memory_space<vmem>>[vector<16xi32>], vector<16xf32>,
        %get3A_1897 = arith.constant 192 : index
        %get3A_1898 = tpu.vector_load %arg20[%get3A_1897] {strides = array<i32>} : memref<256xi32, #tpu.memory_space<vmem>>, vector<16xi32>,
        tpu.vector_store_idx %arg18[%get3A_1898], %neg3A_1873 {add = true} : memref<4096xf32, #tpu.memory_space<vmem>>[vector<16xi32>], vector<16xf32>,
        %get3A_1899 = arith.constant 208 : index
        %get3A_1900 = tpu.vector_load %arg20[%get3A_1899] {strides = array<i32>} : memref<256xi32, #tpu.memory_space<vmem>>, vector<16xi32>,
        tpu.vector_store_idx %arg18[%get3A_1900], %neg3A_1873 {add = true} : memref<4096xf32, #tpu.memory_space<vmem>>[vector<16xi32>], vector<16xf32>,
        %get3A_1901 = arith.constant 224 : index
        %get3A_1902 = tpu.vector_load %arg20[%get3A_1901] {strides = array<i32>} : memref<256xi32, #tpu.memory_space<vmem>>, vector<16xi32>,
        tpu.vector_store_idx %arg18[%get3A_1902], %neg3A_1873 {add = true} : memref<4096xf32, #tpu.memory_space<vmem>>[vector<16xi32>], vector<16xf32>,
        %get3A_1903 = arith.constant 240 : index
        %get3A_1904 = tpu.vector_load %arg20[%get3A_1903] {strides = array<i32>} : memref<256xi32, #tpu.memory_space<vmem>>, vector<16xi32>,
        tpu.vector_store_idx %arg18[%get3A_1904], %neg3A_1873 {add = true} : memref<4096xf32, #tpu.memory_space<vmem>>[vector<16xi32>], vector<16xf32>,
      } else {
      }
      %broadcast_in_dim3A_1475 = vector.broadcast %add3A_1469 : i32 to vector<16xi32>
      %gather3A_1476 = tpu.vector_load_idx %arg14[%iota3A, %broadcast_in_dim3A_1475] : memref<16x128xi32, #tpu.memory_space<vmem>>[vector<16xi32>, vector<16xi32>], vector<16xi32>,
      %gather3A_1477 = tpu.vector_load_idx %arg15[%iota3A, %broadcast_in_dim3A_1475] : memref<16x128xi32, #tpu.memory_space<vmem>>[vector<16xi32>, vector<16xi32>], vector<16xi32>,
      %gather3A_1478 = tpu.vector_load_idx %arg16[%iota3A, %broadcast_in_dim3A_1475] : memref<16x128xf32, #tpu.memory_space<vmem>>[vector<16xi32>, vector<16xi32>], vector<16xf32>,
      %gather3A_1479 = tpu.vector_load_idx %arg10[%gather3A_1476] : memref<2048xi32, #tpu.memory_space<vmem>>[vector<16xi32>], vector<16xi32>,
      %swap3A_1480 = arith.constant 16 : index
      %swap3A_1481 = tpu.vector_load %arg21[%swap3A_1480] {strides = array<i32>} : memref<48xi32, #tpu.memory_space<vmem>>, vector<16xi32>,
      tpu.vector_store %arg21[%swap3A_1480], %gather3A_1479 {strides = array<i32>} : memref<48xi32, #tpu.memory_space<vmem>>, vector<16xi32>,
      %gather3A_1482 = tpu.vector_load_idx %arg11[%gather3A_1476] : memref<2048xi32, #tpu.memory_space<vmem>>[vector<16xi32>], vector<16xi32>,
      %swap3A_1483 = arith.constant 32 : index
      %swap3A_1484 = tpu.vector_load %arg21[%swap3A_1483] {strides = array<i32>} : memref<48xi32, #tpu.memory_space<vmem>>, vector<16xi32>,
      tpu.vector_store %arg21[%swap3A_1483], %gather3A_1482 {strides = array<i32>} : memref<48xi32, #tpu.memory_space<vmem>>, vector<16xi32>,
      %gather3A_1485 = tpu.vector_load_idx %arg12[%gather3A_1477] : memref<2048xi32, #tpu.memory_space<vmem>>[vector<16xi32>], vector<16xi32>,
      %gather3A_1486 = tpu.vector_load_idx %arg13[%gather3A_1477] : memref<2048xi32, #tpu.memory_space<vmem>>[vector<16xi32>], vector<16xi32>,
      %broadcast_in_dim3A_1487 = arith.constant 16 : i32
      %broadcast_in_dim3A_1488 = vector.broadcast %broadcast_in_dim3A_1487 : i32 to vector<16xi32>
      %gather3A_1489 = tpu.vector_load_idx %arg21[%broadcast_in_dim3A_1488] : memref<48xi32, #tpu.memory_space<vmem>>[vector<16xi32>], vector<16xi32>,
      %broadcast_in_dim3A_1490 = arith.constant 32 : i32
      %broadcast_in_dim3A_1491 = vector.broadcast %broadcast_in_dim3A_1490 : i32 to vector<16xi32>
      %gather3A_1492 = tpu.vector_load_idx %arg21[%broadcast_in_dim3A_1491] : memref<48xi32, #tpu.memory_space<vmem>>[vector<16xi32>], vector<16xi32>,
      %sub3A_1493 = arith.subi %gather3A_1485, %gather3A_1489 : vector<16xi32>
      %shift_right_arithmetic3A_1494 = arith.constant 2 : i32
      %shift_right_arithmetic3A_1495 = vector.broadcast %shift_right_arithmetic3A_1494 : i32 to vector<16xi32>
      %shift_right_arithmetic3A_1496 = arith.shrsi %sub3A_1493, %shift_right_arithmetic3A_1495 : vector<16xi32>
      %sub3A_1497 = arith.subi %gather3A_1486, %gather3A_1492 : vector<16xi32>
      %shift_right_arithmetic3A_1498 = arith.constant 2 : i32
      %shift_right_arithmetic3A_1499 = vector.broadcast %shift_right_arithmetic3A_1498 : i32 to vector<16xi32>
      %shift_right_arithmetic3A_1500 = arith.shrsi %sub3A_1497, %shift_right_arithmetic3A_1499 : vector<16xi32>
      %mul3A_1501 = arith.constant 64 : i32
      %mul3A_1502 = vector.broadcast %mul3A_1501 : i32 to vector<16xi32>
      %mul3A_1503 = arith.muli %shift_right_arithmetic3A_1496, %mul3A_1502 : vector<16xi32>
      %add3A_1504 = arith.addi %mul3A_1503, %shift_right_arithmetic3A_1500 : vector<16xi32>
      %add3A_1505 = arith.constant 2080 : i32
      %add3A_1506 = vector.broadcast %add3A_1505 : i32 to vector<16xi32>
      %add3A_1507 = arith.addi %add3A_1504, %add3A_1506 : vector<16xi32>
      %swap3A_1508 = arith.constant 0 : index
      %swap3A_1509 = tpu.vector_load %arg20[%swap3A_1508] {strides = array<i32>} : memref<256xi32, #tpu.memory_space<vmem>>, vector<16xi32>,
      tpu.vector_store %arg20[%swap3A_1508], %add3A_1507 {strides = array<i32>} : memref<256xi32, #tpu.memory_space<vmem>>, vector<16xi32>,
      tpu.vector_store_idx %arg18[%add3A_1507], %gather3A_1478 {add = true} : memref<4096xf32, #tpu.memory_space<vmem>>[vector<16xi32>], vector<16xf32>,
      %broadcast_in_dim3A_1510 = arith.constant 17 : i32
      %broadcast_in_dim3A_1511 = vector.broadcast %broadcast_in_dim3A_1510 : i32 to vector<16xi32>
      %gather3A_1512 = tpu.vector_load_idx %arg21[%broadcast_in_dim3A_1511] : memref<48xi32, #tpu.memory_space<vmem>>[vector<16xi32>], vector<16xi32>,
      %broadcast_in_dim3A_1513 = arith.constant 33 : i32
      %broadcast_in_dim3A_1514 = vector.broadcast %broadcast_in_dim3A_1513 : i32 to vector<16xi32>
      %gather3A_1515 = tpu.vector_load_idx %arg21[%broadcast_in_dim3A_1514] : memref<48xi32, #tpu.memory_space<vmem>>[vector<16xi32>], vector<16xi32>,
      %sub3A_1516 = arith.subi %gather3A_1485, %gather3A_1512 : vector<16xi32>
      %shift_right_arithmetic3A_1517 = arith.constant 2 : i32
      %shift_right_arithmetic3A_1518 = vector.broadcast %shift_right_arithmetic3A_1517 : i32 to vector<16xi32>
      %shift_right_arithmetic3A_1519 = arith.shrsi %sub3A_1516, %shift_right_arithmetic3A_1518 : vector<16xi32>
      %sub3A_1520 = arith.subi %gather3A_1486, %gather3A_1515 : vector<16xi32>
      %shift_right_arithmetic3A_1521 = arith.constant 2 : i32
      %shift_right_arithmetic3A_1522 = vector.broadcast %shift_right_arithmetic3A_1521 : i32 to vector<16xi32>
      %shift_right_arithmetic3A_1523 = arith.shrsi %sub3A_1520, %shift_right_arithmetic3A_1522 : vector<16xi32>
      %mul3A_1524 = arith.constant 64 : i32
      %mul3A_1525 = vector.broadcast %mul3A_1524 : i32 to vector<16xi32>
      %mul3A_1526 = arith.muli %shift_right_arithmetic3A_1519, %mul3A_1525 : vector<16xi32>
      %add3A_1527 = arith.addi %mul3A_1526, %shift_right_arithmetic3A_1523 : vector<16xi32>
      %add3A_1528 = arith.constant 2080 : i32
      %add3A_1529 = vector.broadcast %add3A_1528 : i32 to vector<16xi32>
      %add3A_1530 = arith.addi %add3A_1527, %add3A_1529 : vector<16xi32>
      %swap3A_1531 = arith.constant 16 : index
      %swap3A_1532 = tpu.vector_load %arg20[%swap3A_1531] {strides = array<i32>} : memref<256xi32, #tpu.memory_space<vmem>>, vector<16xi32>,
      tpu.vector_store %arg20[%swap3A_1531], %add3A_1530 {strides = array<i32>} : memref<256xi32, #tpu.memory_space<vmem>>, vector<16xi32>,
      tpu.vector_store_idx %arg18[%add3A_1530], %gather3A_1478 {add = true} : memref<4096xf32, #tpu.memory_space<vmem>>[vector<16xi32>], vector<16xf32>,
      %broadcast_in_dim3A_1533 = arith.constant 18 : i32
      %broadcast_in_dim3A_1534 = vector.broadcast %broadcast_in_dim3A_1533 : i32 to vector<16xi32>
      %gather3A_1535 = tpu.vector_load_idx %arg21[%broadcast_in_dim3A_1534] : memref<48xi32, #tpu.memory_space<vmem>>[vector<16xi32>], vector<16xi32>,
      %broadcast_in_dim3A_1536 = arith.constant 34 : i32
      %broadcast_in_dim3A_1537 = vector.broadcast %broadcast_in_dim3A_1536 : i32 to vector<16xi32>
      %gather3A_1538 = tpu.vector_load_idx %arg21[%broadcast_in_dim3A_1537] : memref<48xi32, #tpu.memory_space<vmem>>[vector<16xi32>], vector<16xi32>,
      %sub3A_1539 = arith.subi %gather3A_1485, %gather3A_1535 : vector<16xi32>
      %shift_right_arithmetic3A_1540 = arith.constant 2 : i32
      %shift_right_arithmetic3A_1541 = vector.broadcast %shift_right_arithmetic3A_1540 : i32 to vector<16xi32>
      %shift_right_arithmetic3A_1542 = arith.shrsi %sub3A_1539, %shift_right_arithmetic3A_1541 : vector<16xi32>
      %sub3A_1543 = arith.subi %gather3A_1486, %gather3A_1538 : vector<16xi32>
      %shift_right_arithmetic3A_1544 = arith.constant 2 : i32
      %shift_right_arithmetic3A_1545 = vector.broadcast %shift_right_arithmetic3A_1544 : i32 to vector<16xi32>
      %shift_right_arithmetic3A_1546 = arith.shrsi %sub3A_1543, %shift_right_arithmetic3A_1545 : vector<16xi32>
      %mul3A_1547 = arith.constant 64 : i32
      %mul3A_1548 = vector.broadcast %mul3A_1547 : i32 to vector<16xi32>
      %mul3A_1549 = arith.muli %shift_right_arithmetic3A_1542, %mul3A_1548 : vector<16xi32>
      %add3A_1550 = arith.addi %mul3A_1549, %shift_right_arithmetic3A_1546 : vector<16xi32>
      %add3A_1551 = arith.constant 2080 : i32
      %add3A_1552 = vector.broadcast %add3A_1551 : i32 to vector<16xi32>
      %add3A_1553 = arith.addi %add3A_1550, %add3A_1552 : vector<16xi32>
      %swap3A_1554 = arith.constant 32 : index
      %swap3A_1555 = tpu.vector_load %arg20[%swap3A_1554] {strides = array<i32>} : memref<256xi32, #tpu.memory_space<vmem>>, vector<16xi32>,
      tpu.vector_store %arg20[%swap3A_1554], %add3A_1553 {strides = array<i32>} : memref<256xi32, #tpu.memory_space<vmem>>, vector<16xi32>,
      tpu.vector_store_idx %arg18[%add3A_1553], %gather3A_1478 {add = true} : memref<4096xf32, #tpu.memory_space<vmem>>[vector<16xi32>], vector<16xf32>,
      %broadcast_in_dim3A_1556 = arith.constant 19 : i32
      %broadcast_in_dim3A_1557 = vector.broadcast %broadcast_in_dim3A_1556 : i32 to vector<16xi32>
      %gather3A_1558 = tpu.vector_load_idx %arg21[%broadcast_in_dim3A_1557] : memref<48xi32, #tpu.memory_space<vmem>>[vector<16xi32>], vector<16xi32>,
      %broadcast_in_dim3A_1559 = arith.constant 35 : i32
      %broadcast_in_dim3A_1560 = vector.broadcast %broadcast_in_dim3A_1559 : i32 to vector<16xi32>
      %gather3A_1561 = tpu.vector_load_idx %arg21[%broadcast_in_dim3A_1560] : memref<48xi32, #tpu.memory_space<vmem>>[vector<16xi32>], vector<16xi32>,
      %sub3A_1562 = arith.subi %gather3A_1485, %gather3A_1558 : vector<16xi32>
      %shift_right_arithmetic3A_1563 = arith.constant 2 : i32
      %shift_right_arithmetic3A_1564 = vector.broadcast %shift_right_arithmetic3A_1563 : i32 to vector<16xi32>
      %shift_right_arithmetic3A_1565 = arith.shrsi %sub3A_1562, %shift_right_arithmetic3A_1564 : vector<16xi32>
      %sub3A_1566 = arith.subi %gather3A_1486, %gather3A_1561 : vector<16xi32>
      %shift_right_arithmetic3A_1567 = arith.constant 2 : i32
      %shift_right_arithmetic3A_1568 = vector.broadcast %shift_right_arithmetic3A_1567 : i32 to vector<16xi32>
      %shift_right_arithmetic3A_1569 = arith.shrsi %sub3A_1566, %shift_right_arithmetic3A_1568 : vector<16xi32>
      %mul3A_1570 = arith.constant 64 : i32
      %mul3A_1571 = vector.broadcast %mul3A_1570 : i32 to vector<16xi32>
      %mul3A_1572 = arith.muli %shift_right_arithmetic3A_1565, %mul3A_1571 : vector<16xi32>
      %add3A_1573 = arith.addi %mul3A_1572, %shift_right_arithmetic3A_1569 : vector<16xi32>
      %add3A_1574 = arith.constant 2080 : i32
      %add3A_1575 = vector.broadcast %add3A_1574 : i32 to vector<16xi32>
      %add3A_1576 = arith.addi %add3A_1573, %add3A_1575 : vector<16xi32>
      %swap3A_1577 = arith.constant 48 : index
      %swap3A_1578 = tpu.vector_load %arg20[%swap3A_1577] {strides = array<i32>} : memref<256xi32, #tpu.memory_space<vmem>>, vector<16xi32>,
      tpu.vector_store %arg20[%swap3A_1577], %add3A_1576 {strides = array<i32>} : memref<256xi32, #tpu.memory_space<vmem>>, vector<16xi32>,
      tpu.vector_store_idx %arg18[%add3A_1576], %gather3A_1478 {add = true} : memref<4096xf32, #tpu.memory_space<vmem>>[vector<16xi32>], vector<16xf32>,
      %broadcast_in_dim3A_1579 = arith.constant 20 : i32
      %broadcast_in_dim3A_1580 = vector.broadcast %broadcast_in_dim3A_1579 : i32 to vector<16xi32>
      %gather3A_1581 = tpu.vector_load_idx %arg21[%broadcast_in_dim3A_1580] : memref<48xi32, #tpu.memory_space<vmem>>[vector<16xi32>], vector<16xi32>,
      %broadcast_in_dim3A_1582 = arith.constant 36 : i32
      %broadcast_in_dim3A_1583 = vector.broadcast %broadcast_in_dim3A_1582 : i32 to vector<16xi32>
      %gather3A_1584 = tpu.vector_load_idx %arg21[%broadcast_in_dim3A_1583] : memref<48xi32, #tpu.memory_space<vmem>>[vector<16xi32>], vector<16xi32>,
      %sub3A_1585 = arith.subi %gather3A_1485, %gather3A_1581 : vector<16xi32>
      %shift_right_arithmetic3A_1586 = arith.constant 2 : i32
      %shift_right_arithmetic3A_1587 = vector.broadcast %shift_right_arithmetic3A_1586 : i32 to vector<16xi32>
      %shift_right_arithmetic3A_1588 = arith.shrsi %sub3A_1585, %shift_right_arithmetic3A_1587 : vector<16xi32>
      %sub3A_1589 = arith.subi %gather3A_1486, %gather3A_1584 : vector<16xi32>
      %shift_right_arithmetic3A_1590 = arith.constant 2 : i32
      %shift_right_arithmetic3A_1591 = vector.broadcast %shift_right_arithmetic3A_1590 : i32 to vector<16xi32>
      %shift_right_arithmetic3A_1592 = arith.shrsi %sub3A_1589, %shift_right_arithmetic3A_1591 : vector<16xi32>
      %mul3A_1593 = arith.constant 64 : i32
      %mul3A_1594 = vector.broadcast %mul3A_1593 : i32 to vector<16xi32>
      %mul3A_1595 = arith.muli %shift_right_arithmetic3A_1588, %mul3A_1594 : vector<16xi32>
      %add3A_1596 = arith.addi %mul3A_1595, %shift_right_arithmetic3A_1592 : vector<16xi32>
      %add3A_1597 = arith.constant 2080 : i32
      %add3A_1598 = vector.broadcast %add3A_1597 : i32 to vector<16xi32>
      %add3A_1599 = arith.addi %add3A_1596, %add3A_1598 : vector<16xi32>
      %swap3A_1600 = arith.constant 64 : index
      %swap3A_1601 = tpu.vector_load %arg20[%swap3A_1600] {strides = array<i32>} : memref<256xi32, #tpu.memory_space<vmem>>, vector<16xi32>,
      tpu.vector_store %arg20[%swap3A_1600], %add3A_1599 {strides = array<i32>} : memref<256xi32, #tpu.memory_space<vmem>>, vector<16xi32>,
      tpu.vector_store_idx %arg18[%add3A_1599], %gather3A_1478 {add = true} : memref<4096xf32, #tpu.memory_space<vmem>>[vector<16xi32>], vector<16xf32>,
      %broadcast_in_dim3A_1602 = arith.constant 21 : i32
      %broadcast_in_dim3A_1603 = vector.broadcast %broadcast_in_dim3A_1602 : i32 to vector<16xi32>
      %gather3A_1604 = tpu.vector_load_idx %arg21[%broadcast_in_dim3A_1603] : memref<48xi32, #tpu.memory_space<vmem>>[vector<16xi32>], vector<16xi32>,
      %broadcast_in_dim3A_1605 = arith.constant 37 : i32
      %broadcast_in_dim3A_1606 = vector.broadcast %broadcast_in_dim3A_1605 : i32 to vector<16xi32>
      %gather3A_1607 = tpu.vector_load_idx %arg21[%broadcast_in_dim3A_1606] : memref<48xi32, #tpu.memory_space<vmem>>[vector<16xi32>], vector<16xi32>,
      %sub3A_1608 = arith.subi %gather3A_1485, %gather3A_1604 : vector<16xi32>
      %shift_right_arithmetic3A_1609 = arith.constant 2 : i32
      %shift_right_arithmetic3A_1610 = vector.broadcast %shift_right_arithmetic3A_1609 : i32 to vector<16xi32>
      %shift_right_arithmetic3A_1611 = arith.shrsi %sub3A_1608, %shift_right_arithmetic3A_1610 : vector<16xi32>
      %sub3A_1612 = arith.subi %gather3A_1486, %gather3A_1607 : vector<16xi32>
      %shift_right_arithmetic3A_1613 = arith.constant 2 : i32
      %shift_right_arithmetic3A_1614 = vector.broadcast %shift_right_arithmetic3A_1613 : i32 to vector<16xi32>
      %shift_right_arithmetic3A_1615 = arith.shrsi %sub3A_1612, %shift_right_arithmetic3A_1614 : vector<16xi32>
      %mul3A_1616 = arith.constant 64 : i32
      %mul3A_1617 = vector.broadcast %mul3A_1616 : i32 to vector<16xi32>
      %mul3A_1618 = arith.muli %shift_right_arithmetic3A_1611, %mul3A_1617 : vector<16xi32>
      %add3A_1619 = arith.addi %mul3A_1618, %shift_right_arithmetic3A_1615 : vector<16xi32>
      %add3A_1620 = arith.constant 2080 : i32
      %add3A_1621 = vector.broadcast %add3A_1620 : i32 to vector<16xi32>
      %add3A_1622 = arith.addi %add3A_1619, %add3A_1621 : vector<16xi32>
      %swap3A_1623 = arith.constant 80 : index
      %swap3A_1624 = tpu.vector_load %arg20[%swap3A_1623] {strides = array<i32>} : memref<256xi32, #tpu.memory_space<vmem>>, vector<16xi32>,
      tpu.vector_store %arg20[%swap3A_1623], %add3A_1622 {strides = array<i32>} : memref<256xi32, #tpu.memory_space<vmem>>, vector<16xi32>,
      tpu.vector_store_idx %arg18[%add3A_1622], %gather3A_1478 {add = true} : memref<4096xf32, #tpu.memory_space<vmem>>[vector<16xi32>], vector<16xf32>,
      %broadcast_in_dim3A_1625 = arith.constant 22 : i32
      %broadcast_in_dim3A_1626 = vector.broadcast %broadcast_in_dim3A_1625 : i32 to vector<16xi32>
      %gather3A_1627 = tpu.vector_load_idx %arg21[%broadcast_in_dim3A_1626] : memref<48xi32, #tpu.memory_space<vmem>>[vector<16xi32>], vector<16xi32>,
      %broadcast_in_dim3A_1628 = arith.constant 38 : i32
      %broadcast_in_dim3A_1629 = vector.broadcast %broadcast_in_dim3A_1628 : i32 to vector<16xi32>
      %gather3A_1630 = tpu.vector_load_idx %arg21[%broadcast_in_dim3A_1629] : memref<48xi32, #tpu.memory_space<vmem>>[vector<16xi32>], vector<16xi32>,
      %sub3A_1631 = arith.subi %gather3A_1485, %gather3A_1627 : vector<16xi32>
      %shift_right_arithmetic3A_1632 = arith.constant 2 : i32
      %shift_right_arithmetic3A_1633 = vector.broadcast %shift_right_arithmetic3A_1632 : i32 to vector<16xi32>
      %shift_right_arithmetic3A_1634 = arith.shrsi %sub3A_1631, %shift_right_arithmetic3A_1633 : vector<16xi32>
      %sub3A_1635 = arith.subi %gather3A_1486, %gather3A_1630 : vector<16xi32>
      %shift_right_arithmetic3A_1636 = arith.constant 2 : i32
      %shift_right_arithmetic3A_1637 = vector.broadcast %shift_right_arithmetic3A_1636 : i32 to vector<16xi32>
      %shift_right_arithmetic3A_1638 = arith.shrsi %sub3A_1635, %shift_right_arithmetic3A_1637 : vector<16xi32>
      %mul3A_1639 = arith.constant 64 : i32
      %mul3A_1640 = vector.broadcast %mul3A_1639 : i32 to vector<16xi32>
      %mul3A_1641 = arith.muli %shift_right_arithmetic3A_1634, %mul3A_1640 : vector<16xi32>
      %add3A_1642 = arith.addi %mul3A_1641, %shift_right_arithmetic3A_1638 : vector<16xi32>
      %add3A_1643 = arith.constant 2080 : i32
      %add3A_1644 = vector.broadcast %add3A_1643 : i32 to vector<16xi32>
      %add3A_1645 = arith.addi %add3A_1642, %add3A_1644 : vector<16xi32>
      %swap3A_1646 = arith.constant 96 : index
      %swap3A_1647 = tpu.vector_load %arg20[%swap3A_1646] {strides = array<i32>} : memref<256xi32, #tpu.memory_space<vmem>>, vector<16xi32>,
      tpu.vector_store %arg20[%swap3A_1646], %add3A_1645 {strides = array<i32>} : memref<256xi32, #tpu.memory_space<vmem>>, vector<16xi32>,
      tpu.vector_store_idx %arg18[%add3A_1645], %gather3A_1478 {add = true} : memref<4096xf32, #tpu.memory_space<vmem>>[vector<16xi32>], vector<16xf32>,
      %broadcast_in_dim3A_1648 = arith.constant 23 : i32
      %broadcast_in_dim3A_1649 = vector.broadcast %broadcast_in_dim3A_1648 : i32 to vector<16xi32>
      %gather3A_1650 = tpu.vector_load_idx %arg21[%broadcast_in_dim3A_1649] : memref<48xi32, #tpu.memory_space<vmem>>[vector<16xi32>], vector<16xi32>,
      %broadcast_in_dim3A_1651 = arith.constant 39 : i32
      %broadcast_in_dim3A_1652 = vector.broadcast %broadcast_in_dim3A_1651 : i32 to vector<16xi32>
      %gather3A_1653 = tpu.vector_load_idx %arg21[%broadcast_in_dim3A_1652] : memref<48xi32, #tpu.memory_space<vmem>>[vector<16xi32>], vector<16xi32>,
      %sub3A_1654 = arith.subi %gather3A_1485, %gather3A_1650 : vector<16xi32>
      %shift_right_arithmetic3A_1655 = arith.constant 2 : i32
      %shift_right_arithmetic3A_1656 = vector.broadcast %shift_right_arithmetic3A_1655 : i32 to vector<16xi32>
      %shift_right_arithmetic3A_1657 = arith.shrsi %sub3A_1654, %shift_right_arithmetic3A_1656 : vector<16xi32>
      %sub3A_1658 = arith.subi %gather3A_1486, %gather3A_1653 : vector<16xi32>
      %shift_right_arithmetic3A_1659 = arith.constant 2 : i32
      %shift_right_arithmetic3A_1660 = vector.broadcast %shift_right_arithmetic3A_1659 : i32 to vector<16xi32>
      %shift_right_arithmetic3A_1661 = arith.shrsi %sub3A_1658, %shift_right_arithmetic3A_1660 : vector<16xi32>
      %mul3A_1662 = arith.constant 64 : i32
      %mul3A_1663 = vector.broadcast %mul3A_1662 : i32 to vector<16xi32>
      %mul3A_1664 = arith.muli %shift_right_arithmetic3A_1657, %mul3A_1663 : vector<16xi32>
      %add3A_1665 = arith.addi %mul3A_1664, %shift_right_arithmetic3A_1661 : vector<16xi32>
      %add3A_1666 = arith.constant 2080 : i32
      %add3A_1667 = vector.broadcast %add3A_1666 : i32 to vector<16xi32>
      %add3A_1668 = arith.addi %add3A_1665, %add3A_1667 : vector<16xi32>
      %swap3A_1669 = arith.constant 112 : index
      %swap3A_1670 = tpu.vector_load %arg20[%swap3A_1669] {strides = array<i32>} : memref<256xi32, #tpu.memory_space<vmem>>, vector<16xi32>,
      tpu.vector_store %arg20[%swap3A_1669], %add3A_1668 {strides = array<i32>} : memref<256xi32, #tpu.memory_space<vmem>>, vector<16xi32>,
      tpu.vector_store_idx %arg18[%add3A_1668], %gather3A_1478 {add = true} : memref<4096xf32, #tpu.memory_space<vmem>>[vector<16xi32>], vector<16xf32>,
      %broadcast_in_dim3A_1671 = arith.constant 24 : i32
      %broadcast_in_dim3A_1672 = vector.broadcast %broadcast_in_dim3A_1671 : i32 to vector<16xi32>
      %gather3A_1673 = tpu.vector_load_idx %arg21[%broadcast_in_dim3A_1672] : memref<48xi32, #tpu.memory_space<vmem>>[vector<16xi32>], vector<16xi32>,
      %broadcast_in_dim3A_1674 = arith.constant 40 : i32
      %broadcast_in_dim3A_1675 = vector.broadcast %broadcast_in_dim3A_1674 : i32 to vector<16xi32>
      %gather3A_1676 = tpu.vector_load_idx %arg21[%broadcast_in_dim3A_1675] : memref<48xi32, #tpu.memory_space<vmem>>[vector<16xi32>], vector<16xi32>,
      %sub3A_1677 = arith.subi %gather3A_1485, %gather3A_1673 : vector<16xi32>
      %shift_right_arithmetic3A_1678 = arith.constant 2 : i32
      %shift_right_arithmetic3A_1679 = vector.broadcast %shift_right_arithmetic3A_1678 : i32 to vector<16xi32>
      %shift_right_arithmetic3A_1680 = arith.shrsi %sub3A_1677, %shift_right_arithmetic3A_1679 : vector<16xi32>
      %sub3A_1681 = arith.subi %gather3A_1486, %gather3A_1676 : vector<16xi32>
      %shift_right_arithmetic3A_1682 = arith.constant 2 : i32
      %shift_right_arithmetic3A_1683 = vector.broadcast %shift_right_arithmetic3A_1682 : i32 to vector<16xi32>
      %shift_right_arithmetic3A_1684 = arith.shrsi %sub3A_1681, %shift_right_arithmetic3A_1683 : vector<16xi32>
      %mul3A_1685 = arith.constant 64 : i32
      %mul3A_1686 = vector.broadcast %mul3A_1685 : i32 to vector<16xi32>
      %mul3A_1687 = arith.muli %shift_right_arithmetic3A_1680, %mul3A_1686 : vector<16xi32>
      %add3A_1688 = arith.addi %mul3A_1687, %shift_right_arithmetic3A_1684 : vector<16xi32>
      %add3A_1689 = arith.constant 2080 : i32
      %add3A_1690 = vector.broadcast %add3A_1689 : i32 to vector<16xi32>
      %add3A_1691 = arith.addi %add3A_1688, %add3A_1690 : vector<16xi32>
      %swap3A_1692 = arith.constant 128 : index
      %swap3A_1693 = tpu.vector_load %arg20[%swap3A_1692] {strides = array<i32>} : memref<256xi32, #tpu.memory_space<vmem>>, vector<16xi32>,
      tpu.vector_store %arg20[%swap3A_1692], %add3A_1691 {strides = array<i32>} : memref<256xi32, #tpu.memory_space<vmem>>, vector<16xi32>,
      tpu.vector_store_idx %arg18[%add3A_1691], %gather3A_1478 {add = true} : memref<4096xf32, #tpu.memory_space<vmem>>[vector<16xi32>], vector<16xf32>,
      %broadcast_in_dim3A_1694 = arith.constant 25 : i32
      %broadcast_in_dim3A_1695 = vector.broadcast %broadcast_in_dim3A_1694 : i32 to vector<16xi32>
      %gather3A_1696 = tpu.vector_load_idx %arg21[%broadcast_in_dim3A_1695] : memref<48xi32, #tpu.memory_space<vmem>>[vector<16xi32>], vector<16xi32>,
      %broadcast_in_dim3A_1697 = arith.constant 41 : i32
      %broadcast_in_dim3A_1698 = vector.broadcast %broadcast_in_dim3A_1697 : i32 to vector<16xi32>
      %gather3A_1699 = tpu.vector_load_idx %arg21[%broadcast_in_dim3A_1698] : memref<48xi32, #tpu.memory_space<vmem>>[vector<16xi32>], vector<16xi32>,
      %sub3A_1700 = arith.subi %gather3A_1485, %gather3A_1696 : vector<16xi32>
      %shift_right_arithmetic3A_1701 = arith.constant 2 : i32
      %shift_right_arithmetic3A_1702 = vector.broadcast %shift_right_arithmetic3A_1701 : i32 to vector<16xi32>
      %shift_right_arithmetic3A_1703 = arith.shrsi %sub3A_1700, %shift_right_arithmetic3A_1702 : vector<16xi32>
      %sub3A_1704 = arith.subi %gather3A_1486, %gather3A_1699 : vector<16xi32>
      %shift_right_arithmetic3A_1705 = arith.constant 2 : i32
      %shift_right_arithmetic3A_1706 = vector.broadcast %shift_right_arithmetic3A_1705 : i32 to vector<16xi32>
      %shift_right_arithmetic3A_1707 = arith.shrsi %sub3A_1704, %shift_right_arithmetic3A_1706 : vector<16xi32>
      %mul3A_1708 = arith.constant 64 : i32
      %mul3A_1709 = vector.broadcast %mul3A_1708 : i32 to vector<16xi32>
      %mul3A_1710 = arith.muli %shift_right_arithmetic3A_1703, %mul3A_1709 : vector<16xi32>
      %add3A_1711 = arith.addi %mul3A_1710, %shift_right_arithmetic3A_1707 : vector<16xi32>
      %add3A_1712 = arith.constant 2080 : i32
      %add3A_1713 = vector.broadcast %add3A_1712 : i32 to vector<16xi32>
      %add3A_1714 = arith.addi %add3A_1711, %add3A_1713 : vector<16xi32>
      %swap3A_1715 = arith.constant 144 : index
      %swap3A_1716 = tpu.vector_load %arg20[%swap3A_1715] {strides = array<i32>} : memref<256xi32, #tpu.memory_space<vmem>>, vector<16xi32>,
      tpu.vector_store %arg20[%swap3A_1715], %add3A_1714 {strides = array<i32>} : memref<256xi32, #tpu.memory_space<vmem>>, vector<16xi32>,
      tpu.vector_store_idx %arg18[%add3A_1714], %gather3A_1478 {add = true} : memref<4096xf32, #tpu.memory_space<vmem>>[vector<16xi32>], vector<16xf32>,
      %broadcast_in_dim3A_1717 = arith.constant 26 : i32
      %broadcast_in_dim3A_1718 = vector.broadcast %broadcast_in_dim3A_1717 : i32 to vector<16xi32>
      %gather3A_1719 = tpu.vector_load_idx %arg21[%broadcast_in_dim3A_1718] : memref<48xi32, #tpu.memory_space<vmem>>[vector<16xi32>], vector<16xi32>,
      %broadcast_in_dim3A_1720 = arith.constant 42 : i32
      %broadcast_in_dim3A_1721 = vector.broadcast %broadcast_in_dim3A_1720 : i32 to vector<16xi32>
      %gather3A_1722 = tpu.vector_load_idx %arg21[%broadcast_in_dim3A_1721] : memref<48xi32, #tpu.memory_space<vmem>>[vector<16xi32>], vector<16xi32>,
      %sub3A_1723 = arith.subi %gather3A_1485, %gather3A_1719 : vector<16xi32>
      %shift_right_arithmetic3A_1724 = arith.constant 2 : i32
      %shift_right_arithmetic3A_1725 = vector.broadcast %shift_right_arithmetic3A_1724 : i32 to vector<16xi32>
      %shift_right_arithmetic3A_1726 = arith.shrsi %sub3A_1723, %shift_right_arithmetic3A_1725 : vector<16xi32>
      %sub3A_1727 = arith.subi %gather3A_1486, %gather3A_1722 : vector<16xi32>
      %shift_right_arithmetic3A_1728 = arith.constant 2 : i32
      %shift_right_arithmetic3A_1729 = vector.broadcast %shift_right_arithmetic3A_1728 : i32 to vector<16xi32>
      %shift_right_arithmetic3A_1730 = arith.shrsi %sub3A_1727, %shift_right_arithmetic3A_1729 : vector<16xi32>
      %mul3A_1731 = arith.constant 64 : i32
      %mul3A_1732 = vector.broadcast %mul3A_1731 : i32 to vector<16xi32>
      %mul3A_1733 = arith.muli %shift_right_arithmetic3A_1726, %mul3A_1732 : vector<16xi32>
      %add3A_1734 = arith.addi %mul3A_1733, %shift_right_arithmetic3A_1730 : vector<16xi32>
      %add3A_1735 = arith.constant 2080 : i32
      %add3A_1736 = vector.broadcast %add3A_1735 : i32 to vector<16xi32>
      %add3A_1737 = arith.addi %add3A_1734, %add3A_1736 : vector<16xi32>
      %swap3A_1738 = arith.constant 160 : index
      %swap3A_1739 = tpu.vector_load %arg20[%swap3A_1738] {strides = array<i32>} : memref<256xi32, #tpu.memory_space<vmem>>, vector<16xi32>,
      tpu.vector_store %arg20[%swap3A_1738], %add3A_1737 {strides = array<i32>} : memref<256xi32, #tpu.memory_space<vmem>>, vector<16xi32>,
      tpu.vector_store_idx %arg18[%add3A_1737], %gather3A_1478 {add = true} : memref<4096xf32, #tpu.memory_space<vmem>>[vector<16xi32>], vector<16xf32>,
      %broadcast_in_dim3A_1740 = arith.constant 27 : i32
      %broadcast_in_dim3A_1741 = vector.broadcast %broadcast_in_dim3A_1740 : i32 to vector<16xi32>
      %gather3A_1742 = tpu.vector_load_idx %arg21[%broadcast_in_dim3A_1741] : memref<48xi32, #tpu.memory_space<vmem>>[vector<16xi32>], vector<16xi32>,
      %broadcast_in_dim3A_1743 = arith.constant 43 : i32
      %broadcast_in_dim3A_1744 = vector.broadcast %broadcast_in_dim3A_1743 : i32 to vector<16xi32>
      %gather3A_1745 = tpu.vector_load_idx %arg21[%broadcast_in_dim3A_1744] : memref<48xi32, #tpu.memory_space<vmem>>[vector<16xi32>], vector<16xi32>,
      %sub3A_1746 = arith.subi %gather3A_1485, %gather3A_1742 : vector<16xi32>
      %shift_right_arithmetic3A_1747 = arith.constant 2 : i32
      %shift_right_arithmetic3A_1748 = vector.broadcast %shift_right_arithmetic3A_1747 : i32 to vector<16xi32>
      %shift_right_arithmetic3A_1749 = arith.shrsi %sub3A_1746, %shift_right_arithmetic3A_1748 : vector<16xi32>
      %sub3A_1750 = arith.subi %gather3A_1486, %gather3A_1745 : vector<16xi32>
      %shift_right_arithmetic3A_1751 = arith.constant 2 : i32
      %shift_right_arithmetic3A_1752 = vector.broadcast %shift_right_arithmetic3A_1751 : i32 to vector<16xi32>
      %shift_right_arithmetic3A_1753 = arith.shrsi %sub3A_1750, %shift_right_arithmetic3A_1752 : vector<16xi32>
      %mul3A_1754 = arith.constant 64 : i32
      %mul3A_1755 = vector.broadcast %mul3A_1754 : i32 to vector<16xi32>
      %mul3A_1756 = arith.muli %shift_right_arithmetic3A_1749, %mul3A_1755 : vector<16xi32>
      %add3A_1757 = arith.addi %mul3A_1756, %shift_right_arithmetic3A_1753 : vector<16xi32>
      %add3A_1758 = arith.constant 2080 : i32
      %add3A_1759 = vector.broadcast %add3A_1758 : i32 to vector<16xi32>
      %add3A_1760 = arith.addi %add3A_1757, %add3A_1759 : vector<16xi32>
      %swap3A_1761 = arith.constant 176 : index
      %swap3A_1762 = tpu.vector_load %arg20[%swap3A_1761] {strides = array<i32>} : memref<256xi32, #tpu.memory_space<vmem>>, vector<16xi32>,
      tpu.vector_store %arg20[%swap3A_1761], %add3A_1760 {strides = array<i32>} : memref<256xi32, #tpu.memory_space<vmem>>, vector<16xi32>,
      tpu.vector_store_idx %arg18[%add3A_1760], %gather3A_1478 {add = true} : memref<4096xf32, #tpu.memory_space<vmem>>[vector<16xi32>], vector<16xf32>,
      %broadcast_in_dim3A_1763 = arith.constant 28 : i32
      %broadcast_in_dim3A_1764 = vector.broadcast %broadcast_in_dim3A_1763 : i32 to vector<16xi32>
      %gather3A_1765 = tpu.vector_load_idx %arg21[%broadcast_in_dim3A_1764] : memref<48xi32, #tpu.memory_space<vmem>>[vector<16xi32>], vector<16xi32>,
      %broadcast_in_dim3A_1766 = arith.constant 44 : i32
      %broadcast_in_dim3A_1767 = vector.broadcast %broadcast_in_dim3A_1766 : i32 to vector<16xi32>
      %gather3A_1768 = tpu.vector_load_idx %arg21[%broadcast_in_dim3A_1767] : memref<48xi32, #tpu.memory_space<vmem>>[vector<16xi32>], vector<16xi32>,
      %sub3A_1769 = arith.subi %gather3A_1485, %gather3A_1765 : vector<16xi32>
      %shift_right_arithmetic3A_1770 = arith.constant 2 : i32
      %shift_right_arithmetic3A_1771 = vector.broadcast %shift_right_arithmetic3A_1770 : i32 to vector<16xi32>
      %shift_right_arithmetic3A_1772 = arith.shrsi %sub3A_1769, %shift_right_arithmetic3A_1771 : vector<16xi32>
      %sub3A_1773 = arith.subi %gather3A_1486, %gather3A_1768 : vector<16xi32>
      %shift_right_arithmetic3A_1774 = arith.constant 2 : i32
      %shift_right_arithmetic3A_1775 = vector.broadcast %shift_right_arithmetic3A_1774 : i32 to vector<16xi32>
      %shift_right_arithmetic3A_1776 = arith.shrsi %sub3A_1773, %shift_right_arithmetic3A_1775 : vector<16xi32>
      %mul3A_1777 = arith.constant 64 : i32
      %mul3A_1778 = vector.broadcast %mul3A_1777 : i32 to vector<16xi32>
      %mul3A_1779 = arith.muli %shift_right_arithmetic3A_1772, %mul3A_1778 : vector<16xi32>
      %add3A_1780 = arith.addi %mul3A_1779, %shift_right_arithmetic3A_1776 : vector<16xi32>
      %add3A_1781 = arith.constant 2080 : i32
      %add3A_1782 = vector.broadcast %add3A_1781 : i32 to vector<16xi32>
      %add3A_1783 = arith.addi %add3A_1780, %add3A_1782 : vector<16xi32>
      %swap3A_1784 = arith.constant 192 : index
      %swap3A_1785 = tpu.vector_load %arg20[%swap3A_1784] {strides = array<i32>} : memref<256xi32, #tpu.memory_space<vmem>>, vector<16xi32>,
      tpu.vector_store %arg20[%swap3A_1784], %add3A_1783 {strides = array<i32>} : memref<256xi32, #tpu.memory_space<vmem>>, vector<16xi32>,
      tpu.vector_store_idx %arg18[%add3A_1783], %gather3A_1478 {add = true} : memref<4096xf32, #tpu.memory_space<vmem>>[vector<16xi32>], vector<16xf32>,
      %broadcast_in_dim3A_1786 = arith.constant 29 : i32
      %broadcast_in_dim3A_1787 = vector.broadcast %broadcast_in_dim3A_1786 : i32 to vector<16xi32>
      %gather3A_1788 = tpu.vector_load_idx %arg21[%broadcast_in_dim3A_1787] : memref<48xi32, #tpu.memory_space<vmem>>[vector<16xi32>], vector<16xi32>,
      %broadcast_in_dim3A_1789 = arith.constant 45 : i32
      %broadcast_in_dim3A_1790 = vector.broadcast %broadcast_in_dim3A_1789 : i32 to vector<16xi32>
      %gather3A_1791 = tpu.vector_load_idx %arg21[%broadcast_in_dim3A_1790] : memref<48xi32, #tpu.memory_space<vmem>>[vector<16xi32>], vector<16xi32>,
      %sub3A_1792 = arith.subi %gather3A_1485, %gather3A_1788 : vector<16xi32>
      %shift_right_arithmetic3A_1793 = arith.constant 2 : i32
      %shift_right_arithmetic3A_1794 = vector.broadcast %shift_right_arithmetic3A_1793 : i32 to vector<16xi32>
      %shift_right_arithmetic3A_1795 = arith.shrsi %sub3A_1792, %shift_right_arithmetic3A_1794 : vector<16xi32>
      %sub3A_1796 = arith.subi %gather3A_1486, %gather3A_1791 : vector<16xi32>
      %shift_right_arithmetic3A_1797 = arith.constant 2 : i32
      %shift_right_arithmetic3A_1798 = vector.broadcast %shift_right_arithmetic3A_1797 : i32 to vector<16xi32>
      %shift_right_arithmetic3A_1799 = arith.shrsi %sub3A_1796, %shift_right_arithmetic3A_1798 : vector<16xi32>
      %mul3A_1800 = arith.constant 64 : i32
      %mul3A_1801 = vector.broadcast %mul3A_1800 : i32 to vector<16xi32>
      %mul3A_1802 = arith.muli %shift_right_arithmetic3A_1795, %mul3A_1801 : vector<16xi32>
      %add3A_1803 = arith.addi %mul3A_1802, %shift_right_arithmetic3A_1799 : vector<16xi32>
      %add3A_1804 = arith.constant 2080 : i32
      %add3A_1805 = vector.broadcast %add3A_1804 : i32 to vector<16xi32>
      %add3A_1806 = arith.addi %add3A_1803, %add3A_1805 : vector<16xi32>
      %swap3A_1807 = arith.constant 208 : index
      %swap3A_1808 = tpu.vector_load %arg20[%swap3A_1807] {strides = array<i32>} : memref<256xi32, #tpu.memory_space<vmem>>, vector<16xi32>,
      tpu.vector_store %arg20[%swap3A_1807], %add3A_1806 {strides = array<i32>} : memref<256xi32, #tpu.memory_space<vmem>>, vector<16xi32>,
      tpu.vector_store_idx %arg18[%add3A_1806], %gather3A_1478 {add = true} : memref<4096xf32, #tpu.memory_space<vmem>>[vector<16xi32>], vector<16xf32>,
      %broadcast_in_dim3A_1809 = arith.constant 30 : i32
      %broadcast_in_dim3A_1810 = vector.broadcast %broadcast_in_dim3A_1809 : i32 to vector<16xi32>
      %gather3A_1811 = tpu.vector_load_idx %arg21[%broadcast_in_dim3A_1810] : memref<48xi32, #tpu.memory_space<vmem>>[vector<16xi32>], vector<16xi32>,
      %broadcast_in_dim3A_1812 = arith.constant 46 : i32
      %broadcast_in_dim3A_1813 = vector.broadcast %broadcast_in_dim3A_1812 : i32 to vector<16xi32>
      %gather3A_1814 = tpu.vector_load_idx %arg21[%broadcast_in_dim3A_1813] : memref<48xi32, #tpu.memory_space<vmem>>[vector<16xi32>], vector<16xi32>,
      %sub3A_1815 = arith.subi %gather3A_1485, %gather3A_1811 : vector<16xi32>
      %shift_right_arithmetic3A_1816 = arith.constant 2 : i32
      %shift_right_arithmetic3A_1817 = vector.broadcast %shift_right_arithmetic3A_1816 : i32 to vector<16xi32>
      %shift_right_arithmetic3A_1818 = arith.shrsi %sub3A_1815, %shift_right_arithmetic3A_1817 : vector<16xi32>
      %sub3A_1819 = arith.subi %gather3A_1486, %gather3A_1814 : vector<16xi32>
      %shift_right_arithmetic3A_1820 = arith.constant 2 : i32
      %shift_right_arithmetic3A_1821 = vector.broadcast %shift_right_arithmetic3A_1820 : i32 to vector<16xi32>
      %shift_right_arithmetic3A_1822 = arith.shrsi %sub3A_1819, %shift_right_arithmetic3A_1821 : vector<16xi32>
      %mul3A_1823 = arith.constant 64 : i32
      %mul3A_1824 = vector.broadcast %mul3A_1823 : i32 to vector<16xi32>
      %mul3A_1825 = arith.muli %shift_right_arithmetic3A_1818, %mul3A_1824 : vector<16xi32>
      %add3A_1826 = arith.addi %mul3A_1825, %shift_right_arithmetic3A_1822 : vector<16xi32>
      %add3A_1827 = arith.constant 2080 : i32
      %add3A_1828 = vector.broadcast %add3A_1827 : i32 to vector<16xi32>
      %add3A_1829 = arith.addi %add3A_1826, %add3A_1828 : vector<16xi32>
      %swap3A_1830 = arith.constant 224 : index
      %swap3A_1831 = tpu.vector_load %arg20[%swap3A_1830] {strides = array<i32>} : memref<256xi32, #tpu.memory_space<vmem>>, vector<16xi32>,
      tpu.vector_store %arg20[%swap3A_1830], %add3A_1829 {strides = array<i32>} : memref<256xi32, #tpu.memory_space<vmem>>, vector<16xi32>,
      tpu.vector_store_idx %arg18[%add3A_1829], %gather3A_1478 {add = true} : memref<4096xf32, #tpu.memory_space<vmem>>[vector<16xi32>], vector<16xf32>,
      %broadcast_in_dim3A_1832 = arith.constant 31 : i32
      %broadcast_in_dim3A_1833 = vector.broadcast %broadcast_in_dim3A_1832 : i32 to vector<16xi32>
      %gather3A_1834 = tpu.vector_load_idx %arg21[%broadcast_in_dim3A_1833] : memref<48xi32, #tpu.memory_space<vmem>>[vector<16xi32>], vector<16xi32>,
      %broadcast_in_dim3A_1835 = arith.constant 47 : i32
      %broadcast_in_dim3A_1836 = vector.broadcast %broadcast_in_dim3A_1835 : i32 to vector<16xi32>
      %gather3A_1837 = tpu.vector_load_idx %arg21[%broadcast_in_dim3A_1836] : memref<48xi32, #tpu.memory_space<vmem>>[vector<16xi32>], vector<16xi32>,
      %sub3A_1838 = arith.subi %gather3A_1485, %gather3A_1834 : vector<16xi32>
      %shift_right_arithmetic3A_1839 = arith.constant 2 : i32
      %shift_right_arithmetic3A_1840 = vector.broadcast %shift_right_arithmetic3A_1839 : i32 to vector<16xi32>
      %shift_right_arithmetic3A_1841 = arith.shrsi %sub3A_1838, %shift_right_arithmetic3A_1840 : vector<16xi32>
      %sub3A_1842 = arith.subi %gather3A_1486, %gather3A_1837 : vector<16xi32>
      %shift_right_arithmetic3A_1843 = arith.constant 2 : i32
      %shift_right_arithmetic3A_1844 = vector.broadcast %shift_right_arithmetic3A_1843 : i32 to vector<16xi32>
      %shift_right_arithmetic3A_1845 = arith.shrsi %sub3A_1842, %shift_right_arithmetic3A_1844 : vector<16xi32>
      %mul3A_1846 = arith.constant 64 : i32
      %mul3A_1847 = vector.broadcast %mul3A_1846 : i32 to vector<16xi32>
      %mul3A_1848 = arith.muli %shift_right_arithmetic3A_1841, %mul3A_1847 : vector<16xi32>
      %add3A_1849 = arith.addi %mul3A_1848, %shift_right_arithmetic3A_1845 : vector<16xi32>
      %add3A_1850 = arith.constant 2080 : i32
      %add3A_1851 = vector.broadcast %add3A_1850 : i32 to vector<16xi32>
      %add3A_1852 = arith.addi %add3A_1849, %add3A_1851 : vector<16xi32>
      %swap3A_1853 = arith.constant 240 : index
      %swap3A_1854 = tpu.vector_load %arg20[%swap3A_1853] {strides = array<i32>} : memref<256xi32, #tpu.memory_space<vmem>>, vector<16xi32>,
      tpu.vector_store %arg20[%swap3A_1853], %add3A_1852 {strides = array<i32>} : memref<256xi32, #tpu.memory_space<vmem>>, vector<16xi32>,
      tpu.vector_store_idx %arg18[%add3A_1852], %gather3A_1478 {add = true} : memref<4096xf32, #tpu.memory_space<vmem>>[vector<16xi32>], vector<16xf32>,
      %add3A_1855 = arith.addi %mul3A_34, %add3A_1469 : i32
      %dma_start3A_1856 = arith.constant 0 : i32
      %dma_start3A_1857 = tpu.memref_slice %arg9[%add3A_1855, %dma_start3A_1856] : memref<4096x4096xf32, #tpu.memory_space<hbm>> -> memref<1x4096xf32, #tpu.memory_space<hbm>>
      %dma_start3A_1858 = tpu.memref_squeeze %dma_start3A_1857 : memref<1x4096xf32, #tpu.memory_space<hbm>> -> memref<4096xf32, #tpu.memory_space<hbm>>
      %dma_start3A_1859 = arith.constant 0 : i32
      %dma_start3A_1860 = tpu.memref_slice %arg9[%add3A_1855, %dma_start3A_1859] : memref<4096x4096xf32, #tpu.memory_space<hbm>> -> memref<1x4096xf32, #tpu.memory_space<hbm>>
      %dma_start3A_1861 = tpu.memref_squeeze %dma_start3A_1860 : memref<1x4096xf32, #tpu.memory_space<hbm>> -> memref<4096xf32, #tpu.memory_space<hbm>>
      tpu.enqueue_dma source(%arg18 : memref<4096xf32, #tpu.memory_space<vmem>>) target(%dma_start3A_1861 : memref<4096xf32, #tpu.memory_space<hbm>>) target_semaphore(%arg23 : memref<!tpu.dma_semaphore, #tpu.memory_space<semaphore_mem>>)
    }
    %scan3A_1063 = arith.constant 64 : i32
    %dma_wait3A = arith.constant 0 : i32
    %dma_wait3A_1064 = tpu.memref_slice %arg9[%mul3A_34, %dma_wait3A] : memref<4096x4096xf32, #tpu.memory_space<hbm>> -> memref<1x4096xf32, #tpu.memory_space<hbm>>
    %dma_wait3A_1065 = tpu.memref_squeeze %dma_wait3A_1064 : memref<1x4096xf32, #tpu.memory_space<hbm>> -> memref<4096xf32, #tpu.memory_space<hbm>>
    %dma_wait3A_1066 = arith.constant 0 : i32
    %dma_wait3A_1067 = tpu.memref_slice %arg9[%mul3A_34, %dma_wait3A_1066] : memref<4096x4096xf32, #tpu.memory_space<hbm>> -> memref<1x4096xf32, #tpu.memory_space<hbm>>
    %dma_wait3A_1068 = tpu.memref_squeeze %dma_wait3A_1067 : memref<1x4096xf32, #tpu.memory_space<hbm>> -> memref<4096xf32, #tpu.memory_space<hbm>>
    tpu.wait_dma2 semaphore(%arg22 : memref<!tpu.dma_semaphore, #tpu.memory_space<semaphore_mem>>) src(%arg17 : memref<4096xf32, #tpu.memory_space<vmem>>) dst(%dma_wait3A_1068 : memref<4096xf32, #tpu.memory_space<hbm>>)
    %dma_wait3A_1069 = arith.constant 0 : i32
    %dma_wait3A_1070 = tpu.memref_slice %arg9[%mul3A_34, %dma_wait3A_1069] : memref<4096x4096xf32, #tpu.memory_space<hbm>> -> memref<1x4096xf32, #tpu.memory_space<hbm>>
    %dma_wait3A_1071 = tpu.memref_squeeze %dma_wait3A_1070 : memref<1x4096xf32, #tpu.memory_space<hbm>> -> memref<4096xf32, #tpu.memory_space<hbm>>
    %dma_wait3A_1072 = arith.constant 0 : i32
    %dma_wait3A_1073 = tpu.memref_slice %arg9[%mul3A_34, %dma_wait3A_1072] : memref<4096x4096xf32, #tpu.memory_space<hbm>> -> memref<1x4096xf32, #tpu.memory_space<hbm>>
    %dma_wait3A_1074 = tpu.memref_squeeze %dma_wait3A_1073 : memref<1x4096xf32, #tpu.memory_space<hbm>> -> memref<4096xf32, #tpu.memory_space<hbm>>
    tpu.wait_dma2 semaphore(%arg23 : memref<!tpu.dma_semaphore, #tpu.memory_space<semaphore_mem>>) src(%arg18 : memref<4096xf32, #tpu.memory_space<vmem>>) dst(%dma_wait3A_1074 : memref<4096xf32, #tpu.memory_space<hbm>>)
    return
  }
}

module attributes {stable_mosaic.version = 14 : i64} {
  func.func @body(%arg0: i32, %arg1: memref<1x16x64x2048xf32, #tpu.memory_space<vmem>>, %arg2: memref<1x16x2048xf32, #tpu.memory_space<vmem>>) attributes {dimension_semantics = [#tpu.dimension_semantics<arbitrary>], iteration_bounds = array<i64: 2>, scalar_prefetch = 0 : i64, scratch_operands = 0 : i64, tpu.core_type = #tpu.core_type<tc>, window_params = [{transform_indices = @transform_0, window_bounds = array<i64: 1, 16, 64, 2048>}, {transform_indices = @transform_1, window_bounds = array<i64: 1, 16, 2048>}]} {
    %get3A = arith.constant 0 : index
    %get3A_0 = arith.constant 0 : index
    %get3A_1 = arith.constant 0 : index
    %get3A_2 = arith.constant 0 : index
    %get3A_3 = vector.load %arg1[%get3A, %get3A_0, %get3A_1, %get3A_2] : memref<1x16x64x2048xf32, #tpu.memory_space<vmem>>, vector<1x16x64x2048xf32>
    %reduce_sum3A = arith.constant dense<0.000000e+00> : vector<1x16x2048xf32>
    %reduce_sum3A_4 = vector.multi_reduction <add>, %get3A_3, %reduce_sum3A [2] : vector<1x16x64x2048xf32> to vector<1x16x2048xf32>
    %swap3A = arith.constant 0 : index
    %swap3A_5 = arith.constant 0 : index
    %swap3A_6 = arith.constant 0 : index
    %swap3A_7 = vector.load %arg2[%swap3A, %swap3A_5, %swap3A_6] : memref<1x16x2048xf32, #tpu.memory_space<vmem>>, vector<1x16x2048xf32>
    tpu.vector_store %arg2[%swap3A, %swap3A_5, %swap3A_6], %reduce_sum3A_4 {strides = array<i32>} : memref<1x16x2048xf32, #tpu.memory_space<vmem>>, vector<1x16x2048xf32>,
    return
  }
  func.func @transform_0(%arg0: i32) -> (i32, i32, i32, i32) {
    %c0_i32 = arith.constant 0 : i32
    %c0_i32_0 = arith.constant 0 : i32
    %c0_i32_1 = arith.constant 0 : i32
    %c0_i32_2 = arith.constant 0 : i32
    return %arg0, %c0_i32, %c0_i32_0, %c0_i32_1 : i32, i32, i32, i32
  }
  func.func @transform_1(%arg0: i32) -> (i32, i32, i32) {
    %c0_i32 = arith.constant 0 : i32
    %c0_i32_0 = arith.constant 0 : i32
    %c0_i32_1 = arith.constant 0 : i32
    return %arg0, %c0_i32, %c0_i32_0 : i32, i32, i32
  }
}

module attributes {stable_mosaic.version = 14 : i64} {
  func.func @body(%arg0: i32, %arg1: i32, %arg2: memref<2048x1024xf32, #tpu.memory_space<vmem>>, %arg3: memref<1x1024x2048xf32, #tpu.memory_space<vmem>>) attributes {dimension_semantics = [#tpu.dimension_semantics<arbitrary>, #tpu.dimension_semantics<arbitrary>], iteration_bounds = array<i64: 2, 4>, scalar_prefetch = 0 : i64, scratch_operands = 0 : i64, tpu.core_type = #tpu.core_type<tc>, window_params = [{transform_indices = @transform_0, window_bounds = array<i64: 2048, 1024>}, {transform_indices = @transform_1, window_bounds = array<i64: 1, 1024, 2048>}]} {
    %get3A = arith.constant 0 : index
    %get3A_0 = arith.constant 0 : index
    %get3A_1 = vector.load %arg2[%get3A, %get3A_0] : memref<2048x1024xf32, #tpu.memory_space<vmem>>, vector<2048x1024xf32>
    %transpose3A = tpu.transpose %get3A_1, [1, 0] : vector<2048x1024xf32> -> vector<1024x2048xf32>
    %swap3A = arith.constant 0 : index
    %swap3A_2 = arith.constant 0 : index
    %swap3A_3 = arith.constant 0 : index
    %swap3A_4 = vector.load %arg3[%swap3A, %swap3A_2, %swap3A_3] : memref<1x1024x2048xf32, #tpu.memory_space<vmem>>, vector<1x1024x2048xf32>
    %swap3A_5 = vector.shape_cast %swap3A_4 : vector<1x1024x2048xf32> to vector<1024x2048xf32>
    %swap3A_6 = vector.shape_cast %transpose3A : vector<1024x2048xf32> to vector<1x1024x2048xf32>
    tpu.vector_store %arg3[%swap3A, %swap3A_2, %swap3A_3], %swap3A_6 {strides = array<i32>} : memref<1x1024x2048xf32, #tpu.memory_space<vmem>>, vector<1x1024x2048xf32>,
    return
  }
  func.func @transform_0(%arg0: i32, %arg1: i32) -> (i32, i32) {
    %c0_i32 = arith.constant 0 : i32
    return %arg0, %arg1 : i32, i32
  }
  func.func @transform_1(%arg0: i32, %arg1: i32) -> (i32, i32, i32) {
    %c0_i32 = arith.constant 0 : i32
    %c0_i32_0 = arith.constant 0 : i32
    return %arg0, %arg1, %c0_i32 : i32, i32, i32
  }
}

</mosaic_0001>

<sc_bundles>
// kernel: kernel.5.cloned.1.call-start
scs
__scs_entry_jumppad:
0x0: {  	(pc) =	sbr.rel $0x88, $3  }
0x1: {  	(tag) =	ssettag $0x0;
	lr =	simm.s32 $0x1  }
0x2: {  	[smem:$0x3F9C] =	sst lr;
	_ =	strace $0xD0000000  }
0x3: {  	_ = 	snop  }
0x4: {  	_ = 	snop  }
0x5: {  	_ = 	snop  }
0x6: {  	_ = 	snop  }
0x7: {  	_ = 	snop  }
__scs_overlays_trampoline_lowered:
0x8: {  	[smem:$0x3FAB] =	sst s0  }
0x9: {  	[smem:$0x3FAC] =	sst s1  }
0xa: {  	[smem:$0x3FAD] =	sst s2  }
0xb: {  	[smem:$0x3FAE] =	sst s3  }
0xc: {  	[smem:$0x3FAF] =	sst s4  }
0xd: {  	[smem:$0x3FB0] =	sst s5  }
0xe: {  	[smem:$0x3FB1] =	sst s6  }
0xf: {  	[smem:$0x3FB2] =	sst s7  }
0x10: {  	[smem:$0x3FB3] =	sst s8  }
0x11: {  	[smem:$0x3FB4] =	sst s9;
	s0 =	simm.s32 @!p0 $0x0  }
0x12: {  	s1 =	sld [smem:$0x3F9A];
	s0 =	simm.s32 @p0 $0x1  }
0x13: {  	[smem:$0x3FB5] =	sst s0;
	s0 =	simm.s32 @!p1 $0x0  }
0x14: {  	s2 =	sld [smem:$0x3F99];
	s0 =	simm.s32 @p1 $0x1  }
0x15: {  	[smem:$0x3FB6] =	sst s0;
	s0 =	simm.s32 @!p2 $0x0  }
0x16: {  	s3 =	sld [smem:$0x3FDB];
	s0 =	simm.s32 @p2 $0x1  }
0x17: {  	s4 =	simm.s32 $0x1BF5;
	[smem:$0x3FB8] =	sst s0  }
0x18: {  	s0 =	sld [smem:$0x3F9B];
	_ =	swait.ge [sflag:s4], $0x0  }
0x19: {  	s7 =	sld [smem:$0x3F9C]  }
0x1a: {  	s8 =	sadd.s32 $0xFFFFE003, lr  }
0x1b: {  	s9 =	sadd.s32 $0xFFFFFEF7, lr;
	s5 =	simm.s32 $0xFFFFFFFF;
	p2 =	slt.u32 s8, $0xFFFFF086  }
0x1c: {  	p1 =	slt.u32 s9, $0xF7A;
	s5 =	simm.s32 @!p2 $0x0  }
0x1d: {  	s5 =	simm.s32 @p1 $0x1;
	p0 =	seq.s32 s7, s2  }
0x1e: {  	s7 =	smul.u32 @!p0 $0xF7A, s2;
	p2 =	seq.s32 @!p0 s5, $0x0  }
0x1f: {  	s9 =	smul.u32 $0xF7A, s1;
	s8 =	simm.s32 @!p0 $0x1BF5;
	p2 =	por !p2, p0  }
0x20: {  	[sflag:s8] =	ssyncset.s32 @!p0 $0xFFFFF086;
	s6 =	sadd.s32 @!p0 s3, s7;
	s7 =	simm.s32 @!p0 $0x108  }
0x21: {  	s3 =	sadd.s32 s3, s9;
	s6 =	sadd.s32 @!p0 $0x88, s6;
	s7 =	simm.s32 @p2 $0x1082  }
0x22: {  	[simem:s7], [sflag:s8] =	dma.local @!p0 [hbm:s6], $0xF7A  }
0x23: {  	s9 =	sor.u32 $0xD0000000, s2;
	s6 =	simm.s32 $0x108;
	_ =	swait.ge @!p0 [sflag:s8], $0x0  }
0x24: {  	s3 =	sadd.s32 $0x88, s3;
	s6 =	simm.s32 @!p1 $0x1082;
	[sflag:s4] =	ssyncset.s32 $0xFFFFF086  }
0x25: {  	[simem:s6], [sflag:s4] =	dma.local [hbm:s3], $0xF7A  }
0x26: {  	[smem:$0x3F9C] =	sst s1;
	(tag) =	ssettag s2;
	_ =	strace s9  }
0x27: {  	s1 =	sld [smem:$0x3FAC]  }
0x28: {  	s2 =	sld [smem:$0x3FAD]  }
0x29: {  	s4 =	sld [smem:$0x3FAF]  }
0x2a: {  	p0 =	seq.s32 s5, $0x0;
	s5 =	sld [smem:$0x3FB0]  }
0x2b: {  	s6 =	sld [smem:$0x3FB1]  }
0x2c: {  	s7 =	sld [smem:$0x3FB2]  }
0x2d: {  	s3 =	simm.s32 $0x108;
	s8 =	sld [smem:$0x3FB3]  }
0x2e: {  	s3 =	simm.s32 @!p0 $0x1082;
	s9 =	sld [smem:$0x3FB4]  }
0x2f: {  	lr =	sadd.s32 s0, s3;
	s0 =	sld [smem:$0x3FAB]  }
0x30: {  	s3 =	sld [smem:$0x3FAE]  }
0x31: {  	[smem:$0x3FB7] =	sst s10  }
0x32: {  	s10 =	sld [smem:$0x3FB5];
	_ =	sdelay $0x3  }
0x33: {  	p0 =	seq.s32 s10, $0x1;
	s10 =	sld [smem:$0x3FB7];
	_ =	sdelay $0x3  }
0x34: {  	[smem:$0x3FB7] =	sst s10  }
0x35: {  	s10 =	sld [smem:$0x3FB6];
	_ =	sdelay $0x3  }
0x36: {  	p1 =	seq.s32 s10, $0x1;
	s10 =	sld [smem:$0x3FB7];
	_ =	sdelay $0x3  }
0x37: {  	[smem:$0x3FB7] =	sst s10  }
0x38: {  	s10 =	sld [smem:$0x3FB8]  }
0x39: {  	_ = 	snop;
	(pc) =	sbr.ind lr, $3  }
0x3a: {  	_ = 	snop  }
0x3b: {  	_ = 	snop  }
0x3c: {  	p2 =	seq.s32 s10, $0x1;
	s10 =	sld [smem:$0x3FB7]  }
0x3d: {  	_ =	shalt  }
0x3e: {  	_ =	shalt  }
0x3f: {  	_ =	shalt  }
0x40: {  	_ =	shalt  }
0x41: {  	_ =	shalt  }
0x42: {  	_ =	shalt  }
0x43: {  	_ =	shalt  }
0x44: {  	_ =	shalt  }
0x45: {  	_ =	shalt  }
0x46: {  	_ =	shalt  }
0x47: {  	_ =	shalt  }
0x48: {  	_ =	shalt  }
0x49: {  	_ =	shalt  }
0x4a: {  	_ =	shalt  }
0x4b: {  	_ =	shalt  }
0x4c: {  	_ =	shalt  }
0x4d: {  	_ =	shalt  }
0x4e: {  	_ =	shalt  }
0x4f: {  	_ =	shalt  }
0x50: {  	_ =	shalt  }
0x51: {  	_ =	shalt  }
0x52: {  	_ =	shalt  }
0x53: {  	_ =	shalt  }
0x54: {  	_ =	shalt  }
0x55: {  	_ =	shalt  }
0x56: {  	_ =	shalt  }
0x57: {  	_ =	shalt  }
0x58: {  	_ =	shalt  }
0x59: {  	_ =	shalt  }
0x5a: {  	_ =	shalt  }
0x5b: {  	_ =	shalt  }
0x5c: {  	_ =	shalt  }
0x5d: {  	_ =	shalt  }
0x5e: {  	_ =	shalt  }
0x5f: {  	_ =	shalt  }
0x60: {  	_ =	shalt  }
0x61: {  	_ =	shalt  }
0x62: {  	_ =	shalt  }
0x63: {  	_ =	shalt  }
0x64: {  	_ =	shalt  }
0x65: {  	_ =	shalt  }
0x66: {  	_ =	shalt  }
0x67: {  	_ =	shalt  }
0x68: {  	_ =	shalt  }
0x69: {  	_ =	shalt  }
0x6a: {  	_ =	shalt  }
0x6b: {  	_ =	shalt  }
0x6c: {  	_ =	shalt  }
0x6d: {  	_ =	shalt  }
0x6e: {  	_ =	shalt  }
0x6f: {  	_ =	shalt  }
0x70: {  	_ =	shalt  }
0x71: {  	_ =	shalt  }
0x72: {  	_ =	shalt  }
0x73: {  	_ =	shalt  }
0x74: {  	_ =	shalt  }
0x75: {  	_ =	shalt  }
0x76: {  	_ =	shalt  }
0x77: {  	_ =	shalt  }
0x78: {  	_ =	shalt  }
0x79: {  	_ =	shalt  }
0x7a: {  	_ =	shalt  }
0x7b: {  	_ =	shalt  }
0x7c: {  	_ =	shalt  }
0x7d: {  	_ =	shalt  }
0x7e: {  	_ =	shalt  }
0x7f: {  	_ =	shalt  }
0x80: {  	_ =	shalt  }
0x81: {  	_ =	shalt  }
0x82: {  	_ =	shalt  }
0x83: {  	_ =	shalt  }
0x84: {  	_ =	shalt  }
0x85: {  	_ =	shalt  }
0x86: {  	_ =	shalt  }
0x87: {  	_ =	shalt  }
.Lfunc_end0:
.L_simem_size_0:
called_computation_lowered:
.L_overlay_start_0:
0x88: {  	s2 =	sld [smem:$0x3FD9]  }
0x89: {  	s3 =	sld [smem:$0x3FFE];
	_ =	sdelay $0x1  }
0x8a: {  	s1 =	srdreg.scid  }
0x8b: {  	s0 =	sand.u32 $0x1, s1  }
0x8c: {  	s17 =	sshll.u32 s0, $0xA;
	s2 =	sadd.s32 s3, s2  }
0x8d: {  	s2 =	sadd.s32 s2, s17  }
0x8e: {  	[smem:$0x3FC3] =	sst s2  }
0x8f: {  	_ = 	snop  }
0x90: {  	s2 =	sld [smem:$0x3FC6]  }
0x91: {  	s18 =	sld [smem:$0x3FC5]  }
0x92: {  	s4 =	sld [smem:$0x3FD0];
	(tm) =	ssettm $0x1  }
0x93: {  	s5 =	sld [smem:$0x3FFB];
	_ =	sdelay $0x3  }
0x94: {  	_ =	strace s5  }
0x95: {  	s5 =	sld [smem:$0x3FFC];
	_ =	sdelay $0x3  }
0x96: {  	_ =	strace s5  }
0x97: {  	s5 =	sld [smem:$0x3FFD];
	_ =	sdelay $0x3  }
0x98: {  	_ =	strace s5  }
0x99: {  	_ =	strace $0x8FFFFFFF  }
0x9a: {  	s19 =	sld [smem:$0x3FDB];
	_ =	sdelay $0x1  }
0x9b: {  	s6 =	simm.s32 $_scs_section_size  }
0x9c: {  	s7 =	simm.s32 $_size__tile_overlayer_lowered;
	s8 =	simm.s32 $_tile_overlayer_lowered  }
0x9d: {  	s22 =	simm.s32 $0x1BFF;
	s21 =	sshll.u32 s8, $0x1;
	s5 =	sadd.s32 s6, s19  }
0x9e: {  	s9 =	simm.s32 $0x0;
	s20 =	sshll.u32 s7, $0x1;
	s7 =	sadd.s32 s21, s5  }
0x9f: {  	[timem:s9], [sflag:s22] =	dma.local [hbm:s7], s20  }
0xa0: {  	_ =	swait.ge [sflag:s22], s20  }
0xa1: {  	s6 =	ssub.s32 $0x0, s20;
	[sflag:s22] =	ssyncset.done $0x0  }
0xa2: {  	[sflag:s22] =	ssyncadd.s32 s6;
	_ =	sdelay $0x1  }
0xa3: {  	s23 =	simm.s32 $0x1B8B  }
0xa4: {  	_ =	swait.ge [sflag:s23], $0x1  }
0xa5: {  	[sflag:s23] =	ssyncset.done $0x0  }
0xa6: {  	s25 =	simm.s32 $0x1B8E;
	s24 =	sld [smem:$0x3FFE];
	[sflag:s23] =	ssyncadd.s32 $0xFFFFFFFF  }
0xa7: {  	s26 =	simm.s32 $execute0_lowered;
	[smem:$0x3FD2] =	sst s25  }
0xa8: {  	s7 =	sshll.u32 s26, $0x1;
	_ =	strace $0x80000046;
	[dreg:$0x1] =	wrdreg $0xFFFFFFFF  }
0xa9: {  	s28 =	simm.s32 $_size_execute0_lowered;
	s5 =	sadd.s32 s5, s7;
	[dreg:$0x0] =	wrdreg $0x0  }
0xaa: {  	s7 =	sshll.u32 s28, $0x1;
	[dreg:$0x2] =	wrdreg s5  }
0xab: {  	[dreg:$0x3] =	wrdreg s7  }
0xac: {  	[dreg:$0x4] =	wrdreg $0xC0  }
0xad: {  	_ =	task [dreg:s9], $0x5FFFF  }
0xae: {  	[dreg:$0x1] =	wrdreg $0xFFFFFFFF  }
0xaf: {  	[dreg:$0x0] =	wrdreg $0x60  }
0xb0: {  	[dreg:$0x2] =	wrdreg s24  }
0xb1: {  	[dreg:$0x3] =	wrdreg s2  }
0xb2: {  	[dreg:$0x4] =	wrdreg s18  }
0xb3: {  	[dreg:$0x5] =	wrdreg s4  }
0xb4: {  	[dreg:$0x6] =	wrdreg $0x9  }
0xb5: {  	_ =	task.clear_ibuf [dreg:s9], $0x7FFFF;
	_ =	strace $0x90000046  }
0xb6: {  	s29 =	simm.s32 $0x9;
	_ =	strace $0x80000048  }
0xb7: {  	_ =	swait.ge [sflag:s29], $0x1  }
0xb8: {  	[sflag:s29] =	ssyncadd.s32 $0xFFFFFFFF  }
0xb9: {  	_ =	strace $0x90000048  }
0xba: {  	_ =	sfence  }
0xbb: {  	s30 =	sld [smem:$0x0];
	_ =	sdelay $0x2  }
0xbc: {  	s31 =	sshll.u32 s1, $0xD;
	s1 =	sshrl.u32 s1, $0x2  }
0xbd: {  	s3 =	sand.u32 $0x4000, s31;
	s1 =	sadd.s32 s1, s30  }
0xbe: {  	s0 =	sor.u32 s3, s0;
	s1 =	sshll.u32 s1, $0x11  }
0xbf: {  	s0 =	sor.u32 s1, s0  }
0xc0: {  	s0 =	sadd.s32 $0x8F2B, s0  }
0xc1: {  	[sflag:s0] =	ssyncadd.remote.s32 $0x1  }
0xc2: {  	_ =	sfence.sel $0xFFFF  }
0xc3: {  	[dreg:$0x0] =	wrdreg $0xFFFFFFFF;
	(pc) =	sbr.abs _section_cstart, $3  }
0xc4: {  	[dreg:$0x1] =	wrdreg $0xFFFFFFFF  }
0xc5: {  	_ =	task.clear_ibuf [dreg:s9], $0x2FFFF;
	_ =	strace $0x9FFFFFFF  }
0xc6: {  	(tm) =	ssettm $0x7FFFFFFF  }
0xc7: {  	_ =	shalt  }
tec
execute0_lowered:
.L_overlay_start_1:
0x0: {  	(tag) =	ssettag $0x1  }
0x1: {  	s0 =	rddreg [dreg:$0x0]  }
0x2: {  	s2 =	rddreg [dreg:$0x1]  }
0x3: {  	s4 =	rddreg [dreg:$0x2]  }
0x4: {  	s10 =	rddreg [dreg:$0x3];
	s3 =	srdreg.scid;
	s1 =	simm.s32 $0x0  }
0x5: {  	s6 =	stileid.u32;
	s13 =	simm.s32 $0x100;
	s14 =	simm.s32 $0x3  }
0x6: {  	s15 =	simm.s32 $0x800;
	s16 =	simm.s32 $0x1000;
	s17 =	simm.s32 $0x1800  }
0x7: {  	s18 =	simm.s32 $0x400;
	s19 =	simm.s32 $0x4000;
	s20 =	simm.s32 $0x2000  }
0x8: {  	v0 =	vimm.f32 $0.0e+00;
	v1 =	vlaneseq.u32;
	s21 =	simm.s32 $0x2800;
	s22 =	simm.s32 $0x3000;
	s28 =	simm.s32 $0x2  }
0x9: {  	v2 =	vimm.s32 $0x10;
	v3 =	vimm.s32 $0x20;
	v4 =	vimm.s32 $0x11;
	s29 =	simm.s32 $0x0;
	s7 =	sand.u32 $0x1, s3;
	[smem:$0x7FF] =	sst s1  }
0xa: {  	v5 =	vimm.s32 $0x21;
	v6 =	vimm.s32 $0x12;
	v7 =	vimm.s32 $0x22;
	s11 =	sshll.u32 s6, $0x7;
	s12 =	sshll.u32 s6, $0x10;
	s3 =	sshll.u32 s7, $0x4  }
0xb: {  	v8 =	vimm.s32 $0x13;
	v9 =	vimm.s32 $0x23;
	v10 =	vimm.s32 $0x14;
	_ =	strace $0x80000047;
	s5 =	ssub.s32 $0x2, s7;
	s9 =	sshll.u32 s7, $0xC  }
0xc: {  	v11 =	vimm.s32 $0x24;
	v12 =	vimm.s32 $0x15;
	v13 =	vimm.s32 $0x25;
	s30 =	sshll.u32 s7, $0x14;
	s8 =	sadd.s32 s3, s0;
	s3 =	sadd.s32 $0x1800, s0  }
0xd: {  	v14 =	vimm.s32 $0x16;
	v15 =	vimm.s32 $0x26;
	v16 =	vimm.s32 $0x17;
	s23 =	sshrl.u32 s5, $0x1;
	s11 =	sor.u32 s11, s9;
	s31 =	sor.u32 s12, s30  }
0xe: {  	v17 =	vimm.s32 $0x27;
	v18 =	vimm.s32 $0x18;
	v19 =	vimm.s32 $0x28;
	s12 =	simm.s32 $0x80;
	s0 =	ssub.s32 s5, s23;
	s24 =	sadd.s32 $0x1200, s8  }
0xf: {  	v20 =	vimm.s32 $0x19;
	v21 =	vimm.s32 $0x29;
	v22 =	vimm.s32 $0x1A;
	s25 =	sadd.s32 $0x1000, s8;
	s26 =	sadd.s32 $0x1600, s8;
	[dreg:$0x5] =	wrdreg s31  }
0x10: {  	v23 =	vimm.s32 $0x2A;
	v24 =	vimm.s32 $0x1B;
	v25 =	vimm.s32 $0x2B;
	s7 =	sadd.s32 $0x1400, s8;
	s8 =	sadd.s32 s2, s11;
	[dreg:$0x6] =	wrdreg s24  }
0x11: {  	v26 =	vimm.s32 $0x1C;
	v27 =	vimm.s32 $0x2C;
	v28 =	vimm.s32 $0x1D;
	s9 =	sadd.s32 s4, s11;
	s10 =	sadd.s32 s10, s11;
	[dreg:$0x7] =	wrdreg s25  }
0x12: {  	v29 =	vimm.s32 $0x2D;
	v30 =	vimm.s32 $0x1E;
	v31 =	vimm.s32 $0x2E;
	s23 =	simm.s32 $0x5A00;
	[dreg:$0x8] =	wrdreg s26;
	s11 =	smax.u32 s0, $0x1  }
0x13: {  	v32 =	vimm.s32 $0x1F;
	v33 =	vimm.s32 $0x2F;
	v1 =	vmul.u32 $0x80, v1;
	s24 =	simm.s32 $0x3800;
	s25 =	simm.s32 $0x4800;
	s26 =	simm.s32 $0x1  }
.LBB2_1:
0x14: {  	s0 =	rddreg [dreg:$0x6]  }
0x15: {  	[tilespmem:s1], [sflag:$0x3] =	stream.strided.gather [hbm4b:s0+s12], $0x800, s13, s12, $0x38;
	[tilespmem:$0x5A80] =	vst v63  }
0x16: {  	_ =	swait.ge [sflag:s14], $0x800  }
0x17: {  	[sflag:s14] =	ssyncset.done $0x0  }
0x18: {  	s5 =	rddreg [dreg:$0x7];
	[sflag:s14] =	ssyncadd.s32 $0xFFFFF800  }
0x19: {  	[tilespmem:s15], [sflag:$0x3] =	stream.strided.gather [hbm4b:s5+s12], $0x800, s13, s12, $0x38;
	[tilespmem:$0x5A80] =	vst v63  }
0x1a: {  	_ =	swait.ge [sflag:s14], $0x800  }
0x1b: {  	[sflag:s14] =	ssyncset.done $0x0  }
0x1c: {  	s6 =	rddreg [dreg:$0x8];
	[sflag:s14] =	ssyncadd.s32 $0xFFFFF800  }
0x1d: {  	[tilespmem:s16], [sflag:$0x3] =	stream.strided.gather [hbm4b:s6+s12], $0x800, s13, s12, $0x38;
	[tilespmem:$0x5A80] =	vst v63  }
0x1e: {  	_ =	swait.ge [sflag:s14], $0x800  }
0x1f: {  	[sflag:s14] =	ssyncset.done $0x0  }
0x20: {  	[sflag:s14] =	ssyncadd.s32 $0xFFFFF800  }
0x21: {  	[tilespmem:s17], [sflag:$0x3] =	stream.strided.gather [hbm4b:s7+s12], $0x800, s13, s12, $0x38;
	[tilespmem:$0x5A80] =	vst v63  }
0x22: {  	_ =	swait.ge [sflag:s14], $0x800  }
0x23: {  	[sflag:s14] =	ssyncset.done $0x0  }
0x24: {  	[sflag:s14] =	ssyncadd.s32 $0xFFFFF800  }
0x25: {  	[tilespmem:s20], [sflag:$0x3] =	stream.strided.gather [hbm4b:s8+s18], $0x800, s19, s18, $0x38;
	[tilespmem:$0x5A80] =	vst v63  }
0x26: {  	_ =	swait.ge [sflag:s14], $0x800  }
0x27: {  	[sflag:s14] =	ssyncset.done $0x0  }
0x28: {  	[sflag:s14] =	ssyncadd.s32 $0xFFFFF800  }
0x29: {  	[tilespmem:s21], [sflag:$0x3] =	stream.strided.gather [hbm4b:s9+s18], $0x800, s19, s18, $0x38;
	[tilespmem:$0x5A80] =	vst v63  }
0x2a: {  	_ =	swait.ge [sflag:s14], $0x800  }
0x2b: {  	[sflag:s14] =	ssyncset.done $0x0  }
0x2c: {  	[sflag:s14] =	ssyncadd.s32 $0xFFFFF800  }
0x2d: {  	[tilespmem:s22], [sflag:$0x3] =	stream.strided.gather [hbm4b:s10+s18], $0x800, s19, s18, $0x38;
	[tilespmem:$0x5A80] =	vst v63  }
0x2e: {  	_ =	swait.ge [sflag:s14], $0x800  }
0x2f: {  	[sflag:s14] =	ssyncset.done $0x0  }
0x30: {  	[sflag:s14] =	ssyncadd.s32 $0xFFFFF800  }
0x31: {  	[tilespmem:$0x3800] =	vst v0  }
0x32: {  	[tilespmem:$0x3810] =	vst v0  }
0x33: {  	[tilespmem:$0x3820] =	vst v0  }
0x34: {  	[tilespmem:$0x3830] =	vst v0  }
0x35: {  	[tilespmem:$0x3840] =	vst v0  }
0x36: {  	[tilespmem:$0x3850] =	vst v0  }
0x37: {  	[tilespmem:$0x3860] =	vst v0  }
0x38: {  	[tilespmem:$0x3870] =	vst v0  }
0x39: {  	[tilespmem:$0x3880] =	vst v0  }
0x3a: {  	[tilespmem:$0x3890] =	vst v0  }
0x3b: {  	[tilespmem:$0x38A0] =	vst v0  }
0x3c: {  	[tilespmem:$0x38B0] =	vst v0  }
0x3d: {  	[tilespmem:$0x38C0] =	vst v0  }
0x3e: {  	[tilespmem:$0x38D0] =	vst v0  }
0x3f: {  	[tilespmem:$0x38E0] =	vst v0  }
0x40: {  	[tilespmem:$0x38F0] =	vst v0  }
0x41: {  	[tilespmem:$0x3900] =	vst v0  }
0x42: {  	[tilespmem:$0x3910] =	vst v0  }
0x43: {  	[tilespmem:$0x3920] =	vst v0  }
0x44: {  	[tilespmem:$0x3930] =	vst v0  }
0x45: {  	[tilespmem:$0x3940] =	vst v0  }
0x46: {  	[tilespmem:$0x3950] =	vst v0  }
0x47: {  	[tilespmem:$0x3960] =	vst v0  }
0x48: {  	[tilespmem:$0x3970] =	vst v0  }
0x49: {  	[tilespmem:$0x3980] =	vst v0  }
0x4a: {  	[tilespmem:$0x3990] =	vst v0  }
0x4b: {  	[tilespmem:$0x39A0] =	vst v0  }
0x4c: {  	[tilespmem:$0x39B0] =	vst v0  }
0x4d: {  	[tilespmem:$0x39C0] =	vst v0  }
0x4e: {  	[tilespmem:$0x39D0] =	vst v0  }
0x4f: {  	[tilespmem:$0x39E0] =	vst v0  }
0x50: {  	[tilespmem:$0x39F0] =	vst v0  }
0x51: {  	[tilespmem:$0x3A00] =	vst v0  }
0x52: {  	[tilespmem:$0x3A10] =	vst v0  }
0x53: {  	[tilespmem:$0x3A20] =	vst v0  }
0x54: {  	[tilespmem:$0x3A30] =	vst v0  }
0x55: {  	[tilespmem:$0x3A40] =	vst v0  }
0x56: {  	[tilespmem:$0x3A50] =	vst v0  }
0x57: {  	[tilespmem:$0x3A60] =	vst v0  }
0x58: {  	[tilespmem:$0x3A70] =	vst v0  }
0x59: {  	[tilespmem:$0x3A80] =	vst v0  }
0x5a: {  	[tilespmem:$0x3A90] =	vst v0  }
0x5b: {  	[tilespmem:$0x3AA0] =	vst v0  }
0x5c: {  	[tilespmem:$0x3AB0] =	vst v0  }
0x5d: {  	[tilespmem:$0x3AC0] =	vst v0  }
0x5e: {  	[tilespmem:$0x3AD0] =	vst v0  }
0x5f: {  	[tilespmem:$0x3AE0] =	vst v0  }
0x60: {  	[tilespmem:$0x3AF0] =	vst v0  }
0x61: {  	[tilespmem:$0x3B00] =	vst v0  }
0x62: {  	[tilespmem:$0x3B10] =	vst v0  }
0x63: {  	[tilespmem:$0x3B20] =	vst v0  }
0x64: {  	[tilespmem:$0x3B30] =	vst v0  }
0x65: {  	[tilespmem:$0x3B40] =	vst v0  }
0x66: {  	[tilespmem:$0x3B50] =	vst v0  }
0x67: {  	[tilespmem:$0x3B60] =	vst v0  }
0x68: {  	[tilespmem:$0x3B70] =	vst v0  }
0x69: {  	[tilespmem:$0x3B80] =	vst v0  }
0x6a: {  	[tilespmem:$0x3B90] =	vst v0  }
0x6b: {  	[tilespmem:$0x3BA0] =	vst v0  }
0x6c: {  	[tilespmem:$0x3BB0] =	vst v0  }
0x6d: {  	[tilespmem:$0x3BC0] =	vst v0  }
0x6e: {  	[tilespmem:$0x3BD0] =	vst v0  }
0x6f: {  	[tilespmem:$0x3BE0] =	vst v0  }
0x70: {  	[tilespmem:$0x3BF0] =	vst v0  }
0x71: {  	[tilespmem:$0x3C00] =	vst v0  }
0x72: {  	[tilespmem:$0x3C10] =	vst v0  }
0x73: {  	[tilespmem:$0x3C20] =	vst v0  }
0x74: {  	[tilespmem:$0x3C30] =	vst v0  }
0x75: {  	[tilespmem:$0x3C40] =	vst v0  }
0x76: {  	[tilespmem:$0x3C50] =	vst v0  }
0x77: {  	[tilespmem:$0x3C60] =	vst v0  }
0x78: {  	[tilespmem:$0x3C70] =	vst v0  }
0x79: {  	[tilespmem:$0x3C80] =	vst v0  }
0x7a: {  	[tilespmem:$0x3C90] =	vst v0  }
0x7b: {  	[tilespmem:$0x3CA0] =	vst v0  }
0x7c: {  	[tilespmem:$0x3CB0] =	vst v0  }
0x7d: {  	[tilespmem:$0x3CC0] =	vst v0  }
0x7e: {  	[tilespmem:$0x3CD0] =	vst v0  }
0x7f: {  	[tilespmem:$0x3CE0] =	vst v0  }
0x80: {  	[tilespmem:$0x3CF0] =	vst v0  }
0x81: {  	[tilespmem:$0x3D00] =	vst v0  }
0x82: {  	[tilespmem:$0x3D10] =	vst v0  }
0x83: {  	[tilespmem:$0x3D20] =	vst v0  }
0x84: {  	[tilespmem:$0x3D30] =	vst v0  }
0x85: {  	[tilespmem:$0x3D40] =	vst v0  }
0x86: {  	[tilespmem:$0x3D50] =	vst v0  }
0x87: {  	[tilespmem:$0x3D60] =	vst v0  }
0x88: {  	[tilespmem:$0x3D70] =	vst v0  }
0x89: {  	[tilespmem:$0x3D80] =	vst v0  }
0x8a: {  	[tilespmem:$0x3D90] =	vst v0  }
0x8b: {  	[tilespmem:$0x3DA0] =	vst v0  }
0x8c: {  	[tilespmem:$0x3DB0] =	vst v0  }
0x8d: {  	[tilespmem:$0x3DC0] =	vst v0  }
0x8e: {  	[tilespmem:$0x3DD0] =	vst v0  }
0x8f: {  	[tilespmem:$0x3DE0] =	vst v0  }
0x90: {  	[tilespmem:$0x3DF0] =	vst v0  }
0x91: {  	[tilespmem:$0x3E00] =	vst v0  }
0x92: {  	[tilespmem:$0x3E10] =	vst v0  }
0x93: {  	[tilespmem:$0x3E20] =	vst v0  }
0x94: {  	[tilespmem:$0x3E30] =	vst v0  }
0x95: {  	[tilespmem:$0x3E40] =	vst v0  }
0x96: {  	[tilespmem:$0x3E50] =	vst v0  }
0x97: {  	[tilespmem:$0x3E60] =	vst v0  }
0x98: {  	[tilespmem:$0x3E70] =	vst v0  }
0x99: {  	[tilespmem:$0x3E80] =	vst v0  }
0x9a: {  	[tilespmem:$0x3E90] =	vst v0  }
0x9b: {  	[tilespmem:$0x3EA0] =	vst v0  }
0x9c: {  	[tilespmem:$0x3EB0] =	vst v0  }
0x9d: {  	[tilespmem:$0x3EC0] =	vst v0  }
0x9e: {  	[tilespmem:$0x3ED0] =	vst v0  }
0x9f: {  	[tilespmem:$0x3EE0] =	vst v0  }
0xa0: {  	[tilespmem:$0x3EF0] =	vst v0  }
0xa1: {  	[tilespmem:$0x3F00] =	vst v0  }
0xa2: {  	[tilespmem:$0x3F10] =	vst v0  }
0xa3: {  	[tilespmem:$0x3F20] =	vst v0  }
0xa4: {  	[tilespmem:$0x3F30] =	vst v0  }
0xa5: {  	[tilespmem:$0x3F40] =	vst v0  }
0xa6: {  	[tilespmem:$0x3F50] =	vst v0  }
0xa7: {  	[tilespmem:$0x3F60] =	vst v0  }
0xa8: {  	[tilespmem:$0x3F70] =	vst v0  }
0xa9: {  	[tilespmem:$0x3F80] =	vst v0  }
0xaa: {  	[tilespmem:$0x3F90] =	vst v0  }
0xab: {  	[tilespmem:$0x3FA0] =	vst v0  }
0xac: {  	[tilespmem:$0x3FB0] =	vst v0  }
0xad: {  	[tilespmem:$0x3FC0] =	vst v0  }
0xae: {  	[tilespmem:$0x3FD0] =	vst v0  }
0xaf: {  	[tilespmem:$0x3FE0] =	vst v0  }
0xb0: {  	[tilespmem:$0x3FF0] =	vst v0  }
0xb1: {  	[tilespmem:$0x4000] =	vst v0  }
0xb2: {  	[tilespmem:$0x4010] =	vst v0  }
0xb3: {  	[tilespmem:$0x4020] =	vst v0  }
0xb4: {  	[tilespmem:$0x4030] =	vst v0  }
0xb5: {  	[tilespmem:$0x4040] =	vst v0  }
0xb6: {  	[tilespmem:$0x4050] =	vst v0  }
0xb7: {  	[tilespmem:$0x4060] =	vst v0  }
0xb8: {  	[tilespmem:$0x4070] =	vst v0  }
0xb9: {  	[tilespmem:$0x4080] =	vst v0  }
0xba: {  	[tilespmem:$0x4090] =	vst v0  }
0xbb: {  	[tilespmem:$0x40A0] =	vst v0  }
0xbc: {  	[tilespmem:$0x40B0] =	vst v0  }
0xbd: {  	[tilespmem:$0x40C0] =	vst v0  }
0xbe: {  	[tilespmem:$0x40D0] =	vst v0  }
0xbf: {  	[tilespmem:$0x40E0] =	vst v0  }
0xc0: {  	[tilespmem:$0x40F0] =	vst v0  }
0xc1: {  	[tilespmem:$0x4100] =	vst v0  }
0xc2: {  	[tilespmem:$0x4110] =	vst v0  }
0xc3: {  	[tilespmem:$0x4120] =	vst v0  }
0xc4: {  	[tilespmem:$0x4130] =	vst v0  }
0xc5: {  	[tilespmem:$0x4140] =	vst v0  }
0xc6: {  	[tilespmem:$0x4150] =	vst v0  }
0xc7: {  	[tilespmem:$0x4160] =	vst v0  }
0xc8: {  	[tilespmem:$0x4170] =	vst v0  }
0xc9: {  	[tilespmem:$0x4180] =	vst v0  }
0xca: {  	[tilespmem:$0x4190] =	vst v0  }
0xcb: {  	[tilespmem:$0x41A0] =	vst v0  }
0xcc: {  	[tilespmem:$0x41B0] =	vst v0  }
0xcd: {  	[tilespmem:$0x41C0] =	vst v0  }
0xce: {  	[tilespmem:$0x41D0] =	vst v0  }
0xcf: {  	[tilespmem:$0x41E0] =	vst v0  }
0xd0: {  	[tilespmem:$0x41F0] =	vst v0  }
0xd1: {  	[tilespmem:$0x4200] =	vst v0  }
0xd2: {  	[tilespmem:$0x4210] =	vst v0  }
0xd3: {  	[tilespmem:$0x4220] =	vst v0  }
0xd4: {  	[tilespmem:$0x4230] =	vst v0  }
0xd5: {  	[tilespmem:$0x4240] =	vst v0  }
0xd6: {  	[tilespmem:$0x4250] =	vst v0  }
0xd7: {  	[tilespmem:$0x4260] =	vst v0  }
0xd8: {  	[tilespmem:$0x4270] =	vst v0  }
0xd9: {  	[tilespmem:$0x4280] =	vst v0  }
0xda: {  	[tilespmem:$0x4290] =	vst v0  }
0xdb: {  	[tilespmem:$0x42A0] =	vst v0  }
0xdc: {  	[tilespmem:$0x42B0] =	vst v0  }
0xdd: {  	[tilespmem:$0x42C0] =	vst v0  }
0xde: {  	[tilespmem:$0x42D0] =	vst v0  }
0xdf: {  	[tilespmem:$0x42E0] =	vst v0  }
0xe0: {  	[tilespmem:$0x42F0] =	vst v0  }
0xe1: {  	[tilespmem:$0x4300] =	vst v0  }
0xe2: {  	[tilespmem:$0x4310] =	vst v0  }
0xe3: {  	[tilespmem:$0x4320] =	vst v0  }
0xe4: {  	[tilespmem:$0x4330] =	vst v0  }
0xe5: {  	[tilespmem:$0x4340] =	vst v0  }
0xe6: {  	[tilespmem:$0x4350] =	vst v0  }
0xe7: {  	[tilespmem:$0x4360] =	vst v0  }
0xe8: {  	[tilespmem:$0x4370] =	vst v0  }
0xe9: {  	[tilespmem:$0x4380] =	vst v0  }
0xea: {  	[tilespmem:$0x4390] =	vst v0  }
0xeb: {  	[tilespmem:$0x43A0] =	vst v0  }
0xec: {  	[tilespmem:$0x43B0] =	vst v0  }
0xed: {  	[tilespmem:$0x43C0] =	vst v0  }
0xee: {  	[tilespmem:$0x43D0] =	vst v0  }
0xef: {  	[tilespmem:$0x43E0] =	vst v0  }
0xf0: {  	[tilespmem:$0x43F0] =	vst v0  }
0xf1: {  	[tilespmem:$0x4400] =	vst v0  }
0xf2: {  	[tilespmem:$0x4410] =	vst v0  }
0xf3: {  	[tilespmem:$0x4420] =	vst v0  }
0xf4: {  	[tilespmem:$0x4430] =	vst v0  }
0xf5: {  	[tilespmem:$0x4440] =	vst v0  }
0xf6: {  	[tilespmem:$0x4450] =	vst v0  }
0xf7: {  	[tilespmem:$0x4460] =	vst v0  }
0xf8: {  	[tilespmem:$0x4470] =	vst v0  }
0xf9: {  	[tilespmem:$0x4480] =	vst v0  }
0xfa: {  	[tilespmem:$0x4490] =	vst v0  }
0xfb: {  	[tilespmem:$0x44A0] =	vst v0  }
0xfc: {  	[tilespmem:$0x44B0] =	vst v0  }
0xfd: {  	[tilespmem:$0x44C0] =	vst v0  }
0xfe: {  	[tilespmem:$0x44D0] =	vst v0  }
0xff: {  	[tilespmem:$0x44E0] =	vst v0  }
0x100: {  	[tilespmem:$0x44F0] =	vst v0  }
0x101: {  	[tilespmem:$0x4500] =	vst v0  }
0x102: {  	[tilespmem:$0x4510] =	vst v0  }
0x103: {  	[tilespmem:$0x4520] =	vst v0  }
0x104: {  	[tilespmem:$0x4530] =	vst v0  }
0x105: {  	[tilespmem:$0x4540] =	vst v0  }
0x106: {  	[tilespmem:$0x4550] =	vst v0  }
0x107: {  	[tilespmem:$0x4560] =	vst v0  }
0x108: {  	[tilespmem:$0x4570] =	vst v0  }
0x109: {  	[tilespmem:$0x4580] =	vst v0  }
0x10a: {  	[tilespmem:$0x4590] =	vst v0  }
0x10b: {  	[tilespmem:$0x45A0] =	vst v0  }
0x10c: {  	[tilespmem:$0x45B0] =	vst v0  }
0x10d: {  	[tilespmem:$0x45C0] =	vst v0  }
0x10e: {  	[tilespmem:$0x45D0] =	vst v0  }
0x10f: {  	[tilespmem:$0x45E0] =	vst v0  }
0x110: {  	[tilespmem:$0x45F0] =	vst v0  }
0x111: {  	[tilespmem:$0x4600] =	vst v0  }
0x112: {  	[tilespmem:$0x4610] =	vst v0  }
0x113: {  	[tilespmem:$0x4620] =	vst v0  }
0x114: {  	[tilespmem:$0x4630] =	vst v0  }
0x115: {  	[tilespmem:$0x4640] =	vst v0  }
0x116: {  	[tilespmem:$0x4650] =	vst v0  }
0x117: {  	[tilespmem:$0x4660] =	vst v0  }
0x118: {  	[tilespmem:$0x4670] =	vst v0  }
0x119: {  	[tilespmem:$0x4680] =	vst v0  }
0x11a: {  	[tilespmem:$0x4690] =	vst v0  }
0x11b: {  	[tilespmem:$0x46A0] =	vst v0  }
0x11c: {  	[tilespmem:$0x46B0] =	vst v0  }
0x11d: {  	[tilespmem:$0x46C0] =	vst v0  }
0x11e: {  	[tilespmem:$0x46D0] =	vst v0  }
0x11f: {  	[tilespmem:$0x46E0] =	vst v0  }
0x120: {  	[tilespmem:$0x46F0] =	vst v0  }
0x121: {  	[tilespmem:$0x4700] =	vst v0  }
0x122: {  	[tilespmem:$0x4710] =	vst v0  }
0x123: {  	[tilespmem:$0x4720] =	vst v0  }
0x124: {  	[tilespmem:$0x4730] =	vst v0  }
0x125: {  	[tilespmem:$0x4740] =	vst v0  }
0x126: {  	[tilespmem:$0x4750] =	vst v0  }
0x127: {  	[tilespmem:$0x4760] =	vst v0  }
0x128: {  	[tilespmem:$0x4770] =	vst v0  }
0x129: {  	[tilespmem:$0x4780] =	vst v0  }
0x12a: {  	[tilespmem:$0x4790] =	vst v0  }
0x12b: {  	[tilespmem:$0x47A0] =	vst v0  }
0x12c: {  	[tilespmem:$0x47B0] =	vst v0  }
0x12d: {  	[tilespmem:$0x47C0] =	vst v0  }
0x12e: {  	[tilespmem:$0x47D0] =	vst v0  }
0x12f: {  	[tilespmem:$0x47E0] =	vst v0  }
0x130: {  	[tilespmem:$0x47F0] =	vst v0  }
0x131: {  	[tilespmem:$0x4800] =	vst v0  }
0x132: {  	[tilespmem:$0x4810] =	vst v0  }
0x133: {  	[tilespmem:$0x4820] =	vst v0  }
0x134: {  	[tilespmem:$0x4830] =	vst v0  }
0x135: {  	[tilespmem:$0x4840] =	vst v0  }
0x136: {  	[tilespmem:$0x4850] =	vst v0  }
0x137: {  	[tilespmem:$0x4860] =	vst v0  }
0x138: {  	[tilespmem:$0x4870] =	vst v0  }
0x139: {  	[tilespmem:$0x4880] =	vst v0  }
0x13a: {  	[tilespmem:$0x4890] =	vst v0  }
0x13b: {  	[tilespmem:$0x48A0] =	vst v0  }
0x13c: {  	[tilespmem:$0x48B0] =	vst v0  }
0x13d: {  	[tilespmem:$0x48C0] =	vst v0  }
0x13e: {  	[tilespmem:$0x48D0] =	vst v0  }
0x13f: {  	[tilespmem:$0x48E0] =	vst v0  }
0x140: {  	[tilespmem:$0x48F0] =	vst v0  }
0x141: {  	[tilespmem:$0x4900] =	vst v0  }
0x142: {  	[tilespmem:$0x4910] =	vst v0  }
0x143: {  	[tilespmem:$0x4920] =	vst v0  }
0x144: {  	[tilespmem:$0x4930] =	vst v0  }
0x145: {  	[tilespmem:$0x4940] =	vst v0  }
0x146: {  	[tilespmem:$0x4950] =	vst v0  }
0x147: {  	[tilespmem:$0x4960] =	vst v0  }
0x148: {  	[tilespmem:$0x4970] =	vst v0  }
0x149: {  	[tilespmem:$0x4980] =	vst v0  }
0x14a: {  	[tilespmem:$0x4990] =	vst v0  }
0x14b: {  	[tilespmem:$0x49A0] =	vst v0  }
0x14c: {  	[tilespmem:$0x49B0] =	vst v0  }
0x14d: {  	[tilespmem:$0x49C0] =	vst v0  }
0x14e: {  	[tilespmem:$0x49D0] =	vst v0  }
0x14f: {  	[tilespmem:$0x49E0] =	vst v0  }
0x150: {  	[tilespmem:$0x49F0] =	vst v0  }
0x151: {  	[tilespmem:$0x4A00] =	vst v0  }
0x152: {  	[tilespmem:$0x4A10] =	vst v0  }
0x153: {  	[tilespmem:$0x4A20] =	vst v0  }
0x154: {  	[tilespmem:$0x4A30] =	vst v0  }
0x155: {  	[tilespmem:$0x4A40] =	vst v0  }
0x156: {  	[tilespmem:$0x4A50] =	vst v0  }
0x157: {  	[tilespmem:$0x4A60] =	vst v0  }
0x158: {  	[tilespmem:$0x4A70] =	vst v0  }
0x159: {  	[tilespmem:$0x4A80] =	vst v0  }
0x15a: {  	[tilespmem:$0x4A90] =	vst v0  }
0x15b: {  	[tilespmem:$0x4AA0] =	vst v0  }
0x15c: {  	[tilespmem:$0x4AB0] =	vst v0  }
0x15d: {  	[tilespmem:$0x4AC0] =	vst v0  }
0x15e: {  	[tilespmem:$0x4AD0] =	vst v0  }
0x15f: {  	[tilespmem:$0x4AE0] =	vst v0  }
0x160: {  	[tilespmem:$0x4AF0] =	vst v0  }
0x161: {  	[tilespmem:$0x4B00] =	vst v0  }
0x162: {  	[tilespmem:$0x4B10] =	vst v0  }
0x163: {  	[tilespmem:$0x4B20] =	vst v0  }
0x164: {  	[tilespmem:$0x4B30] =	vst v0  }
0x165: {  	[tilespmem:$0x4B40] =	vst v0  }
0x166: {  	[tilespmem:$0x4B50] =	vst v0  }
0x167: {  	[tilespmem:$0x4B60] =	vst v0  }
0x168: {  	[tilespmem:$0x4B70] =	vst v0  }
0x169: {  	[tilespmem:$0x4B80] =	vst v0  }
0x16a: {  	[tilespmem:$0x4B90] =	vst v0  }
0x16b: {  	[tilespmem:$0x4BA0] =	vst v0  }
0x16c: {  	[tilespmem:$0x4BB0] =	vst v0  }
0x16d: {  	[tilespmem:$0x4BC0] =	vst v0  }
0x16e: {  	[tilespmem:$0x4BD0] =	vst v0  }
0x16f: {  	[tilespmem:$0x4BE0] =	vst v0  }
0x170: {  	[tilespmem:$0x4BF0] =	vst v0  }
0x171: {  	[tilespmem:$0x4C00] =	vst v0  }
0x172: {  	[tilespmem:$0x4C10] =	vst v0  }
0x173: {  	[tilespmem:$0x4C20] =	vst v0  }
0x174: {  	[tilespmem:$0x4C30] =	vst v0  }
0x175: {  	[tilespmem:$0x4C40] =	vst v0  }
0x176: {  	[tilespmem:$0x4C50] =	vst v0  }
0x177: {  	[tilespmem:$0x4C60] =	vst v0  }
0x178: {  	[tilespmem:$0x4C70] =	vst v0  }
0x179: {  	[tilespmem:$0x4C80] =	vst v0  }
0x17a: {  	[tilespmem:$0x4C90] =	vst v0  }
0x17b: {  	[tilespmem:$0x4CA0] =	vst v0  }
0x17c: {  	[tilespmem:$0x4CB0] =	vst v0  }
0x17d: {  	[tilespmem:$0x4CC0] =	vst v0  }
0x17e: {  	[tilespmem:$0x4CD0] =	vst v0  }
0x17f: {  	[tilespmem:$0x4CE0] =	vst v0  }
0x180: {  	[tilespmem:$0x4CF0] =	vst v0  }
0x181: {  	[tilespmem:$0x4D00] =	vst v0  }
0x182: {  	[tilespmem:$0x4D10] =	vst v0  }
0x183: {  	[tilespmem:$0x4D20] =	vst v0  }
0x184: {  	[tilespmem:$0x4D30] =	vst v0  }
0x185: {  	[tilespmem:$0x4D40] =	vst v0  }
0x186: {  	[tilespmem:$0x4D50] =	vst v0  }
0x187: {  	[tilespmem:$0x4D60] =	vst v0  }
0x188: {  	[tilespmem:$0x4D70] =	vst v0  }
0x189: {  	[tilespmem:$0x4D80] =	vst v0  }
0x18a: {  	[tilespmem:$0x4D90] =	vst v0  }
0x18b: {  	[tilespmem:$0x4DA0] =	vst v0  }
0x18c: {  	[tilespmem:$0x4DB0] =	vst v0  }
0x18d: {  	[tilespmem:$0x4DC0] =	vst v0  }
0x18e: {  	[tilespmem:$0x4DD0] =	vst v0  }
0x18f: {  	[tilespmem:$0x4DE0] =	vst v0  }
0x190: {  	[tilespmem:$0x4DF0] =	vst v0  }
0x191: {  	[tilespmem:$0x4E00] =	vst v0  }
0x192: {  	[tilespmem:$0x4E10] =	vst v0  }
0x193: {  	[tilespmem:$0x4E20] =	vst v0  }
0x194: {  	[tilespmem:$0x4E30] =	vst v0  }
0x195: {  	[tilespmem:$0x4E40] =	vst v0  }
0x196: {  	[tilespmem:$0x4E50] =	vst v0  }
0x197: {  	[tilespmem:$0x4E60] =	vst v0  }
0x198: {  	[tilespmem:$0x4E70] =	vst v0  }
0x199: {  	[tilespmem:$0x4E80] =	vst v0  }
0x19a: {  	[tilespmem:$0x4E90] =	vst v0  }
0x19b: {  	[tilespmem:$0x4EA0] =	vst v0  }
0x19c: {  	[tilespmem:$0x4EB0] =	vst v0  }
0x19d: {  	[tilespmem:$0x4EC0] =	vst v0  }
0x19e: {  	[tilespmem:$0x4ED0] =	vst v0  }
0x19f: {  	[tilespmem:$0x4EE0] =	vst v0  }
0x1a0: {  	[tilespmem:$0x4EF0] =	vst v0  }
0x1a1: {  	[tilespmem:$0x4F00] =	vst v0  }
0x1a2: {  	[tilespmem:$0x4F10] =	vst v0  }
0x1a3: {  	[tilespmem:$0x4F20] =	vst v0  }
0x1a4: {  	[tilespmem:$0x4F30] =	vst v0  }
0x1a5: {  	[tilespmem:$0x4F40] =	vst v0  }
0x1a6: {  	[tilespmem:$0x4F50] =	vst v0  }
0x1a7: {  	[tilespmem:$0x4F60] =	vst v0  }
0x1a8: {  	[tilespmem:$0x4F70] =	vst v0  }
0x1a9: {  	[tilespmem:$0x4F80] =	vst v0  }
0x1aa: {  	[tilespmem:$0x4F90] =	vst v0  }
0x1ab: {  	[tilespmem:$0x4FA0] =	vst v0  }
0x1ac: {  	[tilespmem:$0x4FB0] =	vst v0  }
0x1ad: {  	[tilespmem:$0x4FC0] =	vst v0  }
0x1ae: {  	[tilespmem:$0x4FD0] =	vst v0  }
0x1af: {  	[tilespmem:$0x4FE0] =	vst v0  }
0x1b0: {  	[tilespmem:$0x4FF0] =	vst v0  }
0x1b1: {  	[tilespmem:$0x5000] =	vst v0  }
0x1b2: {  	[tilespmem:$0x5010] =	vst v0  }
0x1b3: {  	[tilespmem:$0x5020] =	vst v0  }
0x1b4: {  	[tilespmem:$0x5030] =	vst v0  }
0x1b5: {  	[tilespmem:$0x5040] =	vst v0  }
0x1b6: {  	[tilespmem:$0x5050] =	vst v0  }
0x1b7: {  	[tilespmem:$0x5060] =	vst v0  }
0x1b8: {  	[tilespmem:$0x5070] =	vst v0  }
0x1b9: {  	[tilespmem:$0x5080] =	vst v0  }
0x1ba: {  	[tilespmem:$0x5090] =	vst v0  }
0x1bb: {  	[tilespmem:$0x50A0] =	vst v0  }
0x1bc: {  	[tilespmem:$0x50B0] =	vst v0  }
0x1bd: {  	[tilespmem:$0x50C0] =	vst v0  }
0x1be: {  	[tilespmem:$0x50D0] =	vst v0  }
0x1bf: {  	[tilespmem:$0x50E0] =	vst v0  }
0x1c0: {  	[tilespmem:$0x50F0] =	vst v0  }
0x1c1: {  	[tilespmem:$0x5100] =	vst v0  }
0x1c2: {  	[tilespmem:$0x5110] =	vst v0  }
0x1c3: {  	[tilespmem:$0x5120] =	vst v0  }
0x1c4: {  	[tilespmem:$0x5130] =	vst v0  }
0x1c5: {  	[tilespmem:$0x5140] =	vst v0  }
0x1c6: {  	[tilespmem:$0x5150] =	vst v0  }
0x1c7: {  	[tilespmem:$0x5160] =	vst v0  }
0x1c8: {  	[tilespmem:$0x5170] =	vst v0  }
0x1c9: {  	[tilespmem:$0x5180] =	vst v0  }
0x1ca: {  	[tilespmem:$0x5190] =	vst v0  }
0x1cb: {  	[tilespmem:$0x51A0] =	vst v0  }
0x1cc: {  	[tilespmem:$0x51B0] =	vst v0  }
0x1cd: {  	[tilespmem:$0x51C0] =	vst v0  }
0x1ce: {  	[tilespmem:$0x51D0] =	vst v0  }
0x1cf: {  	[tilespmem:$0x51E0] =	vst v0  }
0x1d0: {  	[tilespmem:$0x51F0] =	vst v0  }
0x1d1: {  	[tilespmem:$0x5200] =	vst v0  }
0x1d2: {  	[tilespmem:$0x5210] =	vst v0  }
0x1d3: {  	[tilespmem:$0x5220] =	vst v0  }
0x1d4: {  	[tilespmem:$0x5230] =	vst v0  }
0x1d5: {  	[tilespmem:$0x5240] =	vst v0  }
0x1d6: {  	[tilespmem:$0x5250] =	vst v0  }
0x1d7: {  	[tilespmem:$0x5260] =	vst v0  }
0x1d8: {  	[tilespmem:$0x5270] =	vst v0  }
0x1d9: {  	[tilespmem:$0x5280] =	vst v0  }
0x1da: {  	[tilespmem:$0x5290] =	vst v0  }
0x1db: {  	[tilespmem:$0x52A0] =	vst v0  }
0x1dc: {  	[tilespmem:$0x52B0] =	vst v0  }
0x1dd: {  	[tilespmem:$0x52C0] =	vst v0  }
0x1de: {  	[tilespmem:$0x52D0] =	vst v0  }
0x1df: {  	[tilespmem:$0x52E0] =	vst v0  }
0x1e0: {  	[tilespmem:$0x52F0] =	vst v0  }
0x1e1: {  	[tilespmem:$0x5300] =	vst v0  }
0x1e2: {  	[tilespmem:$0x5310] =	vst v0  }
0x1e3: {  	[tilespmem:$0x5320] =	vst v0  }
0x1e4: {  	[tilespmem:$0x5330] =	vst v0  }
0x1e5: {  	[tilespmem:$0x5340] =	vst v0  }
0x1e6: {  	[tilespmem:$0x5350] =	vst v0  }
0x1e7: {  	[tilespmem:$0x5360] =	vst v0  }
0x1e8: {  	[tilespmem:$0x5370] =	vst v0  }
0x1e9: {  	[tilespmem:$0x5380] =	vst v0  }
0x1ea: {  	[tilespmem:$0x5390] =	vst v0  }
0x1eb: {  	[tilespmem:$0x53A0] =	vst v0  }
0x1ec: {  	[tilespmem:$0x53B0] =	vst v0  }
0x1ed: {  	[tilespmem:$0x53C0] =	vst v0  }
0x1ee: {  	[tilespmem:$0x53D0] =	vst v0  }
0x1ef: {  	[tilespmem:$0x53E0] =	vst v0  }
0x1f0: {  	[tilespmem:$0x53F0] =	vst v0  }
0x1f1: {  	[tilespmem:$0x5400] =	vst v0  }
0x1f2: {  	[tilespmem:$0x5410] =	vst v0  }
0x1f3: {  	[tilespmem:$0x5420] =	vst v0  }
0x1f4: {  	[tilespmem:$0x5430] =	vst v0  }
0x1f5: {  	[tilespmem:$0x5440] =	vst v0  }
0x1f6: {  	[tilespmem:$0x5450] =	vst v0  }
0x1f7: {  	[tilespmem:$0x5460] =	vst v0  }
0x1f8: {  	[tilespmem:$0x5470] =	vst v0  }
0x1f9: {  	[tilespmem:$0x5480] =	vst v0  }
0x1fa: {  	[tilespmem:$0x5490] =	vst v0  }
0x1fb: {  	[tilespmem:$0x54A0] =	vst v0  }
0x1fc: {  	[tilespmem:$0x54B0] =	vst v0  }
0x1fd: {  	[tilespmem:$0x54C0] =	vst v0  }
0x1fe: {  	[tilespmem:$0x54D0] =	vst v0  }
0x1ff: {  	[tilespmem:$0x54E0] =	vst v0  }
0x200: {  	[tilespmem:$0x54F0] =	vst v0  }
0x201: {  	[tilespmem:$0x5500] =	vst v0  }
0x202: {  	[tilespmem:$0x5510] =	vst v0  }
0x203: {  	[tilespmem:$0x5520] =	vst v0  }
0x204: {  	[tilespmem:$0x5530] =	vst v0  }
0x205: {  	[tilespmem:$0x5540] =	vst v0  }
0x206: {  	[tilespmem:$0x5550] =	vst v0  }
0x207: {  	[tilespmem:$0x5560] =	vst v0  }
0x208: {  	[tilespmem:$0x5570] =	vst v0  }
0x209: {  	[tilespmem:$0x5580] =	vst v0  }
0x20a: {  	[tilespmem:$0x5590] =	vst v0  }
0x20b: {  	[tilespmem:$0x55A0] =	vst v0  }
0x20c: {  	[tilespmem:$0x55B0] =	vst v0  }
0x20d: {  	[tilespmem:$0x55C0] =	vst v0  }
0x20e: {  	[tilespmem:$0x55D0] =	vst v0  }
0x20f: {  	[tilespmem:$0x55E0] =	vst v0  }
0x210: {  	[tilespmem:$0x55F0] =	vst v0  }
0x211: {  	[tilespmem:$0x5600] =	vst v0  }
0x212: {  	[tilespmem:$0x5610] =	vst v0  }
0x213: {  	[tilespmem:$0x5620] =	vst v0  }
0x214: {  	[tilespmem:$0x5630] =	vst v0  }
0x215: {  	[tilespmem:$0x5640] =	vst v0  }
0x216: {  	[tilespmem:$0x5650] =	vst v0  }
0x217: {  	[tilespmem:$0x5660] =	vst v0  }
0x218: {  	[tilespmem:$0x5670] =	vst v0  }
0x219: {  	[tilespmem:$0x5680] =	vst v0  }
0x21a: {  	[tilespmem:$0x5690] =	vst v0  }
0x21b: {  	[tilespmem:$0x56A0] =	vst v0  }
0x21c: {  	[tilespmem:$0x56B0] =	vst v0  }
0x21d: {  	[tilespmem:$0x56C0] =	vst v0  }
0x21e: {  	[tilespmem:$0x56D0] =	vst v0  }
0x21f: {  	[tilespmem:$0x56E0] =	vst v0  }
0x220: {  	[tilespmem:$0x56F0] =	vst v0  }
0x221: {  	[tilespmem:$0x5700] =	vst v0  }
0x222: {  	[tilespmem:$0x5710] =	vst v0  }
0x223: {  	[tilespmem:$0x5720] =	vst v0  }
0x224: {  	[tilespmem:$0x5730] =	vst v0  }
0x225: {  	[tilespmem:$0x5740] =	vst v0  }
0x226: {  	[tilespmem:$0x5750] =	vst v0  }
0x227: {  	[tilespmem:$0x5760] =	vst v0  }
0x228: {  	[tilespmem:$0x5770] =	vst v0  }
0x229: {  	[tilespmem:$0x5780] =	vst v0  }
0x22a: {  	[tilespmem:$0x5790] =	vst v0  }
0x22b: {  	[tilespmem:$0x57A0] =	vst v0  }
0x22c: {  	[tilespmem:$0x57B0] =	vst v0  }
0x22d: {  	[tilespmem:$0x57C0] =	vst v0  }
0x22e: {  	[tilespmem:$0x57D0] =	vst v0  }
0x22f: {  	[tilespmem:$0x57E0] =	vst v0  }
0x230: {  	s30 =	simm.s32 $0x0;
	s31 =	simm.s32 $0x0;
	s0 =	simm.s32 $0x1;
	[tilespmem:$0x57F0] =	vst v0  }
.LBB2_2:
0x231: {  	p0 =	seq.s32 s0, $0x1  }
0x232: {  	s2 =	sadd.s32 @!p0 $0xFFFFFFFD, s0;
	v34 =	vlaneseq.u32 @!p0  }
0x233: {  	v35 =	vmov @!p0 s2;
	v34 =	vmul.u32 @!p0 $0x80, v34  }
0x234: {  	v35 =	vand.u32 @!p0 $0xFFFFFFFE, v35  }
0x235: {  	s2 =	simm.s32 @!p0 $0x1;
	v35 =	vadd.s32 @!p0 v34, v35  }
0x236: {  	_ =	swait.ge @!p0 [sflag:s2], $0x1000  }
0x237: {  	[sflag:s2] =	ssyncset.done @!p0 $0x0  }
0x238: {  	[sflag:s2] =	ssyncadd.s32 @!p0 $0xFFFFF000  }
0x239: {  	s2 =	simm.s32 @!p0 $0x3000;
	v36 =	vld @!p0 [tilespmem:$0x5800]  }
0x23a: {  	v35 =	vld.idx.msk @!p0 [tilespmem:v35+s2+$0x0], $0xffff;
	_ =	sdelay $0x4  }
0x23b: {  	v35 =	vsub.f32 @!p0 $0.0e+00, v35  }
0x23c: {  	s4 =	simm.s32 @!p0 $0x3800  }
0x23d: {  	[tilespmem:v36+s4+$0x0] =	vst.idx.add.f32.msk @!p0 $0xffff, v35  }
0x23e: {  	v36 =	vld @!p0 [tilespmem:$0x5810];
	_ =	sdelay $0x7  }
0x23f: {  	[tilespmem:v36+s4+$0x0] =	vst.idx.add.f32.msk @!p0 $0xffff, v35  }
0x240: {  	v36 =	vld @!p0 [tilespmem:$0x5820];
	_ =	sdelay $0x7  }
0x241: {  	[tilespmem:v36+s4+$0x0] =	vst.idx.add.f32.msk @!p0 $0xffff, v35  }
0x242: {  	v36 =	vld @!p0 [tilespmem:$0x5830];
	_ =	sdelay $0x7  }
0x243: {  	[tilespmem:v36+s4+$0x0] =	vst.idx.add.f32.msk @!p0 $0xffff, v35  }
0x244: {  	v36 =	vld @!p0 [tilespmem:$0x5840];
	_ =	sdelay $0x7  }
0x245: {  	[tilespmem:v36+s4+$0x0] =	vst.idx.add.f32.msk @!p0 $0xffff, v35  }
0x246: {  	v36 =	vld @!p0 [tilespmem:$0x5850];
	_ =	sdelay $0x7  }
0x247: {  	[tilespmem:v36+s4+$0x0] =	vst.idx.add.f32.msk @!p0 $0xffff, v35  }
0x248: {  	v36 =	vld @!p0 [tilespmem:$0x5860];
	_ =	sdelay $0x7  }
0x249: {  	[tilespmem:v36+s4+$0x0] =	vst.idx.add.f32.msk @!p0 $0xffff, v35  }
0x24a: {  	v36 =	vld @!p0 [tilespmem:$0x5870];
	_ =	sdelay $0x7  }
0x24b: {  	[tilespmem:v36+s4+$0x0] =	vst.idx.add.f32.msk @!p0 $0xffff, v35  }
0x24c: {  	v36 =	vld @!p0 [tilespmem:$0x5880];
	_ =	sdelay $0x7  }
0x24d: {  	[tilespmem:v36+s4+$0x0] =	vst.idx.add.f32.msk @!p0 $0xffff, v35  }
0x24e: {  	v36 =	vld @!p0 [tilespmem:$0x5890];
	_ =	sdelay $0x7  }
0x24f: {  	[tilespmem:v36+s4+$0x0] =	vst.idx.add.f32.msk @!p0 $0xffff, v35  }
0x250: {  	v36 =	vld @!p0 [tilespmem:$0x58A0];
	_ =	sdelay $0x7  }
0x251: {  	[tilespmem:v36+s4+$0x0] =	vst.idx.add.f32.msk @!p0 $0xffff, v35  }
0x252: {  	v36 =	vld @!p0 [tilespmem:$0x58B0];
	_ =	sdelay $0x7  }
0x253: {  	[tilespmem:v36+s4+$0x0] =	vst.idx.add.f32.msk @!p0 $0xffff, v35  }
0x254: {  	v36 =	vld @!p0 [tilespmem:$0x58C0];
	_ =	sdelay $0x7  }
0x255: {  	[tilespmem:v36+s4+$0x0] =	vst.idx.add.f32.msk @!p0 $0xffff, v35  }
0x256: {  	v36 =	vld @!p0 [tilespmem:$0x58D0];
	_ =	sdelay $0x7  }
0x257: {  	[tilespmem:v36+s4+$0x0] =	vst.idx.add.f32.msk @!p0 $0xffff, v35  }
0x258: {  	v36 =	vld @!p0 [tilespmem:$0x58E0];
	_ =	sdelay $0x7  }
0x259: {  	s5 =	sadd.s32 $0xFFFFFFFF, s0;
	[tilespmem:v36+s4+$0x0] =	vst.idx.add.f32.msk @!p0 $0xffff, v35  }
0x25a: {  	v37 =	vmov s5;
	v36 =	vld @!p0 [tilespmem:$0x58F0]  }
0x25b: {  	v37 =	vand.u32 $0x7E, v37  }
0x25c: {  	v37 =	vbroadcast v37, $0x0;
	_ =	sdelay $0x1  }
0x25d: {  	v37 =	vor.u32 v1, v37;
	_ =	sdelay $0x3  }
0x25e: {  	[tilespmem:v36+s4+$0x0] =	vst.idx.add.f32.msk @!p0 $0xffff, v35  }
0x25f: {  	v36 =	vld.idx.msk [tilespmem:v37+s20+$0x0], $0xffff;
	_ =	sdelay $0x7  }
0x260: {  	v38 =	vld.idx.msk [tilespmem:v36+s1+$0x0], $0xffff;
	_ =	sdelay $0x3  }
0x261: {  	v39 =	vld.idx.msk [tilespmem:v37+s21+$0x0], $0xffff  }
0x262: {  	v35 =	vld.idx.msk [tilespmem:v37+s22+$0x0], $0xffff;
	[tilespmem:$0x5A10] =	vst v38  }
0x263: {  	v36 =	vld.idx.msk [tilespmem:v36+s15+$0x0], $0xffff;
	_ =	sdelay $0x4  }
0x264: {  	[tilespmem:$0x5A20] =	vst v36  }
0x265: {  	v36 =	vld.idx.msk [tilespmem:v39+s16+$0x0], $0xffff  }
0x266: {  	v49 =	vld.idx.msk [tilespmem:v39+s17+$0x0], $0xffff  }
0x267: {  	v38 =	vld.idx.msk [tilespmem:v2+s23+$0x0], $0xffff  }
0x268: {  	v50 =	vld.idx.msk [tilespmem:v3+s23+$0x0], $0xffff;
	_ =	sdelay $0x3  }
0x269: {  	v38 =	vsub.s32 v36, v38  }
0x26a: {  	v39 =	vsub.s32 v49, v50;
	v38 =	vshll.u32 v38, $0x4  }
0x26b: {  	v39 =	vshra.s32 v39, $0x2;
	v38 =	vand.u32 $0xFFFFFFC0, v38  }
0x26c: {  	v38 =	vadd.s32 v38, v39  }
0x26d: {  	v38 =	vadd.s32 $0x820, v38;
	_ =	sdelay $0x3  }
0x26e: {  	[tilespmem:$0x5800] =	vst v38  }
0x26f: {  	[tilespmem:v38+s24+$0x0] =	vst.idx.add.f32.msk $0xffff, v35  }
0x270: {  	v38 =	vld.idx.msk [tilespmem:v4+s23+$0x0], $0xffff  }
0x271: {  	v51 =	vld.idx.msk [tilespmem:v5+s23+$0x0], $0xffff;
	_ =	sdelay $0x3  }
0x272: {  	v38 =	vsub.s32 v36, v38  }
0x273: {  	v39 =	vsub.s32 v49, v51;
	v38 =	vshll.u32 v38, $0x4  }
0x274: {  	v39 =	vshra.s32 v39, $0x2;
	v38 =	vand.u32 $0xFFFFFFC0, v38  }
0x275: {  	v38 =	vadd.s32 v38, v39  }
0x276: {  	v38 =	vadd.s32 $0x820, v38;
	_ =	sdelay $0x3  }
0x277: {  	[tilespmem:$0x5810] =	vst v38  }
0x278: {  	[tilespmem:v38+s24+$0x0] =	vst.idx.add.f32.msk $0xffff, v35  }
0x279: {  	v38 =	vld.idx.msk [tilespmem:v6+s23+$0x0], $0xffff  }
0x27a: {  	v52 =	vld.idx.msk [tilespmem:v7+s23+$0x0], $0xffff;
	_ =	sdelay $0x3  }
0x27b: {  	v38 =	vsub.s32 v36, v38  }
0x27c: {  	v39 =	vsub.s32 v49, v52;
	v38 =	vshll.u32 v38, $0x4  }
0x27d: {  	v39 =	vshra.s32 v39, $0x2;
	v38 =	vand.u32 $0xFFFFFFC0, v38  }
0x27e: {  	v38 =	vadd.s32 v38, v39  }
0x27f: {  	v38 =	vadd.s32 $0x820, v38;
	_ =	sdelay $0x3  }
0x280: {  	[tilespmem:$0x5820] =	vst v38  }
0x281: {  	[tilespmem:v38+s24+$0x0] =	vst.idx.add.f32.msk $0xffff, v35  }
0x282: {  	v38 =	vld.idx.msk [tilespmem:v8+s23+$0x0], $0xffff  }
0x283: {  	v53 =	vld.idx.msk [tilespmem:v9+s23+$0x0], $0xffff;
	_ =	sdelay $0x3  }
0x284: {  	v38 =	vsub.s32 v36, v38  }
0x285: {  	v39 =	vsub.s32 v49, v53;
	v38 =	vshll.u32 v38, $0x4  }
0x286: {  	v39 =	vshra.s32 v39, $0x2;
	v38 =	vand.u32 $0xFFFFFFC0, v38  }
0x287: {  	v38 =	vadd.s32 v38, v39  }
0x288: {  	v38 =	vadd.s32 $0x820, v38;
	_ =	sdelay $0x3  }
0x289: {  	[tilespmem:$0x5830] =	vst v38  }
0x28a: {  	[tilespmem:v38+s24+$0x0] =	vst.idx.add.f32.msk $0xffff, v35  }
0x28b: {  	v38 =	vld.idx.msk [tilespmem:v10+s23+$0x0], $0xffff  }
0x28c: {  	v54 =	vld.idx.msk [tilespmem:v11+s23+$0x0], $0xffff;
	_ =	sdelay $0x3  }
0x28d: {  	v38 =	vsub.s32 v36, v38  }
0x28e: {  	v39 =	vsub.s32 v49, v54;
	v38 =	vshll.u32 v38, $0x4  }
0x28f: {  	v39 =	vshra.s32 v39, $0x2;
	v38 =	vand.u32 $0xFFFFFFC0, v38  }
0x290: {  	v38 =	vadd.s32 v38, v39  }
0x291: {  	v38 =	vadd.s32 $0x820, v38;
	_ =	sdelay $0x3  }
0x292: {  	[tilespmem:$0x5840] =	vst v38  }
0x293: {  	[tilespmem:v38+s24+$0x0] =	vst.idx.add.f32.msk $0xffff, v35  }
0x294: {  	v38 =	vld.idx.msk [tilespmem:v12+s23+$0x0], $0xffff  }
0x295: {  	v55 =	vld.idx.msk [tilespmem:v13+s23+$0x0], $0xffff;
	_ =	sdelay $0x3  }
0x296: {  	v38 =	vsub.s32 v36, v38  }
0x297: {  	v39 =	vsub.s32 v49, v55;
	v38 =	vshll.u32 v38, $0x4  }
0x298: {  	v39 =	vshra.s32 v39, $0x2;
	v38 =	vand.u32 $0xFFFFFFC0, v38  }
0x299: {  	v38 =	vadd.s32 v38, v39  }
0x29a: {  	v38 =	vadd.s32 $0x820, v38;
	_ =	sdelay $0x3  }
0x29b: {  	[tilespmem:$0x5850] =	vst v38  }
0x29c: {  	[tilespmem:v38+s24+$0x0] =	vst.idx.add.f32.msk $0xffff, v35  }
0x29d: {  	v38 =	vld.idx.msk [tilespmem:v14+s23+$0x0], $0xffff  }
0x29e: {  	v56 =	vld.idx.msk [tilespmem:v15+s23+$0x0], $0xffff;
	_ =	sdelay $0x3  }
0x29f: {  	v38 =	vsub.s32 v36, v38  }
0x2a0: {  	v39 =	vsub.s32 v49, v56;
	v38 =	vshll.u32 v38, $0x4  }
0x2a1: {  	v39 =	vshra.s32 v39, $0x2;
	v38 =	vand.u32 $0xFFFFFFC0, v38  }
0x2a2: {  	v38 =	vadd.s32 v38, v39  }
0x2a3: {  	v38 =	vadd.s32 $0x820, v38;
	_ =	sdelay $0x3  }
0x2a4: {  	[tilespmem:$0x5860] =	vst v38  }
0x2a5: {  	[tilespmem:v38+s24+$0x0] =	vst.idx.add.f32.msk $0xffff, v35  }
0x2a6: {  	v38 =	vld.idx.msk [tilespmem:v16+s23+$0x0], $0xffff  }
0x2a7: {  	v57 =	vld.idx.msk [tilespmem:v17+s23+$0x0], $0xffff;
	_ =	sdelay $0x3  }
0x2a8: {  	v38 =	vsub.s32 v36, v38  }
0x2a9: {  	v39 =	vsub.s32 v49, v57;
	v38 =	vshll.u32 v38, $0x4  }
0x2aa: {  	v39 =	vshra.s32 v39, $0x2;
	v38 =	vand.u32 $0xFFFFFFC0, v38  }
0x2ab: {  	v38 =	vadd.s32 v38, v39  }
0x2ac: {  	v38 =	vadd.s32 $0x820, v38;
	_ =	sdelay $0x3  }
0x2ad: {  	[tilespmem:$0x5870] =	vst v38  }
0x2ae: {  	[tilespmem:v38+s24+$0x0] =	vst.idx.add.f32.msk $0xffff, v35  }
0x2af: {  	v38 =	vld.idx.msk [tilespmem:v18+s23+$0x0], $0xffff  }
0x2b0: {  	v58 =	vld.idx.msk [tilespmem:v19+s23+$0x0], $0xffff;
	_ =	sdelay $0x3  }
0x2b1: {  	v38 =	vsub.s32 v36, v38  }
0x2b2: {  	v39 =	vsub.s32 v49, v58;
	v38 =	vshll.u32 v38, $0x4  }
0x2b3: {  	v39 =	vshra.s32 v39, $0x2;
	v38 =	vand.u32 $0xFFFFFFC0, v38  }
0x2b4: {  	v38 =	vadd.s32 v38, v39  }
0x2b5: {  	v38 =	vadd.s32 $0x820, v38;
	_ =	sdelay $0x3  }
0x2b6: {  	[tilespmem:$0x5880] =	vst v38  }
0x2b7: {  	[tilespmem:v38+s24+$0x0] =	vst.idx.add.f32.msk $0xffff, v35  }
0x2b8: {  	v38 =	vld.idx.msk [tilespmem:v20+s23+$0x0], $0xffff  }
0x2b9: {  	v59 =	vld.idx.msk [tilespmem:v21+s23+$0x0], $0xffff;
	_ =	sdelay $0x3  }
0x2ba: {  	v38 =	vsub.s32 v36, v38  }
0x2bb: {  	v39 =	vsub.s32 v49, v59;
	v38 =	vshll.u32 v38, $0x4  }
0x2bc: {  	v39 =	vshra.s32 v39, $0x2;
	v38 =	vand.u32 $0xFFFFFFC0, v38  }
0x2bd: {  	v38 =	vadd.s32 v38, v39  }
0x2be: {  	v38 =	vadd.s32 $0x820, v38;
	_ =	sdelay $0x3  }
0x2bf: {  	[tilespmem:$0x5890] =	vst v38  }
0x2c0: {  	[tilespmem:v38+s24+$0x0] =	vst.idx.add.f32.msk $0xffff, v35  }
0x2c1: {  	v38 =	vld.idx.msk [tilespmem:v22+s23+$0x0], $0xffff  }
0x2c2: {  	v60 =	vld.idx.msk [tilespmem:v23+s23+$0x0], $0xffff;
	_ =	sdelay $0x3  }
0x2c3: {  	v38 =	vsub.s32 v36, v38  }
0x2c4: {  	v39 =	vsub.s32 v49, v60;
	v38 =	vshll.u32 v38, $0x4  }
0x2c5: {  	v39 =	vshra.s32 v39, $0x2;
	v38 =	vand.u32 $0xFFFFFFC0, v38  }
0x2c6: {  	v38 =	vadd.s32 v38, v39  }
0x2c7: {  	v38 =	vadd.s32 $0x820, v38;
	_ =	sdelay $0x3  }
0x2c8: {  	[tilespmem:$0x58A0] =	vst v38  }
0x2c9: {  	[tilespmem:v38+s24+$0x0] =	vst.idx.add.f32.msk $0xffff, v35  }
0x2ca: {  	v38 =	vld.idx.msk [tilespmem:v24+s23+$0x0], $0xffff  }
0x2cb: {  	v61 =	vld.idx.msk [tilespmem:v25+s23+$0x0], $0xffff;
	_ =	sdelay $0x3  }
0x2cc: {  	v38 =	vsub.s32 v36, v38  }
0x2cd: {  	v39 =	vsub.s32 v49, v61;
	v38 =	vshll.u32 v38, $0x4  }
0x2ce: {  	v39 =	vshra.s32 v39, $0x2;
	v38 =	vand.u32 $0xFFFFFFC0, v38  }
0x2cf: {  	v38 =	vadd.s32 v38, v39  }
0x2d0: {  	v38 =	vadd.s32 $0x820, v38;
	_ =	sdelay $0x3  }
0x2d1: {  	[tilespmem:$0x58B0] =	vst v38  }
0x2d2: {  	[tilespmem:v38+s24+$0x0] =	vst.idx.add.f32.msk $0xffff, v35  }
0x2d3: {  	v38 =	vld.idx.msk [tilespmem:v26+s23+$0x0], $0xffff  }
0x2d4: {  	v62 =	vld.idx.msk [tilespmem:v27+s23+$0x0], $0xffff;
	_ =	sdelay $0x3  }
0x2d5: {  	v38 =	vsub.s32 v36, v38  }
0x2d6: {  	v39 =	vsub.s32 v49, v62;
	v38 =	vshll.u32 v38, $0x4  }
0x2d7: {  	v39 =	vshra.s32 v39, $0x2;
	v38 =	vand.u32 $0xFFFFFFC0, v38  }
0x2d8: {  	v38 =	vadd.s32 v38, v39  }
0x2d9: {  	v38 =	vadd.s32 $0x820, v38;
	_ =	sdelay $0x3  }
0x2da: {  	[tilespmem:$0x58C0] =	vst v38  }
0x2db: {  	[tilespmem:v38+s24+$0x0] =	vst.idx.add.f32.msk $0xffff, v35  }
0x2dc: {  	v38 =	vld.idx.msk [tilespmem:v28+s23+$0x0], $0xffff  }
0x2dd: {  	v63 =	vld.idx.msk [tilespmem:v29+s23+$0x0], $0xffff;
	_ =	sdelay $0x3  }
0x2de: {  	v38 =	vsub.s32 v36, v38  }
0x2df: {  	v39 =	vsub.s32 v49, v63;
	v38 =	vshll.u32 v38, $0x4  }
0x2e0: {  	v39 =	vshra.s32 v39, $0x2;
	v38 =	vand.u32 $0xFFFFFFC0, v38  }
0x2e1: {  	v38 =	vadd.s32 v38, v39  }
0x2e2: {  	v38 =	vadd.s32 $0x820, v38;
	_ =	sdelay $0x3  }
0x2e3: {  	[tilespmem:$0x58D0] =	vst v38  }
0x2e4: {  	[tilespmem:v38+s24+$0x0] =	vst.idx.add.f32.msk $0xffff, v35  }
0x2e5: {  	v38 =	vld.idx.msk [tilespmem:v30+s23+$0x0], $0xffff  }
0x2e6: {  	v42 =	vld.idx.msk [tilespmem:v31+s23+$0x0], $0xffff;
	_ =	sdelay $0x3  }
0x2e7: {  	v38 =	vsub.s32 v36, v38  }
0x2e8: {  	v39 =	vsub.s32 v49, v42;
	v38 =	vshll.u32 v38, $0x4  }
0x2e9: {  	v39 =	vshra.s32 v39, $0x2;
	v38 =	vand.u32 $0xFFFFFFC0, v38  }
0x2ea: {  	v38 =	vadd.s32 v38, v39  }
0x2eb: {  	v38 =	vadd.s32 $0x820, v38;
	_ =	sdelay $0x3  }
0x2ec: {  	[tilespmem:$0x58E0] =	vst v38  }
0x2ed: {  	[tilespmem:v38+s24+$0x0] =	vst.idx.add.f32.msk $0xffff, v35  }
0x2ee: {  	v38 =	vld.idx.msk [tilespmem:v32+s23+$0x0], $0xffff  }
0x2ef: {  	v43 =	vld.idx.msk [tilespmem:v33+s23+$0x0], $0xffff;
	_ =	sdelay $0x3  }
0x2f0: {  	v36 =	vsub.s32 v36, v38  }
0x2f1: {  	v37 =	vsub.s32 v49, v43;
	v36 =	vshll.u32 v36, $0x4  }
0x2f2: {  	v37 =	vshra.s32 v37, $0x2;
	v36 =	vand.u32 $0xFFFFFFC0, v36  }
0x2f3: {  	v36 =	vadd.s32 v36, v37  }
0x2f4: {  	v36 =	vadd.s32 $0x820, v36;
	_ =	sdelay $0x2  }
0x2f5: {  	s6 =	sand.u32 $0x60, s31;
	s5 =	sand.u32 $0xF000, s30;
	s4 =	rddreg [dreg:$0x5]  }
0x2f6: {  	s6 =	sadd.s32 s3, s6;
	s4 =	sor.u32 s4, s5;
	[tilespmem:$0x58F0] =	vst v36  }
0x2f7: {  	s5 =	sadd.s32 s4, s6;
	[tilespmem:v36+s24+$0x0] =	vst.idx.add.f32.msk $0xffff, v35  }
0x2f8: {  	[hbm4b:s5+s12] =	stream.strided.scatter [tilespmem:s24], [sflag:$0x1], $0x1000, s18, s12, $0x38;
	[tilespmem:$0x5A80] =	vst v63  }
0x2f9: {  	s5 =	sadd.s32 @!p0 $0xFFFFFFFE, s0  }
0x2fa: {  	v34 =	vadd.s32 @!p0 s5, v34;
	s5 =	simm.s32 @!p0 $0x2  }
0x2fb: {  	_ =	swait.ge @!p0 [sflag:s5], $0x1000  }
0x2fc: {  	[sflag:s5] =	ssyncset.done @!p0 $0x0  }
0x2fd: {  	[sflag:s5] =	ssyncadd.s32 @!p0 $0xFFFFF000  }
0x2fe: {  	v35 =	vld @!p0 [tilespmem:$0x5900]  }
0x2ff: {  	v34 =	vld.idx.msk @!p0 [tilespmem:v34+s2+$0x0], $0xffff;
	_ =	sdelay $0x4  }
0x300: {  	v34 =	vsub.f32 @!p0 $0.0e+00, v34  }
0x301: {  	s2 =	simm.s32 @!p0 $0x4800  }
0x302: {  	[tilespmem:v35+s2+$0x0] =	vst.idx.add.f32.msk @!p0 $0xffff, v34  }
0x303: {  	v35 =	vld @!p0 [tilespmem:$0x5910];
	_ =	sdelay $0x7  }
0x304: {  	[tilespmem:v35+s2+$0x0] =	vst.idx.add.f32.msk @!p0 $0xffff, v34  }
0x305: {  	v35 =	vld @!p0 [tilespmem:$0x5920];
	_ =	sdelay $0x7  }
0x306: {  	[tilespmem:v35+s2+$0x0] =	vst.idx.add.f32.msk @!p0 $0xffff, v34  }
0x307: {  	v35 =	vld @!p0 [tilespmem:$0x5930];
	_ =	sdelay $0x7  }
0x308: {  	[tilespmem:v35+s2+$0x0] =	vst.idx.add.f32.msk @!p0 $0xffff, v34  }
0x309: {  	v35 =	vld @!p0 [tilespmem:$0x5940];
	_ =	sdelay $0x7  }
0x30a: {  	[tilespmem:v35+s2+$0x0] =	vst.idx.add.f32.msk @!p0 $0xffff, v34  }
0x30b: {  	v35 =	vld @!p0 [tilespmem:$0x5950];
	_ =	sdelay $0x7  }
0x30c: {  	[tilespmem:v35+s2+$0x0] =	vst.idx.add.f32.msk @!p0 $0xffff, v34  }
0x30d: {  	v35 =	vld @!p0 [tilespmem:$0x5960];
	_ =	sdelay $0x7  }
0x30e: {  	[tilespmem:v35+s2+$0x0] =	vst.idx.add.f32.msk @!p0 $0xffff, v34  }
0x30f: {  	v35 =	vld @!p0 [tilespmem:$0x5970];
	_ =	sdelay $0x7  }
0x310: {  	[tilespmem:v35+s2+$0x0] =	vst.idx.add.f32.msk @!p0 $0xffff, v34  }
0x311: {  	v35 =	vld @!p0 [tilespmem:$0x5980];
	_ =	sdelay $0x7  }
0x312: {  	[tilespmem:v35+s2+$0x0] =	vst.idx.add.f32.msk @!p0 $0xffff, v34  }
0x313: {  	v35 =	vld @!p0 [tilespmem:$0x5990];
	_ =	sdelay $0x7  }
0x314: {  	[tilespmem:v35+s2+$0x0] =	vst.idx.add.f32.msk @!p0 $0xffff, v34  }
0x315: {  	v35 =	vld @!p0 [tilespmem:$0x59A0];
	_ =	sdelay $0x7  }
0x316: {  	[tilespmem:v35+s2+$0x0] =	vst.idx.add.f32.msk @!p0 $0xffff, v34  }
0x317: {  	v35 =	vld @!p0 [tilespmem:$0x59B0];
	_ =	sdelay $0x7  }
0x318: {  	[tilespmem:v35+s2+$0x0] =	vst.idx.add.f32.msk @!p0 $0xffff, v34  }
0x319: {  	v35 =	vld @!p0 [tilespmem:$0x59C0];
	_ =	sdelay $0x7  }
0x31a: {  	[tilespmem:v35+s2+$0x0] =	vst.idx.add.f32.msk @!p0 $0xffff, v34  }
0x31b: {  	v35 =	vld @!p0 [tilespmem:$0x59D0];
	_ =	sdelay $0x7  }
0x31c: {  	[tilespmem:v35+s2+$0x0] =	vst.idx.add.f32.msk @!p0 $0xffff, v34  }
0x31d: {  	v35 =	vld @!p0 [tilespmem:$0x59E0];
	_ =	sdelay $0x7  }
0x31e: {  	[tilespmem:v35+s2+$0x0] =	vst.idx.add.f32.msk @!p0 $0xffff, v34  }
0x31f: {  	v44 =	vmov s0;
	v35 =	vld @!p0 [tilespmem:$0x59F0]  }
0x320: {  	v36 =	vand.u32 $0x7F, v44  }
0x321: {  	v36 =	vbroadcast v36, $0x0;
	_ =	sdelay $0x1  }
0x322: {  	v36 =	vor.u32 v1, v36;
	_ =	sdelay $0x3  }
0x323: {  	[tilespmem:v35+s2+$0x0] =	vst.idx.add.f32.msk @!p0 $0xffff, v34  }
0x324: {  	v35 =	vld.idx.msk [tilespmem:v36+s20+$0x0], $0xffff;
	_ =	sdelay $0x7  }
0x325: {  	v45 =	vld.idx.msk [tilespmem:v35+s1+$0x0], $0xffff;
	_ =	sdelay $0x3  }
0x326: {  	v46 =	vld.idx.msk [tilespmem:v36+s21+$0x0], $0xffff  }
0x327: {  	v34 =	vld.idx.msk [tilespmem:v36+s22+$0x0], $0xffff;
	[tilespmem:$0x5A10] =	vst v45  }
0x328: {  	v35 =	vld.idx.msk [tilespmem:v35+s15+$0x0], $0xffff;
	_ =	sdelay $0x4  }
0x329: {  	[tilespmem:$0x5A20] =	vst v35  }
0x32a: {  	v35 =	vld.idx.msk [tilespmem:v46+s16+$0x0], $0xffff  }
0x32b: {  	v47 =	vld.idx.msk [tilespmem:v46+s17+$0x0], $0xffff  }
0x32c: {  	v37 =	vld.idx.msk [tilespmem:v2+s23+$0x0], $0xffff  }
0x32d: {  	v48 =	vld.idx.msk [tilespmem:v3+s23+$0x0], $0xffff;
	_ =	sdelay $0x3  }
0x32e: {  	v37 =	vsub.s32 v35, v37  }
0x32f: {  	v38 =	vsub.s32 v47, v48;
	v37 =	vshll.u32 v37, $0x4  }
0x330: {  	v38 =	vshra.s32 v38, $0x2;
	v37 =	vand.u32 $0xFFFFFFC0, v37  }
0x331: {  	v37 =	vadd.s32 v37, v38  }
0x332: {  	v37 =	vadd.s32 $0x820, v37;
	_ =	sdelay $0x3  }
0x333: {  	[tilespmem:$0x5900] =	vst v37  }
0x334: {  	[tilespmem:v37+s25+$0x0] =	vst.idx.add.f32.msk $0xffff, v34  }
0x335: {  	v37 =	vld.idx.msk [tilespmem:v4+s23+$0x0], $0xffff  }
0x336: {  	v49 =	vld.idx.msk [tilespmem:v5+s23+$0x0], $0xffff;
	_ =	sdelay $0x3  }
0x337: {  	v37 =	vsub.s32 v35, v37  }
0x338: {  	v38 =	vsub.s32 v47, v49;
	v37 =	vshll.u32 v37, $0x4  }
0x339: {  	v38 =	vshra.s32 v38, $0x2;
	v37 =	vand.u32 $0xFFFFFFC0, v37  }
0x33a: {  	v37 =	vadd.s32 v37, v38  }
0x33b: {  	v37 =	vadd.s32 $0x820, v37;
	_ =	sdelay $0x3  }
0x33c: {  	[tilespmem:$0x5910] =	vst v37  }
0x33d: {  	[tilespmem:v37+s25+$0x0] =	vst.idx.add.f32.msk $0xffff, v34  }
0x33e: {  	v37 =	vld.idx.msk [tilespmem:v6+s23+$0x0], $0xffff  }
0x33f: {  	v50 =	vld.idx.msk [tilespmem:v7+s23+$0x0], $0xffff;
	_ =	sdelay $0x3  }
0x340: {  	v37 =	vsub.s32 v35, v37  }
0x341: {  	v38 =	vsub.s32 v47, v50;
	v37 =	vshll.u32 v37, $0x4  }
0x342: {  	v38 =	vshra.s32 v38, $0x2;
	v37 =	vand.u32 $0xFFFFFFC0, v37  }
0x343: {  	v37 =	vadd.s32 v37, v38  }
0x344: {  	v37 =	vadd.s32 $0x820, v37;
	_ =	sdelay $0x3  }
0x345: {  	[tilespmem:$0x5920] =	vst v37  }
0x346: {  	[tilespmem:v37+s25+$0x0] =	vst.idx.add.f32.msk $0xffff, v34  }
0x347: {  	v37 =	vld.idx.msk [tilespmem:v8+s23+$0x0], $0xffff  }
0x348: {  	v51 =	vld.idx.msk [tilespmem:v9+s23+$0x0], $0xffff;
	_ =	sdelay $0x3  }
0x349: {  	v37 =	vsub.s32 v35, v37  }
0x34a: {  	v38 =	vsub.s32 v47, v51;
	v37 =	vshll.u32 v37, $0x4  }
0x34b: {  	v38 =	vshra.s32 v38, $0x2;
	v37 =	vand.u32 $0xFFFFFFC0, v37  }
0x34c: {  	v37 =	vadd.s32 v37, v38  }
0x34d: {  	v37 =	vadd.s32 $0x820, v37;
	_ =	sdelay $0x3  }
0x34e: {  	[tilespmem:$0x5930] =	vst v37  }
0x34f: {  	[tilespmem:v37+s25+$0x0] =	vst.idx.add.f32.msk $0xffff, v34  }
0x350: {  	v37 =	vld.idx.msk [tilespmem:v10+s23+$0x0], $0xffff  }
0x351: {  	v52 =	vld.idx.msk [tilespmem:v11+s23+$0x0], $0xffff;
	_ =	sdelay $0x3  }
0x352: {  	v37 =	vsub.s32 v35, v37  }
0x353: {  	v38 =	vsub.s32 v47, v52;
	v37 =	vshll.u32 v37, $0x4  }
0x354: {  	v38 =	vshra.s32 v38, $0x2;
	v37 =	vand.u32 $0xFFFFFFC0, v37  }
0x355: {  	v37 =	vadd.s32 v37, v38  }
0x356: {  	v37 =	vadd.s32 $0x820, v37;
	_ =	sdelay $0x3  }
0x357: {  	[tilespmem:$0x5940] =	vst v37  }
0x358: {  	[tilespmem:v37+s25+$0x0] =	vst.idx.add.f32.msk $0xffff, v34  }
0x359: {  	v37 =	vld.idx.msk [tilespmem:v12+s23+$0x0], $0xffff  }
0x35a: {  	v53 =	vld.idx.msk [tilespmem:v13+s23+$0x0], $0xffff;
	_ =	sdelay $0x3  }
0x35b: {  	v37 =	vsub.s32 v35, v37  }
0x35c: {  	v38 =	vsub.s32 v47, v53;
	v37 =	vshll.u32 v37, $0x4  }
0x35d: {  	v38 =	vshra.s32 v38, $0x2;
	v37 =	vand.u32 $0xFFFFFFC0, v37  }
0x35e: {  	v37 =	vadd.s32 v37, v38  }
0x35f: {  	v37 =	vadd.s32 $0x820, v37;
	_ =	sdelay $0x3  }
0x360: {  	[tilespmem:$0x5950] =	vst v37  }
0x361: {  	[tilespmem:v37+s25+$0x0] =	vst.idx.add.f32.msk $0xffff, v34  }
0x362: {  	v37 =	vld.idx.msk [tilespmem:v14+s23+$0x0], $0xffff  }
0x363: {  	v54 =	vld.idx.msk [tilespmem:v15+s23+$0x0], $0xffff;
	_ =	sdelay $0x3  }
0x364: {  	v37 =	vsub.s32 v35, v37  }
0x365: {  	v38 =	vsub.s32 v47, v54;
	v37 =	vshll.u32 v37, $0x4  }
0x366: {  	v38 =	vshra.s32 v38, $0x2;
	v37 =	vand.u32 $0xFFFFFFC0, v37  }
0x367: {  	v37 =	vadd.s32 v37, v38  }
0x368: {  	v37 =	vadd.s32 $0x820, v37;
	_ =	sdelay $0x3  }
0x369: {  	[tilespmem:$0x5960] =	vst v37  }
0x36a: {  	[tilespmem:v37+s25+$0x0] =	vst.idx.add.f32.msk $0xffff, v34  }
0x36b: {  	v37 =	vld.idx.msk [tilespmem:v16+s23+$0x0], $0xffff  }
0x36c: {  	v55 =	vld.idx.msk [tilespmem:v17+s23+$0x0], $0xffff;
	_ =	sdelay $0x3  }
0x36d: {  	v37 =	vsub.s32 v35, v37  }
0x36e: {  	v38 =	vsub.s32 v47, v55;
	v37 =	vshll.u32 v37, $0x4  }
0x36f: {  	v38 =	vshra.s32 v38, $0x2;
	v37 =	vand.u32 $0xFFFFFFC0, v37  }
0x370: {  	v37 =	vadd.s32 v37, v38  }
0x371: {  	v37 =	vadd.s32 $0x820, v37;
	_ =	sdelay $0x3  }
0x372: {  	[tilespmem:$0x5970] =	vst v37  }
0x373: {  	[tilespmem:v37+s25+$0x0] =	vst.idx.add.f32.msk $0xffff, v34  }
0x374: {  	v37 =	vld.idx.msk [tilespmem:v18+s23+$0x0], $0xffff  }
0x375: {  	v56 =	vld.idx.msk [tilespmem:v19+s23+$0x0], $0xffff;
	_ =	sdelay $0x3  }
0x376: {  	v37 =	vsub.s32 v35, v37  }
0x377: {  	v38 =	vsub.s32 v47, v56;
	v37 =	vshll.u32 v37, $0x4  }
0x378: {  	v38 =	vshra.s32 v38, $0x2;
	v37 =	vand.u32 $0xFFFFFFC0, v37  }
0x379: {  	v37 =	vadd.s32 v37, v38  }
0x37a: {  	v37 =	vadd.s32 $0x820, v37;
	_ =	sdelay $0x3  }
0x37b: {  	[tilespmem:$0x5980] =	vst v37  }
0x37c: {  	[tilespmem:v37+s25+$0x0] =	vst.idx.add.f32.msk $0xffff, v34  }
0x37d: {  	v37 =	vld.idx.msk [tilespmem:v20+s23+$0x0], $0xffff  }
0x37e: {  	v57 =	vld.idx.msk [tilespmem:v21+s23+$0x0], $0xffff;
	_ =	sdelay $0x3  }
0x37f: {  	v37 =	vsub.s32 v35, v37  }
0x380: {  	v38 =	vsub.s32 v47, v57;
	v37 =	vshll.u32 v37, $0x4  }
0x381: {  	v38 =	vshra.s32 v38, $0x2;
	v37 =	vand.u32 $0xFFFFFFC0, v37  }
0x382: {  	v37 =	vadd.s32 v37, v38  }
0x383: {  	v37 =	vadd.s32 $0x820, v37;
	_ =	sdelay $0x3  }
0x384: {  	[tilespmem:$0x5990] =	vst v37  }
0x385: {  	[tilespmem:v37+s25+$0x0] =	vst.idx.add.f32.msk $0xffff, v34  }
0x386: {  	v37 =	vld.idx.msk [tilespmem:v22+s23+$0x0], $0xffff  }
0x387: {  	v58 =	vld.idx.msk [tilespmem:v23+s23+$0x0], $0xffff;
	_ =	sdelay $0x3  }
0x388: {  	v37 =	vsub.s32 v35, v37  }
0x389: {  	v38 =	vsub.s32 v47, v58;
	v37 =	vshll.u32 v37, $0x4  }
0x38a: {  	v38 =	vshra.s32 v38, $0x2;
	v37 =	vand.u32 $0xFFFFFFC0, v37  }
0x38b: {  	v37 =	vadd.s32 v37, v38  }
0x38c: {  	v37 =	vadd.s32 $0x820, v37;
	_ =	sdelay $0x3  }
0x38d: {  	[tilespmem:$0x59A0] =	vst v37  }
0x38e: {  	[tilespmem:v37+s25+$0x0] =	vst.idx.add.f32.msk $0xffff, v34  }
0x38f: {  	v37 =	vld.idx.msk [tilespmem:v24+s23+$0x0], $0xffff  }
0x390: {  	v59 =	vld.idx.msk [tilespmem:v25+s23+$0x0], $0xffff;
	_ =	sdelay $0x3  }
0x391: {  	v37 =	vsub.s32 v35, v37  }
0x392: {  	v38 =	vsub.s32 v47, v59;
	v37 =	vshll.u32 v37, $0x4  }
0x393: {  	v38 =	vshra.s32 v38, $0x2;
	v37 =	vand.u32 $0xFFFFFFC0, v37  }
0x394: {  	v37 =	vadd.s32 v37, v38  }
0x395: {  	v37 =	vadd.s32 $0x820, v37;
	_ =	sdelay $0x3  }
0x396: {  	[tilespmem:$0x59B0] =	vst v37  }
0x397: {  	[tilespmem:v37+s25+$0x0] =	vst.idx.add.f32.msk $0xffff, v34  }
0x398: {  	v37 =	vld.idx.msk [tilespmem:v26+s23+$0x0], $0xffff  }
0x399: {  	v60 =	vld.idx.msk [tilespmem:v27+s23+$0x0], $0xffff;
	_ =	sdelay $0x3  }
0x39a: {  	v37 =	vsub.s32 v35, v37  }
0x39b: {  	v38 =	vsub.s32 v47, v60;
	v37 =	vshll.u32 v37, $0x4  }
0x39c: {  	v38 =	vshra.s32 v38, $0x2;
	v37 =	vand.u32 $0xFFFFFFC0, v37  }
0x39d: {  	v37 =	vadd.s32 v37, v38  }
0x39e: {  	v37 =	vadd.s32 $0x820, v37;
	_ =	sdelay $0x3  }
0x39f: {  	[tilespmem:$0x59C0] =	vst v37  }
0x3a0: {  	[tilespmem:v37+s25+$0x0] =	vst.idx.add.f32.msk $0xffff, v34  }
0x3a1: {  	v37 =	vld.idx.msk [tilespmem:v28+s23+$0x0], $0xffff  }
0x3a2: {  	v61 =	vld.idx.msk [tilespmem:v29+s23+$0x0], $0xffff;
	_ =	sdelay $0x3  }
0x3a3: {  	v37 =	vsub.s32 v35, v37  }
0x3a4: {  	v38 =	vsub.s32 v47, v61;
	v37 =	vshll.u32 v37, $0x4  }
0x3a5: {  	v38 =	vshra.s32 v38, $0x2;
	v37 =	vand.u32 $0xFFFFFFC0, v37  }
0x3a6: {  	v37 =	vadd.s32 v37, v38  }
0x3a7: {  	v37 =	vadd.s32 $0x820, v37;
	_ =	sdelay $0x3  }
0x3a8: {  	[tilespmem:$0x59D0] =	vst v37  }
0x3a9: {  	[tilespmem:v37+s25+$0x0] =	vst.idx.add.f32.msk $0xffff, v34  }
0x3aa: {  	v37 =	vld.idx.msk [tilespmem:v30+s23+$0x0], $0xffff  }
0x3ab: {  	v62 =	vld.idx.msk [tilespmem:v31+s23+$0x0], $0xffff;
	_ =	sdelay $0x3  }
0x3ac: {  	v37 =	vsub.s32 v35, v37  }
0x3ad: {  	v38 =	vsub.s32 v47, v62;
	v37 =	vshll.u32 v37, $0x4  }
0x3ae: {  	v38 =	vshra.s32 v38, $0x2;
	v37 =	vand.u32 $0xFFFFFFC0, v37  }
0x3af: {  	v37 =	vadd.s32 v37, v38  }
0x3b0: {  	v37 =	vadd.s32 $0x820, v37;
	_ =	sdelay $0x3  }
0x3b1: {  	[tilespmem:$0x59E0] =	vst v37  }
0x3b2: {  	[tilespmem:v37+s25+$0x0] =	vst.idx.add.f32.msk $0xffff, v34  }
0x3b3: {  	v37 =	vld.idx.msk [tilespmem:v32+s23+$0x0], $0xffff  }
0x3b4: {  	v63 =	vld.idx.msk [tilespmem:v33+s23+$0x0], $0xffff;
	_ =	sdelay $0x3  }
0x3b5: {  	v35 =	vsub.s32 v35, v37  }
0x3b6: {  	v36 =	vsub.s32 v47, v63;
	v35 =	vshll.u32 v35, $0x4  }
0x3b7: {  	v36 =	vshra.s32 v36, $0x2;
	v35 =	vand.u32 $0xFFFFFFC0, v35  }
0x3b8: {  	v35 =	vadd.s32 v35, v36  }
0x3b9: {  	s0 =	sadd.s32 $0x2, s0;
	v35 =	vadd.s32 $0x820, v35  }
0x3ba: {  	p0 =	sne.s32 s0, $0x81  }
.Ltmp0:
0x3bb: {  	_ = 	snop;
	(pc) =	sbr.rel @p0 .LBB2_2-.Ltmp0, $4  }
0x3bc: {  	s6 =	sadd.s32 $0x10, s31  }
0x3bd: {  	s4 =	sadd.s32 s3, s4;
	s2 =	sand.u32 $0x70, s6;
	[tilespmem:$0x59F0] =	vst v35  }
0x3be: {  	s30 =	sadd.s32 $0x400, s30;
	s31 =	sadd.s32 $0x20, s31;
	s2 =	sadd.s32 s2, s4;
	[tilespmem:v35+s25+$0x0] =	vst.idx.add.f32.msk $0xffff, v34  }
0x3bf: {  	[hbm4b:s2+s12] =	stream.strided.scatter [tilespmem:s25], [sflag:$0x2], $0x1000, s18, s12, $0x38;
	[tilespmem:$0x5A80] =	vst v63  }
0x3c0: {  	s29 =	sadd.s32 $0x1, s29  }
0x3c1: {  	_ =	swait.ge [sflag:s26], $0x1000;
	p0 =	sne.s32 s29, s11  }
.Ltmp1:
0x3c2: {  	[sflag:s26] =	ssyncset.done $0x0;
	(pc) =	sbr.rel @p0 .LBB2_1-.Ltmp1, $4  }
0x3c3: {  	[sflag:s26] =	ssyncadd.s32 $0xFFFFF000  }
0x3c4: {  	_ =	swait.ge [sflag:s28], $0x1000  }
0x3c5: {  	[sflag:s28] =	ssyncset.done $0x0  }
0x3c6: {  	[sflag:s28] =	ssyncadd.s32 $0xFFFFF000  }
0x3c7: {  	_ =	sfence.sel $0x180000  }
0x3c8: {  	[bflag:$0x0] =	sbarrier.arrive $0xFFFF  }
0x3c9: {  	_ =	strace $0x90000047  }
0x3ca: {  	s0 =	stileid.u32;
	[bflag:$0x2] =	sbarrier.arrive $0xFFFF  }
0x3cb: {  	p0 =	sne.s32 s0, $0x0;
	s0 =	rddreg [dreg:$0x4]  }
0x3cc: {  	s0 =	sadd.s32 @!p0 $0x100000, s0  }
0x3cd: {  	[sflag:s0] =	ssyncadd.tile.s32 @!p0 $0x1;
	_ =	shalt  }
.Lfunc_end2:
_tile_overlayer_lowered:
.L_overlay_start_2:
0x3ce: {  	(tag) =	ssettag $0x2  }
0x3cf: {  	s0 =	rddreg [dreg:$0x0];
	s2 =	stileid.u32  }
0x3d0: {  	s1 =	rddreg [dreg:$0x1];
	p0 =	sne.s32 s2, $0x0  }
0x3d1: {  	s3 =	rddreg [dreg:$0x2];
	[bflag:$0x3] =	sbarrier.arrive $0xFFFF;
	s2 =	simm.s32 @!p0 $0x1C03  }
0x3d2: {  	[timem:s3], [sflag:s2] =	dma.local @!p0 [hbm:s0], s1  }
0x3d3: {  	s0 =	simm.s32 @!p0 $0x3  }
0x3d4: {  	_ =	swait.ge @!p0 [sflag:s0], s1  }
0x3d5: {  	s1 =	ssub.s32 @!p0 $0x0, s1;
	[sflag:s0] =	ssyncset.done @!p0 $0x0  }
0x3d6: {  	[sflag:s0] =	ssyncadd.s32 @!p0 s1  }
0x3d7: {  	[bflag:$0x3] =	sbarrier.arrive $0xFFFF  }
0x3d8: {  	_ =	shalt  }

</sc_bundles>
